<compile_context>
chip_gen: v7x
topology: tpu7x:2x2x1
jax: 0.10.2.dev20260603
libtpu: 0.0.44.dev20260713+nightly
codegen_flags: <defaults>
</compile_context>

<pallas_src>
import functools

import jax
import jax.numpy as jnp
from jax import lax
from jax.experimental import pallas as pl
from jax.experimental.pallas import tpu as pltpu
from jax.experimental.pallas import tpu_sc as plsc

N = 10000
E = 320000
D = 128

NC = 2
NS = 16
NW = NC * NS
EPW = E // NW
CH = 128
NCHUNK = 80
EPWP = NCHUNK * CH
RING = 2
SLAB = 8
NSLAB = NCHUNK // SLAB
NPAD = 10240
ROWS_PT = NPAD // NS

def _seg_body(with_counts, table, edges, *rest):
    _Z16 = jnp.zeros((16,), jnp.float32)
    _O16 = jnp.ones((16,), jnp.float32)
    rest = list(rest)
    out = rest.pop(0)
    cnt = rest.pop(0) if with_counts else None
    acc = rest.pop(0)
    cntacc = rest.pop(0) if with_counts else None
    ssb = [rest.pop(0), rest.pop(0)]
    dsb = [rest.pop(0), rest.pop(0)]
    rows = [rest.pop(0) for _ in range(RING)]
    onesv = rest.pop(0) if with_counts else None
    zc = rest.pop(0) if with_counts else None
    gsem = [rest.pop(0) for _ in range(RING)]
    ssem = [rest.pop(0) for _ in range(RING)]
    slsem = [rest.pop(0), rest.pop(0)]
    r0 = rows[0]
    c = lax.axis_index("c")
    s = lax.axis_index("s")
    w = s * NC + c

    @pl.loop(0, CH)
    def _zrow(i):
        for j in range(D // 16):
            r0[i, pl.ds(j * 16, 16)] = _Z16

    for j in range(ROWS_PT // CH):
        pltpu.sync_copy(r0, acc.at[pl.ds(s * ROWS_PT + j * CH, CH)])

    if with_counts:
        @pl.loop(0, ROWS_PT // 16)
        def _zcrow(i):
            zc[pl.ds(i * 16, 16)] = _Z16

        pltpu.sync_copy(zc, cntacc.at[pl.ds(s * ROWS_PT, ROWS_PT)])
        for j in range(CH // 16):
            onesv[pl.ds(j * 16, 16)] = _O16

    plsc.subcore_barrier()

    def load_slab(sl, ss):
        pltpu.async_copy(edges.at[0, w, sl], ssb[ss], slsem[ss])
        pltpu.async_copy(edges.at[1, w, sl], dsb[ss], slsem[ss])

    def wait_slab(ss):
        pltpu.make_async_copy(edges.at[0, w, 0], ssb[ss], slsem[ss]).wait()
        pltpu.make_async_copy(edges.at[1, w, 0], dsb[ss], slsem[ss]).wait()

    def start_gather(ss, j, b):
        pltpu.async_copy(table.at[ssb[ss].at[j]], rows[b], gsem[b])

    def wait_gather(ss, j, b):
        pltpu.make_async_copy(table.at[ssb[ss].at[j]], rows[b], gsem[b]).wait()

    def drain_scatter(ss, j, b):
        pltpu.make_async_copy(rows[b], acc.at[dsb[ss].at[j]], ssem[b]).wait()
        if with_counts:
            pltpu.make_async_copy(onesv, cntacc.at[dsb[ss].at[j]],
                                  ssem[b]).wait()

    def chunk(k, ss, j):
        b = j % RING
        nb = (b + 1) % RING
        ss1, j1 = (ss, j + 1) if j + 1 < SLAB else (1 - ss, 0)
        ssp, jp = (ss, j - 1) if j > 0 else (1 - ss, SLAB - 1)
        wait_gather(ss, j, b)

        @pl.when(k >= 1)
        def _():
            drain_scatter(ssp, jp, nb)

        @pl.when(k + 1 < NCHUNK)
        def _():
            if j1 == 0:
                wait_slab(ss1)
            start_gather(ss1, j1, nb)

        pltpu.async_copy(rows[b], acc.at[dsb[ss].at[j]], ssem[b], add=True)
        if with_counts:
            pltpu.async_copy(onesv, cntacc.at[dsb[ss].at[j]], ssem[b],
                             add=True)

        if j == 1:
            @pl.when((k >= SLAB) & (k < (NSLAB - 1) * SLAB))
            def _():
                load_slab(k // SLAB + 1, 1 - ss)

    load_slab(0, 0)
    load_slab(1, 1)
    wait_slab(0)
    start_gather(0, 0, 0)

    @pl.loop(0, NSLAB // 2)
    def _step(i):
        for ss in range(2):
            for j in range(SLAB):
                chunk((2 * i + ss) * SLAB + j, ss, j)

    drain_scatter(1, SLAB - 1, (SLAB - 1) % RING)

    plsc.subcore_barrier()

    pltpu.sync_copy(acc.at[pl.ds(s * ROWS_PT, ROWS_PT)],
                    out.at[c, pl.ds(s * ROWS_PT, ROWS_PT)])
    if with_counts:
        pltpu.sync_copy(cntacc.at[pl.ds(s * ROWS_PT, ROWS_PT)],
                        cnt.at[pl.ds(c * NPAD + s * ROWS_PT, ROWS_PT)])


def _make_seg(with_counts):
    out_type = [jax.ShapeDtypeStruct((NC, NPAD, D), jnp.float32)]
    scratch = [
        pltpu.VMEM_SHARED((NPAD, D), jnp.float32),
    ]
    if with_counts:
        out_type.append(jax.ShapeDtypeStruct((NC * NPAD,), jnp.float32))
        scratch.append(pltpu.VMEM_SHARED((NPAD,), jnp.float32))
    scratch += [pltpu.VMEM((SLAB, CH), jnp.int32) for _ in range(4)]
    scratch += [pltpu.VMEM((CH, D), jnp.float32) for _ in range(RING)]
    if with_counts:
        scratch += [pltpu.VMEM((CH,), jnp.float32),
                    pltpu.VMEM((ROWS_PT,), jnp.float32)]
    scratch += [pltpu.SemaphoreType.DMA for _ in range(2 * RING + 2)]
    return pl.kernel(
        functools.partial(_seg_body, with_counts),
        out_type=out_type,
        mesh=plsc.VectorSubcoreMesh(core_axis_name="c", subcore_axis_name="s",
                                    num_cores=NC, num_subcores=NS),
        scratch_types=scratch,
    )


_make_seg = functools.cache(_make_seg)

BR = 2000
_HI = jax.lax.Precision.DEFAULT


def _dot_t(x, w):
    return jax.lax.dot_general(x, w, (((1,), (1,)), ((), ())), precision=_HI)


def _mm_body(x_ref, w_ref, b_ref, o_ref):
    o_ref[...] = _dot_t(x_ref[...], w_ref[...]) + b_ref[...]


def _mid_body(p_ref, cnt_ref, xr_ref, w_ref, b_ref, o_ref):
    sblk = p_ref[0] + p_ref[1]
    c2 = cnt_ref[...]
    inv = 1.0 / jnp.maximum(c2[:, 0:1] + c2[:, 1:2], 1.0)
    h = jnp.maximum(sblk * inv + xr_ref[...], 0.0)
    o_ref[...] = _dot_t(h, w_ref[...]) + b_ref[...]


def _fin_body(q_ref, cnt_ref, hr_ref, o_ref):
    sblk = q_ref[0] + q_ref[1]
    c2 = cnt_ref[...]
    inv = 1.0 / jnp.maximum(c2[:, 0:1] + c2[:, 1:2], 1.0)
    o_ref[...] = sblk * inv + hr_ref[...]


_row_spec = pl.BlockSpec((BR, D), lambda i: (i, 0))
_p_spec = pl.BlockSpec((NC, BR, D), lambda i: (0, i, 0))
_cnt_spec = pl.BlockSpec((BR, 2), lambda i: (i, 0))
_w_spec = pl.BlockSpec((D, D), lambda i: (0, 0))
_b_spec = pl.BlockSpec((1, D), lambda i: (0, 0))

_mm = pl.pallas_call(
    _mm_body,
    grid=(N // BR,),
    in_specs=[_row_spec, _w_spec, _b_spec],
    out_specs=_row_spec,
    out_shape=jax.ShapeDtypeStruct((N, D), jnp.float32),
)

_mid = pl.pallas_call(
    _mid_body,
    grid=(N // BR,),
    in_specs=[_p_spec, _cnt_spec, _row_spec, _w_spec, _b_spec],
    out_specs=_row_spec,
    out_shape=jax.ShapeDtypeStruct((N, D), jnp.float32),
)

_fin = pl.pallas_call(
    _fin_body,
    grid=(N // BR,),
    in_specs=[_p_spec, _cnt_spec, _row_spec],
    out_specs=_row_spec,
    out_shape=jax.ShapeDtypeStruct((N, D), jnp.float32),
)


def kernel(x, edge_index, W1_l, b1, W1_r, W2_l, b2, W2_r):
    ei = edge_index.astype(jnp.int32).reshape(2, NW, EPW)
    npe = EPWP - EPW
    ar = jnp.arange(NW * npe, dtype=jnp.int32)
    pad = jnp.stack([(ar % N).reshape(NW, npe),
                     (N + ar % (NPAD - N)).reshape(NW, npe)])
    edges = jnp.concatenate([ei, pad], axis=2).reshape(2, NW, NSLAB, SLAB, CH)
    z = jnp.zeros((1, D), jnp.float32)
    xl1 = _mm(x, W1_l, z)
    p, cnt = _make_seg(True)(xl1, edges)
    xr1 = _mm(x, W1_r, b1.reshape(1, D))
    cntT = cnt.reshape(NC, NPAD)[:, :N].T
    hl2 = _mid(p, cntT, xr1, W2_l, z)
    q, = _make_seg(False)(hl2, edges)
    hr2 = _mid(p, cntT, xr1, W2_r, b2.reshape(1, D))
    return _fin(q, cntT, hr2)

# --- scband reference (transcript-rebuilt; emitter-appended) ---
"""Pipeline reference for scband-graph-sage-51041391345805 (READ-ONLY COPY).

The authoritative reference and input builder live on the scoring server;
editing this copy changes nothing except your own understanding.
"""

import jax, jax.numpy as jnp
import numpy as np

N_NODES = 10000
N_EDGES = 320000
D_IN = 128
D_HID = 128
D_OUT = 128


def setup_inputs(seed: int = 0) -> dict:
    key = jax.random.key(seed)
    ks = jax.random.split(key, 8)
    x = jax.random.normal(ks[0], (N_NODES, D_IN), dtype=jnp.float32)
    edge_index = jax.random.randint(ks[1], (2, N_EDGES), 0, N_NODES, dtype=jnp.int64)
    s1 = 1.0 / np.sqrt(D_IN)
    s2 = 1.0 / np.sqrt(D_HID)
    W1_l = jax.random.normal(ks[2], (D_HID, D_IN), dtype=jnp.float32) * s1
    W1_r = jax.random.normal(ks[3], (D_HID, D_IN), dtype=jnp.float32) * s1
    b1 = jnp.zeros((D_HID,), dtype=jnp.float32)
    W2_l = jax.random.normal(ks[4], (D_OUT, D_HID), dtype=jnp.float32) * s2
    W2_r = jax.random.normal(ks[5], (D_OUT, D_HID), dtype=jnp.float32) * s2
    b2 = jnp.zeros((D_OUT,), dtype=jnp.float32)
    return {"x": x, "edge_index": edge_index, "W1_l": W1_l, "b1": b1, "W1_r": W1_r,
            "W2_l": W2_l, "b2": b2, "W2_r": W2_r}


def _sage_conv(x, edge_index, W_l, b, W_r):
    # PyG SAGEConv with mean aggregation:
    # out = lin_l(mean_{j in N(i)} x_j) + lin_r(x_i)
    src = edge_index[0]
    dst = edge_index[1]
    n = x.shape[0]
    msgs = jnp.take(x, src, axis=0)                    # gather (SparseCore)
    summed = jax.ops.segment_sum(msgs, dst, num_segments=n)  # scatter-add
    cnt = jax.ops.segment_sum(jnp.ones((src.shape[0],), dtype=x.dtype), dst, num_segments=n)
    mean = summed / jnp.clip(cnt, 1.0, None)[:, None]
    return mean @ W_l.T + b + x @ W_r.T


def reference(x, edge_index, W1_l, b1, W1_r, W2_l, b2, W2_r):
    h = _sage_conv(x, edge_index, W1_l, b1, W1_r)
    h = jax.nn.relu(h)
    # dropout is identity in eval mode (p=0.5 only active during training)
    out = _sage_conv(h, edge_index, W2_l, b2, W2_r)
    return out

if __name__ == "__main__":
    import jax
    _d = setup_inputs()
    print(jax.jit(kernel)(*tuple(_d.values())))

</pallas_src>

<mosaic_0001>
#map = affine_map<(d0, d1) -> (0, 0)>
#map1 = affine_map<(d0, d1) -> (0, 0, 0, 0, 0)>
#map2 = affine_map<(d0, d1) -> (0, 0, 0)>
#map3 = affine_map<(d0, d1) -> (0)>
module attributes {stable_mosaic.version = 14 : i64} {
  func.func @_seg_body(%arg0: i32, %arg1: i32, %arg2: memref<10000x128xf32, #tpu.memory_space<hbm>>, %arg3: memref<2x32x10x8x128xi32, #tpu.memory_space<hbm>>, %arg4: memref<2x10240x128xf32, #tpu.memory_space<hbm>>, %arg5: memref<20480xf32, #tpu.memory_space<hbm>>, %arg6: memref<10240x128xf32, #tpu.memory_space<vmem_shared>>, %arg7: memref<10240xf32, #tpu.memory_space<vmem_shared>>, %arg8: memref<8x128xi32, #tpu.memory_space<vmem>>, %arg9: memref<8x128xi32, #tpu.memory_space<vmem>>, %arg10: memref<8x128xi32, #tpu.memory_space<vmem>>, %arg11: memref<8x128xi32, #tpu.memory_space<vmem>>, %arg12: memref<128x128xf32, #tpu.memory_space<vmem>>, %arg13: memref<128x128xf32, #tpu.memory_space<vmem>>, %arg14: memref<128xf32, #tpu.memory_space<vmem>>, %arg15: memref<640xf32, #tpu.memory_space<vmem>>, %arg16: memref<!tpu.dma_semaphore, #tpu.memory_space<semaphore_mem>>, %arg17: memref<!tpu.dma_semaphore, #tpu.memory_space<semaphore_mem>>, %arg18: memref<!tpu.dma_semaphore, #tpu.memory_space<semaphore_mem>>, %arg19: memref<!tpu.dma_semaphore, #tpu.memory_space<semaphore_mem>>, %arg20: memref<!tpu.dma_semaphore, #tpu.memory_space<semaphore_mem>>, %arg21: memref<!tpu.dma_semaphore, #tpu.memory_space<semaphore_mem>>) attributes {dimension_semantics = [#tpu.dimension_semantics<core_parallel>, #tpu.dimension_semantics<subcore_parallel>], iteration_bounds = array<i64: 2, 16>, scalar_prefetch = 0 : i64, scratch_operands = 16 : i64, tpu.core_type = #tpu.core_type<sc_vector_subcore>, window_params = [{transform_indices = #map}, {transform_indices = #map1}, {transform_indices = #map2}, {transform_indices = #map3}]} {
    %broadcast_in_dim3A = arith.constant 0.000000e+00 : f32
    %broadcast_in_dim3A_0 = vector.broadcast %broadcast_in_dim3A : f32 to vector<16xf32>
    %broadcast_in_dim3A_1 = arith.constant 1.000000e+00 : f32
    %broadcast_in_dim3A_2 = vector.broadcast %broadcast_in_dim3A_1 : f32 to vector<16xf32>
    %mul3A = arith.constant 2 : i32
    %mul3A_3 = arith.muli %arg1, %mul3A : i32
    %add3A = arith.addi %mul3A_3, %arg0 : i32
    %scan3A = arith.constant 0 : i32
    %scan3A_4 = arith.constant 128 : i32
    %scan3A_5 = arith.addi %scan3A, %scan3A_4 : i32
    %scan3A_6 = arith.constant 1 : i32
    scf.for %scan3A_161 = %scan3A to %scan3A_5 step %scan3A_6  : i32 {
      %mul3A_162 = arith.constant 1 : i32
      %mul3A_163 = arith.muli %scan3A_161, %mul3A_162 : i32
      %add3A_164 = arith.constant 0 : i32
      %add3A_165 = arith.addi %add3A_164, %mul3A_163 : i32
      %swap3A_166 = arith.index_cast %add3A_165 : i32 to index
      %swap3A_167 = arith.constant 0 : index
      %swap3A_168 = tpu.vector_load %arg12[%swap3A_166, %swap3A_167] {strides = array<i32>} : memref<128x128xf32, #tpu.memory_space<vmem>>, vector<1x16xf32>,
      %swap3A_169 = vector.shape_cast %swap3A_168 : vector<1x16xf32> to vector<16xf32>
      %swap3A_170 = vector.shape_cast %broadcast_in_dim3A_0 : vector<16xf32> to vector<1x16xf32>
      tpu.vector_store %arg12[%swap3A_166, %swap3A_167], %swap3A_170 {strides = array<i32>} : memref<128x128xf32, #tpu.memory_space<vmem>>, vector<1x16xf32>,
      %swap3A_171 = arith.index_cast %add3A_165 : i32 to index
      %swap3A_172 = arith.constant 16 : index
      %swap3A_173 = tpu.vector_load %arg12[%swap3A_171, %swap3A_172] {strides = array<i32>} : memref<128x128xf32, #tpu.memory_space<vmem>>, vector<1x16xf32>,
      %swap3A_174 = vector.shape_cast %swap3A_173 : vector<1x16xf32> to vector<16xf32>
      %swap3A_175 = vector.shape_cast %broadcast_in_dim3A_0 : vector<16xf32> to vector<1x16xf32>
      tpu.vector_store %arg12[%swap3A_171, %swap3A_172], %swap3A_175 {strides = array<i32>} : memref<128x128xf32, #tpu.memory_space<vmem>>, vector<1x16xf32>,
      %swap3A_176 = arith.index_cast %add3A_165 : i32 to index
      %swap3A_177 = arith.constant 32 : index
      %swap3A_178 = tpu.vector_load %arg12[%swap3A_176, %swap3A_177] {strides = array<i32>} : memref<128x128xf32, #tpu.memory_space<vmem>>, vector<1x16xf32>,
      %swap3A_179 = vector.shape_cast %swap3A_178 : vector<1x16xf32> to vector<16xf32>
      %swap3A_180 = vector.shape_cast %broadcast_in_dim3A_0 : vector<16xf32> to vector<1x16xf32>
      tpu.vector_store %arg12[%swap3A_176, %swap3A_177], %swap3A_180 {strides = array<i32>} : memref<128x128xf32, #tpu.memory_space<vmem>>, vector<1x16xf32>,
      %swap3A_181 = arith.index_cast %add3A_165 : i32 to index
      %swap3A_182 = arith.constant 48 : index
      %swap3A_183 = tpu.vector_load %arg12[%swap3A_181, %swap3A_182] {strides = array<i32>} : memref<128x128xf32, #tpu.memory_space<vmem>>, vector<1x16xf32>,
      %swap3A_184 = vector.shape_cast %swap3A_183 : vector<1x16xf32> to vector<16xf32>
      %swap3A_185 = vector.shape_cast %broadcast_in_dim3A_0 : vector<16xf32> to vector<1x16xf32>
      tpu.vector_store %arg12[%swap3A_181, %swap3A_182], %swap3A_185 {strides = array<i32>} : memref<128x128xf32, #tpu.memory_space<vmem>>, vector<1x16xf32>,
      %swap3A_186 = arith.index_cast %add3A_165 : i32 to index
      %swap3A_187 = arith.constant 64 : index
      %swap3A_188 = tpu.vector_load %arg12[%swap3A_186, %swap3A_187] {strides = array<i32>} : memref<128x128xf32, #tpu.memory_space<vmem>>, vector<1x16xf32>,
      %swap3A_189 = vector.shape_cast %swap3A_188 : vector<1x16xf32> to vector<16xf32>
      %swap3A_190 = vector.shape_cast %broadcast_in_dim3A_0 : vector<16xf32> to vector<1x16xf32>
      tpu.vector_store %arg12[%swap3A_186, %swap3A_187], %swap3A_190 {strides = array<i32>} : memref<128x128xf32, #tpu.memory_space<vmem>>, vector<1x16xf32>,
      %swap3A_191 = arith.index_cast %add3A_165 : i32 to index
      %swap3A_192 = arith.constant 80 : index
      %swap3A_193 = tpu.vector_load %arg12[%swap3A_191, %swap3A_192] {strides = array<i32>} : memref<128x128xf32, #tpu.memory_space<vmem>>, vector<1x16xf32>,
      %swap3A_194 = vector.shape_cast %swap3A_193 : vector<1x16xf32> to vector<16xf32>
      %swap3A_195 = vector.shape_cast %broadcast_in_dim3A_0 : vector<16xf32> to vector<1x16xf32>
      tpu.vector_store %arg12[%swap3A_191, %swap3A_192], %swap3A_195 {strides = array<i32>} : memref<128x128xf32, #tpu.memory_space<vmem>>, vector<1x16xf32>,
      %swap3A_196 = arith.index_cast %add3A_165 : i32 to index
      %swap3A_197 = arith.constant 96 : index
      %swap3A_198 = tpu.vector_load %arg12[%swap3A_196, %swap3A_197] {strides = array<i32>} : memref<128x128xf32, #tpu.memory_space<vmem>>, vector<1x16xf32>,
      %swap3A_199 = vector.shape_cast %swap3A_198 : vector<1x16xf32> to vector<16xf32>
      %swap3A_200 = vector.shape_cast %broadcast_in_dim3A_0 : vector<16xf32> to vector<1x16xf32>
      tpu.vector_store %arg12[%swap3A_196, %swap3A_197], %swap3A_200 {strides = array<i32>} : memref<128x128xf32, #tpu.memory_space<vmem>>, vector<1x16xf32>,
      %swap3A_201 = arith.index_cast %add3A_165 : i32 to index
      %swap3A_202 = arith.constant 112 : index
      %swap3A_203 = tpu.vector_load %arg12[%swap3A_201, %swap3A_202] {strides = array<i32>} : memref<128x128xf32, #tpu.memory_space<vmem>>, vector<1x16xf32>,
      %swap3A_204 = vector.shape_cast %swap3A_203 : vector<1x16xf32> to vector<16xf32>
      %swap3A_205 = vector.shape_cast %broadcast_in_dim3A_0 : vector<16xf32> to vector<1x16xf32>
      tpu.vector_store %arg12[%swap3A_201, %swap3A_202], %swap3A_205 {strides = array<i32>} : memref<128x128xf32, #tpu.memory_space<vmem>>, vector<1x16xf32>,
    }
    %scan3A_7 = arith.constant 128 : i32
    %mul3A_8 = arith.constant 640 : i32
    %mul3A_9 = arith.muli %arg1, %mul3A_8 : i32
    %add3A_10 = arith.constant 0 : i32
    %add3A_11 = arith.addi %mul3A_9, %add3A_10 : i32
    "tpu.region"() ({
      %run_scoped3A = tpu.sem_alloc : memref<!tpu.dma_semaphore, #tpu.memory_space<semaphore_mem>>
      %dma_start3A_161 = arith.constant 0 : i32
      %dma_start3A_162 = tpu.memref_slice %arg6[%add3A_11, %dma_start3A_161] : memref<10240x128xf32, #tpu.memory_space<vmem_shared>> -> memref<128x128xf32, #tpu.memory_space<vmem_shared>>
      %dma_start3A_163 = arith.constant 0 : i32
      %dma_start3A_164 = tpu.memref_slice %arg6[%add3A_11, %dma_start3A_163] : memref<10240x128xf32, #tpu.memory_space<vmem_shared>> -> memref<128x128xf32, #tpu.memory_space<vmem_shared>>
      tpu.enqueue_dma source(%arg12 : memref<128x128xf32, #tpu.memory_space<vmem>>) target(%dma_start3A_164 : memref<128x128xf32, #tpu.memory_space<vmem_shared>>) target_semaphore(%run_scoped3A : memref<!tpu.dma_semaphore, #tpu.memory_space<semaphore_mem>>)
      %dma_wait3A_165 = arith.constant 0 : i32
      %dma_wait3A_166 = tpu.memref_slice %arg6[%add3A_11, %dma_wait3A_165] : memref<10240x128xf32, #tpu.memory_space<vmem_shared>> -> memref<128x128xf32, #tpu.memory_space<vmem_shared>>
      %dma_wait3A_167 = arith.constant 0 : i32
      %dma_wait3A_168 = tpu.memref_slice %arg6[%add3A_11, %dma_wait3A_167] : memref<10240x128xf32, #tpu.memory_space<vmem_shared>> -> memref<128x128xf32, #tpu.memory_space<vmem_shared>>
      tpu.wait_dma2 semaphore(%run_scoped3A : memref<!tpu.dma_semaphore, #tpu.memory_space<semaphore_mem>>) src(%arg12 : memref<128x128xf32, #tpu.memory_space<vmem>>) dst(%dma_wait3A_168 : memref<128x128xf32, #tpu.memory_space<vmem_shared>>)
      tpu.yield
    }) : () -> ()
    %mul3A_12 = arith.constant 640 : i32
    %mul3A_13 = arith.muli %arg1, %mul3A_12 : i32
    %add3A_14 = arith.constant 128 : i32
    %add3A_15 = arith.addi %mul3A_13, %add3A_14 : i32
    "tpu.region"() ({
      %run_scoped3A = tpu.sem_alloc : memref<!tpu.dma_semaphore, #tpu.memory_space<semaphore_mem>>
      %dma_start3A_161 = arith.constant 0 : i32
      %dma_start3A_162 = tpu.memref_slice %arg6[%add3A_15, %dma_start3A_161] : memref<10240x128xf32, #tpu.memory_space<vmem_shared>> -> memref<128x128xf32, #tpu.memory_space<vmem_shared>>
      %dma_start3A_163 = arith.constant 0 : i32
      %dma_start3A_164 = tpu.memref_slice %arg6[%add3A_15, %dma_start3A_163] : memref<10240x128xf32, #tpu.memory_space<vmem_shared>> -> memref<128x128xf32, #tpu.memory_space<vmem_shared>>
      tpu.enqueue_dma source(%arg12 : memref<128x128xf32, #tpu.memory_space<vmem>>) target(%dma_start3A_164 : memref<128x128xf32, #tpu.memory_space<vmem_shared>>) target_semaphore(%run_scoped3A : memref<!tpu.dma_semaphore, #tpu.memory_space<semaphore_mem>>)
      %dma_wait3A_165 = arith.constant 0 : i32
      %dma_wait3A_166 = tpu.memref_slice %arg6[%add3A_15, %dma_wait3A_165] : memref<10240x128xf32, #tpu.memory_space<vmem_shared>> -> memref<128x128xf32, #tpu.memory_space<vmem_shared>>
      %dma_wait3A_167 = arith.constant 0 : i32
      %dma_wait3A_168 = tpu.memref_slice %arg6[%add3A_15, %dma_wait3A_167] : memref<10240x128xf32, #tpu.memory_space<vmem_shared>> -> memref<128x128xf32, #tpu.memory_space<vmem_shared>>
      tpu.wait_dma2 semaphore(%run_scoped3A : memref<!tpu.dma_semaphore, #tpu.memory_space<semaphore_mem>>) src(%arg12 : memref<128x128xf32, #tpu.memory_space<vmem>>) dst(%dma_wait3A_168 : memref<128x128xf32, #tpu.memory_space<vmem_shared>>)
      tpu.yield
    }) : () -> ()
    %mul3A_16 = arith.constant 640 : i32
    %mul3A_17 = arith.muli %arg1, %mul3A_16 : i32
    %add3A_18 = arith.constant 256 : i32
    %add3A_19 = arith.addi %mul3A_17, %add3A_18 : i32
    "tpu.region"() ({
      %run_scoped3A = tpu.sem_alloc : memref<!tpu.dma_semaphore, #tpu.memory_space<semaphore_mem>>
      %dma_start3A_161 = arith.constant 0 : i32
      %dma_start3A_162 = tpu.memref_slice %arg6[%add3A_19, %dma_start3A_161] : memref<10240x128xf32, #tpu.memory_space<vmem_shared>> -> memref<128x128xf32, #tpu.memory_space<vmem_shared>>
      %dma_start3A_163 = arith.constant 0 : i32
      %dma_start3A_164 = tpu.memref_slice %arg6[%add3A_19, %dma_start3A_163] : memref<10240x128xf32, #tpu.memory_space<vmem_shared>> -> memref<128x128xf32, #tpu.memory_space<vmem_shared>>
      tpu.enqueue_dma source(%arg12 : memref<128x128xf32, #tpu.memory_space<vmem>>) target(%dma_start3A_164 : memref<128x128xf32, #tpu.memory_space<vmem_shared>>) target_semaphore(%run_scoped3A : memref<!tpu.dma_semaphore, #tpu.memory_space<semaphore_mem>>)
      %dma_wait3A_165 = arith.constant 0 : i32
      %dma_wait3A_166 = tpu.memref_slice %arg6[%add3A_19, %dma_wait3A_165] : memref<10240x128xf32, #tpu.memory_space<vmem_shared>> -> memref<128x128xf32, #tpu.memory_space<vmem_shared>>
      %dma_wait3A_167 = arith.constant 0 : i32
      %dma_wait3A_168 = tpu.memref_slice %arg6[%add3A_19, %dma_wait3A_167] : memref<10240x128xf32, #tpu.memory_space<vmem_shared>> -> memref<128x128xf32, #tpu.memory_space<vmem_shared>>
      tpu.wait_dma2 semaphore(%run_scoped3A : memref<!tpu.dma_semaphore, #tpu.memory_space<semaphore_mem>>) src(%arg12 : memref<128x128xf32, #tpu.memory_space<vmem>>) dst(%dma_wait3A_168 : memref<128x128xf32, #tpu.memory_space<vmem_shared>>)
      tpu.yield
    }) : () -> ()
    %mul3A_20 = arith.constant 640 : i32
    %mul3A_21 = arith.muli %arg1, %mul3A_20 : i32
    %add3A_22 = arith.constant 384 : i32
    %add3A_23 = arith.addi %mul3A_21, %add3A_22 : i32
    "tpu.region"() ({
      %run_scoped3A = tpu.sem_alloc : memref<!tpu.dma_semaphore, #tpu.memory_space<semaphore_mem>>
      %dma_start3A_161 = arith.constant 0 : i32
      %dma_start3A_162 = tpu.memref_slice %arg6[%add3A_23, %dma_start3A_161] : memref<10240x128xf32, #tpu.memory_space<vmem_shared>> -> memref<128x128xf32, #tpu.memory_space<vmem_shared>>
      %dma_start3A_163 = arith.constant 0 : i32
      %dma_start3A_164 = tpu.memref_slice %arg6[%add3A_23, %dma_start3A_163] : memref<10240x128xf32, #tpu.memory_space<vmem_shared>> -> memref<128x128xf32, #tpu.memory_space<vmem_shared>>
      tpu.enqueue_dma source(%arg12 : memref<128x128xf32, #tpu.memory_space<vmem>>) target(%dma_start3A_164 : memref<128x128xf32, #tpu.memory_space<vmem_shared>>) target_semaphore(%run_scoped3A : memref<!tpu.dma_semaphore, #tpu.memory_space<semaphore_mem>>)
      %dma_wait3A_165 = arith.constant 0 : i32
      %dma_wait3A_166 = tpu.memref_slice %arg6[%add3A_23, %dma_wait3A_165] : memref<10240x128xf32, #tpu.memory_space<vmem_shared>> -> memref<128x128xf32, #tpu.memory_space<vmem_shared>>
      %dma_wait3A_167 = arith.constant 0 : i32
      %dma_wait3A_168 = tpu.memref_slice %arg6[%add3A_23, %dma_wait3A_167] : memref<10240x128xf32, #tpu.memory_space<vmem_shared>> -> memref<128x128xf32, #tpu.memory_space<vmem_shared>>
      tpu.wait_dma2 semaphore(%run_scoped3A : memref<!tpu.dma_semaphore, #tpu.memory_space<semaphore_mem>>) src(%arg12 : memref<128x128xf32, #tpu.memory_space<vmem>>) dst(%dma_wait3A_168 : memref<128x128xf32, #tpu.memory_space<vmem_shared>>)
      tpu.yield
    }) : () -> ()
    %mul3A_24 = arith.constant 640 : i32
    %mul3A_25 = arith.muli %arg1, %mul3A_24 : i32
    %add3A_26 = arith.constant 512 : i32
    %add3A_27 = arith.addi %mul3A_25, %add3A_26 : i32
    "tpu.region"() ({
      %run_scoped3A = tpu.sem_alloc : memref<!tpu.dma_semaphore, #tpu.memory_space<semaphore_mem>>
      %dma_start3A_161 = arith.constant 0 : i32
      %dma_start3A_162 = tpu.memref_slice %arg6[%add3A_27, %dma_start3A_161] : memref<10240x128xf32, #tpu.memory_space<vmem_shared>> -> memref<128x128xf32, #tpu.memory_space<vmem_shared>>
      %dma_start3A_163 = arith.constant 0 : i32
      %dma_start3A_164 = tpu.memref_slice %arg6[%add3A_27, %dma_start3A_163] : memref<10240x128xf32, #tpu.memory_space<vmem_shared>> -> memref<128x128xf32, #tpu.memory_space<vmem_shared>>
      tpu.enqueue_dma source(%arg12 : memref<128x128xf32, #tpu.memory_space<vmem>>) target(%dma_start3A_164 : memref<128x128xf32, #tpu.memory_space<vmem_shared>>) target_semaphore(%run_scoped3A : memref<!tpu.dma_semaphore, #tpu.memory_space<semaphore_mem>>)
      %dma_wait3A_165 = arith.constant 0 : i32
      %dma_wait3A_166 = tpu.memref_slice %arg6[%add3A_27, %dma_wait3A_165] : memref<10240x128xf32, #tpu.memory_space<vmem_shared>> -> memref<128x128xf32, #tpu.memory_space<vmem_shared>>
      %dma_wait3A_167 = arith.constant 0 : i32
      %dma_wait3A_168 = tpu.memref_slice %arg6[%add3A_27, %dma_wait3A_167] : memref<10240x128xf32, #tpu.memory_space<vmem_shared>> -> memref<128x128xf32, #tpu.memory_space<vmem_shared>>
      tpu.wait_dma2 semaphore(%run_scoped3A : memref<!tpu.dma_semaphore, #tpu.memory_space<semaphore_mem>>) src(%arg12 : memref<128x128xf32, #tpu.memory_space<vmem>>) dst(%dma_wait3A_168 : memref<128x128xf32, #tpu.memory_space<vmem_shared>>)
      tpu.yield
    }) : () -> ()
    %scan3A_28 = arith.constant 0 : i32
    %scan3A_29 = arith.constant 40 : i32
    %scan3A_30 = arith.addi %scan3A_28, %scan3A_29 : i32
    %scan3A_31 = arith.constant 1 : i32
    scf.for %scan3A_161 = %scan3A_28 to %scan3A_30 step %scan3A_31  : i32 {
      %mul3A_162 = arith.constant 1 : i32
      %mul3A_163 = arith.muli %scan3A_161, %mul3A_162 : i32
      %add3A_164 = arith.constant 0 : i32
      %add3A_165 = arith.addi %add3A_164, %mul3A_163 : i32
      %mul3A_166 = arith.constant 16 : i32
      %mul3A_167 = arith.muli %add3A_165, %mul3A_166 : i32
      %swap3A_168 = arith.index_cast %mul3A_167 : i32 to index
      %swap3A_169 = tpu.vector_load %arg15[%swap3A_168] {strides = array<i32>} : memref<640xf32, #tpu.memory_space<vmem>>, vector<16xf32>,
      %swap3A_170 = vector.shape_cast %swap3A_169 : vector<16xf32> to vector<16xf32>
      %swap3A_171 = vector.shape_cast %broadcast_in_dim3A_0 : vector<16xf32> to vector<16xf32>
      tpu.vector_store %arg15[%swap3A_168], %swap3A_171 {strides = array<i32>} : memref<640xf32, #tpu.memory_space<vmem>>, vector<16xf32>,
    }
    %scan3A_32 = arith.constant 40 : i32
    %mul3A_33 = arith.constant 640 : i32
    %mul3A_34 = arith.muli %arg1, %mul3A_33 : i32
    "tpu.region"() ({
      %run_scoped3A = tpu.sem_alloc : memref<!tpu.dma_semaphore, #tpu.memory_space<semaphore_mem>>
      %dma_start3A_161 = tpu.memref_slice %arg7[%mul3A_34] : memref<10240xf32, #tpu.memory_space<vmem_shared>> -> memref<640xf32, #tpu.memory_space<vmem_shared>>
      %dma_start3A_162 = tpu.memref_slice %arg7[%mul3A_34] : memref<10240xf32, #tpu.memory_space<vmem_shared>> -> memref<640xf32, #tpu.memory_space<vmem_shared>>
      tpu.enqueue_dma source(%arg15 : memref<640xf32, #tpu.memory_space<vmem>>) target(%dma_start3A_162 : memref<640xf32, #tpu.memory_space<vmem_shared>>) target_semaphore(%run_scoped3A : memref<!tpu.dma_semaphore, #tpu.memory_space<semaphore_mem>>)
      %dma_wait3A_163 = tpu.memref_slice %arg7[%mul3A_34] : memref<10240xf32, #tpu.memory_space<vmem_shared>> -> memref<640xf32, #tpu.memory_space<vmem_shared>>
      %dma_wait3A_164 = tpu.memref_slice %arg7[%mul3A_34] : memref<10240xf32, #tpu.memory_space<vmem_shared>> -> memref<640xf32, #tpu.memory_space<vmem_shared>>
      tpu.wait_dma2 semaphore(%run_scoped3A : memref<!tpu.dma_semaphore, #tpu.memory_space<semaphore_mem>>) src(%arg15 : memref<640xf32, #tpu.memory_space<vmem>>) dst(%dma_wait3A_164 : memref<640xf32, #tpu.memory_space<vmem_shared>>)
      tpu.yield
    }) : () -> ()
    %swap3A = arith.constant 0 : index
    %swap3A_35 = tpu.vector_load %arg14[%swap3A] {strides = array<i32>} : memref<128xf32, #tpu.memory_space<vmem>>, vector<16xf32>,
    %swap3A_36 = vector.shape_cast %swap3A_35 : vector<16xf32> to vector<16xf32>
    %swap3A_37 = vector.shape_cast %broadcast_in_dim3A_2 : vector<16xf32> to vector<16xf32>
    tpu.vector_store %arg14[%swap3A], %swap3A_37 {strides = array<i32>} : memref<128xf32, #tpu.memory_space<vmem>>, vector<16xf32>,
    %swap3A_38 = arith.constant 16 : index
    %swap3A_39 = tpu.vector_load %arg14[%swap3A_38] {strides = array<i32>} : memref<128xf32, #tpu.memory_space<vmem>>, vector<16xf32>,
    %swap3A_40 = vector.shape_cast %swap3A_39 : vector<16xf32> to vector<16xf32>
    %swap3A_41 = vector.shape_cast %broadcast_in_dim3A_2 : vector<16xf32> to vector<16xf32>
    tpu.vector_store %arg14[%swap3A_38], %swap3A_41 {strides = array<i32>} : memref<128xf32, #tpu.memory_space<vmem>>, vector<16xf32>,
    %swap3A_42 = arith.constant 32 : index
    %swap3A_43 = tpu.vector_load %arg14[%swap3A_42] {strides = array<i32>} : memref<128xf32, #tpu.memory_space<vmem>>, vector<16xf32>,
    %swap3A_44 = vector.shape_cast %swap3A_43 : vector<16xf32> to vector<16xf32>
    %swap3A_45 = vector.shape_cast %broadcast_in_dim3A_2 : vector<16xf32> to vector<16xf32>
    tpu.vector_store %arg14[%swap3A_42], %swap3A_45 {strides = array<i32>} : memref<128xf32, #tpu.memory_space<vmem>>, vector<16xf32>,
    %swap3A_46 = arith.constant 48 : index
    %swap3A_47 = tpu.vector_load %arg14[%swap3A_46] {strides = array<i32>} : memref<128xf32, #tpu.memory_space<vmem>>, vector<16xf32>,
    %swap3A_48 = vector.shape_cast %swap3A_47 : vector<16xf32> to vector<16xf32>
    %swap3A_49 = vector.shape_cast %broadcast_in_dim3A_2 : vector<16xf32> to vector<16xf32>
    tpu.vector_store %arg14[%swap3A_46], %swap3A_49 {strides = array<i32>} : memref<128xf32, #tpu.memory_space<vmem>>, vector<16xf32>,
    %swap3A_50 = arith.constant 64 : index
    %swap3A_51 = tpu.vector_load %arg14[%swap3A_50] {strides = array<i32>} : memref<128xf32, #tpu.memory_space<vmem>>, vector<16xf32>,
    %swap3A_52 = vector.shape_cast %swap3A_51 : vector<16xf32> to vector<16xf32>
    %swap3A_53 = vector.shape_cast %broadcast_in_dim3A_2 : vector<16xf32> to vector<16xf32>
    tpu.vector_store %arg14[%swap3A_50], %swap3A_53 {strides = array<i32>} : memref<128xf32, #tpu.memory_space<vmem>>, vector<16xf32>,
    %swap3A_54 = arith.constant 80 : index
    %swap3A_55 = tpu.vector_load %arg14[%swap3A_54] {strides = array<i32>} : memref<128xf32, #tpu.memory_space<vmem>>, vector<16xf32>,
    %swap3A_56 = vector.shape_cast %swap3A_55 : vector<16xf32> to vector<16xf32>
    %swap3A_57 = vector.shape_cast %broadcast_in_dim3A_2 : vector<16xf32> to vector<16xf32>
    tpu.vector_store %arg14[%swap3A_54], %swap3A_57 {strides = array<i32>} : memref<128xf32, #tpu.memory_space<vmem>>, vector<16xf32>,
    %swap3A_58 = arith.constant 96 : index
    %swap3A_59 = tpu.vector_load %arg14[%swap3A_58] {strides = array<i32>} : memref<128xf32, #tpu.memory_space<vmem>>, vector<16xf32>,
    %swap3A_60 = vector.shape_cast %swap3A_59 : vector<16xf32> to vector<16xf32>
    %swap3A_61 = vector.shape_cast %broadcast_in_dim3A_2 : vector<16xf32> to vector<16xf32>
    tpu.vector_store %arg14[%swap3A_58], %swap3A_61 {strides = array<i32>} : memref<128xf32, #tpu.memory_space<vmem>>, vector<16xf32>,
    %swap3A_62 = arith.constant 112 : index
    %swap3A_63 = tpu.vector_load %arg14[%swap3A_62] {strides = array<i32>} : memref<128xf32, #tpu.memory_space<vmem>>, vector<16xf32>,
    %swap3A_64 = vector.shape_cast %swap3A_63 : vector<16xf32> to vector<16xf32>
    %swap3A_65 = vector.shape_cast %broadcast_in_dim3A_2 : vector<16xf32> to vector<16xf32>
    tpu.vector_store %arg14[%swap3A_62], %swap3A_65 {strides = array<i32>} : memref<128xf32, #tpu.memory_space<vmem>>, vector<16xf32>,
    %barrier3A = arith.constant 0 : index
    tpu.barrier barrier_id(%barrier3A)
    %dma_start3A = arith.constant 0 : i32
    %dma_start3A_66 = arith.constant 0 : i32
    %dma_start3A_67 = arith.constant 0 : i32
    %dma_start3A_68 = arith.constant 0 : i32
    %dma_start3A_69 = tpu.memref_slice %arg3[%dma_start3A, %add3A, %dma_start3A_66, %dma_start3A_67, %dma_start3A_68] : memref<2x32x10x8x128xi32, #tpu.memory_space<hbm>> -> memref<1x1x1x8x128xi32, #tpu.memory_space<hbm>>
    %dma_start3A_70 = tpu.memref_squeeze %dma_start3A_69 : memref<1x1x1x8x128xi32, #tpu.memory_space<hbm>> -> memref<8x128xi32, #tpu.memory_space<hbm>>
    %dma_start3A_71 = arith.constant 0 : i32
    %dma_start3A_72 = arith.constant 0 : i32
    %dma_start3A_73 = tpu.memref_slice %arg3[%dma_start3A, %add3A, %dma_start3A_66, %dma_start3A_71, %dma_start3A_72] : memref<2x32x10x8x128xi32, #tpu.memory_space<hbm>> -> memref<1x1x1x8x128xi32, #tpu.memory_space<hbm>>
    %dma_start3A_74 = tpu.memref_squeeze %dma_start3A_73 : memref<1x1x1x8x128xi32, #tpu.memory_space<hbm>> -> memref<8x128xi32, #tpu.memory_space<hbm>>
    tpu.enqueue_dma source(%dma_start3A_74 : memref<8x128xi32, #tpu.memory_space<hbm>>) target(%arg8 : memref<8x128xi32, #tpu.memory_space<vmem>>) target_semaphore(%arg20 : memref<!tpu.dma_semaphore, #tpu.memory_space<semaphore_mem>>)
    %dma_start3A_75 = arith.constant 1 : i32
    %dma_start3A_76 = arith.constant 0 : i32
    %dma_start3A_77 = arith.constant 0 : i32
    %dma_start3A_78 = arith.constant 0 : i32
    %dma_start3A_79 = tpu.memref_slice %arg3[%dma_start3A_75, %add3A, %dma_start3A_76, %dma_start3A_77, %dma_start3A_78] : memref<2x32x10x8x128xi32, #tpu.memory_space<hbm>> -> memref<1x1x1x8x128xi32, #tpu.memory_space<hbm>>
    %dma_start3A_80 = tpu.memref_squeeze %dma_start3A_79 : memref<1x1x1x8x128xi32, #tpu.memory_space<hbm>> -> memref<8x128xi32, #tpu.memory_space<hbm>>
    %dma_start3A_81 = arith.constant 0 : i32
    %dma_start3A_82 = arith.constant 0 : i32
    %dma_start3A_83 = tpu.memref_slice %arg3[%dma_start3A_75, %add3A, %dma_start3A_76, %dma_start3A_81, %dma_start3A_82] : memref<2x32x10x8x128xi32, #tpu.memory_space<hbm>> -> memref<1x1x1x8x128xi32, #tpu.memory_space<hbm>>
    %dma_start3A_84 = tpu.memref_squeeze %dma_start3A_83 : memref<1x1x1x8x128xi32, #tpu.memory_space<hbm>> -> memref<8x128xi32, #tpu.memory_space<hbm>>
    tpu.enqueue_dma source(%dma_start3A_84 : memref<8x128xi32, #tpu.memory_space<hbm>>) target(%arg10 : memref<8x128xi32, #tpu.memory_space<vmem>>) target_semaphore(%arg20 : memref<!tpu.dma_semaphore, #tpu.memory_space<semaphore_mem>>)
    %dma_start3A_85 = arith.constant 0 : i32
    %dma_start3A_86 = arith.constant 1 : i32
    %dma_start3A_87 = arith.constant 0 : i32
    %dma_start3A_88 = arith.constant 0 : i32
    %dma_start3A_89 = tpu.memref_slice %arg3[%dma_start3A_85, %add3A, %dma_start3A_86, %dma_start3A_87, %dma_start3A_88] : memref<2x32x10x8x128xi32, #tpu.memory_space<hbm>> -> memref<1x1x1x8x128xi32, #tpu.memory_space<hbm>>
    %dma_start3A_90 = tpu.memref_squeeze %dma_start3A_89 : memref<1x1x1x8x128xi32, #tpu.memory_space<hbm>> -> memref<8x128xi32, #tpu.memory_space<hbm>>
    %dma_start3A_91 = arith.constant 0 : i32
    %dma_start3A_92 = arith.constant 0 : i32
    %dma_start3A_93 = tpu.memref_slice %arg3[%dma_start3A_85, %add3A, %dma_start3A_86, %dma_start3A_91, %dma_start3A_92] : memref<2x32x10x8x128xi32, #tpu.memory_space<hbm>> -> memref<1x1x1x8x128xi32, #tpu.memory_space<hbm>>
    %dma_start3A_94 = tpu.memref_squeeze %dma_start3A_93 : memref<1x1x1x8x128xi32, #tpu.memory_space<hbm>> -> memref<8x128xi32, #tpu.memory_space<hbm>>
    tpu.enqueue_dma source(%dma_start3A_94 : memref<8x128xi32, #tpu.memory_space<hbm>>) target(%arg9 : memref<8x128xi32, #tpu.memory_space<vmem>>) target_semaphore(%arg21 : memref<!tpu.dma_semaphore, #tpu.memory_space<semaphore_mem>>)
    %dma_start3A_95 = arith.constant 1 : i32
    %dma_start3A_96 = arith.constant 1 : i32
    %dma_start3A_97 = arith.constant 0 : i32
    %dma_start3A_98 = arith.constant 0 : i32
    %dma_start3A_99 = tpu.memref_slice %arg3[%dma_start3A_95, %add3A, %dma_start3A_96, %dma_start3A_97, %dma_start3A_98] : memref<2x32x10x8x128xi32, #tpu.memory_space<hbm>> -> memref<1x1x1x8x128xi32, #tpu.memory_space<hbm>>
    %dma_start3A_100 = tpu.memref_squeeze %dma_start3A_99 : memref<1x1x1x8x128xi32, #tpu.memory_space<hbm>> -> memref<8x128xi32, #tpu.memory_space<hbm>>
    %dma_start3A_101 = arith.constant 0 : i32
    %dma_start3A_102 = arith.constant 0 : i32
    %dma_start3A_103 = tpu.memref_slice %arg3[%dma_start3A_95, %add3A, %dma_start3A_96, %dma_start3A_101, %dma_start3A_102] : memref<2x32x10x8x128xi32, #tpu.memory_space<hbm>> -> memref<1x1x1x8x128xi32, #tpu.memory_space<hbm>>
    %dma_start3A_104 = tpu.memref_squeeze %dma_start3A_103 : memref<1x1x1x8x128xi32, #tpu.memory_space<hbm>> -> memref<8x128xi32, #tpu.memory_space<hbm>>
    tpu.enqueue_dma source(%dma_start3A_104 : memref<8x128xi32, #tpu.memory_space<hbm>>) target(%arg11 : memref<8x128xi32, #tpu.memory_space<vmem>>) target_semaphore(%arg21 : memref<!tpu.dma_semaphore, #tpu.memory_space<semaphore_mem>>)
    %dma_wait3A = arith.constant 0 : i32
    %dma_wait3A_105 = arith.constant 0 : i32
    %dma_wait3A_106 = arith.constant 0 : i32
    %dma_wait3A_107 = arith.constant 0 : i32
    %dma_wait3A_108 = tpu.memref_slice %arg3[%dma_wait3A, %add3A, %dma_wait3A_105, %dma_wait3A_106, %dma_wait3A_107] : memref<2x32x10x8x128xi32, #tpu.memory_space<hbm>> -> memref<1x1x1x8x128xi32, #tpu.memory_space<hbm>>
    %dma_wait3A_109 = tpu.memref_squeeze %dma_wait3A_108 : memref<1x1x1x8x128xi32, #tpu.memory_space<hbm>> -> memref<8x128xi32, #tpu.memory_space<hbm>>
    %dma_wait3A_110 = arith.constant 0 : i32
    %dma_wait3A_111 = arith.constant 0 : i32
    %dma_wait3A_112 = tpu.memref_slice %arg3[%dma_wait3A, %add3A, %dma_wait3A_105, %dma_wait3A_110, %dma_wait3A_111] : memref<2x32x10x8x128xi32, #tpu.memory_space<hbm>> -> memref<1x1x1x8x128xi32, #tpu.memory_space<hbm>>
    %dma_wait3A_113 = tpu.memref_squeeze %dma_wait3A_112 : memref<1x1x1x8x128xi32, #tpu.memory_space<hbm>> -> memref<8x128xi32, #tpu.memory_space<hbm>>
    tpu.wait_dma2 semaphore(%arg20 : memref<!tpu.dma_semaphore, #tpu.memory_space<semaphore_mem>>) src(%dma_wait3A_113 : memref<8x128xi32, #tpu.memory_space<hbm>>) dst(%arg8 : memref<8x128xi32, #tpu.memory_space<vmem>>)
    %dma_wait3A_114 = arith.constant 1 : i32
    %dma_wait3A_115 = arith.constant 0 : i32
    %dma_wait3A_116 = arith.constant 0 : i32
    %dma_wait3A_117 = arith.constant 0 : i32
    %dma_wait3A_118 = tpu.memref_slice %arg3[%dma_wait3A_114, %add3A, %dma_wait3A_115, %dma_wait3A_116, %dma_wait3A_117] : memref<2x32x10x8x128xi32, #tpu.memory_space<hbm>> -> memref<1x1x1x8x128xi32, #tpu.memory_space<hbm>>
    %dma_wait3A_119 = tpu.memref_squeeze %dma_wait3A_118 : memref<1x1x1x8x128xi32, #tpu.memory_space<hbm>> -> memref<8x128xi32, #tpu.memory_space<hbm>>
    %dma_wait3A_120 = arith.constant 0 : i32
    %dma_wait3A_121 = arith.constant 0 : i32
    %dma_wait3A_122 = tpu.memref_slice %arg3[%dma_wait3A_114, %add3A, %dma_wait3A_115, %dma_wait3A_120, %dma_wait3A_121] : memref<2x32x10x8x128xi32, #tpu.memory_space<hbm>> -> memref<1x1x1x8x128xi32, #tpu.memory_space<hbm>>
    %dma_wait3A_123 = tpu.memref_squeeze %dma_wait3A_122 : memref<1x1x1x8x128xi32, #tpu.memory_space<hbm>> -> memref<8x128xi32, #tpu.memory_space<hbm>>
    tpu.wait_dma2 semaphore(%arg20 : memref<!tpu.dma_semaphore, #tpu.memory_space<semaphore_mem>>) src(%dma_wait3A_123 : memref<8x128xi32, #tpu.memory_space<hbm>>) dst(%arg10 : memref<8x128xi32, #tpu.memory_space<vmem>>)
    %dma_start3A_124 = arith.constant 0 : i32
    %dma_start3A_125 = arith.constant 0 : i32
    %dma_start3A_126 = tpu.memref_slice %arg8[%dma_start3A_124, %dma_start3A_125] : memref<8x128xi32, #tpu.memory_space<vmem>> -> memref<1x128xi32, #tpu.memory_space<vmem>>
    %dma_start3A_127 = tpu.memref_squeeze %dma_start3A_126 : memref<1x128xi32, #tpu.memory_space<vmem>> -> memref<128xi32, #tpu.memory_space<vmem>>
    %dma_start3A_128 = arith.constant 0 : i32
    %dma_start3A_129 = arith.constant 0 : i32
    %dma_start3A_130 = tpu.memref_slice %arg2[%dma_start3A_128, %dma_start3A_129] : memref<10000x128xf32, #tpu.memory_space<hbm>> -> memref<10000x128xf32, #tpu.memory_space<hbm>>
    tpu.enqueue_indirect_dma source(%dma_start3A_130 : memref<10000x128xf32, #tpu.memory_space<hbm>>) target(%arg12 : memref<128x128xf32, #tpu.memory_space<vmem>>) offsets(%dma_start3A_127 : memref<128xi32, #tpu.memory_space<vmem>>) semaphore(%arg16 : memref<!tpu.dma_semaphore, #tpu.memory_space<semaphore_mem>>)
    %scan3A_131 = arith.constant 0 : i32
    %scan3A_132 = arith.constant 5 : i32
    %scan3A_133 = arith.addi %scan3A_131, %scan3A_132 : i32
    %scan3A_134 = arith.constant 1 : i32
    scf.for %scan3A_161 = %scan3A_131 to %scan3A_133 step %scan3A_134  : i32 {
      %mul3A_162 = arith.constant 1 : i32
      %mul3A_163 = arith.muli %scan3A_161, %mul3A_162 : i32
      %add3A_164 = arith.constant 0 : i32
      %add3A_165 = arith.addi %add3A_164, %mul3A_163 : i32
      %mul3A_166 = arith.constant 2 : i32
      %mul3A_167 = arith.muli %mul3A_166, %add3A_165 : i32
      %add3A_168 = arith.constant 0 : i32
      %add3A_169 = arith.addi %mul3A_167, %add3A_168 : i32
      %mul3A_170 = arith.constant 8 : i32
      %mul3A_171 = arith.muli %add3A_169, %mul3A_170 : i32
      %add3A_172 = arith.constant 0 : i32
      %add3A_173 = arith.addi %mul3A_171, %add3A_172 : i32
      %dma_wait3A_174 = arith.constant 0 : i32
      %dma_wait3A_175 = arith.constant 0 : i32
      %dma_wait3A_176 = tpu.memref_slice %arg8[%dma_wait3A_174, %dma_wait3A_175] : memref<8x128xi32, #tpu.memory_space<vmem>> -> memref<1x128xi32, #tpu.memory_space<vmem>>
      %dma_wait3A_177 = tpu.memref_squeeze %dma_wait3A_176 : memref<1x128xi32, #tpu.memory_space<vmem>> -> memref<128xi32, #tpu.memory_space<vmem>>
      %dma_wait3A_178 = arith.constant 0 : i32
      %dma_wait3A_179 = arith.constant 0 : i32
      %dma_wait3A_180 = tpu.memref_slice %arg2[%dma_wait3A_178, %dma_wait3A_179] : memref<10000x128xf32, #tpu.memory_space<hbm>> -> memref<10000x128xf32, #tpu.memory_space<hbm>>
      tpu.wait_indirect_dma semaphore(%arg16 : memref<!tpu.dma_semaphore, #tpu.memory_space<semaphore_mem>>) src(%dma_wait3A_180 : memref<10000x128xf32, #tpu.memory_space<hbm>>) dst(%arg12 : memref<128x128xf32, #tpu.memory_space<vmem>>)
      %ge3A = arith.constant 1 : i32
      %ge3A_181 = arith.cmpi sge, %add3A_173, %ge3A : i32
      %convert_element_type3A = arith.extui %ge3A_181 : i1 to i32
      %cond3A = arith.constant 0 : i32
      %cond3A_182 = arith.cmpi ne, %convert_element_type3A, %cond3A : i32
      scf.if %cond3A_182 {
        %dma_wait3A_817 = arith.constant 7 : i32
        %dma_wait3A_818 = arith.constant 0 : i32
        %dma_wait3A_819 = tpu.memref_slice %arg11[%dma_wait3A_817, %dma_wait3A_818] : memref<8x128xi32, #tpu.memory_space<vmem>> -> memref<1x128xi32, #tpu.memory_space<vmem>>
        %dma_wait3A_820 = tpu.memref_squeeze %dma_wait3A_819 : memref<1x128xi32, #tpu.memory_space<vmem>> -> memref<128xi32, #tpu.memory_space<vmem>>
        %dma_wait3A_821 = arith.constant 0 : i32
        %dma_wait3A_822 = arith.constant 0 : i32
        %dma_wait3A_823 = tpu.memref_slice %arg6[%dma_wait3A_821, %dma_wait3A_822] : memref<10240x128xf32, #tpu.memory_space<vmem_shared>> -> memref<10240x128xf32, #tpu.memory_space<vmem_shared>>
        tpu.wait_indirect_dma semaphore(%arg19 : memref<!tpu.dma_semaphore, #tpu.memory_space<semaphore_mem>>) src(%arg13 : memref<128x128xf32, #tpu.memory_space<vmem>>) dst(%dma_wait3A_823 : memref<10240x128xf32, #tpu.memory_space<vmem_shared>>)
        %dma_wait3A_824 = arith.constant 7 : i32
        %dma_wait3A_825 = arith.constant 0 : i32
        %dma_wait3A_826 = tpu.memref_slice %arg11[%dma_wait3A_824, %dma_wait3A_825] : memref<8x128xi32, #tpu.memory_space<vmem>> -> memref<1x128xi32, #tpu.memory_space<vmem>>
        %dma_wait3A_827 = tpu.memref_squeeze %dma_wait3A_826 : memref<1x128xi32, #tpu.memory_space<vmem>> -> memref<128xi32, #tpu.memory_space<vmem>>
        %dma_wait3A_828 = arith.constant 0 : i32
        %dma_wait3A_829 = tpu.memref_slice %arg7[%dma_wait3A_828] : memref<10240xf32, #tpu.memory_space<vmem_shared>> -> memref<10240xf32, #tpu.memory_space<vmem_shared>>
        tpu.wait_indirect_dma semaphore(%arg19 : memref<!tpu.dma_semaphore, #tpu.memory_space<semaphore_mem>>) src(%arg14 : memref<128xf32, #tpu.memory_space<vmem>>) dst(%dma_wait3A_829 : memref<10240xf32, #tpu.memory_space<vmem_shared>>)
      } else {
      }
      %add3A_183 = arith.constant 1 : i32
      %add3A_184 = arith.addi %add3A_173, %add3A_183 : i32
      %lt3A = arith.constant 80 : i32
      %lt3A_185 = arith.cmpi slt, %add3A_184, %lt3A : i32
      %convert_element_type3A_186 = arith.extui %lt3A_185 : i1 to i32
      %cond3A_187 = arith.constant 0 : i32
      %cond3A_188 = arith.cmpi ne, %convert_element_type3A_186, %cond3A_187 : i32
      scf.if %cond3A_188 {
        %dma_start3A_817 = arith.constant 1 : i32
        %dma_start3A_818 = arith.constant 0 : i32
        %dma_start3A_819 = tpu.memref_slice %arg8[%dma_start3A_817, %dma_start3A_818] : memref<8x128xi32, #tpu.memory_space<vmem>> -> memref<1x128xi32, #tpu.memory_space<vmem>>
        %dma_start3A_820 = tpu.memref_squeeze %dma_start3A_819 : memref<1x128xi32, #tpu.memory_space<vmem>> -> memref<128xi32, #tpu.memory_space<vmem>>
        %dma_start3A_821 = arith.constant 0 : i32
        %dma_start3A_822 = arith.constant 0 : i32
        %dma_start3A_823 = tpu.memref_slice %arg2[%dma_start3A_821, %dma_start3A_822] : memref<10000x128xf32, #tpu.memory_space<hbm>> -> memref<10000x128xf32, #tpu.memory_space<hbm>>
        tpu.enqueue_indirect_dma source(%dma_start3A_823 : memref<10000x128xf32, #tpu.memory_space<hbm>>) target(%arg13 : memref<128x128xf32, #tpu.memory_space<vmem>>) offsets(%dma_start3A_820 : memref<128xi32, #tpu.memory_space<vmem>>) semaphore(%arg17 : memref<!tpu.dma_semaphore, #tpu.memory_space<semaphore_mem>>)
      } else {
      }
      %dma_start3A_189 = arith.constant 0 : i32
      %dma_start3A_190 = arith.constant 0 : i32
      %dma_start3A_191 = tpu.memref_slice %arg10[%dma_start3A_189, %dma_start3A_190] : memref<8x128xi32, #tpu.memory_space<vmem>> -> memref<1x128xi32, #tpu.memory_space<vmem>>
      %dma_start3A_192 = tpu.memref_squeeze %dma_start3A_191 : memref<1x128xi32, #tpu.memory_space<vmem>> -> memref<128xi32, #tpu.memory_space<vmem>>
      %dma_start3A_193 = arith.constant 0 : i32
      %dma_start3A_194 = arith.constant 0 : i32
      %dma_start3A_195 = tpu.memref_slice %arg6[%dma_start3A_193, %dma_start3A_194] : memref<10240x128xf32, #tpu.memory_space<vmem_shared>> -> memref<10240x128xf32, #tpu.memory_space<vmem_shared>>
      tpu.enqueue_indirect_dma source(%arg12 : memref<128x128xf32, #tpu.memory_space<vmem>>) target(%dma_start3A_195 : memref<10240x128xf32, #tpu.memory_space<vmem_shared>>) offsets(%dma_start3A_192 : memref<128xi32, #tpu.memory_space<vmem>>) semaphore(%arg18 : memref<!tpu.dma_semaphore, #tpu.memory_space<semaphore_mem>>) {add = true}
      %dma_start3A_196 = arith.constant 0 : i32
      %dma_start3A_197 = arith.constant 0 : i32
      %dma_start3A_198 = tpu.memref_slice %arg10[%dma_start3A_196, %dma_start3A_197] : memref<8x128xi32, #tpu.memory_space<vmem>> -> memref<1x128xi32, #tpu.memory_space<vmem>>
      %dma_start3A_199 = tpu.memref_squeeze %dma_start3A_198 : memref<1x128xi32, #tpu.memory_space<vmem>> -> memref<128xi32, #tpu.memory_space<vmem>>
      %dma_start3A_200 = arith.constant 0 : i32
      %dma_start3A_201 = tpu.memref_slice %arg7[%dma_start3A_200] : memref<10240xf32, #tpu.memory_space<vmem_shared>> -> memref<10240xf32, #tpu.memory_space<vmem_shared>>
      tpu.enqueue_indirect_dma source(%arg14 : memref<128xf32, #tpu.memory_space<vmem>>) target(%dma_start3A_201 : memref<10240xf32, #tpu.memory_space<vmem_shared>>) offsets(%dma_start3A_199 : memref<128xi32, #tpu.memory_space<vmem>>) semaphore(%arg18 : memref<!tpu.dma_semaphore, #tpu.memory_space<semaphore_mem>>) {add = true}
      %mul3A_202 = arith.constant 2 : i32
      %mul3A_203 = arith.muli %mul3A_202, %add3A_165 : i32
      %add3A_204 = arith.constant 0 : i32
      %add3A_205 = arith.addi %mul3A_203, %add3A_204 : i32
      %mul3A_206 = arith.constant 8 : i32
      %mul3A_207 = arith.muli %add3A_205, %mul3A_206 : i32
      %add3A_208 = arith.constant 1 : i32
      %add3A_209 = arith.addi %mul3A_207, %add3A_208 : i32
      %dma_wait3A_210 = arith.constant 1 : i32
      %dma_wait3A_211 = arith.constant 0 : i32
      %dma_wait3A_212 = tpu.memref_slice %arg8[%dma_wait3A_210, %dma_wait3A_211] : memref<8x128xi32, #tpu.memory_space<vmem>> -> memref<1x128xi32, #tpu.memory_space<vmem>>
      %dma_wait3A_213 = tpu.memref_squeeze %dma_wait3A_212 : memref<1x128xi32, #tpu.memory_space<vmem>> -> memref<128xi32, #tpu.memory_space<vmem>>
      %dma_wait3A_214 = arith.constant 0 : i32
      %dma_wait3A_215 = arith.constant 0 : i32
      %dma_wait3A_216 = tpu.memref_slice %arg2[%dma_wait3A_214, %dma_wait3A_215] : memref<10000x128xf32, #tpu.memory_space<hbm>> -> memref<10000x128xf32, #tpu.memory_space<hbm>>
      tpu.wait_indirect_dma semaphore(%arg17 : memref<!tpu.dma_semaphore, #tpu.memory_space<semaphore_mem>>) src(%dma_wait3A_216 : memref<10000x128xf32, #tpu.memory_space<hbm>>) dst(%arg13 : memref<128x128xf32, #tpu.memory_space<vmem>>)
      %ge3A_217 = arith.constant 1 : i32
      %ge3A_218 = arith.cmpi sge, %add3A_209, %ge3A_217 : i32
      %convert_element_type3A_219 = arith.extui %ge3A_218 : i1 to i32
      %cond3A_220 = arith.constant 0 : i32
      %cond3A_221 = arith.cmpi ne, %convert_element_type3A_219, %cond3A_220 : i32
      scf.if %cond3A_221 {
        %dma_wait3A_817 = arith.constant 0 : i32
        %dma_wait3A_818 = arith.constant 0 : i32
        %dma_wait3A_819 = tpu.memref_slice %arg10[%dma_wait3A_817, %dma_wait3A_818] : memref<8x128xi32, #tpu.memory_space<vmem>> -> memref<1x128xi32, #tpu.memory_space<vmem>>
        %dma_wait3A_820 = tpu.memref_squeeze %dma_wait3A_819 : memref<1x128xi32, #tpu.memory_space<vmem>> -> memref<128xi32, #tpu.memory_space<vmem>>
        %dma_wait3A_821 = arith.constant 0 : i32
        %dma_wait3A_822 = arith.constant 0 : i32
        %dma_wait3A_823 = tpu.memref_slice %arg6[%dma_wait3A_821, %dma_wait3A_822] : memref<10240x128xf32, #tpu.memory_space<vmem_shared>> -> memref<10240x128xf32, #tpu.memory_space<vmem_shared>>
        tpu.wait_indirect_dma semaphore(%arg18 : memref<!tpu.dma_semaphore, #tpu.memory_space<semaphore_mem>>) src(%arg12 : memref<128x128xf32, #tpu.memory_space<vmem>>) dst(%dma_wait3A_823 : memref<10240x128xf32, #tpu.memory_space<vmem_shared>>)
        %dma_wait3A_824 = arith.constant 0 : i32
        %dma_wait3A_825 = arith.constant 0 : i32
        %dma_wait3A_826 = tpu.memref_slice %arg10[%dma_wait3A_824, %dma_wait3A_825] : memref<8x128xi32, #tpu.memory_space<vmem>> -> memref<1x128xi32, #tpu.memory_space<vmem>>
        %dma_wait3A_827 = tpu.memref_squeeze %dma_wait3A_826 : memref<1x128xi32, #tpu.memory_space<vmem>> -> memref<128xi32, #tpu.memory_space<vmem>>
        %dma_wait3A_828 = arith.constant 0 : i32
        %dma_wait3A_829 = tpu.memref_slice %arg7[%dma_wait3A_828] : memref<10240xf32, #tpu.memory_space<vmem_shared>> -> memref<10240xf32, #tpu.memory_space<vmem_shared>>
        tpu.wait_indirect_dma semaphore(%arg18 : memref<!tpu.dma_semaphore, #tpu.memory_space<semaphore_mem>>) src(%arg14 : memref<128xf32, #tpu.memory_space<vmem>>) dst(%dma_wait3A_829 : memref<10240xf32, #tpu.memory_space<vmem_shared>>)
      } else {
      }
      %add3A_222 = arith.constant 1 : i32
      %add3A_223 = arith.addi %add3A_209, %add3A_222 : i32
      %lt3A_224 = arith.constant 80 : i32
      %lt3A_225 = arith.cmpi slt, %add3A_223, %lt3A_224 : i32
      %convert_element_type3A_226 = arith.extui %lt3A_225 : i1 to i32
      %cond3A_227 = arith.constant 0 : i32
      %cond3A_228 = arith.cmpi ne, %convert_element_type3A_226, %cond3A_227 : i32
      scf.if %cond3A_228 {
        %dma_start3A_817 = arith.constant 2 : i32
        %dma_start3A_818 = arith.constant 0 : i32
        %dma_start3A_819 = tpu.memref_slice %arg8[%dma_start3A_817, %dma_start3A_818] : memref<8x128xi32, #tpu.memory_space<vmem>> -> memref<1x128xi32, #tpu.memory_space<vmem>>
        %dma_start3A_820 = tpu.memref_squeeze %dma_start3A_819 : memref<1x128xi32, #tpu.memory_space<vmem>> -> memref<128xi32, #tpu.memory_space<vmem>>
        %dma_start3A_821 = arith.constant 0 : i32
        %dma_start3A_822 = arith.constant 0 : i32
        %dma_start3A_823 = tpu.memref_slice %arg2[%dma_start3A_821, %dma_start3A_822] : memref<10000x128xf32, #tpu.memory_space<hbm>> -> memref<10000x128xf32, #tpu.memory_space<hbm>>
        tpu.enqueue_indirect_dma source(%dma_start3A_823 : memref<10000x128xf32, #tpu.memory_space<hbm>>) target(%arg12 : memref<128x128xf32, #tpu.memory_space<vmem>>) offsets(%dma_start3A_820 : memref<128xi32, #tpu.memory_space<vmem>>) semaphore(%arg16 : memref<!tpu.dma_semaphore, #tpu.memory_space<semaphore_mem>>)
      } else {
      }
      %dma_start3A_229 = arith.constant 1 : i32
      %dma_start3A_230 = arith.constant 0 : i32
      %dma_start3A_231 = tpu.memref_slice %arg10[%dma_start3A_229, %dma_start3A_230] : memref<8x128xi32, #tpu.memory_space<vmem>> -> memref<1x128xi32, #tpu.memory_space<vmem>>
      %dma_start3A_232 = tpu.memref_squeeze %dma_start3A_231 : memref<1x128xi32, #tpu.memory_space<vmem>> -> memref<128xi32, #tpu.memory_space<vmem>>
      %dma_start3A_233 = arith.constant 0 : i32
      %dma_start3A_234 = arith.constant 0 : i32
      %dma_start3A_235 = tpu.memref_slice %arg6[%dma_start3A_233, %dma_start3A_234] : memref<10240x128xf32, #tpu.memory_space<vmem_shared>> -> memref<10240x128xf32, #tpu.memory_space<vmem_shared>>
      tpu.enqueue_indirect_dma source(%arg13 : memref<128x128xf32, #tpu.memory_space<vmem>>) target(%dma_start3A_235 : memref<10240x128xf32, #tpu.memory_space<vmem_shared>>) offsets(%dma_start3A_232 : memref<128xi32, #tpu.memory_space<vmem>>) semaphore(%arg19 : memref<!tpu.dma_semaphore, #tpu.memory_space<semaphore_mem>>) {add = true}
      %dma_start3A_236 = arith.constant 1 : i32
      %dma_start3A_237 = arith.constant 0 : i32
      %dma_start3A_238 = tpu.memref_slice %arg10[%dma_start3A_236, %dma_start3A_237] : memref<8x128xi32, #tpu.memory_space<vmem>> -> memref<1x128xi32, #tpu.memory_space<vmem>>
      %dma_start3A_239 = tpu.memref_squeeze %dma_start3A_238 : memref<1x128xi32, #tpu.memory_space<vmem>> -> memref<128xi32, #tpu.memory_space<vmem>>
      %dma_start3A_240 = arith.constant 0 : i32
      %dma_start3A_241 = tpu.memref_slice %arg7[%dma_start3A_240] : memref<10240xf32, #tpu.memory_space<vmem_shared>> -> memref<10240xf32, #tpu.memory_space<vmem_shared>>
      tpu.enqueue_indirect_dma source(%arg14 : memref<128xf32, #tpu.memory_space<vmem>>) target(%dma_start3A_241 : memref<10240xf32, #tpu.memory_space<vmem_shared>>) offsets(%dma_start3A_239 : memref<128xi32, #tpu.memory_space<vmem>>) semaphore(%arg19 : memref<!tpu.dma_semaphore, #tpu.memory_space<semaphore_mem>>) {add = true}
      %ge3A_242 = arith.constant 8 : i32
      %ge3A_243 = arith.cmpi sge, %add3A_209, %ge3A_242 : i32
      %lt3A_244 = arith.constant 72 : i32
      %lt3A_245 = arith.cmpi slt, %add3A_209, %lt3A_244 : i32
      %and3A = arith.andi %ge3A_243, %lt3A_245 : i1
      %convert_element_type3A_246 = arith.extui %and3A : i1 to i32
      %cond3A_247 = arith.constant 0 : i32
      %cond3A_248 = arith.cmpi ne, %convert_element_type3A_246, %cond3A_247 : i32
      scf.if %cond3A_248 {
        %jit3A = arith.constant 8 : i32
        %div3A = arith.divsi %add3A_209, %jit3A : i32
        %sign3A = arith.constant 0 : i32
        %sign3A_817 = arith.cmpi sgt, %add3A_209, %sign3A : i32
        %sign3A_818 = arith.extui %sign3A_817 : i1 to i32
        %sign3A_819 = arith.constant 0 : i32
        %sign3A_820 = arith.cmpi slt, %add3A_209, %sign3A_819 : i32
        %sign3A_821 = arith.extui %sign3A_820 : i1 to i32
        %sign3A_822 = arith.subi %sign3A_818, %sign3A_821 : i32
        %sign3A_823 = arith.constant 0 : i32
        %sign3A_824 = arith.cmpi sgt, %jit3A, %sign3A_823 : i32
        %sign3A_825 = arith.extui %sign3A_824 : i1 to i32
        %sign3A_826 = arith.constant 0 : i32
        %sign3A_827 = arith.cmpi slt, %jit3A, %sign3A_826 : i32
        %sign3A_828 = arith.extui %sign3A_827 : i1 to i32
        %sign3A_829 = arith.subi %sign3A_825, %sign3A_828 : i32
        %ne3A = arith.cmpi ne, %sign3A_822, %sign3A_829 : i32
        %rem3A = arith.remsi %add3A_209, %jit3A : i32
        %ne3A_830 = arith.constant 0 : i32
        %ne3A_831 = arith.cmpi ne, %rem3A, %ne3A_830 : i32
        %and3A_832 = arith.andi %ne3A, %ne3A_831 : i1
        %sub3A = arith.constant 1 : i32
        %sub3A_833 = arith.subi %div3A, %sub3A : i32
        %select_n3A = arith.select %and3A_832, %sub3A_833, %div3A : i32
        %add3A_834 = arith.constant 1 : i32
        %add3A_835 = arith.addi %select_n3A, %add3A_834 : i32
        %dma_start3A_836 = arith.constant 0 : i32
        %dma_start3A_837 = arith.constant 0 : i32
        %dma_start3A_838 = arith.constant 0 : i32
        %dma_start3A_839 = tpu.memref_slice %arg3[%dma_start3A_836, %add3A, %add3A_835, %dma_start3A_837, %dma_start3A_838] : memref<2x32x10x8x128xi32, #tpu.memory_space<hbm>> -> memref<1x1x1x8x128xi32, #tpu.memory_space<hbm>>
        %dma_start3A_840 = tpu.memref_squeeze %dma_start3A_839 : memref<1x1x1x8x128xi32, #tpu.memory_space<hbm>> -> memref<8x128xi32, #tpu.memory_space<hbm>>
        %dma_start3A_841 = arith.constant 0 : i32
        %dma_start3A_842 = arith.constant 0 : i32
        %dma_start3A_843 = tpu.memref_slice %arg3[%dma_start3A_836, %add3A, %add3A_835, %dma_start3A_841, %dma_start3A_842] : memref<2x32x10x8x128xi32, #tpu.memory_space<hbm>> -> memref<1x1x1x8x128xi32, #tpu.memory_space<hbm>>
        %dma_start3A_844 = tpu.memref_squeeze %dma_start3A_843 : memref<1x1x1x8x128xi32, #tpu.memory_space<hbm>> -> memref<8x128xi32, #tpu.memory_space<hbm>>
        tpu.enqueue_dma source(%dma_start3A_844 : memref<8x128xi32, #tpu.memory_space<hbm>>) target(%arg9 : memref<8x128xi32, #tpu.memory_space<vmem>>) target_semaphore(%arg21 : memref<!tpu.dma_semaphore, #tpu.memory_space<semaphore_mem>>)
        %dma_start3A_845 = arith.constant 1 : i32
        %dma_start3A_846 = arith.constant 0 : i32
        %dma_start3A_847 = arith.constant 0 : i32
        %dma_start3A_848 = tpu.memref_slice %arg3[%dma_start3A_845, %add3A, %add3A_835, %dma_start3A_846, %dma_start3A_847] : memref<2x32x10x8x128xi32, #tpu.memory_space<hbm>> -> memref<1x1x1x8x128xi32, #tpu.memory_space<hbm>>
        %dma_start3A_849 = tpu.memref_squeeze %dma_start3A_848 : memref<1x1x1x8x128xi32, #tpu.memory_space<hbm>> -> memref<8x128xi32, #tpu.memory_space<hbm>>
        %dma_start3A_850 = arith.constant 0 : i32
        %dma_start3A_851 = arith.constant 0 : i32
        %dma_start3A_852 = tpu.memref_slice %arg3[%dma_start3A_845, %add3A, %add3A_835, %dma_start3A_850, %dma_start3A_851] : memref<2x32x10x8x128xi32, #tpu.memory_space<hbm>> -> memref<1x1x1x8x128xi32, #tpu.memory_space<hbm>>
        %dma_start3A_853 = tpu.memref_squeeze %dma_start3A_852 : memref<1x1x1x8x128xi32, #tpu.memory_space<hbm>> -> memref<8x128xi32, #tpu.memory_space<hbm>>
        tpu.enqueue_dma source(%dma_start3A_853 : memref<8x128xi32, #tpu.memory_space<hbm>>) target(%arg11 : memref<8x128xi32, #tpu.memory_space<vmem>>) target_semaphore(%arg21 : memref<!tpu.dma_semaphore, #tpu.memory_space<semaphore_mem>>)
      } else {
      }
      %mul3A_249 = arith.constant 2 : i32
      %mul3A_250 = arith.muli %mul3A_249, %add3A_165 : i32
      %add3A_251 = arith.constant 0 : i32
      %add3A_252 = arith.addi %mul3A_250, %add3A_251 : i32
      %mul3A_253 = arith.constant 8 : i32
      %mul3A_254 = arith.muli %add3A_252, %mul3A_253 : i32
      %add3A_255 = arith.constant 2 : i32
      %add3A_256 = arith.addi %mul3A_254, %add3A_255 : i32
      %dma_wait3A_257 = arith.constant 2 : i32
      %dma_wait3A_258 = arith.constant 0 : i32
      %dma_wait3A_259 = tpu.memref_slice %arg8[%dma_wait3A_257, %dma_wait3A_258] : memref<8x128xi32, #tpu.memory_space<vmem>> -> memref<1x128xi32, #tpu.memory_space<vmem>>
      %dma_wait3A_260 = tpu.memref_squeeze %dma_wait3A_259 : memref<1x128xi32, #tpu.memory_space<vmem>> -> memref<128xi32, #tpu.memory_space<vmem>>
      %dma_wait3A_261 = arith.constant 0 : i32
      %dma_wait3A_262 = arith.constant 0 : i32
      %dma_wait3A_263 = tpu.memref_slice %arg2[%dma_wait3A_261, %dma_wait3A_262] : memref<10000x128xf32, #tpu.memory_space<hbm>> -> memref<10000x128xf32, #tpu.memory_space<hbm>>
      tpu.wait_indirect_dma semaphore(%arg16 : memref<!tpu.dma_semaphore, #tpu.memory_space<semaphore_mem>>) src(%dma_wait3A_263 : memref<10000x128xf32, #tpu.memory_space<hbm>>) dst(%arg12 : memref<128x128xf32, #tpu.memory_space<vmem>>)
      %ge3A_264 = arith.constant 1 : i32
      %ge3A_265 = arith.cmpi sge, %add3A_256, %ge3A_264 : i32
      %convert_element_type3A_266 = arith.extui %ge3A_265 : i1 to i32
      %cond3A_267 = arith.constant 0 : i32
      %cond3A_268 = arith.cmpi ne, %convert_element_type3A_266, %cond3A_267 : i32
      scf.if %cond3A_268 {
        %dma_wait3A_817 = arith.constant 1 : i32
        %dma_wait3A_818 = arith.constant 0 : i32
        %dma_wait3A_819 = tpu.memref_slice %arg10[%dma_wait3A_817, %dma_wait3A_818] : memref<8x128xi32, #tpu.memory_space<vmem>> -> memref<1x128xi32, #tpu.memory_space<vmem>>
        %dma_wait3A_820 = tpu.memref_squeeze %dma_wait3A_819 : memref<1x128xi32, #tpu.memory_space<vmem>> -> memref<128xi32, #tpu.memory_space<vmem>>
        %dma_wait3A_821 = arith.constant 0 : i32
        %dma_wait3A_822 = arith.constant 0 : i32
        %dma_wait3A_823 = tpu.memref_slice %arg6[%dma_wait3A_821, %dma_wait3A_822] : memref<10240x128xf32, #tpu.memory_space<vmem_shared>> -> memref<10240x128xf32, #tpu.memory_space<vmem_shared>>
        tpu.wait_indirect_dma semaphore(%arg19 : memref<!tpu.dma_semaphore, #tpu.memory_space<semaphore_mem>>) src(%arg13 : memref<128x128xf32, #tpu.memory_space<vmem>>) dst(%dma_wait3A_823 : memref<10240x128xf32, #tpu.memory_space<vmem_shared>>)
        %dma_wait3A_824 = arith.constant 1 : i32
        %dma_wait3A_825 = arith.constant 0 : i32
        %dma_wait3A_826 = tpu.memref_slice %arg10[%dma_wait3A_824, %dma_wait3A_825] : memref<8x128xi32, #tpu.memory_space<vmem>> -> memref<1x128xi32, #tpu.memory_space<vmem>>
        %dma_wait3A_827 = tpu.memref_squeeze %dma_wait3A_826 : memref<1x128xi32, #tpu.memory_space<vmem>> -> memref<128xi32, #tpu.memory_space<vmem>>
        %dma_wait3A_828 = arith.constant 0 : i32
        %dma_wait3A_829 = tpu.memref_slice %arg7[%dma_wait3A_828] : memref<10240xf32, #tpu.memory_space<vmem_shared>> -> memref<10240xf32, #tpu.memory_space<vmem_shared>>
        tpu.wait_indirect_dma semaphore(%arg19 : memref<!tpu.dma_semaphore, #tpu.memory_space<semaphore_mem>>) src(%arg14 : memref<128xf32, #tpu.memory_space<vmem>>) dst(%dma_wait3A_829 : memref<10240xf32, #tpu.memory_space<vmem_shared>>)
      } else {
      }
      %add3A_269 = arith.constant 1 : i32
      %add3A_270 = arith.addi %add3A_256, %add3A_269 : i32
      %lt3A_271 = arith.constant 80 : i32
      %lt3A_272 = arith.cmpi slt, %add3A_270, %lt3A_271 : i32
      %convert_element_type3A_273 = arith.extui %lt3A_272 : i1 to i32
      %cond3A_274 = arith.constant 0 : i32
      %cond3A_275 = arith.cmpi ne, %convert_element_type3A_273, %cond3A_274 : i32
      scf.if %cond3A_275 {
        %dma_start3A_817 = arith.constant 3 : i32
        %dma_start3A_818 = arith.constant 0 : i32
        %dma_start3A_819 = tpu.memref_slice %arg8[%dma_start3A_817, %dma_start3A_818] : memref<8x128xi32, #tpu.memory_space<vmem>> -> memref<1x128xi32, #tpu.memory_space<vmem>>
        %dma_start3A_820 = tpu.memref_squeeze %dma_start3A_819 : memref<1x128xi32, #tpu.memory_space<vmem>> -> memref<128xi32, #tpu.memory_space<vmem>>
        %dma_start3A_821 = arith.constant 0 : i32
        %dma_start3A_822 = arith.constant 0 : i32
        %dma_start3A_823 = tpu.memref_slice %arg2[%dma_start3A_821, %dma_start3A_822] : memref<10000x128xf32, #tpu.memory_space<hbm>> -> memref<10000x128xf32, #tpu.memory_space<hbm>>
        tpu.enqueue_indirect_dma source(%dma_start3A_823 : memref<10000x128xf32, #tpu.memory_space<hbm>>) target(%arg13 : memref<128x128xf32, #tpu.memory_space<vmem>>) offsets(%dma_start3A_820 : memref<128xi32, #tpu.memory_space<vmem>>) semaphore(%arg17 : memref<!tpu.dma_semaphore, #tpu.memory_space<semaphore_mem>>)
      } else {
      }
      %dma_start3A_276 = arith.constant 2 : i32
      %dma_start3A_277 = arith.constant 0 : i32
      %dma_start3A_278 = tpu.memref_slice %arg10[%dma_start3A_276, %dma_start3A_277] : memref<8x128xi32, #tpu.memory_space<vmem>> -> memref<1x128xi32, #tpu.memory_space<vmem>>
      %dma_start3A_279 = tpu.memref_squeeze %dma_start3A_278 : memref<1x128xi32, #tpu.memory_space<vmem>> -> memref<128xi32, #tpu.memory_space<vmem>>
      %dma_start3A_280 = arith.constant 0 : i32
      %dma_start3A_281 = arith.constant 0 : i32
      %dma_start3A_282 = tpu.memref_slice %arg6[%dma_start3A_280, %dma_start3A_281] : memref<10240x128xf32, #tpu.memory_space<vmem_shared>> -> memref<10240x128xf32, #tpu.memory_space<vmem_shared>>
      tpu.enqueue_indirect_dma source(%arg12 : memref<128x128xf32, #tpu.memory_space<vmem>>) target(%dma_start3A_282 : memref<10240x128xf32, #tpu.memory_space<vmem_shared>>) offsets(%dma_start3A_279 : memref<128xi32, #tpu.memory_space<vmem>>) semaphore(%arg18 : memref<!tpu.dma_semaphore, #tpu.memory_space<semaphore_mem>>) {add = true}
      %dma_start3A_283 = arith.constant 2 : i32
      %dma_start3A_284 = arith.constant 0 : i32
      %dma_start3A_285 = tpu.memref_slice %arg10[%dma_start3A_283, %dma_start3A_284] : memref<8x128xi32, #tpu.memory_space<vmem>> -> memref<1x128xi32, #tpu.memory_space<vmem>>
      %dma_start3A_286 = tpu.memref_squeeze %dma_start3A_285 : memref<1x128xi32, #tpu.memory_space<vmem>> -> memref<128xi32, #tpu.memory_space<vmem>>
      %dma_start3A_287 = arith.constant 0 : i32
      %dma_start3A_288 = tpu.memref_slice %arg7[%dma_start3A_287] : memref<10240xf32, #tpu.memory_space<vmem_shared>> -> memref<10240xf32, #tpu.memory_space<vmem_shared>>
      tpu.enqueue_indirect_dma source(%arg14 : memref<128xf32, #tpu.memory_space<vmem>>) target(%dma_start3A_288 : memref<10240xf32, #tpu.memory_space<vmem_shared>>) offsets(%dma_start3A_286 : memref<128xi32, #tpu.memory_space<vmem>>) semaphore(%arg18 : memref<!tpu.dma_semaphore, #tpu.memory_space<semaphore_mem>>) {add = true}
      %mul3A_289 = arith.constant 2 : i32
      %mul3A_290 = arith.muli %mul3A_289, %add3A_165 : i32
      %add3A_291 = arith.constant 0 : i32
      %add3A_292 = arith.addi %mul3A_290, %add3A_291 : i32
      %mul3A_293 = arith.constant 8 : i32
      %mul3A_294 = arith.muli %add3A_292, %mul3A_293 : i32
      %add3A_295 = arith.constant 3 : i32
      %add3A_296 = arith.addi %mul3A_294, %add3A_295 : i32
      %dma_wait3A_297 = arith.constant 3 : i32
      %dma_wait3A_298 = arith.constant 0 : i32
      %dma_wait3A_299 = tpu.memref_slice %arg8[%dma_wait3A_297, %dma_wait3A_298] : memref<8x128xi32, #tpu.memory_space<vmem>> -> memref<1x128xi32, #tpu.memory_space<vmem>>
      %dma_wait3A_300 = tpu.memref_squeeze %dma_wait3A_299 : memref<1x128xi32, #tpu.memory_space<vmem>> -> memref<128xi32, #tpu.memory_space<vmem>>
      %dma_wait3A_301 = arith.constant 0 : i32
      %dma_wait3A_302 = arith.constant 0 : i32
      %dma_wait3A_303 = tpu.memref_slice %arg2[%dma_wait3A_301, %dma_wait3A_302] : memref<10000x128xf32, #tpu.memory_space<hbm>> -> memref<10000x128xf32, #tpu.memory_space<hbm>>
      tpu.wait_indirect_dma semaphore(%arg17 : memref<!tpu.dma_semaphore, #tpu.memory_space<semaphore_mem>>) src(%dma_wait3A_303 : memref<10000x128xf32, #tpu.memory_space<hbm>>) dst(%arg13 : memref<128x128xf32, #tpu.memory_space<vmem>>)
      %ge3A_304 = arith.constant 1 : i32
      %ge3A_305 = arith.cmpi sge, %add3A_296, %ge3A_304 : i32
      %convert_element_type3A_306 = arith.extui %ge3A_305 : i1 to i32
      %cond3A_307 = arith.constant 0 : i32
      %cond3A_308 = arith.cmpi ne, %convert_element_type3A_306, %cond3A_307 : i32
      scf.if %cond3A_308 {
        %dma_wait3A_817 = arith.constant 2 : i32
        %dma_wait3A_818 = arith.constant 0 : i32
        %dma_wait3A_819 = tpu.memref_slice %arg10[%dma_wait3A_817, %dma_wait3A_818] : memref<8x128xi32, #tpu.memory_space<vmem>> -> memref<1x128xi32, #tpu.memory_space<vmem>>
        %dma_wait3A_820 = tpu.memref_squeeze %dma_wait3A_819 : memref<1x128xi32, #tpu.memory_space<vmem>> -> memref<128xi32, #tpu.memory_space<vmem>>
        %dma_wait3A_821 = arith.constant 0 : i32
        %dma_wait3A_822 = arith.constant 0 : i32
        %dma_wait3A_823 = tpu.memref_slice %arg6[%dma_wait3A_821, %dma_wait3A_822] : memref<10240x128xf32, #tpu.memory_space<vmem_shared>> -> memref<10240x128xf32, #tpu.memory_space<vmem_shared>>
        tpu.wait_indirect_dma semaphore(%arg18 : memref<!tpu.dma_semaphore, #tpu.memory_space<semaphore_mem>>) src(%arg12 : memref<128x128xf32, #tpu.memory_space<vmem>>) dst(%dma_wait3A_823 : memref<10240x128xf32, #tpu.memory_space<vmem_shared>>)
        %dma_wait3A_824 = arith.constant 2 : i32
        %dma_wait3A_825 = arith.constant 0 : i32
        %dma_wait3A_826 = tpu.memref_slice %arg10[%dma_wait3A_824, %dma_wait3A_825] : memref<8x128xi32, #tpu.memory_space<vmem>> -> memref<1x128xi32, #tpu.memory_space<vmem>>
        %dma_wait3A_827 = tpu.memref_squeeze %dma_wait3A_826 : memref<1x128xi32, #tpu.memory_space<vmem>> -> memref<128xi32, #tpu.memory_space<vmem>>
        %dma_wait3A_828 = arith.constant 0 : i32
        %dma_wait3A_829 = tpu.memref_slice %arg7[%dma_wait3A_828] : memref<10240xf32, #tpu.memory_space<vmem_shared>> -> memref<10240xf32, #tpu.memory_space<vmem_shared>>
        tpu.wait_indirect_dma semaphore(%arg18 : memref<!tpu.dma_semaphore, #tpu.memory_space<semaphore_mem>>) src(%arg14 : memref<128xf32, #tpu.memory_space<vmem>>) dst(%dma_wait3A_829 : memref<10240xf32, #tpu.memory_space<vmem_shared>>)
      } else {
      }
      %add3A_309 = arith.constant 1 : i32
      %add3A_310 = arith.addi %add3A_296, %add3A_309 : i32
      %lt3A_311 = arith.constant 80 : i32
      %lt3A_312 = arith.cmpi slt, %add3A_310, %lt3A_311 : i32
      %convert_element_type3A_313 = arith.extui %lt3A_312 : i1 to i32
      %cond3A_314 = arith.constant 0 : i32
      %cond3A_315 = arith.cmpi ne, %convert_element_type3A_313, %cond3A_314 : i32
      scf.if %cond3A_315 {
        %dma_start3A_817 = arith.constant 4 : i32
        %dma_start3A_818 = arith.constant 0 : i32
        %dma_start3A_819 = tpu.memref_slice %arg8[%dma_start3A_817, %dma_start3A_818] : memref<8x128xi32, #tpu.memory_space<vmem>> -> memref<1x128xi32, #tpu.memory_space<vmem>>
        %dma_start3A_820 = tpu.memref_squeeze %dma_start3A_819 : memref<1x128xi32, #tpu.memory_space<vmem>> -> memref<128xi32, #tpu.memory_space<vmem>>
        %dma_start3A_821 = arith.constant 0 : i32
        %dma_start3A_822 = arith.constant 0 : i32
        %dma_start3A_823 = tpu.memref_slice %arg2[%dma_start3A_821, %dma_start3A_822] : memref<10000x128xf32, #tpu.memory_space<hbm>> -> memref<10000x128xf32, #tpu.memory_space<hbm>>
        tpu.enqueue_indirect_dma source(%dma_start3A_823 : memref<10000x128xf32, #tpu.memory_space<hbm>>) target(%arg12 : memref<128x128xf32, #tpu.memory_space<vmem>>) offsets(%dma_start3A_820 : memref<128xi32, #tpu.memory_space<vmem>>) semaphore(%arg16 : memref<!tpu.dma_semaphore, #tpu.memory_space<semaphore_mem>>)
      } else {
      }
      %dma_start3A_316 = arith.constant 3 : i32
      %dma_start3A_317 = arith.constant 0 : i32
      %dma_start3A_318 = tpu.memref_slice %arg10[%dma_start3A_316, %dma_start3A_317] : memref<8x128xi32, #tpu.memory_space<vmem>> -> memref<1x128xi32, #tpu.memory_space<vmem>>
      %dma_start3A_319 = tpu.memref_squeeze %dma_start3A_318 : memref<1x128xi32, #tpu.memory_space<vmem>> -> memref<128xi32, #tpu.memory_space<vmem>>
      %dma_start3A_320 = arith.constant 0 : i32
      %dma_start3A_321 = arith.constant 0 : i32
      %dma_start3A_322 = tpu.memref_slice %arg6[%dma_start3A_320, %dma_start3A_321] : memref<10240x128xf32, #tpu.memory_space<vmem_shared>> -> memref<10240x128xf32, #tpu.memory_space<vmem_shared>>
      tpu.enqueue_indirect_dma source(%arg13 : memref<128x128xf32, #tpu.memory_space<vmem>>) target(%dma_start3A_322 : memref<10240x128xf32, #tpu.memory_space<vmem_shared>>) offsets(%dma_start3A_319 : memref<128xi32, #tpu.memory_space<vmem>>) semaphore(%arg19 : memref<!tpu.dma_semaphore, #tpu.memory_space<semaphore_mem>>) {add = true}
      %dma_start3A_323 = arith.constant 3 : i32
      %dma_start3A_324 = arith.constant 0 : i32
      %dma_start3A_325 = tpu.memref_slice %arg10[%dma_start3A_323, %dma_start3A_324] : memref<8x128xi32, #tpu.memory_space<vmem>> -> memref<1x128xi32, #tpu.memory_space<vmem>>
      %dma_start3A_326 = tpu.memref_squeeze %dma_start3A_325 : memref<1x128xi32, #tpu.memory_space<vmem>> -> memref<128xi32, #tpu.memory_space<vmem>>
      %dma_start3A_327 = arith.constant 0 : i32
      %dma_start3A_328 = tpu.memref_slice %arg7[%dma_start3A_327] : memref<10240xf32, #tpu.memory_space<vmem_shared>> -> memref<10240xf32, #tpu.memory_space<vmem_shared>>
      tpu.enqueue_indirect_dma source(%arg14 : memref<128xf32, #tpu.memory_space<vmem>>) target(%dma_start3A_328 : memref<10240xf32, #tpu.memory_space<vmem_shared>>) offsets(%dma_start3A_326 : memref<128xi32, #tpu.memory_space<vmem>>) semaphore(%arg19 : memref<!tpu.dma_semaphore, #tpu.memory_space<semaphore_mem>>) {add = true}
      %mul3A_329 = arith.constant 2 : i32
      %mul3A_330 = arith.muli %mul3A_329, %add3A_165 : i32
      %add3A_331 = arith.constant 0 : i32
      %add3A_332 = arith.addi %mul3A_330, %add3A_331 : i32
      %mul3A_333 = arith.constant 8 : i32
      %mul3A_334 = arith.muli %add3A_332, %mul3A_333 : i32
      %add3A_335 = arith.constant 4 : i32
      %add3A_336 = arith.addi %mul3A_334, %add3A_335 : i32
      %dma_wait3A_337 = arith.constant 4 : i32
      %dma_wait3A_338 = arith.constant 0 : i32
      %dma_wait3A_339 = tpu.memref_slice %arg8[%dma_wait3A_337, %dma_wait3A_338] : memref<8x128xi32, #tpu.memory_space<vmem>> -> memref<1x128xi32, #tpu.memory_space<vmem>>
      %dma_wait3A_340 = tpu.memref_squeeze %dma_wait3A_339 : memref<1x128xi32, #tpu.memory_space<vmem>> -> memref<128xi32, #tpu.memory_space<vmem>>
      %dma_wait3A_341 = arith.constant 0 : i32
      %dma_wait3A_342 = arith.constant 0 : i32
      %dma_wait3A_343 = tpu.memref_slice %arg2[%dma_wait3A_341, %dma_wait3A_342] : memref<10000x128xf32, #tpu.memory_space<hbm>> -> memref<10000x128xf32, #tpu.memory_space<hbm>>
      tpu.wait_indirect_dma semaphore(%arg16 : memref<!tpu.dma_semaphore, #tpu.memory_space<semaphore_mem>>) src(%dma_wait3A_343 : memref<10000x128xf32, #tpu.memory_space<hbm>>) dst(%arg12 : memref<128x128xf32, #tpu.memory_space<vmem>>)
      %ge3A_344 = arith.constant 1 : i32
      %ge3A_345 = arith.cmpi sge, %add3A_336, %ge3A_344 : i32
      %convert_element_type3A_346 = arith.extui %ge3A_345 : i1 to i32
      %cond3A_347 = arith.constant 0 : i32
      %cond3A_348 = arith.cmpi ne, %convert_element_type3A_346, %cond3A_347 : i32
      scf.if %cond3A_348 {
        %dma_wait3A_817 = arith.constant 3 : i32
        %dma_wait3A_818 = arith.constant 0 : i32
        %dma_wait3A_819 = tpu.memref_slice %arg10[%dma_wait3A_817, %dma_wait3A_818] : memref<8x128xi32, #tpu.memory_space<vmem>> -> memref<1x128xi32, #tpu.memory_space<vmem>>
        %dma_wait3A_820 = tpu.memref_squeeze %dma_wait3A_819 : memref<1x128xi32, #tpu.memory_space<vmem>> -> memref<128xi32, #tpu.memory_space<vmem>>
        %dma_wait3A_821 = arith.constant 0 : i32
        %dma_wait3A_822 = arith.constant 0 : i32
        %dma_wait3A_823 = tpu.memref_slice %arg6[%dma_wait3A_821, %dma_wait3A_822] : memref<10240x128xf32, #tpu.memory_space<vmem_shared>> -> memref<10240x128xf32, #tpu.memory_space<vmem_shared>>
        tpu.wait_indirect_dma semaphore(%arg19 : memref<!tpu.dma_semaphore, #tpu.memory_space<semaphore_mem>>) src(%arg13 : memref<128x128xf32, #tpu.memory_space<vmem>>) dst(%dma_wait3A_823 : memref<10240x128xf32, #tpu.memory_space<vmem_shared>>)
        %dma_wait3A_824 = arith.constant 3 : i32
        %dma_wait3A_825 = arith.constant 0 : i32
        %dma_wait3A_826 = tpu.memref_slice %arg10[%dma_wait3A_824, %dma_wait3A_825] : memref<8x128xi32, #tpu.memory_space<vmem>> -> memref<1x128xi32, #tpu.memory_space<vmem>>
        %dma_wait3A_827 = tpu.memref_squeeze %dma_wait3A_826 : memref<1x128xi32, #tpu.memory_space<vmem>> -> memref<128xi32, #tpu.memory_space<vmem>>
        %dma_wait3A_828 = arith.constant 0 : i32
        %dma_wait3A_829 = tpu.memref_slice %arg7[%dma_wait3A_828] : memref<10240xf32, #tpu.memory_space<vmem_shared>> -> memref<10240xf32, #tpu.memory_space<vmem_shared>>
        tpu.wait_indirect_dma semaphore(%arg19 : memref<!tpu.dma_semaphore, #tpu.memory_space<semaphore_mem>>) src(%arg14 : memref<128xf32, #tpu.memory_space<vmem>>) dst(%dma_wait3A_829 : memref<10240xf32, #tpu.memory_space<vmem_shared>>)
      } else {
      }
      %add3A_349 = arith.constant 1 : i32
      %add3A_350 = arith.addi %add3A_336, %add3A_349 : i32
      %lt3A_351 = arith.constant 80 : i32
      %lt3A_352 = arith.cmpi slt, %add3A_350, %lt3A_351 : i32
      %convert_element_type3A_353 = arith.extui %lt3A_352 : i1 to i32
      %cond3A_354 = arith.constant 0 : i32
      %cond3A_355 = arith.cmpi ne, %convert_element_type3A_353, %cond3A_354 : i32
      scf.if %cond3A_355 {
        %dma_start3A_817 = arith.constant 5 : i32
        %dma_start3A_818 = arith.constant 0 : i32
        %dma_start3A_819 = tpu.memref_slice %arg8[%dma_start3A_817, %dma_start3A_818] : memref<8x128xi32, #tpu.memory_space<vmem>> -> memref<1x128xi32, #tpu.memory_space<vmem>>
        %dma_start3A_820 = tpu.memref_squeeze %dma_start3A_819 : memref<1x128xi32, #tpu.memory_space<vmem>> -> memref<128xi32, #tpu.memory_space<vmem>>
        %dma_start3A_821 = arith.constant 0 : i32
        %dma_start3A_822 = arith.constant 0 : i32
        %dma_start3A_823 = tpu.memref_slice %arg2[%dma_start3A_821, %dma_start3A_822] : memref<10000x128xf32, #tpu.memory_space<hbm>> -> memref<10000x128xf32, #tpu.memory_space<hbm>>
        tpu.enqueue_indirect_dma source(%dma_start3A_823 : memref<10000x128xf32, #tpu.memory_space<hbm>>) target(%arg13 : memref<128x128xf32, #tpu.memory_space<vmem>>) offsets(%dma_start3A_820 : memref<128xi32, #tpu.memory_space<vmem>>) semaphore(%arg17 : memref<!tpu.dma_semaphore, #tpu.memory_space<semaphore_mem>>)
      } else {
      }
      %dma_start3A_356 = arith.constant 4 : i32
      %dma_start3A_357 = arith.constant 0 : i32
      %dma_start3A_358 = tpu.memref_slice %arg10[%dma_start3A_356, %dma_start3A_357] : memref<8x128xi32, #tpu.memory_space<vmem>> -> memref<1x128xi32, #tpu.memory_space<vmem>>
      %dma_start3A_359 = tpu.memref_squeeze %dma_start3A_358 : memref<1x128xi32, #tpu.memory_space<vmem>> -> memref<128xi32, #tpu.memory_space<vmem>>
      %dma_start3A_360 = arith.constant 0 : i32
      %dma_start3A_361 = arith.constant 0 : i32
      %dma_start3A_362 = tpu.memref_slice %arg6[%dma_start3A_360, %dma_start3A_361] : memref<10240x128xf32, #tpu.memory_space<vmem_shared>> -> memref<10240x128xf32, #tpu.memory_space<vmem_shared>>
      tpu.enqueue_indirect_dma source(%arg12 : memref<128x128xf32, #tpu.memory_space<vmem>>) target(%dma_start3A_362 : memref<10240x128xf32, #tpu.memory_space<vmem_shared>>) offsets(%dma_start3A_359 : memref<128xi32, #tpu.memory_space<vmem>>) semaphore(%arg18 : memref<!tpu.dma_semaphore, #tpu.memory_space<semaphore_mem>>) {add = true}
      %dma_start3A_363 = arith.constant 4 : i32
      %dma_start3A_364 = arith.constant 0 : i32
      %dma_start3A_365 = tpu.memref_slice %arg10[%dma_start3A_363, %dma_start3A_364] : memref<8x128xi32, #tpu.memory_space<vmem>> -> memref<1x128xi32, #tpu.memory_space<vmem>>
      %dma_start3A_366 = tpu.memref_squeeze %dma_start3A_365 : memref<1x128xi32, #tpu.memory_space<vmem>> -> memref<128xi32, #tpu.memory_space<vmem>>
      %dma_start3A_367 = arith.constant 0 : i32
      %dma_start3A_368 = tpu.memref_slice %arg7[%dma_start3A_367] : memref<10240xf32, #tpu.memory_space<vmem_shared>> -> memref<10240xf32, #tpu.memory_space<vmem_shared>>
      tpu.enqueue_indirect_dma source(%arg14 : memref<128xf32, #tpu.memory_space<vmem>>) target(%dma_start3A_368 : memref<10240xf32, #tpu.memory_space<vmem_shared>>) offsets(%dma_start3A_366 : memref<128xi32, #tpu.memory_space<vmem>>) semaphore(%arg18 : memref<!tpu.dma_semaphore, #tpu.memory_space<semaphore_mem>>) {add = true}
      %mul3A_369 = arith.constant 2 : i32
      %mul3A_370 = arith.muli %mul3A_369, %add3A_165 : i32
      %add3A_371 = arith.constant 0 : i32
      %add3A_372 = arith.addi %mul3A_370, %add3A_371 : i32
      %mul3A_373 = arith.constant 8 : i32
      %mul3A_374 = arith.muli %add3A_372, %mul3A_373 : i32
      %add3A_375 = arith.constant 5 : i32
      %add3A_376 = arith.addi %mul3A_374, %add3A_375 : i32
      %dma_wait3A_377 = arith.constant 5 : i32
      %dma_wait3A_378 = arith.constant 0 : i32
      %dma_wait3A_379 = tpu.memref_slice %arg8[%dma_wait3A_377, %dma_wait3A_378] : memref<8x128xi32, #tpu.memory_space<vmem>> -> memref<1x128xi32, #tpu.memory_space<vmem>>
      %dma_wait3A_380 = tpu.memref_squeeze %dma_wait3A_379 : memref<1x128xi32, #tpu.memory_space<vmem>> -> memref<128xi32, #tpu.memory_space<vmem>>
      %dma_wait3A_381 = arith.constant 0 : i32
      %dma_wait3A_382 = arith.constant 0 : i32
      %dma_wait3A_383 = tpu.memref_slice %arg2[%dma_wait3A_381, %dma_wait3A_382] : memref<10000x128xf32, #tpu.memory_space<hbm>> -> memref<10000x128xf32, #tpu.memory_space<hbm>>
      tpu.wait_indirect_dma semaphore(%arg17 : memref<!tpu.dma_semaphore, #tpu.memory_space<semaphore_mem>>) src(%dma_wait3A_383 : memref<10000x128xf32, #tpu.memory_space<hbm>>) dst(%arg13 : memref<128x128xf32, #tpu.memory_space<vmem>>)
      %ge3A_384 = arith.constant 1 : i32
      %ge3A_385 = arith.cmpi sge, %add3A_376, %ge3A_384 : i32
      %convert_element_type3A_386 = arith.extui %ge3A_385 : i1 to i32
      %cond3A_387 = arith.constant 0 : i32
      %cond3A_388 = arith.cmpi ne, %convert_element_type3A_386, %cond3A_387 : i32
      scf.if %cond3A_388 {
        %dma_wait3A_817 = arith.constant 4 : i32
        %dma_wait3A_818 = arith.constant 0 : i32
        %dma_wait3A_819 = tpu.memref_slice %arg10[%dma_wait3A_817, %dma_wait3A_818] : memref<8x128xi32, #tpu.memory_space<vmem>> -> memref<1x128xi32, #tpu.memory_space<vmem>>
        %dma_wait3A_820 = tpu.memref_squeeze %dma_wait3A_819 : memref<1x128xi32, #tpu.memory_space<vmem>> -> memref<128xi32, #tpu.memory_space<vmem>>
        %dma_wait3A_821 = arith.constant 0 : i32
        %dma_wait3A_822 = arith.constant 0 : i32
        %dma_wait3A_823 = tpu.memref_slice %arg6[%dma_wait3A_821, %dma_wait3A_822] : memref<10240x128xf32, #tpu.memory_space<vmem_shared>> -> memref<10240x128xf32, #tpu.memory_space<vmem_shared>>
        tpu.wait_indirect_dma semaphore(%arg18 : memref<!tpu.dma_semaphore, #tpu.memory_space<semaphore_mem>>) src(%arg12 : memref<128x128xf32, #tpu.memory_space<vmem>>) dst(%dma_wait3A_823 : memref<10240x128xf32, #tpu.memory_space<vmem_shared>>)
        %dma_wait3A_824 = arith.constant 4 : i32
        %dma_wait3A_825 = arith.constant 0 : i32
        %dma_wait3A_826 = tpu.memref_slice %arg10[%dma_wait3A_824, %dma_wait3A_825] : memref<8x128xi32, #tpu.memory_space<vmem>> -> memref<1x128xi32, #tpu.memory_space<vmem>>
        %dma_wait3A_827 = tpu.memref_squeeze %dma_wait3A_826 : memref<1x128xi32, #tpu.memory_space<vmem>> -> memref<128xi32, #tpu.memory_space<vmem>>
        %dma_wait3A_828 = arith.constant 0 : i32
        %dma_wait3A_829 = tpu.memref_slice %arg7[%dma_wait3A_828] : memref<10240xf32, #tpu.memory_space<vmem_shared>> -> memref<10240xf32, #tpu.memory_space<vmem_shared>>
        tpu.wait_indirect_dma semaphore(%arg18 : memref<!tpu.dma_semaphore, #tpu.memory_space<semaphore_mem>>) src(%arg14 : memref<128xf32, #tpu.memory_space<vmem>>) dst(%dma_wait3A_829 : memref<10240xf32, #tpu.memory_space<vmem_shared>>)
      } else {
      }
      %add3A_389 = arith.constant 1 : i32
      %add3A_390 = arith.addi %add3A_376, %add3A_389 : i32
      %lt3A_391 = arith.constant 80 : i32
      %lt3A_392 = arith.cmpi slt, %add3A_390, %lt3A_391 : i32
      %convert_element_type3A_393 = arith.extui %lt3A_392 : i1 to i32
      %cond3A_394 = arith.constant 0 : i32
      %cond3A_395 = arith.cmpi ne, %convert_element_type3A_393, %cond3A_394 : i32
      scf.if %cond3A_395 {
        %dma_start3A_817 = arith.constant 6 : i32
        %dma_start3A_818 = arith.constant 0 : i32
        %dma_start3A_819 = tpu.memref_slice %arg8[%dma_start3A_817, %dma_start3A_818] : memref<8x128xi32, #tpu.memory_space<vmem>> -> memref<1x128xi32, #tpu.memory_space<vmem>>
        %dma_start3A_820 = tpu.memref_squeeze %dma_start3A_819 : memref<1x128xi32, #tpu.memory_space<vmem>> -> memref<128xi32, #tpu.memory_space<vmem>>
        %dma_start3A_821 = arith.constant 0 : i32
        %dma_start3A_822 = arith.constant 0 : i32
        %dma_start3A_823 = tpu.memref_slice %arg2[%dma_start3A_821, %dma_start3A_822] : memref<10000x128xf32, #tpu.memory_space<hbm>> -> memref<10000x128xf32, #tpu.memory_space<hbm>>
        tpu.enqueue_indirect_dma source(%dma_start3A_823 : memref<10000x128xf32, #tpu.memory_space<hbm>>) target(%arg12 : memref<128x128xf32, #tpu.memory_space<vmem>>) offsets(%dma_start3A_820 : memref<128xi32, #tpu.memory_space<vmem>>) semaphore(%arg16 : memref<!tpu.dma_semaphore, #tpu.memory_space<semaphore_mem>>)
      } else {
      }
      %dma_start3A_396 = arith.constant 5 : i32
      %dma_start3A_397 = arith.constant 0 : i32
      %dma_start3A_398 = tpu.memref_slice %arg10[%dma_start3A_396, %dma_start3A_397] : memref<8x128xi32, #tpu.memory_space<vmem>> -> memref<1x128xi32, #tpu.memory_space<vmem>>
      %dma_start3A_399 = tpu.memref_squeeze %dma_start3A_398 : memref<1x128xi32, #tpu.memory_space<vmem>> -> memref<128xi32, #tpu.memory_space<vmem>>
      %dma_start3A_400 = arith.constant 0 : i32
      %dma_start3A_401 = arith.constant 0 : i32
      %dma_start3A_402 = tpu.memref_slice %arg6[%dma_start3A_400, %dma_start3A_401] : memref<10240x128xf32, #tpu.memory_space<vmem_shared>> -> memref<10240x128xf32, #tpu.memory_space<vmem_shared>>
      tpu.enqueue_indirect_dma source(%arg13 : memref<128x128xf32, #tpu.memory_space<vmem>>) target(%dma_start3A_402 : memref<10240x128xf32, #tpu.memory_space<vmem_shared>>) offsets(%dma_start3A_399 : memref<128xi32, #tpu.memory_space<vmem>>) semaphore(%arg19 : memref<!tpu.dma_semaphore, #tpu.memory_space<semaphore_mem>>) {add = true}
      %dma_start3A_403 = arith.constant 5 : i32
      %dma_start3A_404 = arith.constant 0 : i32
      %dma_start3A_405 = tpu.memref_slice %arg10[%dma_start3A_403, %dma_start3A_404] : memref<8x128xi32, #tpu.memory_space<vmem>> -> memref<1x128xi32, #tpu.memory_space<vmem>>
      %dma_start3A_406 = tpu.memref_squeeze %dma_start3A_405 : memref<1x128xi32, #tpu.memory_space<vmem>> -> memref<128xi32, #tpu.memory_space<vmem>>
      %dma_start3A_407 = arith.constant 0 : i32
      %dma_start3A_408 = tpu.memref_slice %arg7[%dma_start3A_407] : memref<10240xf32, #tpu.memory_space<vmem_shared>> -> memref<10240xf32, #tpu.memory_space<vmem_shared>>
      tpu.enqueue_indirect_dma source(%arg14 : memref<128xf32, #tpu.memory_space<vmem>>) target(%dma_start3A_408 : memref<10240xf32, #tpu.memory_space<vmem_shared>>) offsets(%dma_start3A_406 : memref<128xi32, #tpu.memory_space<vmem>>) semaphore(%arg19 : memref<!tpu.dma_semaphore, #tpu.memory_space<semaphore_mem>>) {add = true}
      %mul3A_409 = arith.constant 2 : i32
      %mul3A_410 = arith.muli %mul3A_409, %add3A_165 : i32
      %add3A_411 = arith.constant 0 : i32
      %add3A_412 = arith.addi %mul3A_410, %add3A_411 : i32
      %mul3A_413 = arith.constant 8 : i32
      %mul3A_414 = arith.muli %add3A_412, %mul3A_413 : i32
      %add3A_415 = arith.constant 6 : i32
      %add3A_416 = arith.addi %mul3A_414, %add3A_415 : i32
      %dma_wait3A_417 = arith.constant 6 : i32
      %dma_wait3A_418 = arith.constant 0 : i32
      %dma_wait3A_419 = tpu.memref_slice %arg8[%dma_wait3A_417, %dma_wait3A_418] : memref<8x128xi32, #tpu.memory_space<vmem>> -> memref<1x128xi32, #tpu.memory_space<vmem>>
      %dma_wait3A_420 = tpu.memref_squeeze %dma_wait3A_419 : memref<1x128xi32, #tpu.memory_space<vmem>> -> memref<128xi32, #tpu.memory_space<vmem>>
      %dma_wait3A_421 = arith.constant 0 : i32
      %dma_wait3A_422 = arith.constant 0 : i32
      %dma_wait3A_423 = tpu.memref_slice %arg2[%dma_wait3A_421, %dma_wait3A_422] : memref<10000x128xf32, #tpu.memory_space<hbm>> -> memref<10000x128xf32, #tpu.memory_space<hbm>>
      tpu.wait_indirect_dma semaphore(%arg16 : memref<!tpu.dma_semaphore, #tpu.memory_space<semaphore_mem>>) src(%dma_wait3A_423 : memref<10000x128xf32, #tpu.memory_space<hbm>>) dst(%arg12 : memref<128x128xf32, #tpu.memory_space<vmem>>)
      %ge3A_424 = arith.constant 1 : i32
      %ge3A_425 = arith.cmpi sge, %add3A_416, %ge3A_424 : i32
      %convert_element_type3A_426 = arith.extui %ge3A_425 : i1 to i32
      %cond3A_427 = arith.constant 0 : i32
      %cond3A_428 = arith.cmpi ne, %convert_element_type3A_426, %cond3A_427 : i32
      scf.if %cond3A_428 {
        %dma_wait3A_817 = arith.constant 5 : i32
        %dma_wait3A_818 = arith.constant 0 : i32
        %dma_wait3A_819 = tpu.memref_slice %arg10[%dma_wait3A_817, %dma_wait3A_818] : memref<8x128xi32, #tpu.memory_space<vmem>> -> memref<1x128xi32, #tpu.memory_space<vmem>>
        %dma_wait3A_820 = tpu.memref_squeeze %dma_wait3A_819 : memref<1x128xi32, #tpu.memory_space<vmem>> -> memref<128xi32, #tpu.memory_space<vmem>>
        %dma_wait3A_821 = arith.constant 0 : i32
        %dma_wait3A_822 = arith.constant 0 : i32
        %dma_wait3A_823 = tpu.memref_slice %arg6[%dma_wait3A_821, %dma_wait3A_822] : memref<10240x128xf32, #tpu.memory_space<vmem_shared>> -> memref<10240x128xf32, #tpu.memory_space<vmem_shared>>
        tpu.wait_indirect_dma semaphore(%arg19 : memref<!tpu.dma_semaphore, #tpu.memory_space<semaphore_mem>>) src(%arg13 : memref<128x128xf32, #tpu.memory_space<vmem>>) dst(%dma_wait3A_823 : memref<10240x128xf32, #tpu.memory_space<vmem_shared>>)
        %dma_wait3A_824 = arith.constant 5 : i32
        %dma_wait3A_825 = arith.constant 0 : i32
        %dma_wait3A_826 = tpu.memref_slice %arg10[%dma_wait3A_824, %dma_wait3A_825] : memref<8x128xi32, #tpu.memory_space<vmem>> -> memref<1x128xi32, #tpu.memory_space<vmem>>
        %dma_wait3A_827 = tpu.memref_squeeze %dma_wait3A_826 : memref<1x128xi32, #tpu.memory_space<vmem>> -> memref<128xi32, #tpu.memory_space<vmem>>
        %dma_wait3A_828 = arith.constant 0 : i32
        %dma_wait3A_829 = tpu.memref_slice %arg7[%dma_wait3A_828] : memref<10240xf32, #tpu.memory_space<vmem_shared>> -> memref<10240xf32, #tpu.memory_space<vmem_shared>>
        tpu.wait_indirect_dma semaphore(%arg19 : memref<!tpu.dma_semaphore, #tpu.memory_space<semaphore_mem>>) src(%arg14 : memref<128xf32, #tpu.memory_space<vmem>>) dst(%dma_wait3A_829 : memref<10240xf32, #tpu.memory_space<vmem_shared>>)
      } else {
      }
      %add3A_429 = arith.constant 1 : i32
      %add3A_430 = arith.addi %add3A_416, %add3A_429 : i32
      %lt3A_431 = arith.constant 80 : i32
      %lt3A_432 = arith.cmpi slt, %add3A_430, %lt3A_431 : i32
      %convert_element_type3A_433 = arith.extui %lt3A_432 : i1 to i32
      %cond3A_434 = arith.constant 0 : i32
      %cond3A_435 = arith.cmpi ne, %convert_element_type3A_433, %cond3A_434 : i32
      scf.if %cond3A_435 {
        %dma_start3A_817 = arith.constant 7 : i32
        %dma_start3A_818 = arith.constant 0 : i32
        %dma_start3A_819 = tpu.memref_slice %arg8[%dma_start3A_817, %dma_start3A_818] : memref<8x128xi32, #tpu.memory_space<vmem>> -> memref<1x128xi32, #tpu.memory_space<vmem>>
        %dma_start3A_820 = tpu.memref_squeeze %dma_start3A_819 : memref<1x128xi32, #tpu.memory_space<vmem>> -> memref<128xi32, #tpu.memory_space<vmem>>
        %dma_start3A_821 = arith.constant 0 : i32
        %dma_start3A_822 = arith.constant 0 : i32
        %dma_start3A_823 = tpu.memref_slice %arg2[%dma_start3A_821, %dma_start3A_822] : memref<10000x128xf32, #tpu.memory_space<hbm>> -> memref<10000x128xf32, #tpu.memory_space<hbm>>
        tpu.enqueue_indirect_dma source(%dma_start3A_823 : memref<10000x128xf32, #tpu.memory_space<hbm>>) target(%arg13 : memref<128x128xf32, #tpu.memory_space<vmem>>) offsets(%dma_start3A_820 : memref<128xi32, #tpu.memory_space<vmem>>) semaphore(%arg17 : memref<!tpu.dma_semaphore, #tpu.memory_space<semaphore_mem>>)
      } else {
      }
      %dma_start3A_436 = arith.constant 6 : i32
      %dma_start3A_437 = arith.constant 0 : i32
      %dma_start3A_438 = tpu.memref_slice %arg10[%dma_start3A_436, %dma_start3A_437] : memref<8x128xi32, #tpu.memory_space<vmem>> -> memref<1x128xi32, #tpu.memory_space<vmem>>
      %dma_start3A_439 = tpu.memref_squeeze %dma_start3A_438 : memref<1x128xi32, #tpu.memory_space<vmem>> -> memref<128xi32, #tpu.memory_space<vmem>>
      %dma_start3A_440 = arith.constant 0 : i32
      %dma_start3A_441 = arith.constant 0 : i32
      %dma_start3A_442 = tpu.memref_slice %arg6[%dma_start3A_440, %dma_start3A_441] : memref<10240x128xf32, #tpu.memory_space<vmem_shared>> -> memref<10240x128xf32, #tpu.memory_space<vmem_shared>>
      tpu.enqueue_indirect_dma source(%arg12 : memref<128x128xf32, #tpu.memory_space<vmem>>) target(%dma_start3A_442 : memref<10240x128xf32, #tpu.memory_space<vmem_shared>>) offsets(%dma_start3A_439 : memref<128xi32, #tpu.memory_space<vmem>>) semaphore(%arg18 : memref<!tpu.dma_semaphore, #tpu.memory_space<semaphore_mem>>) {add = true}
      %dma_start3A_443 = arith.constant 6 : i32
      %dma_start3A_444 = arith.constant 0 : i32
      %dma_start3A_445 = tpu.memref_slice %arg10[%dma_start3A_443, %dma_start3A_444] : memref<8x128xi32, #tpu.memory_space<vmem>> -> memref<1x128xi32, #tpu.memory_space<vmem>>
      %dma_start3A_446 = tpu.memref_squeeze %dma_start3A_445 : memref<1x128xi32, #tpu.memory_space<vmem>> -> memref<128xi32, #tpu.memory_space<vmem>>
      %dma_start3A_447 = arith.constant 0 : i32
      %dma_start3A_448 = tpu.memref_slice %arg7[%dma_start3A_447] : memref<10240xf32, #tpu.memory_space<vmem_shared>> -> memref<10240xf32, #tpu.memory_space<vmem_shared>>
      tpu.enqueue_indirect_dma source(%arg14 : memref<128xf32, #tpu.memory_space<vmem>>) target(%dma_start3A_448 : memref<10240xf32, #tpu.memory_space<vmem_shared>>) offsets(%dma_start3A_446 : memref<128xi32, #tpu.memory_space<vmem>>) semaphore(%arg18 : memref<!tpu.dma_semaphore, #tpu.memory_space<semaphore_mem>>) {add = true}
      %mul3A_449 = arith.constant 2 : i32
      %mul3A_450 = arith.muli %mul3A_449, %add3A_165 : i32
      %add3A_451 = arith.constant 0 : i32
      %add3A_452 = arith.addi %mul3A_450, %add3A_451 : i32
      %mul3A_453 = arith.constant 8 : i32
      %mul3A_454 = arith.muli %add3A_452, %mul3A_453 : i32
      %add3A_455 = arith.constant 7 : i32
      %add3A_456 = arith.addi %mul3A_454, %add3A_455 : i32
      %dma_wait3A_457 = arith.constant 7 : i32
      %dma_wait3A_458 = arith.constant 0 : i32
      %dma_wait3A_459 = tpu.memref_slice %arg8[%dma_wait3A_457, %dma_wait3A_458] : memref<8x128xi32, #tpu.memory_space<vmem>> -> memref<1x128xi32, #tpu.memory_space<vmem>>
      %dma_wait3A_460 = tpu.memref_squeeze %dma_wait3A_459 : memref<1x128xi32, #tpu.memory_space<vmem>> -> memref<128xi32, #tpu.memory_space<vmem>>
      %dma_wait3A_461 = arith.constant 0 : i32
      %dma_wait3A_462 = arith.constant 0 : i32
      %dma_wait3A_463 = tpu.memref_slice %arg2[%dma_wait3A_461, %dma_wait3A_462] : memref<10000x128xf32, #tpu.memory_space<hbm>> -> memref<10000x128xf32, #tpu.memory_space<hbm>>
      tpu.wait_indirect_dma semaphore(%arg17 : memref<!tpu.dma_semaphore, #tpu.memory_space<semaphore_mem>>) src(%dma_wait3A_463 : memref<10000x128xf32, #tpu.memory_space<hbm>>) dst(%arg13 : memref<128x128xf32, #tpu.memory_space<vmem>>)
      %ge3A_464 = arith.constant 1 : i32
      %ge3A_465 = arith.cmpi sge, %add3A_456, %ge3A_464 : i32
      %convert_element_type3A_466 = arith.extui %ge3A_465 : i1 to i32
      %cond3A_467 = arith.constant 0 : i32
      %cond3A_468 = arith.cmpi ne, %convert_element_type3A_466, %cond3A_467 : i32
      scf.if %cond3A_468 {
        %dma_wait3A_817 = arith.constant 6 : i32
        %dma_wait3A_818 = arith.constant 0 : i32
        %dma_wait3A_819 = tpu.memref_slice %arg10[%dma_wait3A_817, %dma_wait3A_818] : memref<8x128xi32, #tpu.memory_space<vmem>> -> memref<1x128xi32, #tpu.memory_space<vmem>>
        %dma_wait3A_820 = tpu.memref_squeeze %dma_wait3A_819 : memref<1x128xi32, #tpu.memory_space<vmem>> -> memref<128xi32, #tpu.memory_space<vmem>>
        %dma_wait3A_821 = arith.constant 0 : i32
        %dma_wait3A_822 = arith.constant 0 : i32
        %dma_wait3A_823 = tpu.memref_slice %arg6[%dma_wait3A_821, %dma_wait3A_822] : memref<10240x128xf32, #tpu.memory_space<vmem_shared>> -> memref<10240x128xf32, #tpu.memory_space<vmem_shared>>
        tpu.wait_indirect_dma semaphore(%arg18 : memref<!tpu.dma_semaphore, #tpu.memory_space<semaphore_mem>>) src(%arg12 : memref<128x128xf32, #tpu.memory_space<vmem>>) dst(%dma_wait3A_823 : memref<10240x128xf32, #tpu.memory_space<vmem_shared>>)
        %dma_wait3A_824 = arith.constant 6 : i32
        %dma_wait3A_825 = arith.constant 0 : i32
        %dma_wait3A_826 = tpu.memref_slice %arg10[%dma_wait3A_824, %dma_wait3A_825] : memref<8x128xi32, #tpu.memory_space<vmem>> -> memref<1x128xi32, #tpu.memory_space<vmem>>
        %dma_wait3A_827 = tpu.memref_squeeze %dma_wait3A_826 : memref<1x128xi32, #tpu.memory_space<vmem>> -> memref<128xi32, #tpu.memory_space<vmem>>
        %dma_wait3A_828 = arith.constant 0 : i32
        %dma_wait3A_829 = tpu.memref_slice %arg7[%dma_wait3A_828] : memref<10240xf32, #tpu.memory_space<vmem_shared>> -> memref<10240xf32, #tpu.memory_space<vmem_shared>>
        tpu.wait_indirect_dma semaphore(%arg18 : memref<!tpu.dma_semaphore, #tpu.memory_space<semaphore_mem>>) src(%arg14 : memref<128xf32, #tpu.memory_space<vmem>>) dst(%dma_wait3A_829 : memref<10240xf32, #tpu.memory_space<vmem_shared>>)
      } else {
      }
      %add3A_469 = arith.constant 1 : i32
      %add3A_470 = arith.addi %add3A_456, %add3A_469 : i32
      %lt3A_471 = arith.constant 80 : i32
      %lt3A_472 = arith.cmpi slt, %add3A_470, %lt3A_471 : i32
      %convert_element_type3A_473 = arith.extui %lt3A_472 : i1 to i32
      %cond3A_474 = arith.constant 0 : i32
      %cond3A_475 = arith.cmpi ne, %convert_element_type3A_473, %cond3A_474 : i32
      scf.if %cond3A_475 {
        %dma_wait3A_817 = arith.constant 0 : i32
        %dma_wait3A_818 = arith.constant 0 : i32
        %dma_wait3A_819 = arith.constant 0 : i32
        %dma_wait3A_820 = arith.constant 0 : i32
        %dma_wait3A_821 = tpu.memref_slice %arg3[%dma_wait3A_817, %add3A, %dma_wait3A_818, %dma_wait3A_819, %dma_wait3A_820] : memref<2x32x10x8x128xi32, #tpu.memory_space<hbm>> -> memref<1x1x1x8x128xi32, #tpu.memory_space<hbm>>
        %dma_wait3A_822 = tpu.memref_squeeze %dma_wait3A_821 : memref<1x1x1x8x128xi32, #tpu.memory_space<hbm>> -> memref<8x128xi32, #tpu.memory_space<hbm>>
        %dma_wait3A_823 = arith.constant 0 : i32
        %dma_wait3A_824 = arith.constant 0 : i32
        %dma_wait3A_825 = tpu.memref_slice %arg3[%dma_wait3A_817, %add3A, %dma_wait3A_818, %dma_wait3A_823, %dma_wait3A_824] : memref<2x32x10x8x128xi32, #tpu.memory_space<hbm>> -> memref<1x1x1x8x128xi32, #tpu.memory_space<hbm>>
        %dma_wait3A_826 = tpu.memref_squeeze %dma_wait3A_825 : memref<1x1x1x8x128xi32, #tpu.memory_space<hbm>> -> memref<8x128xi32, #tpu.memory_space<hbm>>
        tpu.wait_dma2 semaphore(%arg21 : memref<!tpu.dma_semaphore, #tpu.memory_space<semaphore_mem>>) src(%dma_wait3A_826 : memref<8x128xi32, #tpu.memory_space<hbm>>) dst(%arg9 : memref<8x128xi32, #tpu.memory_space<vmem>>)
        %dma_wait3A_827 = arith.constant 1 : i32
        %dma_wait3A_828 = arith.constant 0 : i32
        %dma_wait3A_829 = arith.constant 0 : i32
        %dma_wait3A_830 = arith.constant 0 : i32
        %dma_wait3A_831 = tpu.memref_slice %arg3[%dma_wait3A_827, %add3A, %dma_wait3A_828, %dma_wait3A_829, %dma_wait3A_830] : memref<2x32x10x8x128xi32, #tpu.memory_space<hbm>> -> memref<1x1x1x8x128xi32, #tpu.memory_space<hbm>>
        %dma_wait3A_832 = tpu.memref_squeeze %dma_wait3A_831 : memref<1x1x1x8x128xi32, #tpu.memory_space<hbm>> -> memref<8x128xi32, #tpu.memory_space<hbm>>
        %dma_wait3A_833 = arith.constant 0 : i32
        %dma_wait3A_834 = arith.constant 0 : i32
        %dma_wait3A_835 = tpu.memref_slice %arg3[%dma_wait3A_827, %add3A, %dma_wait3A_828, %dma_wait3A_833, %dma_wait3A_834] : memref<2x32x10x8x128xi32, #tpu.memory_space<hbm>> -> memref<1x1x1x8x128xi32, #tpu.memory_space<hbm>>
        %dma_wait3A_836 = tpu.memref_squeeze %dma_wait3A_835 : memref<1x1x1x8x128xi32, #tpu.memory_space<hbm>> -> memref<8x128xi32, #tpu.memory_space<hbm>>
        tpu.wait_dma2 semaphore(%arg21 : memref<!tpu.dma_semaphore, #tpu.memory_space<semaphore_mem>>) src(%dma_wait3A_836 : memref<8x128xi32, #tpu.memory_space<hbm>>) dst(%arg11 : memref<8x128xi32, #tpu.memory_space<vmem>>)
        %dma_start3A_837 = arith.constant 0 : i32
        %dma_start3A_838 = arith.constant 0 : i32
        %dma_start3A_839 = tpu.memref_slice %arg9[%dma_start3A_837, %dma_start3A_838] : memref<8x128xi32, #tpu.memory_space<vmem>> -> memref<1x128xi32, #tpu.memory_space<vmem>>
        %dma_start3A_840 = tpu.memref_squeeze %dma_start3A_839 : memref<1x128xi32, #tpu.memory_space<vmem>> -> memref<128xi32, #tpu.memory_space<vmem>>
        %dma_start3A_841 = arith.constant 0 : i32
        %dma_start3A_842 = arith.constant 0 : i32
        %dma_start3A_843 = tpu.memref_slice %arg2[%dma_start3A_841, %dma_start3A_842] : memref<10000x128xf32, #tpu.memory_space<hbm>> -> memref<10000x128xf32, #tpu.memory_space<hbm>>
        tpu.enqueue_indirect_dma source(%dma_start3A_843 : memref<10000x128xf32, #tpu.memory_space<hbm>>) target(%arg12 : memref<128x128xf32, #tpu.memory_space<vmem>>) offsets(%dma_start3A_840 : memref<128xi32, #tpu.memory_space<vmem>>) semaphore(%arg16 : memref<!tpu.dma_semaphore, #tpu.memory_space<semaphore_mem>>)
      } else {
      }
      %dma_start3A_476 = arith.constant 7 : i32
      %dma_start3A_477 = arith.constant 0 : i32
      %dma_start3A_478 = tpu.memref_slice %arg10[%dma_start3A_476, %dma_start3A_477] : memref<8x128xi32, #tpu.memory_space<vmem>> -> memref<1x128xi32, #tpu.memory_space<vmem>>
      %dma_start3A_479 = tpu.memref_squeeze %dma_start3A_478 : memref<1x128xi32, #tpu.memory_space<vmem>> -> memref<128xi32, #tpu.memory_space<vmem>>
      %dma_start3A_480 = arith.constant 0 : i32
      %dma_start3A_481 = arith.constant 0 : i32
      %dma_start3A_482 = tpu.memref_slice %arg6[%dma_start3A_480, %dma_start3A_481] : memref<10240x128xf32, #tpu.memory_space<vmem_shared>> -> memref<10240x128xf32, #tpu.memory_space<vmem_shared>>
      tpu.enqueue_indirect_dma source(%arg13 : memref<128x128xf32, #tpu.memory_space<vmem>>) target(%dma_start3A_482 : memref<10240x128xf32, #tpu.memory_space<vmem_shared>>) offsets(%dma_start3A_479 : memref<128xi32, #tpu.memory_space<vmem>>) semaphore(%arg19 : memref<!tpu.dma_semaphore, #tpu.memory_space<semaphore_mem>>) {add = true}
      %dma_start3A_483 = arith.constant 7 : i32
      %dma_start3A_484 = arith.constant 0 : i32
      %dma_start3A_485 = tpu.memref_slice %arg10[%dma_start3A_483, %dma_start3A_484] : memref<8x128xi32, #tpu.memory_space<vmem>> -> memref<1x128xi32, #tpu.memory_space<vmem>>
      %dma_start3A_486 = tpu.memref_squeeze %dma_start3A_485 : memref<1x128xi32, #tpu.memory_space<vmem>> -> memref<128xi32, #tpu.memory_space<vmem>>
      %dma_start3A_487 = arith.constant 0 : i32
      %dma_start3A_488 = tpu.memref_slice %arg7[%dma_start3A_487] : memref<10240xf32, #tpu.memory_space<vmem_shared>> -> memref<10240xf32, #tpu.memory_space<vmem_shared>>
      tpu.enqueue_indirect_dma source(%arg14 : memref<128xf32, #tpu.memory_space<vmem>>) target(%dma_start3A_488 : memref<10240xf32, #tpu.memory_space<vmem_shared>>) offsets(%dma_start3A_486 : memref<128xi32, #tpu.memory_space<vmem>>) semaphore(%arg19 : memref<!tpu.dma_semaphore, #tpu.memory_space<semaphore_mem>>) {add = true}
      %mul3A_489 = arith.constant 2 : i32
      %mul3A_490 = arith.muli %mul3A_489, %add3A_165 : i32
      %add3A_491 = arith.constant 1 : i32
      %add3A_492 = arith.addi %mul3A_490, %add3A_491 : i32
      %mul3A_493 = arith.constant 8 : i32
      %mul3A_494 = arith.muli %add3A_492, %mul3A_493 : i32
      %add3A_495 = arith.constant 0 : i32
      %add3A_496 = arith.addi %mul3A_494, %add3A_495 : i32
      %dma_wait3A_497 = arith.constant 0 : i32
      %dma_wait3A_498 = arith.constant 0 : i32
      %dma_wait3A_499 = tpu.memref_slice %arg9[%dma_wait3A_497, %dma_wait3A_498] : memref<8x128xi32, #tpu.memory_space<vmem>> -> memref<1x128xi32, #tpu.memory_space<vmem>>
      %dma_wait3A_500 = tpu.memref_squeeze %dma_wait3A_499 : memref<1x128xi32, #tpu.memory_space<vmem>> -> memref<128xi32, #tpu.memory_space<vmem>>
      %dma_wait3A_501 = arith.constant 0 : i32
      %dma_wait3A_502 = arith.constant 0 : i32
      %dma_wait3A_503 = tpu.memref_slice %arg2[%dma_wait3A_501, %dma_wait3A_502] : memref<10000x128xf32, #tpu.memory_space<hbm>> -> memref<10000x128xf32, #tpu.memory_space<hbm>>
      tpu.wait_indirect_dma semaphore(%arg16 : memref<!tpu.dma_semaphore, #tpu.memory_space<semaphore_mem>>) src(%dma_wait3A_503 : memref<10000x128xf32, #tpu.memory_space<hbm>>) dst(%arg12 : memref<128x128xf32, #tpu.memory_space<vmem>>)
      %ge3A_504 = arith.constant 1 : i32
      %ge3A_505 = arith.cmpi sge, %add3A_496, %ge3A_504 : i32
      %convert_element_type3A_506 = arith.extui %ge3A_505 : i1 to i32
      %cond3A_507 = arith.constant 0 : i32
      %cond3A_508 = arith.cmpi ne, %convert_element_type3A_506, %cond3A_507 : i32
      scf.if %cond3A_508 {
        %dma_wait3A_817 = arith.constant 7 : i32
        %dma_wait3A_818 = arith.constant 0 : i32
        %dma_wait3A_819 = tpu.memref_slice %arg10[%dma_wait3A_817, %dma_wait3A_818] : memref<8x128xi32, #tpu.memory_space<vmem>> -> memref<1x128xi32, #tpu.memory_space<vmem>>
        %dma_wait3A_820 = tpu.memref_squeeze %dma_wait3A_819 : memref<1x128xi32, #tpu.memory_space<vmem>> -> memref<128xi32, #tpu.memory_space<vmem>>
        %dma_wait3A_821 = arith.constant 0 : i32
        %dma_wait3A_822 = arith.constant 0 : i32
        %dma_wait3A_823 = tpu.memref_slice %arg6[%dma_wait3A_821, %dma_wait3A_822] : memref<10240x128xf32, #tpu.memory_space<vmem_shared>> -> memref<10240x128xf32, #tpu.memory_space<vmem_shared>>
        tpu.wait_indirect_dma semaphore(%arg19 : memref<!tpu.dma_semaphore, #tpu.memory_space<semaphore_mem>>) src(%arg13 : memref<128x128xf32, #tpu.memory_space<vmem>>) dst(%dma_wait3A_823 : memref<10240x128xf32, #tpu.memory_space<vmem_shared>>)
        %dma_wait3A_824 = arith.constant 7 : i32
        %dma_wait3A_825 = arith.constant 0 : i32
        %dma_wait3A_826 = tpu.memref_slice %arg10[%dma_wait3A_824, %dma_wait3A_825] : memref<8x128xi32, #tpu.memory_space<vmem>> -> memref<1x128xi32, #tpu.memory_space<vmem>>
        %dma_wait3A_827 = tpu.memref_squeeze %dma_wait3A_826 : memref<1x128xi32, #tpu.memory_space<vmem>> -> memref<128xi32, #tpu.memory_space<vmem>>
        %dma_wait3A_828 = arith.constant 0 : i32
        %dma_wait3A_829 = tpu.memref_slice %arg7[%dma_wait3A_828] : memref<10240xf32, #tpu.memory_space<vmem_shared>> -> memref<10240xf32, #tpu.memory_space<vmem_shared>>
        tpu.wait_indirect_dma semaphore(%arg19 : memref<!tpu.dma_semaphore, #tpu.memory_space<semaphore_mem>>) src(%arg14 : memref<128xf32, #tpu.memory_space<vmem>>) dst(%dma_wait3A_829 : memref<10240xf32, #tpu.memory_space<vmem_shared>>)
      } else {
      }
      %add3A_509 = arith.constant 1 : i32
      %add3A_510 = arith.addi %add3A_496, %add3A_509 : i32
      %lt3A_511 = arith.constant 80 : i32
      %lt3A_512 = arith.cmpi slt, %add3A_510, %lt3A_511 : i32
      %convert_element_type3A_513 = arith.extui %lt3A_512 : i1 to i32
      %cond3A_514 = arith.constant 0 : i32
      %cond3A_515 = arith.cmpi ne, %convert_element_type3A_513, %cond3A_514 : i32
      scf.if %cond3A_515 {
        %dma_start3A_817 = arith.constant 1 : i32
        %dma_start3A_818 = arith.constant 0 : i32
        %dma_start3A_819 = tpu.memref_slice %arg9[%dma_start3A_817, %dma_start3A_818] : memref<8x128xi32, #tpu.memory_space<vmem>> -> memref<1x128xi32, #tpu.memory_space<vmem>>
        %dma_start3A_820 = tpu.memref_squeeze %dma_start3A_819 : memref<1x128xi32, #tpu.memory_space<vmem>> -> memref<128xi32, #tpu.memory_space<vmem>>
        %dma_start3A_821 = arith.constant 0 : i32
        %dma_start3A_822 = arith.constant 0 : i32
        %dma_start3A_823 = tpu.memref_slice %arg2[%dma_start3A_821, %dma_start3A_822] : memref<10000x128xf32, #tpu.memory_space<hbm>> -> memref<10000x128xf32, #tpu.memory_space<hbm>>
        tpu.enqueue_indirect_dma source(%dma_start3A_823 : memref<10000x128xf32, #tpu.memory_space<hbm>>) target(%arg13 : memref<128x128xf32, #tpu.memory_space<vmem>>) offsets(%dma_start3A_820 : memref<128xi32, #tpu.memory_space<vmem>>) semaphore(%arg17 : memref<!tpu.dma_semaphore, #tpu.memory_space<semaphore_mem>>)
      } else {
      }
      %dma_start3A_516 = arith.constant 0 : i32
      %dma_start3A_517 = arith.constant 0 : i32
      %dma_start3A_518 = tpu.memref_slice %arg11[%dma_start3A_516, %dma_start3A_517] : memref<8x128xi32, #tpu.memory_space<vmem>> -> memref<1x128xi32, #tpu.memory_space<vmem>>
      %dma_start3A_519 = tpu.memref_squeeze %dma_start3A_518 : memref<1x128xi32, #tpu.memory_space<vmem>> -> memref<128xi32, #tpu.memory_space<vmem>>
      %dma_start3A_520 = arith.constant 0 : i32
      %dma_start3A_521 = arith.constant 0 : i32
      %dma_start3A_522 = tpu.memref_slice %arg6[%dma_start3A_520, %dma_start3A_521] : memref<10240x128xf32, #tpu.memory_space<vmem_shared>> -> memref<10240x128xf32, #tpu.memory_space<vmem_shared>>
      tpu.enqueue_indirect_dma source(%arg12 : memref<128x128xf32, #tpu.memory_space<vmem>>) target(%dma_start3A_522 : memref<10240x128xf32, #tpu.memory_space<vmem_shared>>) offsets(%dma_start3A_519 : memref<128xi32, #tpu.memory_space<vmem>>) semaphore(%arg18 : memref<!tpu.dma_semaphore, #tpu.memory_space<semaphore_mem>>) {add = true}
      %dma_start3A_523 = arith.constant 0 : i32
      %dma_start3A_524 = arith.constant 0 : i32
      %dma_start3A_525 = tpu.memref_slice %arg11[%dma_start3A_523, %dma_start3A_524] : memref<8x128xi32, #tpu.memory_space<vmem>> -> memref<1x128xi32, #tpu.memory_space<vmem>>
      %dma_start3A_526 = tpu.memref_squeeze %dma_start3A_525 : memref<1x128xi32, #tpu.memory_space<vmem>> -> memref<128xi32, #tpu.memory_space<vmem>>
      %dma_start3A_527 = arith.constant 0 : i32
      %dma_start3A_528 = tpu.memref_slice %arg7[%dma_start3A_527] : memref<10240xf32, #tpu.memory_space<vmem_shared>> -> memref<10240xf32, #tpu.memory_space<vmem_shared>>
      tpu.enqueue_indirect_dma source(%arg14 : memref<128xf32, #tpu.memory_space<vmem>>) target(%dma_start3A_528 : memref<10240xf32, #tpu.memory_space<vmem_shared>>) offsets(%dma_start3A_526 : memref<128xi32, #tpu.memory_space<vmem>>) semaphore(%arg18 : memref<!tpu.dma_semaphore, #tpu.memory_space<semaphore_mem>>) {add = true}
      %mul3A_529 = arith.constant 2 : i32
      %mul3A_530 = arith.muli %mul3A_529, %add3A_165 : i32
      %add3A_531 = arith.constant 1 : i32
      %add3A_532 = arith.addi %mul3A_530, %add3A_531 : i32
      %mul3A_533 = arith.constant 8 : i32
      %mul3A_534 = arith.muli %add3A_532, %mul3A_533 : i32
      %add3A_535 = arith.constant 1 : i32
      %add3A_536 = arith.addi %mul3A_534, %add3A_535 : i32
      %dma_wait3A_537 = arith.constant 1 : i32
      %dma_wait3A_538 = arith.constant 0 : i32
      %dma_wait3A_539 = tpu.memref_slice %arg9[%dma_wait3A_537, %dma_wait3A_538] : memref<8x128xi32, #tpu.memory_space<vmem>> -> memref<1x128xi32, #tpu.memory_space<vmem>>
      %dma_wait3A_540 = tpu.memref_squeeze %dma_wait3A_539 : memref<1x128xi32, #tpu.memory_space<vmem>> -> memref<128xi32, #tpu.memory_space<vmem>>
      %dma_wait3A_541 = arith.constant 0 : i32
      %dma_wait3A_542 = arith.constant 0 : i32
      %dma_wait3A_543 = tpu.memref_slice %arg2[%dma_wait3A_541, %dma_wait3A_542] : memref<10000x128xf32, #tpu.memory_space<hbm>> -> memref<10000x128xf32, #tpu.memory_space<hbm>>
      tpu.wait_indirect_dma semaphore(%arg17 : memref<!tpu.dma_semaphore, #tpu.memory_space<semaphore_mem>>) src(%dma_wait3A_543 : memref<10000x128xf32, #tpu.memory_space<hbm>>) dst(%arg13 : memref<128x128xf32, #tpu.memory_space<vmem>>)
      %ge3A_544 = arith.constant 1 : i32
      %ge3A_545 = arith.cmpi sge, %add3A_536, %ge3A_544 : i32
      %convert_element_type3A_546 = arith.extui %ge3A_545 : i1 to i32
      %cond3A_547 = arith.constant 0 : i32
      %cond3A_548 = arith.cmpi ne, %convert_element_type3A_546, %cond3A_547 : i32
      scf.if %cond3A_548 {
        %dma_wait3A_817 = arith.constant 0 : i32
        %dma_wait3A_818 = arith.constant 0 : i32
        %dma_wait3A_819 = tpu.memref_slice %arg11[%dma_wait3A_817, %dma_wait3A_818] : memref<8x128xi32, #tpu.memory_space<vmem>> -> memref<1x128xi32, #tpu.memory_space<vmem>>
        %dma_wait3A_820 = tpu.memref_squeeze %dma_wait3A_819 : memref<1x128xi32, #tpu.memory_space<vmem>> -> memref<128xi32, #tpu.memory_space<vmem>>
        %dma_wait3A_821 = arith.constant 0 : i32
        %dma_wait3A_822 = arith.constant 0 : i32
        %dma_wait3A_823 = tpu.memref_slice %arg6[%dma_wait3A_821, %dma_wait3A_822] : memref<10240x128xf32, #tpu.memory_space<vmem_shared>> -> memref<10240x128xf32, #tpu.memory_space<vmem_shared>>
        tpu.wait_indirect_dma semaphore(%arg18 : memref<!tpu.dma_semaphore, #tpu.memory_space<semaphore_mem>>) src(%arg12 : memref<128x128xf32, #tpu.memory_space<vmem>>) dst(%dma_wait3A_823 : memref<10240x128xf32, #tpu.memory_space<vmem_shared>>)
        %dma_wait3A_824 = arith.constant 0 : i32
        %dma_wait3A_825 = arith.constant 0 : i32
        %dma_wait3A_826 = tpu.memref_slice %arg11[%dma_wait3A_824, %dma_wait3A_825] : memref<8x128xi32, #tpu.memory_space<vmem>> -> memref<1x128xi32, #tpu.memory_space<vmem>>
        %dma_wait3A_827 = tpu.memref_squeeze %dma_wait3A_826 : memref<1x128xi32, #tpu.memory_space<vmem>> -> memref<128xi32, #tpu.memory_space<vmem>>
        %dma_wait3A_828 = arith.constant 0 : i32
        %dma_wait3A_829 = tpu.memref_slice %arg7[%dma_wait3A_828] : memref<10240xf32, #tpu.memory_space<vmem_shared>> -> memref<10240xf32, #tpu.memory_space<vmem_shared>>
        tpu.wait_indirect_dma semaphore(%arg18 : memref<!tpu.dma_semaphore, #tpu.memory_space<semaphore_mem>>) src(%arg14 : memref<128xf32, #tpu.memory_space<vmem>>) dst(%dma_wait3A_829 : memref<10240xf32, #tpu.memory_space<vmem_shared>>)
      } else {
      }
      %add3A_549 = arith.constant 1 : i32
      %add3A_550 = arith.addi %add3A_536, %add3A_549 : i32
      %lt3A_551 = arith.constant 80 : i32
      %lt3A_552 = arith.cmpi slt, %add3A_550, %lt3A_551 : i32
      %convert_element_type3A_553 = arith.extui %lt3A_552 : i1 to i32
      %cond3A_554 = arith.constant 0 : i32
      %cond3A_555 = arith.cmpi ne, %convert_element_type3A_553, %cond3A_554 : i32
      scf.if %cond3A_555 {
        %dma_start3A_817 = arith.constant 2 : i32
        %dma_start3A_818 = arith.constant 0 : i32
        %dma_start3A_819 = tpu.memref_slice %arg9[%dma_start3A_817, %dma_start3A_818] : memref<8x128xi32, #tpu.memory_space<vmem>> -> memref<1x128xi32, #tpu.memory_space<vmem>>
        %dma_start3A_820 = tpu.memref_squeeze %dma_start3A_819 : memref<1x128xi32, #tpu.memory_space<vmem>> -> memref<128xi32, #tpu.memory_space<vmem>>
        %dma_start3A_821 = arith.constant 0 : i32
        %dma_start3A_822 = arith.constant 0 : i32
        %dma_start3A_823 = tpu.memref_slice %arg2[%dma_start3A_821, %dma_start3A_822] : memref<10000x128xf32, #tpu.memory_space<hbm>> -> memref<10000x128xf32, #tpu.memory_space<hbm>>
        tpu.enqueue_indirect_dma source(%dma_start3A_823 : memref<10000x128xf32, #tpu.memory_space<hbm>>) target(%arg12 : memref<128x128xf32, #tpu.memory_space<vmem>>) offsets(%dma_start3A_820 : memref<128xi32, #tpu.memory_space<vmem>>) semaphore(%arg16 : memref<!tpu.dma_semaphore, #tpu.memory_space<semaphore_mem>>)
      } else {
      }
      %dma_start3A_556 = arith.constant 1 : i32
      %dma_start3A_557 = arith.constant 0 : i32
      %dma_start3A_558 = tpu.memref_slice %arg11[%dma_start3A_556, %dma_start3A_557] : memref<8x128xi32, #tpu.memory_space<vmem>> -> memref<1x128xi32, #tpu.memory_space<vmem>>
      %dma_start3A_559 = tpu.memref_squeeze %dma_start3A_558 : memref<1x128xi32, #tpu.memory_space<vmem>> -> memref<128xi32, #tpu.memory_space<vmem>>
      %dma_start3A_560 = arith.constant 0 : i32
      %dma_start3A_561 = arith.constant 0 : i32
      %dma_start3A_562 = tpu.memref_slice %arg6[%dma_start3A_560, %dma_start3A_561] : memref<10240x128xf32, #tpu.memory_space<vmem_shared>> -> memref<10240x128xf32, #tpu.memory_space<vmem_shared>>
      tpu.enqueue_indirect_dma source(%arg13 : memref<128x128xf32, #tpu.memory_space<vmem>>) target(%dma_start3A_562 : memref<10240x128xf32, #tpu.memory_space<vmem_shared>>) offsets(%dma_start3A_559 : memref<128xi32, #tpu.memory_space<vmem>>) semaphore(%arg19 : memref<!tpu.dma_semaphore, #tpu.memory_space<semaphore_mem>>) {add = true}
      %dma_start3A_563 = arith.constant 1 : i32
      %dma_start3A_564 = arith.constant 0 : i32
      %dma_start3A_565 = tpu.memref_slice %arg11[%dma_start3A_563, %dma_start3A_564] : memref<8x128xi32, #tpu.memory_space<vmem>> -> memref<1x128xi32, #tpu.memory_space<vmem>>
      %dma_start3A_566 = tpu.memref_squeeze %dma_start3A_565 : memref<1x128xi32, #tpu.memory_space<vmem>> -> memref<128xi32, #tpu.memory_space<vmem>>
      %dma_start3A_567 = arith.constant 0 : i32
      %dma_start3A_568 = tpu.memref_slice %arg7[%dma_start3A_567] : memref<10240xf32, #tpu.memory_space<vmem_shared>> -> memref<10240xf32, #tpu.memory_space<vmem_shared>>
      tpu.enqueue_indirect_dma source(%arg14 : memref<128xf32, #tpu.memory_space<vmem>>) target(%dma_start3A_568 : memref<10240xf32, #tpu.memory_space<vmem_shared>>) offsets(%dma_start3A_566 : memref<128xi32, #tpu.memory_space<vmem>>) semaphore(%arg19 : memref<!tpu.dma_semaphore, #tpu.memory_space<semaphore_mem>>) {add = true}
      %ge3A_569 = arith.constant 8 : i32
      %ge3A_570 = arith.cmpi sge, %add3A_536, %ge3A_569 : i32
      %lt3A_571 = arith.constant 72 : i32
      %lt3A_572 = arith.cmpi slt, %add3A_536, %lt3A_571 : i32
      %and3A_573 = arith.andi %ge3A_570, %lt3A_572 : i1
      %convert_element_type3A_574 = arith.extui %and3A_573 : i1 to i32
      %cond3A_575 = arith.constant 0 : i32
      %cond3A_576 = arith.cmpi ne, %convert_element_type3A_574, %cond3A_575 : i32
      scf.if %cond3A_576 {
        %jit3A = arith.constant 8 : i32
        %div3A = arith.divsi %add3A_536, %jit3A : i32
        %sign3A = arith.constant 0 : i32
        %sign3A_817 = arith.cmpi sgt, %add3A_536, %sign3A : i32
        %sign3A_818 = arith.extui %sign3A_817 : i1 to i32
        %sign3A_819 = arith.constant 0 : i32
        %sign3A_820 = arith.cmpi slt, %add3A_536, %sign3A_819 : i32
        %sign3A_821 = arith.extui %sign3A_820 : i1 to i32
        %sign3A_822 = arith.subi %sign3A_818, %sign3A_821 : i32
        %sign3A_823 = arith.constant 0 : i32
        %sign3A_824 = arith.cmpi sgt, %jit3A, %sign3A_823 : i32
        %sign3A_825 = arith.extui %sign3A_824 : i1 to i32
        %sign3A_826 = arith.constant 0 : i32
        %sign3A_827 = arith.cmpi slt, %jit3A, %sign3A_826 : i32
        %sign3A_828 = arith.extui %sign3A_827 : i1 to i32
        %sign3A_829 = arith.subi %sign3A_825, %sign3A_828 : i32
        %ne3A = arith.cmpi ne, %sign3A_822, %sign3A_829 : i32
        %rem3A = arith.remsi %add3A_536, %jit3A : i32
        %ne3A_830 = arith.constant 0 : i32
        %ne3A_831 = arith.cmpi ne, %rem3A, %ne3A_830 : i32
        %and3A_832 = arith.andi %ne3A, %ne3A_831 : i1
        %sub3A = arith.constant 1 : i32
        %sub3A_833 = arith.subi %div3A, %sub3A : i32
        %select_n3A = arith.select %and3A_832, %sub3A_833, %div3A : i32
        %add3A_834 = arith.constant 1 : i32
        %add3A_835 = arith.addi %select_n3A, %add3A_834 : i32
        %dma_start3A_836 = arith.constant 0 : i32
        %dma_start3A_837 = arith.constant 0 : i32
        %dma_start3A_838 = arith.constant 0 : i32
        %dma_start3A_839 = tpu.memref_slice %arg3[%dma_start3A_836, %add3A, %add3A_835, %dma_start3A_837, %dma_start3A_838] : memref<2x32x10x8x128xi32, #tpu.memory_space<hbm>> -> memref<1x1x1x8x128xi32, #tpu.memory_space<hbm>>
        %dma_start3A_840 = tpu.memref_squeeze %dma_start3A_839 : memref<1x1x1x8x128xi32, #tpu.memory_space<hbm>> -> memref<8x128xi32, #tpu.memory_space<hbm>>
        %dma_start3A_841 = arith.constant 0 : i32
        %dma_start3A_842 = arith.constant 0 : i32
        %dma_start3A_843 = tpu.memref_slice %arg3[%dma_start3A_836, %add3A, %add3A_835, %dma_start3A_841, %dma_start3A_842] : memref<2x32x10x8x128xi32, #tpu.memory_space<hbm>> -> memref<1x1x1x8x128xi32, #tpu.memory_space<hbm>>
        %dma_start3A_844 = tpu.memref_squeeze %dma_start3A_843 : memref<1x1x1x8x128xi32, #tpu.memory_space<hbm>> -> memref<8x128xi32, #tpu.memory_space<hbm>>
        tpu.enqueue_dma source(%dma_start3A_844 : memref<8x128xi32, #tpu.memory_space<hbm>>) target(%arg8 : memref<8x128xi32, #tpu.memory_space<vmem>>) target_semaphore(%arg20 : memref<!tpu.dma_semaphore, #tpu.memory_space<semaphore_mem>>)
        %dma_start3A_845 = arith.constant 1 : i32
        %dma_start3A_846 = arith.constant 0 : i32
        %dma_start3A_847 = arith.constant 0 : i32
        %dma_start3A_848 = tpu.memref_slice %arg3[%dma_start3A_845, %add3A, %add3A_835, %dma_start3A_846, %dma_start3A_847] : memref<2x32x10x8x128xi32, #tpu.memory_space<hbm>> -> memref<1x1x1x8x128xi32, #tpu.memory_space<hbm>>
        %dma_start3A_849 = tpu.memref_squeeze %dma_start3A_848 : memref<1x1x1x8x128xi32, #tpu.memory_space<hbm>> -> memref<8x128xi32, #tpu.memory_space<hbm>>
        %dma_start3A_850 = arith.constant 0 : i32
        %dma_start3A_851 = arith.constant 0 : i32
        %dma_start3A_852 = tpu.memref_slice %arg3[%dma_start3A_845, %add3A, %add3A_835, %dma_start3A_850, %dma_start3A_851] : memref<2x32x10x8x128xi32, #tpu.memory_space<hbm>> -> memref<1x1x1x8x128xi32, #tpu.memory_space<hbm>>
        %dma_start3A_853 = tpu.memref_squeeze %dma_start3A_852 : memref<1x1x1x8x128xi32, #tpu.memory_space<hbm>> -> memref<8x128xi32, #tpu.memory_space<hbm>>
        tpu.enqueue_dma source(%dma_start3A_853 : memref<8x128xi32, #tpu.memory_space<hbm>>) target(%arg10 : memref<8x128xi32, #tpu.memory_space<vmem>>) target_semaphore(%arg20 : memref<!tpu.dma_semaphore, #tpu.memory_space<semaphore_mem>>)
      } else {
      }
      %mul3A_577 = arith.constant 2 : i32
      %mul3A_578 = arith.muli %mul3A_577, %add3A_165 : i32
      %add3A_579 = arith.constant 1 : i32
      %add3A_580 = arith.addi %mul3A_578, %add3A_579 : i32
      %mul3A_581 = arith.constant 8 : i32
      %mul3A_582 = arith.muli %add3A_580, %mul3A_581 : i32
      %add3A_583 = arith.constant 2 : i32
      %add3A_584 = arith.addi %mul3A_582, %add3A_583 : i32
      %dma_wait3A_585 = arith.constant 2 : i32
      %dma_wait3A_586 = arith.constant 0 : i32
      %dma_wait3A_587 = tpu.memref_slice %arg9[%dma_wait3A_585, %dma_wait3A_586] : memref<8x128xi32, #tpu.memory_space<vmem>> -> memref<1x128xi32, #tpu.memory_space<vmem>>
      %dma_wait3A_588 = tpu.memref_squeeze %dma_wait3A_587 : memref<1x128xi32, #tpu.memory_space<vmem>> -> memref<128xi32, #tpu.memory_space<vmem>>
      %dma_wait3A_589 = arith.constant 0 : i32
      %dma_wait3A_590 = arith.constant 0 : i32
      %dma_wait3A_591 = tpu.memref_slice %arg2[%dma_wait3A_589, %dma_wait3A_590] : memref<10000x128xf32, #tpu.memory_space<hbm>> -> memref<10000x128xf32, #tpu.memory_space<hbm>>
      tpu.wait_indirect_dma semaphore(%arg16 : memref<!tpu.dma_semaphore, #tpu.memory_space<semaphore_mem>>) src(%dma_wait3A_591 : memref<10000x128xf32, #tpu.memory_space<hbm>>) dst(%arg12 : memref<128x128xf32, #tpu.memory_space<vmem>>)
      %ge3A_592 = arith.constant 1 : i32
      %ge3A_593 = arith.cmpi sge, %add3A_584, %ge3A_592 : i32
      %convert_element_type3A_594 = arith.extui %ge3A_593 : i1 to i32
      %cond3A_595 = arith.constant 0 : i32
      %cond3A_596 = arith.cmpi ne, %convert_element_type3A_594, %cond3A_595 : i32
      scf.if %cond3A_596 {
        %dma_wait3A_817 = arith.constant 1 : i32
        %dma_wait3A_818 = arith.constant 0 : i32
        %dma_wait3A_819 = tpu.memref_slice %arg11[%dma_wait3A_817, %dma_wait3A_818] : memref<8x128xi32, #tpu.memory_space<vmem>> -> memref<1x128xi32, #tpu.memory_space<vmem>>
        %dma_wait3A_820 = tpu.memref_squeeze %dma_wait3A_819 : memref<1x128xi32, #tpu.memory_space<vmem>> -> memref<128xi32, #tpu.memory_space<vmem>>
        %dma_wait3A_821 = arith.constant 0 : i32
        %dma_wait3A_822 = arith.constant 0 : i32
        %dma_wait3A_823 = tpu.memref_slice %arg6[%dma_wait3A_821, %dma_wait3A_822] : memref<10240x128xf32, #tpu.memory_space<vmem_shared>> -> memref<10240x128xf32, #tpu.memory_space<vmem_shared>>
        tpu.wait_indirect_dma semaphore(%arg19 : memref<!tpu.dma_semaphore, #tpu.memory_space<semaphore_mem>>) src(%arg13 : memref<128x128xf32, #tpu.memory_space<vmem>>) dst(%dma_wait3A_823 : memref<10240x128xf32, #tpu.memory_space<vmem_shared>>)
        %dma_wait3A_824 = arith.constant 1 : i32
        %dma_wait3A_825 = arith.constant 0 : i32
        %dma_wait3A_826 = tpu.memref_slice %arg11[%dma_wait3A_824, %dma_wait3A_825] : memref<8x128xi32, #tpu.memory_space<vmem>> -> memref<1x128xi32, #tpu.memory_space<vmem>>
        %dma_wait3A_827 = tpu.memref_squeeze %dma_wait3A_826 : memref<1x128xi32, #tpu.memory_space<vmem>> -> memref<128xi32, #tpu.memory_space<vmem>>
        %dma_wait3A_828 = arith.constant 0 : i32
        %dma_wait3A_829 = tpu.memref_slice %arg7[%dma_wait3A_828] : memref<10240xf32, #tpu.memory_space<vmem_shared>> -> memref<10240xf32, #tpu.memory_space<vmem_shared>>
        tpu.wait_indirect_dma semaphore(%arg19 : memref<!tpu.dma_semaphore, #tpu.memory_space<semaphore_mem>>) src(%arg14 : memref<128xf32, #tpu.memory_space<vmem>>) dst(%dma_wait3A_829 : memref<10240xf32, #tpu.memory_space<vmem_shared>>)
      } else {
      }
      %add3A_597 = arith.constant 1 : i32
      %add3A_598 = arith.addi %add3A_584, %add3A_597 : i32
      %lt3A_599 = arith.constant 80 : i32
      %lt3A_600 = arith.cmpi slt, %add3A_598, %lt3A_599 : i32
      %convert_element_type3A_601 = arith.extui %lt3A_600 : i1 to i32
      %cond3A_602 = arith.constant 0 : i32
      %cond3A_603 = arith.cmpi ne, %convert_element_type3A_601, %cond3A_602 : i32
      scf.if %cond3A_603 {
        %dma_start3A_817 = arith.constant 3 : i32
        %dma_start3A_818 = arith.constant 0 : i32
        %dma_start3A_819 = tpu.memref_slice %arg9[%dma_start3A_817, %dma_start3A_818] : memref<8x128xi32, #tpu.memory_space<vmem>> -> memref<1x128xi32, #tpu.memory_space<vmem>>
        %dma_start3A_820 = tpu.memref_squeeze %dma_start3A_819 : memref<1x128xi32, #tpu.memory_space<vmem>> -> memref<128xi32, #tpu.memory_space<vmem>>
        %dma_start3A_821 = arith.constant 0 : i32
        %dma_start3A_822 = arith.constant 0 : i32
        %dma_start3A_823 = tpu.memref_slice %arg2[%dma_start3A_821, %dma_start3A_822] : memref<10000x128xf32, #tpu.memory_space<hbm>> -> memref<10000x128xf32, #tpu.memory_space<hbm>>
        tpu.enqueue_indirect_dma source(%dma_start3A_823 : memref<10000x128xf32, #tpu.memory_space<hbm>>) target(%arg13 : memref<128x128xf32, #tpu.memory_space<vmem>>) offsets(%dma_start3A_820 : memref<128xi32, #tpu.memory_space<vmem>>) semaphore(%arg17 : memref<!tpu.dma_semaphore, #tpu.memory_space<semaphore_mem>>)
      } else {
      }
      %dma_start3A_604 = arith.constant 2 : i32
      %dma_start3A_605 = arith.constant 0 : i32
      %dma_start3A_606 = tpu.memref_slice %arg11[%dma_start3A_604, %dma_start3A_605] : memref<8x128xi32, #tpu.memory_space<vmem>> -> memref<1x128xi32, #tpu.memory_space<vmem>>
      %dma_start3A_607 = tpu.memref_squeeze %dma_start3A_606 : memref<1x128xi32, #tpu.memory_space<vmem>> -> memref<128xi32, #tpu.memory_space<vmem>>
      %dma_start3A_608 = arith.constant 0 : i32
      %dma_start3A_609 = arith.constant 0 : i32
      %dma_start3A_610 = tpu.memref_slice %arg6[%dma_start3A_608, %dma_start3A_609] : memref<10240x128xf32, #tpu.memory_space<vmem_shared>> -> memref<10240x128xf32, #tpu.memory_space<vmem_shared>>
      tpu.enqueue_indirect_dma source(%arg12 : memref<128x128xf32, #tpu.memory_space<vmem>>) target(%dma_start3A_610 : memref<10240x128xf32, #tpu.memory_space<vmem_shared>>) offsets(%dma_start3A_607 : memref<128xi32, #tpu.memory_space<vmem>>) semaphore(%arg18 : memref<!tpu.dma_semaphore, #tpu.memory_space<semaphore_mem>>) {add = true}
      %dma_start3A_611 = arith.constant 2 : i32
      %dma_start3A_612 = arith.constant 0 : i32
      %dma_start3A_613 = tpu.memref_slice %arg11[%dma_start3A_611, %dma_start3A_612] : memref<8x128xi32, #tpu.memory_space<vmem>> -> memref<1x128xi32, #tpu.memory_space<vmem>>
      %dma_start3A_614 = tpu.memref_squeeze %dma_start3A_613 : memref<1x128xi32, #tpu.memory_space<vmem>> -> memref<128xi32, #tpu.memory_space<vmem>>
      %dma_start3A_615 = arith.constant 0 : i32
      %dma_start3A_616 = tpu.memref_slice %arg7[%dma_start3A_615] : memref<10240xf32, #tpu.memory_space<vmem_shared>> -> memref<10240xf32, #tpu.memory_space<vmem_shared>>
      tpu.enqueue_indirect_dma source(%arg14 : memref<128xf32, #tpu.memory_space<vmem>>) target(%dma_start3A_616 : memref<10240xf32, #tpu.memory_space<vmem_shared>>) offsets(%dma_start3A_614 : memref<128xi32, #tpu.memory_space<vmem>>) semaphore(%arg18 : memref<!tpu.dma_semaphore, #tpu.memory_space<semaphore_mem>>) {add = true}
      %mul3A_617 = arith.constant 2 : i32
      %mul3A_618 = arith.muli %mul3A_617, %add3A_165 : i32
      %add3A_619 = arith.constant 1 : i32
      %add3A_620 = arith.addi %mul3A_618, %add3A_619 : i32
      %mul3A_621 = arith.constant 8 : i32
      %mul3A_622 = arith.muli %add3A_620, %mul3A_621 : i32
      %add3A_623 = arith.constant 3 : i32
      %add3A_624 = arith.addi %mul3A_622, %add3A_623 : i32
      %dma_wait3A_625 = arith.constant 3 : i32
      %dma_wait3A_626 = arith.constant 0 : i32
      %dma_wait3A_627 = tpu.memref_slice %arg9[%dma_wait3A_625, %dma_wait3A_626] : memref<8x128xi32, #tpu.memory_space<vmem>> -> memref<1x128xi32, #tpu.memory_space<vmem>>
      %dma_wait3A_628 = tpu.memref_squeeze %dma_wait3A_627 : memref<1x128xi32, #tpu.memory_space<vmem>> -> memref<128xi32, #tpu.memory_space<vmem>>
      %dma_wait3A_629 = arith.constant 0 : i32
      %dma_wait3A_630 = arith.constant 0 : i32
      %dma_wait3A_631 = tpu.memref_slice %arg2[%dma_wait3A_629, %dma_wait3A_630] : memref<10000x128xf32, #tpu.memory_space<hbm>> -> memref<10000x128xf32, #tpu.memory_space<hbm>>
      tpu.wait_indirect_dma semaphore(%arg17 : memref<!tpu.dma_semaphore, #tpu.memory_space<semaphore_mem>>) src(%dma_wait3A_631 : memref<10000x128xf32, #tpu.memory_space<hbm>>) dst(%arg13 : memref<128x128xf32, #tpu.memory_space<vmem>>)
      %ge3A_632 = arith.constant 1 : i32
      %ge3A_633 = arith.cmpi sge, %add3A_624, %ge3A_632 : i32
      %convert_element_type3A_634 = arith.extui %ge3A_633 : i1 to i32
      %cond3A_635 = arith.constant 0 : i32
      %cond3A_636 = arith.cmpi ne, %convert_element_type3A_634, %cond3A_635 : i32
      scf.if %cond3A_636 {
        %dma_wait3A_817 = arith.constant 2 : i32
        %dma_wait3A_818 = arith.constant 0 : i32
        %dma_wait3A_819 = tpu.memref_slice %arg11[%dma_wait3A_817, %dma_wait3A_818] : memref<8x128xi32, #tpu.memory_space<vmem>> -> memref<1x128xi32, #tpu.memory_space<vmem>>
        %dma_wait3A_820 = tpu.memref_squeeze %dma_wait3A_819 : memref<1x128xi32, #tpu.memory_space<vmem>> -> memref<128xi32, #tpu.memory_space<vmem>>
        %dma_wait3A_821 = arith.constant 0 : i32
        %dma_wait3A_822 = arith.constant 0 : i32
        %dma_wait3A_823 = tpu.memref_slice %arg6[%dma_wait3A_821, %dma_wait3A_822] : memref<10240x128xf32, #tpu.memory_space<vmem_shared>> -> memref<10240x128xf32, #tpu.memory_space<vmem_shared>>
        tpu.wait_indirect_dma semaphore(%arg18 : memref<!tpu.dma_semaphore, #tpu.memory_space<semaphore_mem>>) src(%arg12 : memref<128x128xf32, #tpu.memory_space<vmem>>) dst(%dma_wait3A_823 : memref<10240x128xf32, #tpu.memory_space<vmem_shared>>)
        %dma_wait3A_824 = arith.constant 2 : i32
        %dma_wait3A_825 = arith.constant 0 : i32
        %dma_wait3A_826 = tpu.memref_slice %arg11[%dma_wait3A_824, %dma_wait3A_825] : memref<8x128xi32, #tpu.memory_space<vmem>> -> memref<1x128xi32, #tpu.memory_space<vmem>>
        %dma_wait3A_827 = tpu.memref_squeeze %dma_wait3A_826 : memref<1x128xi32, #tpu.memory_space<vmem>> -> memref<128xi32, #tpu.memory_space<vmem>>
        %dma_wait3A_828 = arith.constant 0 : i32
        %dma_wait3A_829 = tpu.memref_slice %arg7[%dma_wait3A_828] : memref<10240xf32, #tpu.memory_space<vmem_shared>> -> memref<10240xf32, #tpu.memory_space<vmem_shared>>
        tpu.wait_indirect_dma semaphore(%arg18 : memref<!tpu.dma_semaphore, #tpu.memory_space<semaphore_mem>>) src(%arg14 : memref<128xf32, #tpu.memory_space<vmem>>) dst(%dma_wait3A_829 : memref<10240xf32, #tpu.memory_space<vmem_shared>>)
      } else {
      }
      %add3A_637 = arith.constant 1 : i32
      %add3A_638 = arith.addi %add3A_624, %add3A_637 : i32
      %lt3A_639 = arith.constant 80 : i32
      %lt3A_640 = arith.cmpi slt, %add3A_638, %lt3A_639 : i32
      %convert_element_type3A_641 = arith.extui %lt3A_640 : i1 to i32
      %cond3A_642 = arith.constant 0 : i32
      %cond3A_643 = arith.cmpi ne, %convert_element_type3A_641, %cond3A_642 : i32
      scf.if %cond3A_643 {
        %dma_start3A_817 = arith.constant 4 : i32
        %dma_start3A_818 = arith.constant 0 : i32
        %dma_start3A_819 = tpu.memref_slice %arg9[%dma_start3A_817, %dma_start3A_818] : memref<8x128xi32, #tpu.memory_space<vmem>> -> memref<1x128xi32, #tpu.memory_space<vmem>>
        %dma_start3A_820 = tpu.memref_squeeze %dma_start3A_819 : memref<1x128xi32, #tpu.memory_space<vmem>> -> memref<128xi32, #tpu.memory_space<vmem>>
        %dma_start3A_821 = arith.constant 0 : i32
        %dma_start3A_822 = arith.constant 0 : i32
        %dma_start3A_823 = tpu.memref_slice %arg2[%dma_start3A_821, %dma_start3A_822] : memref<10000x128xf32, #tpu.memory_space<hbm>> -> memref<10000x128xf32, #tpu.memory_space<hbm>>
        tpu.enqueue_indirect_dma source(%dma_start3A_823 : memref<10000x128xf32, #tpu.memory_space<hbm>>) target(%arg12 : memref<128x128xf32, #tpu.memory_space<vmem>>) offsets(%dma_start3A_820 : memref<128xi32, #tpu.memory_space<vmem>>) semaphore(%arg16 : memref<!tpu.dma_semaphore, #tpu.memory_space<semaphore_mem>>)
      } else {
      }
      %dma_start3A_644 = arith.constant 3 : i32
      %dma_start3A_645 = arith.constant 0 : i32
      %dma_start3A_646 = tpu.memref_slice %arg11[%dma_start3A_644, %dma_start3A_645] : memref<8x128xi32, #tpu.memory_space<vmem>> -> memref<1x128xi32, #tpu.memory_space<vmem>>
      %dma_start3A_647 = tpu.memref_squeeze %dma_start3A_646 : memref<1x128xi32, #tpu.memory_space<vmem>> -> memref<128xi32, #tpu.memory_space<vmem>>
      %dma_start3A_648 = arith.constant 0 : i32
      %dma_start3A_649 = arith.constant 0 : i32
      %dma_start3A_650 = tpu.memref_slice %arg6[%dma_start3A_648, %dma_start3A_649] : memref<10240x128xf32, #tpu.memory_space<vmem_shared>> -> memref<10240x128xf32, #tpu.memory_space<vmem_shared>>
      tpu.enqueue_indirect_dma source(%arg13 : memref<128x128xf32, #tpu.memory_space<vmem>>) target(%dma_start3A_650 : memref<10240x128xf32, #tpu.memory_space<vmem_shared>>) offsets(%dma_start3A_647 : memref<128xi32, #tpu.memory_space<vmem>>) semaphore(%arg19 : memref<!tpu.dma_semaphore, #tpu.memory_space<semaphore_mem>>) {add = true}
      %dma_start3A_651 = arith.constant 3 : i32
      %dma_start3A_652 = arith.constant 0 : i32
      %dma_start3A_653 = tpu.memref_slice %arg11[%dma_start3A_651, %dma_start3A_652] : memref<8x128xi32, #tpu.memory_space<vmem>> -> memref<1x128xi32, #tpu.memory_space<vmem>>
      %dma_start3A_654 = tpu.memref_squeeze %dma_start3A_653 : memref<1x128xi32, #tpu.memory_space<vmem>> -> memref<128xi32, #tpu.memory_space<vmem>>
      %dma_start3A_655 = arith.constant 0 : i32
      %dma_start3A_656 = tpu.memref_slice %arg7[%dma_start3A_655] : memref<10240xf32, #tpu.memory_space<vmem_shared>> -> memref<10240xf32, #tpu.memory_space<vmem_shared>>
      tpu.enqueue_indirect_dma source(%arg14 : memref<128xf32, #tpu.memory_space<vmem>>) target(%dma_start3A_656 : memref<10240xf32, #tpu.memory_space<vmem_shared>>) offsets(%dma_start3A_654 : memref<128xi32, #tpu.memory_space<vmem>>) semaphore(%arg19 : memref<!tpu.dma_semaphore, #tpu.memory_space<semaphore_mem>>) {add = true}
      %mul3A_657 = arith.constant 2 : i32
      %mul3A_658 = arith.muli %mul3A_657, %add3A_165 : i32
      %add3A_659 = arith.constant 1 : i32
      %add3A_660 = arith.addi %mul3A_658, %add3A_659 : i32
      %mul3A_661 = arith.constant 8 : i32
      %mul3A_662 = arith.muli %add3A_660, %mul3A_661 : i32
      %add3A_663 = arith.constant 4 : i32
      %add3A_664 = arith.addi %mul3A_662, %add3A_663 : i32
      %dma_wait3A_665 = arith.constant 4 : i32
      %dma_wait3A_666 = arith.constant 0 : i32
      %dma_wait3A_667 = tpu.memref_slice %arg9[%dma_wait3A_665, %dma_wait3A_666] : memref<8x128xi32, #tpu.memory_space<vmem>> -> memref<1x128xi32, #tpu.memory_space<vmem>>
      %dma_wait3A_668 = tpu.memref_squeeze %dma_wait3A_667 : memref<1x128xi32, #tpu.memory_space<vmem>> -> memref<128xi32, #tpu.memory_space<vmem>>
      %dma_wait3A_669 = arith.constant 0 : i32
      %dma_wait3A_670 = arith.constant 0 : i32
      %dma_wait3A_671 = tpu.memref_slice %arg2[%dma_wait3A_669, %dma_wait3A_670] : memref<10000x128xf32, #tpu.memory_space<hbm>> -> memref<10000x128xf32, #tpu.memory_space<hbm>>
      tpu.wait_indirect_dma semaphore(%arg16 : memref<!tpu.dma_semaphore, #tpu.memory_space<semaphore_mem>>) src(%dma_wait3A_671 : memref<10000x128xf32, #tpu.memory_space<hbm>>) dst(%arg12 : memref<128x128xf32, #tpu.memory_space<vmem>>)
      %ge3A_672 = arith.constant 1 : i32
      %ge3A_673 = arith.cmpi sge, %add3A_664, %ge3A_672 : i32
      %convert_element_type3A_674 = arith.extui %ge3A_673 : i1 to i32
      %cond3A_675 = arith.constant 0 : i32
      %cond3A_676 = arith.cmpi ne, %convert_element_type3A_674, %cond3A_675 : i32
      scf.if %cond3A_676 {
        %dma_wait3A_817 = arith.constant 3 : i32
        %dma_wait3A_818 = arith.constant 0 : i32
        %dma_wait3A_819 = tpu.memref_slice %arg11[%dma_wait3A_817, %dma_wait3A_818] : memref<8x128xi32, #tpu.memory_space<vmem>> -> memref<1x128xi32, #tpu.memory_space<vmem>>
        %dma_wait3A_820 = tpu.memref_squeeze %dma_wait3A_819 : memref<1x128xi32, #tpu.memory_space<vmem>> -> memref<128xi32, #tpu.memory_space<vmem>>
        %dma_wait3A_821 = arith.constant 0 : i32
        %dma_wait3A_822 = arith.constant 0 : i32
        %dma_wait3A_823 = tpu.memref_slice %arg6[%dma_wait3A_821, %dma_wait3A_822] : memref<10240x128xf32, #tpu.memory_space<vmem_shared>> -> memref<10240x128xf32, #tpu.memory_space<vmem_shared>>
        tpu.wait_indirect_dma semaphore(%arg19 : memref<!tpu.dma_semaphore, #tpu.memory_space<semaphore_mem>>) src(%arg13 : memref<128x128xf32, #tpu.memory_space<vmem>>) dst(%dma_wait3A_823 : memref<10240x128xf32, #tpu.memory_space<vmem_shared>>)
        %dma_wait3A_824 = arith.constant 3 : i32
        %dma_wait3A_825 = arith.constant 0 : i32
        %dma_wait3A_826 = tpu.memref_slice %arg11[%dma_wait3A_824, %dma_wait3A_825] : memref<8x128xi32, #tpu.memory_space<vmem>> -> memref<1x128xi32, #tpu.memory_space<vmem>>
        %dma_wait3A_827 = tpu.memref_squeeze %dma_wait3A_826 : memref<1x128xi32, #tpu.memory_space<vmem>> -> memref<128xi32, #tpu.memory_space<vmem>>
        %dma_wait3A_828 = arith.constant 0 : i32
        %dma_wait3A_829 = tpu.memref_slice %arg7[%dma_wait3A_828] : memref<10240xf32, #tpu.memory_space<vmem_shared>> -> memref<10240xf32, #tpu.memory_space<vmem_shared>>
        tpu.wait_indirect_dma semaphore(%arg19 : memref<!tpu.dma_semaphore, #tpu.memory_space<semaphore_mem>>) src(%arg14 : memref<128xf32, #tpu.memory_space<vmem>>) dst(%dma_wait3A_829 : memref<10240xf32, #tpu.memory_space<vmem_shared>>)
      } else {
      }
      %add3A_677 = arith.constant 1 : i32
      %add3A_678 = arith.addi %add3A_664, %add3A_677 : i32
      %lt3A_679 = arith.constant 80 : i32
      %lt3A_680 = arith.cmpi slt, %add3A_678, %lt3A_679 : i32
      %convert_element_type3A_681 = arith.extui %lt3A_680 : i1 to i32
      %cond3A_682 = arith.constant 0 : i32
      %cond3A_683 = arith.cmpi ne, %convert_element_type3A_681, %cond3A_682 : i32
      scf.if %cond3A_683 {
        %dma_start3A_817 = arith.constant 5 : i32
        %dma_start3A_818 = arith.constant 0 : i32
        %dma_start3A_819 = tpu.memref_slice %arg9[%dma_start3A_817, %dma_start3A_818] : memref<8x128xi32, #tpu.memory_space<vmem>> -> memref<1x128xi32, #tpu.memory_space<vmem>>
        %dma_start3A_820 = tpu.memref_squeeze %dma_start3A_819 : memref<1x128xi32, #tpu.memory_space<vmem>> -> memref<128xi32, #tpu.memory_space<vmem>>
        %dma_start3A_821 = arith.constant 0 : i32
        %dma_start3A_822 = arith.constant 0 : i32
        %dma_start3A_823 = tpu.memref_slice %arg2[%dma_start3A_821, %dma_start3A_822] : memref<10000x128xf32, #tpu.memory_space<hbm>> -> memref<10000x128xf32, #tpu.memory_space<hbm>>
        tpu.enqueue_indirect_dma source(%dma_start3A_823 : memref<10000x128xf32, #tpu.memory_space<hbm>>) target(%arg13 : memref<128x128xf32, #tpu.memory_space<vmem>>) offsets(%dma_start3A_820 : memref<128xi32, #tpu.memory_space<vmem>>) semaphore(%arg17 : memref<!tpu.dma_semaphore, #tpu.memory_space<semaphore_mem>>)
      } else {
      }
      %dma_start3A_684 = arith.constant 4 : i32
      %dma_start3A_685 = arith.constant 0 : i32
      %dma_start3A_686 = tpu.memref_slice %arg11[%dma_start3A_684, %dma_start3A_685] : memref<8x128xi32, #tpu.memory_space<vmem>> -> memref<1x128xi32, #tpu.memory_space<vmem>>
      %dma_start3A_687 = tpu.memref_squeeze %dma_start3A_686 : memref<1x128xi32, #tpu.memory_space<vmem>> -> memref<128xi32, #tpu.memory_space<vmem>>
      %dma_start3A_688 = arith.constant 0 : i32
      %dma_start3A_689 = arith.constant 0 : i32
      %dma_start3A_690 = tpu.memref_slice %arg6[%dma_start3A_688, %dma_start3A_689] : memref<10240x128xf32, #tpu.memory_space<vmem_shared>> -> memref<10240x128xf32, #tpu.memory_space<vmem_shared>>
      tpu.enqueue_indirect_dma source(%arg12 : memref<128x128xf32, #tpu.memory_space<vmem>>) target(%dma_start3A_690 : memref<10240x128xf32, #tpu.memory_space<vmem_shared>>) offsets(%dma_start3A_687 : memref<128xi32, #tpu.memory_space<vmem>>) semaphore(%arg18 : memref<!tpu.dma_semaphore, #tpu.memory_space<semaphore_mem>>) {add = true}
      %dma_start3A_691 = arith.constant 4 : i32
      %dma_start3A_692 = arith.constant 0 : i32
      %dma_start3A_693 = tpu.memref_slice %arg11[%dma_start3A_691, %dma_start3A_692] : memref<8x128xi32, #tpu.memory_space<vmem>> -> memref<1x128xi32, #tpu.memory_space<vmem>>
      %dma_start3A_694 = tpu.memref_squeeze %dma_start3A_693 : memref<1x128xi32, #tpu.memory_space<vmem>> -> memref<128xi32, #tpu.memory_space<vmem>>
      %dma_start3A_695 = arith.constant 0 : i32
      %dma_start3A_696 = tpu.memref_slice %arg7[%dma_start3A_695] : memref<10240xf32, #tpu.memory_space<vmem_shared>> -> memref<10240xf32, #tpu.memory_space<vmem_shared>>
      tpu.enqueue_indirect_dma source(%arg14 : memref<128xf32, #tpu.memory_space<vmem>>) target(%dma_start3A_696 : memref<10240xf32, #tpu.memory_space<vmem_shared>>) offsets(%dma_start3A_694 : memref<128xi32, #tpu.memory_space<vmem>>) semaphore(%arg18 : memref<!tpu.dma_semaphore, #tpu.memory_space<semaphore_mem>>) {add = true}
      %mul3A_697 = arith.constant 2 : i32
      %mul3A_698 = arith.muli %mul3A_697, %add3A_165 : i32
      %add3A_699 = arith.constant 1 : i32
      %add3A_700 = arith.addi %mul3A_698, %add3A_699 : i32
      %mul3A_701 = arith.constant 8 : i32
      %mul3A_702 = arith.muli %add3A_700, %mul3A_701 : i32
      %add3A_703 = arith.constant 5 : i32
      %add3A_704 = arith.addi %mul3A_702, %add3A_703 : i32
      %dma_wait3A_705 = arith.constant 5 : i32
      %dma_wait3A_706 = arith.constant 0 : i32
      %dma_wait3A_707 = tpu.memref_slice %arg9[%dma_wait3A_705, %dma_wait3A_706] : memref<8x128xi32, #tpu.memory_space<vmem>> -> memref<1x128xi32, #tpu.memory_space<vmem>>
      %dma_wait3A_708 = tpu.memref_squeeze %dma_wait3A_707 : memref<1x128xi32, #tpu.memory_space<vmem>> -> memref<128xi32, #tpu.memory_space<vmem>>
      %dma_wait3A_709 = arith.constant 0 : i32
      %dma_wait3A_710 = arith.constant 0 : i32
      %dma_wait3A_711 = tpu.memref_slice %arg2[%dma_wait3A_709, %dma_wait3A_710] : memref<10000x128xf32, #tpu.memory_space<hbm>> -> memref<10000x128xf32, #tpu.memory_space<hbm>>
      tpu.wait_indirect_dma semaphore(%arg17 : memref<!tpu.dma_semaphore, #tpu.memory_space<semaphore_mem>>) src(%dma_wait3A_711 : memref<10000x128xf32, #tpu.memory_space<hbm>>) dst(%arg13 : memref<128x128xf32, #tpu.memory_space<vmem>>)
      %ge3A_712 = arith.constant 1 : i32
      %ge3A_713 = arith.cmpi sge, %add3A_704, %ge3A_712 : i32
      %convert_element_type3A_714 = arith.extui %ge3A_713 : i1 to i32
      %cond3A_715 = arith.constant 0 : i32
      %cond3A_716 = arith.cmpi ne, %convert_element_type3A_714, %cond3A_715 : i32
      scf.if %cond3A_716 {
        %dma_wait3A_817 = arith.constant 4 : i32
        %dma_wait3A_818 = arith.constant 0 : i32
        %dma_wait3A_819 = tpu.memref_slice %arg11[%dma_wait3A_817, %dma_wait3A_818] : memref<8x128xi32, #tpu.memory_space<vmem>> -> memref<1x128xi32, #tpu.memory_space<vmem>>
        %dma_wait3A_820 = tpu.memref_squeeze %dma_wait3A_819 : memref<1x128xi32, #tpu.memory_space<vmem>> -> memref<128xi32, #tpu.memory_space<vmem>>
        %dma_wait3A_821 = arith.constant 0 : i32
        %dma_wait3A_822 = arith.constant 0 : i32
        %dma_wait3A_823 = tpu.memref_slice %arg6[%dma_wait3A_821, %dma_wait3A_822] : memref<10240x128xf32, #tpu.memory_space<vmem_shared>> -> memref<10240x128xf32, #tpu.memory_space<vmem_shared>>
        tpu.wait_indirect_dma semaphore(%arg18 : memref<!tpu.dma_semaphore, #tpu.memory_space<semaphore_mem>>) src(%arg12 : memref<128x128xf32, #tpu.memory_space<vmem>>) dst(%dma_wait3A_823 : memref<10240x128xf32, #tpu.memory_space<vmem_shared>>)
        %dma_wait3A_824 = arith.constant 4 : i32
        %dma_wait3A_825 = arith.constant 0 : i32
        %dma_wait3A_826 = tpu.memref_slice %arg11[%dma_wait3A_824, %dma_wait3A_825] : memref<8x128xi32, #tpu.memory_space<vmem>> -> memref<1x128xi32, #tpu.memory_space<vmem>>
        %dma_wait3A_827 = tpu.memref_squeeze %dma_wait3A_826 : memref<1x128xi32, #tpu.memory_space<vmem>> -> memref<128xi32, #tpu.memory_space<vmem>>
        %dma_wait3A_828 = arith.constant 0 : i32
        %dma_wait3A_829 = tpu.memref_slice %arg7[%dma_wait3A_828] : memref<10240xf32, #tpu.memory_space<vmem_shared>> -> memref<10240xf32, #tpu.memory_space<vmem_shared>>
        tpu.wait_indirect_dma semaphore(%arg18 : memref<!tpu.dma_semaphore, #tpu.memory_space<semaphore_mem>>) src(%arg14 : memref<128xf32, #tpu.memory_space<vmem>>) dst(%dma_wait3A_829 : memref<10240xf32, #tpu.memory_space<vmem_shared>>)
      } else {
      }
      %add3A_717 = arith.constant 1 : i32
      %add3A_718 = arith.addi %add3A_704, %add3A_717 : i32
      %lt3A_719 = arith.constant 80 : i32
      %lt3A_720 = arith.cmpi slt, %add3A_718, %lt3A_719 : i32
      %convert_element_type3A_721 = arith.extui %lt3A_720 : i1 to i32
      %cond3A_722 = arith.constant 0 : i32
      %cond3A_723 = arith.cmpi ne, %convert_element_type3A_721, %cond3A_722 : i32
      scf.if %cond3A_723 {
        %dma_start3A_817 = arith.constant 6 : i32
        %dma_start3A_818 = arith.constant 0 : i32
        %dma_start3A_819 = tpu.memref_slice %arg9[%dma_start3A_817, %dma_start3A_818] : memref<8x128xi32, #tpu.memory_space<vmem>> -> memref<1x128xi32, #tpu.memory_space<vmem>>
        %dma_start3A_820 = tpu.memref_squeeze %dma_start3A_819 : memref<1x128xi32, #tpu.memory_space<vmem>> -> memref<128xi32, #tpu.memory_space<vmem>>
        %dma_start3A_821 = arith.constant 0 : i32
        %dma_start3A_822 = arith.constant 0 : i32
        %dma_start3A_823 = tpu.memref_slice %arg2[%dma_start3A_821, %dma_start3A_822] : memref<10000x128xf32, #tpu.memory_space<hbm>> -> memref<10000x128xf32, #tpu.memory_space<hbm>>
        tpu.enqueue_indirect_dma source(%dma_start3A_823 : memref<10000x128xf32, #tpu.memory_space<hbm>>) target(%arg12 : memref<128x128xf32, #tpu.memory_space<vmem>>) offsets(%dma_start3A_820 : memref<128xi32, #tpu.memory_space<vmem>>) semaphore(%arg16 : memref<!tpu.dma_semaphore, #tpu.memory_space<semaphore_mem>>)
      } else {
      }
      %dma_start3A_724 = arith.constant 5 : i32
      %dma_start3A_725 = arith.constant 0 : i32
      %dma_start3A_726 = tpu.memref_slice %arg11[%dma_start3A_724, %dma_start3A_725] : memref<8x128xi32, #tpu.memory_space<vmem>> -> memref<1x128xi32, #tpu.memory_space<vmem>>
      %dma_start3A_727 = tpu.memref_squeeze %dma_start3A_726 : memref<1x128xi32, #tpu.memory_space<vmem>> -> memref<128xi32, #tpu.memory_space<vmem>>
      %dma_start3A_728 = arith.constant 0 : i32
      %dma_start3A_729 = arith.constant 0 : i32
      %dma_start3A_730 = tpu.memref_slice %arg6[%dma_start3A_728, %dma_start3A_729] : memref<10240x128xf32, #tpu.memory_space<vmem_shared>> -> memref<10240x128xf32, #tpu.memory_space<vmem_shared>>
      tpu.enqueue_indirect_dma source(%arg13 : memref<128x128xf32, #tpu.memory_space<vmem>>) target(%dma_start3A_730 : memref<10240x128xf32, #tpu.memory_space<vmem_shared>>) offsets(%dma_start3A_727 : memref<128xi32, #tpu.memory_space<vmem>>) semaphore(%arg19 : memref<!tpu.dma_semaphore, #tpu.memory_space<semaphore_mem>>) {add = true}
      %dma_start3A_731 = arith.constant 5 : i32
      %dma_start3A_732 = arith.constant 0 : i32
      %dma_start3A_733 = tpu.memref_slice %arg11[%dma_start3A_731, %dma_start3A_732] : memref<8x128xi32, #tpu.memory_space<vmem>> -> memref<1x128xi32, #tpu.memory_space<vmem>>
      %dma_start3A_734 = tpu.memref_squeeze %dma_start3A_733 : memref<1x128xi32, #tpu.memory_space<vmem>> -> memref<128xi32, #tpu.memory_space<vmem>>
      %dma_start3A_735 = arith.constant 0 : i32
      %dma_start3A_736 = tpu.memref_slice %arg7[%dma_start3A_735] : memref<10240xf32, #tpu.memory_space<vmem_shared>> -> memref<10240xf32, #tpu.memory_space<vmem_shared>>
      tpu.enqueue_indirect_dma source(%arg14 : memref<128xf32, #tpu.memory_space<vmem>>) target(%dma_start3A_736 : memref<10240xf32, #tpu.memory_space<vmem_shared>>) offsets(%dma_start3A_734 : memref<128xi32, #tpu.memory_space<vmem>>) semaphore(%arg19 : memref<!tpu.dma_semaphore, #tpu.memory_space<semaphore_mem>>) {add = true}
      %mul3A_737 = arith.constant 2 : i32
      %mul3A_738 = arith.muli %mul3A_737, %add3A_165 : i32
      %add3A_739 = arith.constant 1 : i32
      %add3A_740 = arith.addi %mul3A_738, %add3A_739 : i32
      %mul3A_741 = arith.constant 8 : i32
      %mul3A_742 = arith.muli %add3A_740, %mul3A_741 : i32
      %add3A_743 = arith.constant 6 : i32
      %add3A_744 = arith.addi %mul3A_742, %add3A_743 : i32
      %dma_wait3A_745 = arith.constant 6 : i32
      %dma_wait3A_746 = arith.constant 0 : i32
      %dma_wait3A_747 = tpu.memref_slice %arg9[%dma_wait3A_745, %dma_wait3A_746] : memref<8x128xi32, #tpu.memory_space<vmem>> -> memref<1x128xi32, #tpu.memory_space<vmem>>
      %dma_wait3A_748 = tpu.memref_squeeze %dma_wait3A_747 : memref<1x128xi32, #tpu.memory_space<vmem>> -> memref<128xi32, #tpu.memory_space<vmem>>
      %dma_wait3A_749 = arith.constant 0 : i32
      %dma_wait3A_750 = arith.constant 0 : i32
      %dma_wait3A_751 = tpu.memref_slice %arg2[%dma_wait3A_749, %dma_wait3A_750] : memref<10000x128xf32, #tpu.memory_space<hbm>> -> memref<10000x128xf32, #tpu.memory_space<hbm>>
      tpu.wait_indirect_dma semaphore(%arg16 : memref<!tpu.dma_semaphore, #tpu.memory_space<semaphore_mem>>) src(%dma_wait3A_751 : memref<10000x128xf32, #tpu.memory_space<hbm>>) dst(%arg12 : memref<128x128xf32, #tpu.memory_space<vmem>>)
      %ge3A_752 = arith.constant 1 : i32
      %ge3A_753 = arith.cmpi sge, %add3A_744, %ge3A_752 : i32
      %convert_element_type3A_754 = arith.extui %ge3A_753 : i1 to i32
      %cond3A_755 = arith.constant 0 : i32
      %cond3A_756 = arith.cmpi ne, %convert_element_type3A_754, %cond3A_755 : i32
      scf.if %cond3A_756 {
        %dma_wait3A_817 = arith.constant 5 : i32
        %dma_wait3A_818 = arith.constant 0 : i32
        %dma_wait3A_819 = tpu.memref_slice %arg11[%dma_wait3A_817, %dma_wait3A_818] : memref<8x128xi32, #tpu.memory_space<vmem>> -> memref<1x128xi32, #tpu.memory_space<vmem>>
        %dma_wait3A_820 = tpu.memref_squeeze %dma_wait3A_819 : memref<1x128xi32, #tpu.memory_space<vmem>> -> memref<128xi32, #tpu.memory_space<vmem>>
        %dma_wait3A_821 = arith.constant 0 : i32
        %dma_wait3A_822 = arith.constant 0 : i32
        %dma_wait3A_823 = tpu.memref_slice %arg6[%dma_wait3A_821, %dma_wait3A_822] : memref<10240x128xf32, #tpu.memory_space<vmem_shared>> -> memref<10240x128xf32, #tpu.memory_space<vmem_shared>>
        tpu.wait_indirect_dma semaphore(%arg19 : memref<!tpu.dma_semaphore, #tpu.memory_space<semaphore_mem>>) src(%arg13 : memref<128x128xf32, #tpu.memory_space<vmem>>) dst(%dma_wait3A_823 : memref<10240x128xf32, #tpu.memory_space<vmem_shared>>)
        %dma_wait3A_824 = arith.constant 5 : i32
        %dma_wait3A_825 = arith.constant 0 : i32
        %dma_wait3A_826 = tpu.memref_slice %arg11[%dma_wait3A_824, %dma_wait3A_825] : memref<8x128xi32, #tpu.memory_space<vmem>> -> memref<1x128xi32, #tpu.memory_space<vmem>>
        %dma_wait3A_827 = tpu.memref_squeeze %dma_wait3A_826 : memref<1x128xi32, #tpu.memory_space<vmem>> -> memref<128xi32, #tpu.memory_space<vmem>>
        %dma_wait3A_828 = arith.constant 0 : i32
        %dma_wait3A_829 = tpu.memref_slice %arg7[%dma_wait3A_828] : memref<10240xf32, #tpu.memory_space<vmem_shared>> -> memref<10240xf32, #tpu.memory_space<vmem_shared>>
        tpu.wait_indirect_dma semaphore(%arg19 : memref<!tpu.dma_semaphore, #tpu.memory_space<semaphore_mem>>) src(%arg14 : memref<128xf32, #tpu.memory_space<vmem>>) dst(%dma_wait3A_829 : memref<10240xf32, #tpu.memory_space<vmem_shared>>)
      } else {
      }
      %add3A_757 = arith.constant 1 : i32
      %add3A_758 = arith.addi %add3A_744, %add3A_757 : i32
      %lt3A_759 = arith.constant 80 : i32
      %lt3A_760 = arith.cmpi slt, %add3A_758, %lt3A_759 : i32
      %convert_element_type3A_761 = arith.extui %lt3A_760 : i1 to i32
      %cond3A_762 = arith.constant 0 : i32
      %cond3A_763 = arith.cmpi ne, %convert_element_type3A_761, %cond3A_762 : i32
      scf.if %cond3A_763 {
        %dma_start3A_817 = arith.constant 7 : i32
        %dma_start3A_818 = arith.constant 0 : i32
        %dma_start3A_819 = tpu.memref_slice %arg9[%dma_start3A_817, %dma_start3A_818] : memref<8x128xi32, #tpu.memory_space<vmem>> -> memref<1x128xi32, #tpu.memory_space<vmem>>
        %dma_start3A_820 = tpu.memref_squeeze %dma_start3A_819 : memref<1x128xi32, #tpu.memory_space<vmem>> -> memref<128xi32, #tpu.memory_space<vmem>>
        %dma_start3A_821 = arith.constant 0 : i32
        %dma_start3A_822 = arith.constant 0 : i32
        %dma_start3A_823 = tpu.memref_slice %arg2[%dma_start3A_821, %dma_start3A_822] : memref<10000x128xf32, #tpu.memory_space<hbm>> -> memref<10000x128xf32, #tpu.memory_space<hbm>>
        tpu.enqueue_indirect_dma source(%dma_start3A_823 : memref<10000x128xf32, #tpu.memory_space<hbm>>) target(%arg13 : memref<128x128xf32, #tpu.memory_space<vmem>>) offsets(%dma_start3A_820 : memref<128xi32, #tpu.memory_space<vmem>>) semaphore(%arg17 : memref<!tpu.dma_semaphore, #tpu.memory_space<semaphore_mem>>)
      } else {
      }
      %dma_start3A_764 = arith.constant 6 : i32
      %dma_start3A_765 = arith.constant 0 : i32
      %dma_start3A_766 = tpu.memref_slice %arg11[%dma_start3A_764, %dma_start3A_765] : memref<8x128xi32, #tpu.memory_space<vmem>> -> memref<1x128xi32, #tpu.memory_space<vmem>>
      %dma_start3A_767 = tpu.memref_squeeze %dma_start3A_766 : memref<1x128xi32, #tpu.memory_space<vmem>> -> memref<128xi32, #tpu.memory_space<vmem>>
      %dma_start3A_768 = arith.constant 0 : i32
      %dma_start3A_769 = arith.constant 0 : i32
      %dma_start3A_770 = tpu.memref_slice %arg6[%dma_start3A_768, %dma_start3A_769] : memref<10240x128xf32, #tpu.memory_space<vmem_shared>> -> memref<10240x128xf32, #tpu.memory_space<vmem_shared>>
      tpu.enqueue_indirect_dma source(%arg12 : memref<128x128xf32, #tpu.memory_space<vmem>>) target(%dma_start3A_770 : memref<10240x128xf32, #tpu.memory_space<vmem_shared>>) offsets(%dma_start3A_767 : memref<128xi32, #tpu.memory_space<vmem>>) semaphore(%arg18 : memref<!tpu.dma_semaphore, #tpu.memory_space<semaphore_mem>>) {add = true}
      %dma_start3A_771 = arith.constant 6 : i32
      %dma_start3A_772 = arith.constant 0 : i32
      %dma_start3A_773 = tpu.memref_slice %arg11[%dma_start3A_771, %dma_start3A_772] : memref<8x128xi32, #tpu.memory_space<vmem>> -> memref<1x128xi32, #tpu.memory_space<vmem>>
      %dma_start3A_774 = tpu.memref_squeeze %dma_start3A_773 : memref<1x128xi32, #tpu.memory_space<vmem>> -> memref<128xi32, #tpu.memory_space<vmem>>
      %dma_start3A_775 = arith.constant 0 : i32
      %dma_start3A_776 = tpu.memref_slice %arg7[%dma_start3A_775] : memref<10240xf32, #tpu.memory_space<vmem_shared>> -> memref<10240xf32, #tpu.memory_space<vmem_shared>>
      tpu.enqueue_indirect_dma source(%arg14 : memref<128xf32, #tpu.memory_space<vmem>>) target(%dma_start3A_776 : memref<10240xf32, #tpu.memory_space<vmem_shared>>) offsets(%dma_start3A_774 : memref<128xi32, #tpu.memory_space<vmem>>) semaphore(%arg18 : memref<!tpu.dma_semaphore, #tpu.memory_space<semaphore_mem>>) {add = true}
      %mul3A_777 = arith.constant 2 : i32
      %mul3A_778 = arith.muli %mul3A_777, %add3A_165 : i32
      %add3A_779 = arith.constant 1 : i32
      %add3A_780 = arith.addi %mul3A_778, %add3A_779 : i32
      %mul3A_781 = arith.constant 8 : i32
      %mul3A_782 = arith.muli %add3A_780, %mul3A_781 : i32
      %add3A_783 = arith.constant 7 : i32
      %add3A_784 = arith.addi %mul3A_782, %add3A_783 : i32
      %dma_wait3A_785 = arith.constant 7 : i32
      %dma_wait3A_786 = arith.constant 0 : i32
      %dma_wait3A_787 = tpu.memref_slice %arg9[%dma_wait3A_785, %dma_wait3A_786] : memref<8x128xi32, #tpu.memory_space<vmem>> -> memref<1x128xi32, #tpu.memory_space<vmem>>
      %dma_wait3A_788 = tpu.memref_squeeze %dma_wait3A_787 : memref<1x128xi32, #tpu.memory_space<vmem>> -> memref<128xi32, #tpu.memory_space<vmem>>
      %dma_wait3A_789 = arith.constant 0 : i32
      %dma_wait3A_790 = arith.constant 0 : i32
      %dma_wait3A_791 = tpu.memref_slice %arg2[%dma_wait3A_789, %dma_wait3A_790] : memref<10000x128xf32, #tpu.memory_space<hbm>> -> memref<10000x128xf32, #tpu.memory_space<hbm>>
      tpu.wait_indirect_dma semaphore(%arg17 : memref<!tpu.dma_semaphore, #tpu.memory_space<semaphore_mem>>) src(%dma_wait3A_791 : memref<10000x128xf32, #tpu.memory_space<hbm>>) dst(%arg13 : memref<128x128xf32, #tpu.memory_space<vmem>>)
      %ge3A_792 = arith.constant 1 : i32
      %ge3A_793 = arith.cmpi sge, %add3A_784, %ge3A_792 : i32
      %convert_element_type3A_794 = arith.extui %ge3A_793 : i1 to i32
      %cond3A_795 = arith.constant 0 : i32
      %cond3A_796 = arith.cmpi ne, %convert_element_type3A_794, %cond3A_795 : i32
      scf.if %cond3A_796 {
        %dma_wait3A_817 = arith.constant 6 : i32
        %dma_wait3A_818 = arith.constant 0 : i32
        %dma_wait3A_819 = tpu.memref_slice %arg11[%dma_wait3A_817, %dma_wait3A_818] : memref<8x128xi32, #tpu.memory_space<vmem>> -> memref<1x128xi32, #tpu.memory_space<vmem>>
        %dma_wait3A_820 = tpu.memref_squeeze %dma_wait3A_819 : memref<1x128xi32, #tpu.memory_space<vmem>> -> memref<128xi32, #tpu.memory_space<vmem>>
        %dma_wait3A_821 = arith.constant 0 : i32
        %dma_wait3A_822 = arith.constant 0 : i32
        %dma_wait3A_823 = tpu.memref_slice %arg6[%dma_wait3A_821, %dma_wait3A_822] : memref<10240x128xf32, #tpu.memory_space<vmem_shared>> -> memref<10240x128xf32, #tpu.memory_space<vmem_shared>>
        tpu.wait_indirect_dma semaphore(%arg18 : memref<!tpu.dma_semaphore, #tpu.memory_space<semaphore_mem>>) src(%arg12 : memref<128x128xf32, #tpu.memory_space<vmem>>) dst(%dma_wait3A_823 : memref<10240x128xf32, #tpu.memory_space<vmem_shared>>)
        %dma_wait3A_824 = arith.constant 6 : i32
        %dma_wait3A_825 = arith.constant 0 : i32
        %dma_wait3A_826 = tpu.memref_slice %arg11[%dma_wait3A_824, %dma_wait3A_825] : memref<8x128xi32, #tpu.memory_space<vmem>> -> memref<1x128xi32, #tpu.memory_space<vmem>>
        %dma_wait3A_827 = tpu.memref_squeeze %dma_wait3A_826 : memref<1x128xi32, #tpu.memory_space<vmem>> -> memref<128xi32, #tpu.memory_space<vmem>>
        %dma_wait3A_828 = arith.constant 0 : i32
        %dma_wait3A_829 = tpu.memref_slice %arg7[%dma_wait3A_828] : memref<10240xf32, #tpu.memory_space<vmem_shared>> -> memref<10240xf32, #tpu.memory_space<vmem_shared>>
        tpu.wait_indirect_dma semaphore(%arg18 : memref<!tpu.dma_semaphore, #tpu.memory_space<semaphore_mem>>) src(%arg14 : memref<128xf32, #tpu.memory_space<vmem>>) dst(%dma_wait3A_829 : memref<10240xf32, #tpu.memory_space<vmem_shared>>)
      } else {
      }
      %add3A_797 = arith.constant 1 : i32
      %add3A_798 = arith.addi %add3A_784, %add3A_797 : i32
      %lt3A_799 = arith.constant 80 : i32
      %lt3A_800 = arith.cmpi slt, %add3A_798, %lt3A_799 : i32
      %convert_element_type3A_801 = arith.extui %lt3A_800 : i1 to i32
      %cond3A_802 = arith.constant 0 : i32
      %cond3A_803 = arith.cmpi ne, %convert_element_type3A_801, %cond3A_802 : i32
      scf.if %cond3A_803 {
        %dma_wait3A_817 = arith.constant 0 : i32
        %dma_wait3A_818 = arith.constant 0 : i32
        %dma_wait3A_819 = arith.constant 0 : i32
        %dma_wait3A_820 = arith.constant 0 : i32
        %dma_wait3A_821 = tpu.memref_slice %arg3[%dma_wait3A_817, %add3A, %dma_wait3A_818, %dma_wait3A_819, %dma_wait3A_820] : memref<2x32x10x8x128xi32, #tpu.memory_space<hbm>> -> memref<1x1x1x8x128xi32, #tpu.memory_space<hbm>>
        %dma_wait3A_822 = tpu.memref_squeeze %dma_wait3A_821 : memref<1x1x1x8x128xi32, #tpu.memory_space<hbm>> -> memref<8x128xi32, #tpu.memory_space<hbm>>
        %dma_wait3A_823 = arith.constant 0 : i32
        %dma_wait3A_824 = arith.constant 0 : i32
        %dma_wait3A_825 = tpu.memref_slice %arg3[%dma_wait3A_817, %add3A, %dma_wait3A_818, %dma_wait3A_823, %dma_wait3A_824] : memref<2x32x10x8x128xi32, #tpu.memory_space<hbm>> -> memref<1x1x1x8x128xi32, #tpu.memory_space<hbm>>
        %dma_wait3A_826 = tpu.memref_squeeze %dma_wait3A_825 : memref<1x1x1x8x128xi32, #tpu.memory_space<hbm>> -> memref<8x128xi32, #tpu.memory_space<hbm>>
        tpu.wait_dma2 semaphore(%arg20 : memref<!tpu.dma_semaphore, #tpu.memory_space<semaphore_mem>>) src(%dma_wait3A_826 : memref<8x128xi32, #tpu.memory_space<hbm>>) dst(%arg8 : memref<8x128xi32, #tpu.memory_space<vmem>>)
        %dma_wait3A_827 = arith.constant 1 : i32
        %dma_wait3A_828 = arith.constant 0 : i32
        %dma_wait3A_829 = arith.constant 0 : i32
        %dma_wait3A_830 = arith.constant 0 : i32
        %dma_wait3A_831 = tpu.memref_slice %arg3[%dma_wait3A_827, %add3A, %dma_wait3A_828, %dma_wait3A_829, %dma_wait3A_830] : memref<2x32x10x8x128xi32, #tpu.memory_space<hbm>> -> memref<1x1x1x8x128xi32, #tpu.memory_space<hbm>>
        %dma_wait3A_832 = tpu.memref_squeeze %dma_wait3A_831 : memref<1x1x1x8x128xi32, #tpu.memory_space<hbm>> -> memref<8x128xi32, #tpu.memory_space<hbm>>
        %dma_wait3A_833 = arith.constant 0 : i32
        %dma_wait3A_834 = arith.constant 0 : i32
        %dma_wait3A_835 = tpu.memref_slice %arg3[%dma_wait3A_827, %add3A, %dma_wait3A_828, %dma_wait3A_833, %dma_wait3A_834] : memref<2x32x10x8x128xi32, #tpu.memory_space<hbm>> -> memref<1x1x1x8x128xi32, #tpu.memory_space<hbm>>
        %dma_wait3A_836 = tpu.memref_squeeze %dma_wait3A_835 : memref<1x1x1x8x128xi32, #tpu.memory_space<hbm>> -> memref<8x128xi32, #tpu.memory_space<hbm>>
        tpu.wait_dma2 semaphore(%arg20 : memref<!tpu.dma_semaphore, #tpu.memory_space<semaphore_mem>>) src(%dma_wait3A_836 : memref<8x128xi32, #tpu.memory_space<hbm>>) dst(%arg10 : memref<8x128xi32, #tpu.memory_space<vmem>>)
        %dma_start3A_837 = arith.constant 0 : i32
        %dma_start3A_838 = arith.constant 0 : i32
        %dma_start3A_839 = tpu.memref_slice %arg8[%dma_start3A_837, %dma_start3A_838] : memref<8x128xi32, #tpu.memory_space<vmem>> -> memref<1x128xi32, #tpu.memory_space<vmem>>
        %dma_start3A_840 = tpu.memref_squeeze %dma_start3A_839 : memref<1x128xi32, #tpu.memory_space<vmem>> -> memref<128xi32, #tpu.memory_space<vmem>>
        %dma_start3A_841 = arith.constant 0 : i32
        %dma_start3A_842 = arith.constant 0 : i32
        %dma_start3A_843 = tpu.memref_slice %arg2[%dma_start3A_841, %dma_start3A_842] : memref<10000x128xf32, #tpu.memory_space<hbm>> -> memref<10000x128xf32, #tpu.memory_space<hbm>>
        tpu.enqueue_indirect_dma source(%dma_start3A_843 : memref<10000x128xf32, #tpu.memory_space<hbm>>) target(%arg12 : memref<128x128xf32, #tpu.memory_space<vmem>>) offsets(%dma_start3A_840 : memref<128xi32, #tpu.memory_space<vmem>>) semaphore(%arg16 : memref<!tpu.dma_semaphore, #tpu.memory_space<semaphore_mem>>)
      } else {
      }
      %dma_start3A_804 = arith.constant 7 : i32
      %dma_start3A_805 = arith.constant 0 : i32
      %dma_start3A_806 = tpu.memref_slice %arg11[%dma_start3A_804, %dma_start3A_805] : memref<8x128xi32, #tpu.memory_space<vmem>> -> memref<1x128xi32, #tpu.memory_space<vmem>>
      %dma_start3A_807 = tpu.memref_squeeze %dma_start3A_806 : memref<1x128xi32, #tpu.memory_space<vmem>> -> memref<128xi32, #tpu.memory_space<vmem>>
      %dma_start3A_808 = arith.constant 0 : i32
      %dma_start3A_809 = arith.constant 0 : i32
      %dma_start3A_810 = tpu.memref_slice %arg6[%dma_start3A_808, %dma_start3A_809] : memref<10240x128xf32, #tpu.memory_space<vmem_shared>> -> memref<10240x128xf32, #tpu.memory_space<vmem_shared>>
      tpu.enqueue_indirect_dma source(%arg13 : memref<128x128xf32, #tpu.memory_space<vmem>>) target(%dma_start3A_810 : memref<10240x128xf32, #tpu.memory_space<vmem_shared>>) offsets(%dma_start3A_807 : memref<128xi32, #tpu.memory_space<vmem>>) semaphore(%arg19 : memref<!tpu.dma_semaphore, #tpu.memory_space<semaphore_mem>>) {add = true}
      %dma_start3A_811 = arith.constant 7 : i32
      %dma_start3A_812 = arith.constant 0 : i32
      %dma_start3A_813 = tpu.memref_slice %arg11[%dma_start3A_811, %dma_start3A_812] : memref<8x128xi32, #tpu.memory_space<vmem>> -> memref<1x128xi32, #tpu.memory_space<vmem>>
      %dma_start3A_814 = tpu.memref_squeeze %dma_start3A_813 : memref<1x128xi32, #tpu.memory_space<vmem>> -> memref<128xi32, #tpu.memory_space<vmem>>
      %dma_start3A_815 = arith.constant 0 : i32
      %dma_start3A_816 = tpu.memref_slice %arg7[%dma_start3A_815] : memref<10240xf32, #tpu.memory_space<vmem_shared>> -> memref<10240xf32, #tpu.memory_space<vmem_shared>>
      tpu.enqueue_indirect_dma source(%arg14 : memref<128xf32, #tpu.memory_space<vmem>>) target(%dma_start3A_816 : memref<10240xf32, #tpu.memory_space<vmem_shared>>) offsets(%dma_start3A_814 : memref<128xi32, #tpu.memory_space<vmem>>) semaphore(%arg19 : memref<!tpu.dma_semaphore, #tpu.memory_space<semaphore_mem>>) {add = true}
    }
    %scan3A_135 = arith.constant 5 : i32
    %dma_wait3A_136 = arith.constant 7 : i32
    %dma_wait3A_137 = arith.constant 0 : i32
    %dma_wait3A_138 = tpu.memref_slice %arg11[%dma_wait3A_136, %dma_wait3A_137] : memref<8x128xi32, #tpu.memory_space<vmem>> -> memref<1x128xi32, #tpu.memory_space<vmem>>
    %dma_wait3A_139 = tpu.memref_squeeze %dma_wait3A_138 : memref<1x128xi32, #tpu.memory_space<vmem>> -> memref<128xi32, #tpu.memory_space<vmem>>
    %dma_wait3A_140 = arith.constant 0 : i32
    %dma_wait3A_141 = arith.constant 0 : i32
    %dma_wait3A_142 = tpu.memref_slice %arg6[%dma_wait3A_140, %dma_wait3A_141] : memref<10240x128xf32, #tpu.memory_space<vmem_shared>> -> memref<10240x128xf32, #tpu.memory_space<vmem_shared>>
    tpu.wait_indirect_dma semaphore(%arg19 : memref<!tpu.dma_semaphore, #tpu.memory_space<semaphore_mem>>) src(%arg13 : memref<128x128xf32, #tpu.memory_space<vmem>>) dst(%dma_wait3A_142 : memref<10240x128xf32, #tpu.memory_space<vmem_shared>>)
    %dma_wait3A_143 = arith.constant 7 : i32
    %dma_wait3A_144 = arith.constant 0 : i32
    %dma_wait3A_145 = tpu.memref_slice %arg11[%dma_wait3A_143, %dma_wait3A_144] : memref<8x128xi32, #tpu.memory_space<vmem>> -> memref<1x128xi32, #tpu.memory_space<vmem>>
    %dma_wait3A_146 = tpu.memref_squeeze %dma_wait3A_145 : memref<1x128xi32, #tpu.memory_space<vmem>> -> memref<128xi32, #tpu.memory_space<vmem>>
    %dma_wait3A_147 = arith.constant 0 : i32
    %dma_wait3A_148 = tpu.memref_slice %arg7[%dma_wait3A_147] : memref<10240xf32, #tpu.memory_space<vmem_shared>> -> memref<10240xf32, #tpu.memory_space<vmem_shared>>
    tpu.wait_indirect_dma semaphore(%arg19 : memref<!tpu.dma_semaphore, #tpu.memory_space<semaphore_mem>>) src(%arg14 : memref<128xf32, #tpu.memory_space<vmem>>) dst(%dma_wait3A_148 : memref<10240xf32, #tpu.memory_space<vmem_shared>>)
    %barrier3A_149 = arith.constant 0 : index
    tpu.barrier barrier_id(%barrier3A_149)
    %mul3A_150 = arith.constant 640 : i32
    %mul3A_151 = arith.muli %arg1, %mul3A_150 : i32
    %mul3A_152 = arith.constant 640 : i32
    %mul3A_153 = arith.muli %arg1, %mul3A_152 : i32
    "tpu.region"() ({
      %run_scoped3A = tpu.sem_alloc : memref<!tpu.dma_semaphore, #tpu.memory_space<semaphore_mem>>
      %dma_start3A_161 = arith.constant 0 : i32
      %dma_start3A_162 = tpu.memref_slice %arg4[%arg0, %mul3A_153, %dma_start3A_161] : memref<2x10240x128xf32, #tpu.memory_space<hbm>> -> memref<1x640x128xf32, #tpu.memory_space<hbm>>
      %dma_start3A_163 = tpu.memref_squeeze %dma_start3A_162 : memref<1x640x128xf32, #tpu.memory_space<hbm>> -> memref<640x128xf32, #tpu.memory_space<hbm>>
      %dma_start3A_164 = arith.constant 0 : i32
      %dma_start3A_165 = tpu.memref_slice %arg6[%mul3A_151, %dma_start3A_164] : memref<10240x128xf32, #tpu.memory_space<vmem_shared>> -> memref<640x128xf32, #tpu.memory_space<vmem_shared>>
      tpu.enqueue_dma source(%dma_start3A_165 : memref<640x128xf32, #tpu.memory_space<vmem_shared>>) target(%dma_start3A_163 : memref<640x128xf32, #tpu.memory_space<hbm>>) target_semaphore(%run_scoped3A : memref<!tpu.dma_semaphore, #tpu.memory_space<semaphore_mem>>)
      %dma_wait3A_166 = arith.constant 0 : i32
      %dma_wait3A_167 = tpu.memref_slice %arg4[%arg0, %mul3A_153, %dma_wait3A_166] : memref<2x10240x128xf32, #tpu.memory_space<hbm>> -> memref<1x640x128xf32, #tpu.memory_space<hbm>>
      %dma_wait3A_168 = tpu.memref_squeeze %dma_wait3A_167 : memref<1x640x128xf32, #tpu.memory_space<hbm>> -> memref<640x128xf32, #tpu.memory_space<hbm>>
      %dma_wait3A_169 = arith.constant 0 : i32
      %dma_wait3A_170 = tpu.memref_slice %arg6[%mul3A_151, %dma_wait3A_169] : memref<10240x128xf32, #tpu.memory_space<vmem_shared>> -> memref<640x128xf32, #tpu.memory_space<vmem_shared>>
      tpu.wait_dma2 semaphore(%run_scoped3A : memref<!tpu.dma_semaphore, #tpu.memory_space<semaphore_mem>>) src(%dma_wait3A_170 : memref<640x128xf32, #tpu.memory_space<vmem_shared>>) dst(%dma_wait3A_168 : memref<640x128xf32, #tpu.memory_space<hbm>>)
      tpu.yield
    }) : () -> ()
    %mul3A_154 = arith.constant 640 : i32
    %mul3A_155 = arith.muli %arg1, %mul3A_154 : i32
    %mul3A_156 = arith.constant 10240 : i32
    %mul3A_157 = arith.muli %arg0, %mul3A_156 : i32
    %mul3A_158 = arith.constant 640 : i32
    %mul3A_159 = arith.muli %arg1, %mul3A_158 : i32
    %add3A_160 = arith.addi %mul3A_157, %mul3A_159 : i32
    "tpu.region"() ({
      %run_scoped3A = tpu.sem_alloc : memref<!tpu.dma_semaphore, #tpu.memory_space<semaphore_mem>>
      %dma_start3A_161 = tpu.memref_slice %arg5[%add3A_160] : memref<20480xf32, #tpu.memory_space<hbm>> -> memref<640xf32, #tpu.memory_space<hbm>>
      %dma_start3A_162 = tpu.memref_slice %arg7[%mul3A_155] : memref<10240xf32, #tpu.memory_space<vmem_shared>> -> memref<640xf32, #tpu.memory_space<vmem_shared>>
      tpu.enqueue_dma source(%dma_start3A_162 : memref<640xf32, #tpu.memory_space<vmem_shared>>) target(%dma_start3A_161 : memref<640xf32, #tpu.memory_space<hbm>>) target_semaphore(%run_scoped3A : memref<!tpu.dma_semaphore, #tpu.memory_space<semaphore_mem>>)
      %dma_wait3A_163 = tpu.memref_slice %arg5[%add3A_160] : memref<20480xf32, #tpu.memory_space<hbm>> -> memref<640xf32, #tpu.memory_space<hbm>>
      %dma_wait3A_164 = tpu.memref_slice %arg7[%mul3A_155] : memref<10240xf32, #tpu.memory_space<vmem_shared>> -> memref<640xf32, #tpu.memory_space<vmem_shared>>
      tpu.wait_dma2 semaphore(%run_scoped3A : memref<!tpu.dma_semaphore, #tpu.memory_space<semaphore_mem>>) src(%dma_wait3A_164 : memref<640xf32, #tpu.memory_space<vmem_shared>>) dst(%dma_wait3A_163 : memref<640xf32, #tpu.memory_space<hbm>>)
      tpu.yield
    }) : () -> ()
    return
  }
}

#map = affine_map<(d0, d1) -> (0, 0)>
#map1 = affine_map<(d0, d1) -> (0, 0, 0, 0, 0)>
#map2 = affine_map<(d0, d1) -> (0, 0, 0)>
module attributes {stable_mosaic.version = 14 : i64} {
  func.func @_seg_body(%arg0: i32, %arg1: i32, %arg2: memref<10000x128xf32, #tpu.memory_space<hbm>>, %arg3: memref<2x32x10x8x128xi32, #tpu.memory_space<hbm>>, %arg4: memref<2x10240x128xf32, #tpu.memory_space<hbm>>, %arg5: memref<10240x128xf32, #tpu.memory_space<vmem_shared>>, %arg6: memref<8x128xi32, #tpu.memory_space<vmem>>, %arg7: memref<8x128xi32, #tpu.memory_space<vmem>>, %arg8: memref<8x128xi32, #tpu.memory_space<vmem>>, %arg9: memref<8x128xi32, #tpu.memory_space<vmem>>, %arg10: memref<128x128xf32, #tpu.memory_space<vmem>>, %arg11: memref<128x128xf32, #tpu.memory_space<vmem>>, %arg12: memref<!tpu.dma_semaphore, #tpu.memory_space<semaphore_mem>>, %arg13: memref<!tpu.dma_semaphore, #tpu.memory_space<semaphore_mem>>, %arg14: memref<!tpu.dma_semaphore, #tpu.memory_space<semaphore_mem>>, %arg15: memref<!tpu.dma_semaphore, #tpu.memory_space<semaphore_mem>>, %arg16: memref<!tpu.dma_semaphore, #tpu.memory_space<semaphore_mem>>, %arg17: memref<!tpu.dma_semaphore, #tpu.memory_space<semaphore_mem>>) attributes {dimension_semantics = [#tpu.dimension_semantics<core_parallel>, #tpu.dimension_semantics<subcore_parallel>], iteration_bounds = array<i64: 2, 16>, scalar_prefetch = 0 : i64, scratch_operands = 13 : i64, tpu.core_type = #tpu.core_type<sc_vector_subcore>, window_params = [{transform_indices = #map}, {transform_indices = #map1}, {transform_indices = #map2}]} {
    %broadcast_in_dim3A = arith.constant 0.000000e+00 : f32
    %broadcast_in_dim3A_0 = vector.broadcast %broadcast_in_dim3A : f32 to vector<16xf32>
    %broadcast_in_dim3A_1 = arith.constant 1.000000e+00 : f32
    %broadcast_in_dim3A_2 = vector.broadcast %broadcast_in_dim3A_1 : f32 to vector<16xf32>
    %mul3A = arith.constant 2 : i32
    %mul3A_3 = arith.muli %arg1, %mul3A : i32
    %add3A = arith.addi %mul3A_3, %arg0 : i32
    %scan3A = arith.constant 0 : i32
    %scan3A_4 = arith.constant 128 : i32
    %scan3A_5 = arith.addi %scan3A, %scan3A_4 : i32
    %scan3A_6 = arith.constant 1 : i32
    scf.for %scan3A_110 = %scan3A to %scan3A_5 step %scan3A_6  : i32 {
      %mul3A_111 = arith.constant 1 : i32
      %mul3A_112 = arith.muli %scan3A_110, %mul3A_111 : i32
      %add3A_113 = arith.constant 0 : i32
      %add3A_114 = arith.addi %add3A_113, %mul3A_112 : i32
      %swap3A = arith.index_cast %add3A_114 : i32 to index
      %swap3A_115 = arith.constant 0 : index
      %swap3A_116 = tpu.vector_load %arg10[%swap3A, %swap3A_115] {strides = array<i32>} : memref<128x128xf32, #tpu.memory_space<vmem>>, vector<1x16xf32>,
      %swap3A_117 = vector.shape_cast %swap3A_116 : vector<1x16xf32> to vector<16xf32>
      %swap3A_118 = vector.shape_cast %broadcast_in_dim3A_0 : vector<16xf32> to vector<1x16xf32>
      tpu.vector_store %arg10[%swap3A, %swap3A_115], %swap3A_118 {strides = array<i32>} : memref<128x128xf32, #tpu.memory_space<vmem>>, vector<1x16xf32>,
      %swap3A_119 = arith.index_cast %add3A_114 : i32 to index
      %swap3A_120 = arith.constant 16 : index
      %swap3A_121 = tpu.vector_load %arg10[%swap3A_119, %swap3A_120] {strides = array<i32>} : memref<128x128xf32, #tpu.memory_space<vmem>>, vector<1x16xf32>,
      %swap3A_122 = vector.shape_cast %swap3A_121 : vector<1x16xf32> to vector<16xf32>
      %swap3A_123 = vector.shape_cast %broadcast_in_dim3A_0 : vector<16xf32> to vector<1x16xf32>
      tpu.vector_store %arg10[%swap3A_119, %swap3A_120], %swap3A_123 {strides = array<i32>} : memref<128x128xf32, #tpu.memory_space<vmem>>, vector<1x16xf32>,
      %swap3A_124 = arith.index_cast %add3A_114 : i32 to index
      %swap3A_125 = arith.constant 32 : index
      %swap3A_126 = tpu.vector_load %arg10[%swap3A_124, %swap3A_125] {strides = array<i32>} : memref<128x128xf32, #tpu.memory_space<vmem>>, vector<1x16xf32>,
      %swap3A_127 = vector.shape_cast %swap3A_126 : vector<1x16xf32> to vector<16xf32>
      %swap3A_128 = vector.shape_cast %broadcast_in_dim3A_0 : vector<16xf32> to vector<1x16xf32>
      tpu.vector_store %arg10[%swap3A_124, %swap3A_125], %swap3A_128 {strides = array<i32>} : memref<128x128xf32, #tpu.memory_space<vmem>>, vector<1x16xf32>,
      %swap3A_129 = arith.index_cast %add3A_114 : i32 to index
      %swap3A_130 = arith.constant 48 : index
      %swap3A_131 = tpu.vector_load %arg10[%swap3A_129, %swap3A_130] {strides = array<i32>} : memref<128x128xf32, #tpu.memory_space<vmem>>, vector<1x16xf32>,
      %swap3A_132 = vector.shape_cast %swap3A_131 : vector<1x16xf32> to vector<16xf32>
      %swap3A_133 = vector.shape_cast %broadcast_in_dim3A_0 : vector<16xf32> to vector<1x16xf32>
      tpu.vector_store %arg10[%swap3A_129, %swap3A_130], %swap3A_133 {strides = array<i32>} : memref<128x128xf32, #tpu.memory_space<vmem>>, vector<1x16xf32>,
      %swap3A_134 = arith.index_cast %add3A_114 : i32 to index
      %swap3A_135 = arith.constant 64 : index
      %swap3A_136 = tpu.vector_load %arg10[%swap3A_134, %swap3A_135] {strides = array<i32>} : memref<128x128xf32, #tpu.memory_space<vmem>>, vector<1x16xf32>,
      %swap3A_137 = vector.shape_cast %swap3A_136 : vector<1x16xf32> to vector<16xf32>
      %swap3A_138 = vector.shape_cast %broadcast_in_dim3A_0 : vector<16xf32> to vector<1x16xf32>
      tpu.vector_store %arg10[%swap3A_134, %swap3A_135], %swap3A_138 {strides = array<i32>} : memref<128x128xf32, #tpu.memory_space<vmem>>, vector<1x16xf32>,
      %swap3A_139 = arith.index_cast %add3A_114 : i32 to index
      %swap3A_140 = arith.constant 80 : index
      %swap3A_141 = tpu.vector_load %arg10[%swap3A_139, %swap3A_140] {strides = array<i32>} : memref<128x128xf32, #tpu.memory_space<vmem>>, vector<1x16xf32>,
      %swap3A_142 = vector.shape_cast %swap3A_141 : vector<1x16xf32> to vector<16xf32>
      %swap3A_143 = vector.shape_cast %broadcast_in_dim3A_0 : vector<16xf32> to vector<1x16xf32>
      tpu.vector_store %arg10[%swap3A_139, %swap3A_140], %swap3A_143 {strides = array<i32>} : memref<128x128xf32, #tpu.memory_space<vmem>>, vector<1x16xf32>,
      %swap3A_144 = arith.index_cast %add3A_114 : i32 to index
      %swap3A_145 = arith.constant 96 : index
      %swap3A_146 = tpu.vector_load %arg10[%swap3A_144, %swap3A_145] {strides = array<i32>} : memref<128x128xf32, #tpu.memory_space<vmem>>, vector<1x16xf32>,
      %swap3A_147 = vector.shape_cast %swap3A_146 : vector<1x16xf32> to vector<16xf32>
      %swap3A_148 = vector.shape_cast %broadcast_in_dim3A_0 : vector<16xf32> to vector<1x16xf32>
      tpu.vector_store %arg10[%swap3A_144, %swap3A_145], %swap3A_148 {strides = array<i32>} : memref<128x128xf32, #tpu.memory_space<vmem>>, vector<1x16xf32>,
      %swap3A_149 = arith.index_cast %add3A_114 : i32 to index
      %swap3A_150 = arith.constant 112 : index
      %swap3A_151 = tpu.vector_load %arg10[%swap3A_149, %swap3A_150] {strides = array<i32>} : memref<128x128xf32, #tpu.memory_space<vmem>>, vector<1x16xf32>,
      %swap3A_152 = vector.shape_cast %swap3A_151 : vector<1x16xf32> to vector<16xf32>
      %swap3A_153 = vector.shape_cast %broadcast_in_dim3A_0 : vector<16xf32> to vector<1x16xf32>
      tpu.vector_store %arg10[%swap3A_149, %swap3A_150], %swap3A_153 {strides = array<i32>} : memref<128x128xf32, #tpu.memory_space<vmem>>, vector<1x16xf32>,
    }
    %scan3A_7 = arith.constant 128 : i32
    %mul3A_8 = arith.constant 640 : i32
    %mul3A_9 = arith.muli %arg1, %mul3A_8 : i32
    %add3A_10 = arith.constant 0 : i32
    %add3A_11 = arith.addi %mul3A_9, %add3A_10 : i32
    "tpu.region"() ({
      %run_scoped3A = tpu.sem_alloc : memref<!tpu.dma_semaphore, #tpu.memory_space<semaphore_mem>>
      %dma_start3A_110 = arith.constant 0 : i32
      %dma_start3A_111 = tpu.memref_slice %arg5[%add3A_11, %dma_start3A_110] : memref<10240x128xf32, #tpu.memory_space<vmem_shared>> -> memref<128x128xf32, #tpu.memory_space<vmem_shared>>
      %dma_start3A_112 = arith.constant 0 : i32
      %dma_start3A_113 = tpu.memref_slice %arg5[%add3A_11, %dma_start3A_112] : memref<10240x128xf32, #tpu.memory_space<vmem_shared>> -> memref<128x128xf32, #tpu.memory_space<vmem_shared>>
      tpu.enqueue_dma source(%arg10 : memref<128x128xf32, #tpu.memory_space<vmem>>) target(%dma_start3A_113 : memref<128x128xf32, #tpu.memory_space<vmem_shared>>) target_semaphore(%run_scoped3A : memref<!tpu.dma_semaphore, #tpu.memory_space<semaphore_mem>>)
      %dma_wait3A_114 = arith.constant 0 : i32
      %dma_wait3A_115 = tpu.memref_slice %arg5[%add3A_11, %dma_wait3A_114] : memref<10240x128xf32, #tpu.memory_space<vmem_shared>> -> memref<128x128xf32, #tpu.memory_space<vmem_shared>>
      %dma_wait3A_116 = arith.constant 0 : i32
      %dma_wait3A_117 = tpu.memref_slice %arg5[%add3A_11, %dma_wait3A_116] : memref<10240x128xf32, #tpu.memory_space<vmem_shared>> -> memref<128x128xf32, #tpu.memory_space<vmem_shared>>
      tpu.wait_dma2 semaphore(%run_scoped3A : memref<!tpu.dma_semaphore, #tpu.memory_space<semaphore_mem>>) src(%arg10 : memref<128x128xf32, #tpu.memory_space<vmem>>) dst(%dma_wait3A_117 : memref<128x128xf32, #tpu.memory_space<vmem_shared>>)
      tpu.yield
    }) : () -> ()
    %mul3A_12 = arith.constant 640 : i32
    %mul3A_13 = arith.muli %arg1, %mul3A_12 : i32
    %add3A_14 = arith.constant 128 : i32
    %add3A_15 = arith.addi %mul3A_13, %add3A_14 : i32
    "tpu.region"() ({
      %run_scoped3A = tpu.sem_alloc : memref<!tpu.dma_semaphore, #tpu.memory_space<semaphore_mem>>
      %dma_start3A_110 = arith.constant 0 : i32
      %dma_start3A_111 = tpu.memref_slice %arg5[%add3A_15, %dma_start3A_110] : memref<10240x128xf32, #tpu.memory_space<vmem_shared>> -> memref<128x128xf32, #tpu.memory_space<vmem_shared>>
      %dma_start3A_112 = arith.constant 0 : i32
      %dma_start3A_113 = tpu.memref_slice %arg5[%add3A_15, %dma_start3A_112] : memref<10240x128xf32, #tpu.memory_space<vmem_shared>> -> memref<128x128xf32, #tpu.memory_space<vmem_shared>>
      tpu.enqueue_dma source(%arg10 : memref<128x128xf32, #tpu.memory_space<vmem>>) target(%dma_start3A_113 : memref<128x128xf32, #tpu.memory_space<vmem_shared>>) target_semaphore(%run_scoped3A : memref<!tpu.dma_semaphore, #tpu.memory_space<semaphore_mem>>)
      %dma_wait3A_114 = arith.constant 0 : i32
      %dma_wait3A_115 = tpu.memref_slice %arg5[%add3A_15, %dma_wait3A_114] : memref<10240x128xf32, #tpu.memory_space<vmem_shared>> -> memref<128x128xf32, #tpu.memory_space<vmem_shared>>
      %dma_wait3A_116 = arith.constant 0 : i32
      %dma_wait3A_117 = tpu.memref_slice %arg5[%add3A_15, %dma_wait3A_116] : memref<10240x128xf32, #tpu.memory_space<vmem_shared>> -> memref<128x128xf32, #tpu.memory_space<vmem_shared>>
      tpu.wait_dma2 semaphore(%run_scoped3A : memref<!tpu.dma_semaphore, #tpu.memory_space<semaphore_mem>>) src(%arg10 : memref<128x128xf32, #tpu.memory_space<vmem>>) dst(%dma_wait3A_117 : memref<128x128xf32, #tpu.memory_space<vmem_shared>>)
      tpu.yield
    }) : () -> ()
    %mul3A_16 = arith.constant 640 : i32
    %mul3A_17 = arith.muli %arg1, %mul3A_16 : i32
    %add3A_18 = arith.constant 256 : i32
    %add3A_19 = arith.addi %mul3A_17, %add3A_18 : i32
    "tpu.region"() ({
      %run_scoped3A = tpu.sem_alloc : memref<!tpu.dma_semaphore, #tpu.memory_space<semaphore_mem>>
      %dma_start3A_110 = arith.constant 0 : i32
      %dma_start3A_111 = tpu.memref_slice %arg5[%add3A_19, %dma_start3A_110] : memref<10240x128xf32, #tpu.memory_space<vmem_shared>> -> memref<128x128xf32, #tpu.memory_space<vmem_shared>>
      %dma_start3A_112 = arith.constant 0 : i32
      %dma_start3A_113 = tpu.memref_slice %arg5[%add3A_19, %dma_start3A_112] : memref<10240x128xf32, #tpu.memory_space<vmem_shared>> -> memref<128x128xf32, #tpu.memory_space<vmem_shared>>
      tpu.enqueue_dma source(%arg10 : memref<128x128xf32, #tpu.memory_space<vmem>>) target(%dma_start3A_113 : memref<128x128xf32, #tpu.memory_space<vmem_shared>>) target_semaphore(%run_scoped3A : memref<!tpu.dma_semaphore, #tpu.memory_space<semaphore_mem>>)
      %dma_wait3A_114 = arith.constant 0 : i32
      %dma_wait3A_115 = tpu.memref_slice %arg5[%add3A_19, %dma_wait3A_114] : memref<10240x128xf32, #tpu.memory_space<vmem_shared>> -> memref<128x128xf32, #tpu.memory_space<vmem_shared>>
      %dma_wait3A_116 = arith.constant 0 : i32
      %dma_wait3A_117 = tpu.memref_slice %arg5[%add3A_19, %dma_wait3A_116] : memref<10240x128xf32, #tpu.memory_space<vmem_shared>> -> memref<128x128xf32, #tpu.memory_space<vmem_shared>>
      tpu.wait_dma2 semaphore(%run_scoped3A : memref<!tpu.dma_semaphore, #tpu.memory_space<semaphore_mem>>) src(%arg10 : memref<128x128xf32, #tpu.memory_space<vmem>>) dst(%dma_wait3A_117 : memref<128x128xf32, #tpu.memory_space<vmem_shared>>)
      tpu.yield
    }) : () -> ()
    %mul3A_20 = arith.constant 640 : i32
    %mul3A_21 = arith.muli %arg1, %mul3A_20 : i32
    %add3A_22 = arith.constant 384 : i32
    %add3A_23 = arith.addi %mul3A_21, %add3A_22 : i32
    "tpu.region"() ({
      %run_scoped3A = tpu.sem_alloc : memref<!tpu.dma_semaphore, #tpu.memory_space<semaphore_mem>>
      %dma_start3A_110 = arith.constant 0 : i32
      %dma_start3A_111 = tpu.memref_slice %arg5[%add3A_23, %dma_start3A_110] : memref<10240x128xf32, #tpu.memory_space<vmem_shared>> -> memref<128x128xf32, #tpu.memory_space<vmem_shared>>
      %dma_start3A_112 = arith.constant 0 : i32
      %dma_start3A_113 = tpu.memref_slice %arg5[%add3A_23, %dma_start3A_112] : memref<10240x128xf32, #tpu.memory_space<vmem_shared>> -> memref<128x128xf32, #tpu.memory_space<vmem_shared>>
      tpu.enqueue_dma source(%arg10 : memref<128x128xf32, #tpu.memory_space<vmem>>) target(%dma_start3A_113 : memref<128x128xf32, #tpu.memory_space<vmem_shared>>) target_semaphore(%run_scoped3A : memref<!tpu.dma_semaphore, #tpu.memory_space<semaphore_mem>>)
      %dma_wait3A_114 = arith.constant 0 : i32
      %dma_wait3A_115 = tpu.memref_slice %arg5[%add3A_23, %dma_wait3A_114] : memref<10240x128xf32, #tpu.memory_space<vmem_shared>> -> memref<128x128xf32, #tpu.memory_space<vmem_shared>>
      %dma_wait3A_116 = arith.constant 0 : i32
      %dma_wait3A_117 = tpu.memref_slice %arg5[%add3A_23, %dma_wait3A_116] : memref<10240x128xf32, #tpu.memory_space<vmem_shared>> -> memref<128x128xf32, #tpu.memory_space<vmem_shared>>
      tpu.wait_dma2 semaphore(%run_scoped3A : memref<!tpu.dma_semaphore, #tpu.memory_space<semaphore_mem>>) src(%arg10 : memref<128x128xf32, #tpu.memory_space<vmem>>) dst(%dma_wait3A_117 : memref<128x128xf32, #tpu.memory_space<vmem_shared>>)
      tpu.yield
    }) : () -> ()
    %mul3A_24 = arith.constant 640 : i32
    %mul3A_25 = arith.muli %arg1, %mul3A_24 : i32
    %add3A_26 = arith.constant 512 : i32
    %add3A_27 = arith.addi %mul3A_25, %add3A_26 : i32
    "tpu.region"() ({
      %run_scoped3A = tpu.sem_alloc : memref<!tpu.dma_semaphore, #tpu.memory_space<semaphore_mem>>
      %dma_start3A_110 = arith.constant 0 : i32
      %dma_start3A_111 = tpu.memref_slice %arg5[%add3A_27, %dma_start3A_110] : memref<10240x128xf32, #tpu.memory_space<vmem_shared>> -> memref<128x128xf32, #tpu.memory_space<vmem_shared>>
      %dma_start3A_112 = arith.constant 0 : i32
      %dma_start3A_113 = tpu.memref_slice %arg5[%add3A_27, %dma_start3A_112] : memref<10240x128xf32, #tpu.memory_space<vmem_shared>> -> memref<128x128xf32, #tpu.memory_space<vmem_shared>>
      tpu.enqueue_dma source(%arg10 : memref<128x128xf32, #tpu.memory_space<vmem>>) target(%dma_start3A_113 : memref<128x128xf32, #tpu.memory_space<vmem_shared>>) target_semaphore(%run_scoped3A : memref<!tpu.dma_semaphore, #tpu.memory_space<semaphore_mem>>)
      %dma_wait3A_114 = arith.constant 0 : i32
      %dma_wait3A_115 = tpu.memref_slice %arg5[%add3A_27, %dma_wait3A_114] : memref<10240x128xf32, #tpu.memory_space<vmem_shared>> -> memref<128x128xf32, #tpu.memory_space<vmem_shared>>
      %dma_wait3A_116 = arith.constant 0 : i32
      %dma_wait3A_117 = tpu.memref_slice %arg5[%add3A_27, %dma_wait3A_116] : memref<10240x128xf32, #tpu.memory_space<vmem_shared>> -> memref<128x128xf32, #tpu.memory_space<vmem_shared>>
      tpu.wait_dma2 semaphore(%run_scoped3A : memref<!tpu.dma_semaphore, #tpu.memory_space<semaphore_mem>>) src(%arg10 : memref<128x128xf32, #tpu.memory_space<vmem>>) dst(%dma_wait3A_117 : memref<128x128xf32, #tpu.memory_space<vmem_shared>>)
      tpu.yield
    }) : () -> ()
    %barrier3A = arith.constant 0 : index
    tpu.barrier barrier_id(%barrier3A)
    %dma_start3A = arith.constant 0 : i32
    %dma_start3A_28 = arith.constant 0 : i32
    %dma_start3A_29 = arith.constant 0 : i32
    %dma_start3A_30 = arith.constant 0 : i32
    %dma_start3A_31 = tpu.memref_slice %arg3[%dma_start3A, %add3A, %dma_start3A_28, %dma_start3A_29, %dma_start3A_30] : memref<2x32x10x8x128xi32, #tpu.memory_space<hbm>> -> memref<1x1x1x8x128xi32, #tpu.memory_space<hbm>>
    %dma_start3A_32 = tpu.memref_squeeze %dma_start3A_31 : memref<1x1x1x8x128xi32, #tpu.memory_space<hbm>> -> memref<8x128xi32, #tpu.memory_space<hbm>>
    %dma_start3A_33 = arith.constant 0 : i32
    %dma_start3A_34 = arith.constant 0 : i32
    %dma_start3A_35 = tpu.memref_slice %arg3[%dma_start3A, %add3A, %dma_start3A_28, %dma_start3A_33, %dma_start3A_34] : memref<2x32x10x8x128xi32, #tpu.memory_space<hbm>> -> memref<1x1x1x8x128xi32, #tpu.memory_space<hbm>>
    %dma_start3A_36 = tpu.memref_squeeze %dma_start3A_35 : memref<1x1x1x8x128xi32, #tpu.memory_space<hbm>> -> memref<8x128xi32, #tpu.memory_space<hbm>>
    tpu.enqueue_dma source(%dma_start3A_36 : memref<8x128xi32, #tpu.memory_space<hbm>>) target(%arg6 : memref<8x128xi32, #tpu.memory_space<vmem>>) target_semaphore(%arg16 : memref<!tpu.dma_semaphore, #tpu.memory_space<semaphore_mem>>)
    %dma_start3A_37 = arith.constant 1 : i32
    %dma_start3A_38 = arith.constant 0 : i32
    %dma_start3A_39 = arith.constant 0 : i32
    %dma_start3A_40 = arith.constant 0 : i32
    %dma_start3A_41 = tpu.memref_slice %arg3[%dma_start3A_37, %add3A, %dma_start3A_38, %dma_start3A_39, %dma_start3A_40] : memref<2x32x10x8x128xi32, #tpu.memory_space<hbm>> -> memref<1x1x1x8x128xi32, #tpu.memory_space<hbm>>
    %dma_start3A_42 = tpu.memref_squeeze %dma_start3A_41 : memref<1x1x1x8x128xi32, #tpu.memory_space<hbm>> -> memref<8x128xi32, #tpu.memory_space<hbm>>
    %dma_start3A_43 = arith.constant 0 : i32
    %dma_start3A_44 = arith.constant 0 : i32
    %dma_start3A_45 = tpu.memref_slice %arg3[%dma_start3A_37, %add3A, %dma_start3A_38, %dma_start3A_43, %dma_start3A_44] : memref<2x32x10x8x128xi32, #tpu.memory_space<hbm>> -> memref<1x1x1x8x128xi32, #tpu.memory_space<hbm>>
    %dma_start3A_46 = tpu.memref_squeeze %dma_start3A_45 : memref<1x1x1x8x128xi32, #tpu.memory_space<hbm>> -> memref<8x128xi32, #tpu.memory_space<hbm>>
    tpu.enqueue_dma source(%dma_start3A_46 : memref<8x128xi32, #tpu.memory_space<hbm>>) target(%arg8 : memref<8x128xi32, #tpu.memory_space<vmem>>) target_semaphore(%arg16 : memref<!tpu.dma_semaphore, #tpu.memory_space<semaphore_mem>>)
    %dma_start3A_47 = arith.constant 0 : i32
    %dma_start3A_48 = arith.constant 1 : i32
    %dma_start3A_49 = arith.constant 0 : i32
    %dma_start3A_50 = arith.constant 0 : i32
    %dma_start3A_51 = tpu.memref_slice %arg3[%dma_start3A_47, %add3A, %dma_start3A_48, %dma_start3A_49, %dma_start3A_50] : memref<2x32x10x8x128xi32, #tpu.memory_space<hbm>> -> memref<1x1x1x8x128xi32, #tpu.memory_space<hbm>>
    %dma_start3A_52 = tpu.memref_squeeze %dma_start3A_51 : memref<1x1x1x8x128xi32, #tpu.memory_space<hbm>> -> memref<8x128xi32, #tpu.memory_space<hbm>>
    %dma_start3A_53 = arith.constant 0 : i32
    %dma_start3A_54 = arith.constant 0 : i32
    %dma_start3A_55 = tpu.memref_slice %arg3[%dma_start3A_47, %add3A, %dma_start3A_48, %dma_start3A_53, %dma_start3A_54] : memref<2x32x10x8x128xi32, #tpu.memory_space<hbm>> -> memref<1x1x1x8x128xi32, #tpu.memory_space<hbm>>
    %dma_start3A_56 = tpu.memref_squeeze %dma_start3A_55 : memref<1x1x1x8x128xi32, #tpu.memory_space<hbm>> -> memref<8x128xi32, #tpu.memory_space<hbm>>
    tpu.enqueue_dma source(%dma_start3A_56 : memref<8x128xi32, #tpu.memory_space<hbm>>) target(%arg7 : memref<8x128xi32, #tpu.memory_space<vmem>>) target_semaphore(%arg17 : memref<!tpu.dma_semaphore, #tpu.memory_space<semaphore_mem>>)
    %dma_start3A_57 = arith.constant 1 : i32
    %dma_start3A_58 = arith.constant 1 : i32
    %dma_start3A_59 = arith.constant 0 : i32
    %dma_start3A_60 = arith.constant 0 : i32
    %dma_start3A_61 = tpu.memref_slice %arg3[%dma_start3A_57, %add3A, %dma_start3A_58, %dma_start3A_59, %dma_start3A_60] : memref<2x32x10x8x128xi32, #tpu.memory_space<hbm>> -> memref<1x1x1x8x128xi32, #tpu.memory_space<hbm>>
    %dma_start3A_62 = tpu.memref_squeeze %dma_start3A_61 : memref<1x1x1x8x128xi32, #tpu.memory_space<hbm>> -> memref<8x128xi32, #tpu.memory_space<hbm>>
    %dma_start3A_63 = arith.constant 0 : i32
    %dma_start3A_64 = arith.constant 0 : i32
    %dma_start3A_65 = tpu.memref_slice %arg3[%dma_start3A_57, %add3A, %dma_start3A_58, %dma_start3A_63, %dma_start3A_64] : memref<2x32x10x8x128xi32, #tpu.memory_space<hbm>> -> memref<1x1x1x8x128xi32, #tpu.memory_space<hbm>>
    %dma_start3A_66 = tpu.memref_squeeze %dma_start3A_65 : memref<1x1x1x8x128xi32, #tpu.memory_space<hbm>> -> memref<8x128xi32, #tpu.memory_space<hbm>>
    tpu.enqueue_dma source(%dma_start3A_66 : memref<8x128xi32, #tpu.memory_space<hbm>>) target(%arg9 : memref<8x128xi32, #tpu.memory_space<vmem>>) target_semaphore(%arg17 : memref<!tpu.dma_semaphore, #tpu.memory_space<semaphore_mem>>)
    %dma_wait3A = arith.constant 0 : i32
    %dma_wait3A_67 = arith.constant 0 : i32
    %dma_wait3A_68 = arith.constant 0 : i32
    %dma_wait3A_69 = arith.constant 0 : i32
    %dma_wait3A_70 = tpu.memref_slice %arg3[%dma_wait3A, %add3A, %dma_wait3A_67, %dma_wait3A_68, %dma_wait3A_69] : memref<2x32x10x8x128xi32, #tpu.memory_space<hbm>> -> memref<1x1x1x8x128xi32, #tpu.memory_space<hbm>>
    %dma_wait3A_71 = tpu.memref_squeeze %dma_wait3A_70 : memref<1x1x1x8x128xi32, #tpu.memory_space<hbm>> -> memref<8x128xi32, #tpu.memory_space<hbm>>
    %dma_wait3A_72 = arith.constant 0 : i32
    %dma_wait3A_73 = arith.constant 0 : i32
    %dma_wait3A_74 = tpu.memref_slice %arg3[%dma_wait3A, %add3A, %dma_wait3A_67, %dma_wait3A_72, %dma_wait3A_73] : memref<2x32x10x8x128xi32, #tpu.memory_space<hbm>> -> memref<1x1x1x8x128xi32, #tpu.memory_space<hbm>>
    %dma_wait3A_75 = tpu.memref_squeeze %dma_wait3A_74 : memref<1x1x1x8x128xi32, #tpu.memory_space<hbm>> -> memref<8x128xi32, #tpu.memory_space<hbm>>
    tpu.wait_dma2 semaphore(%arg16 : memref<!tpu.dma_semaphore, #tpu.memory_space<semaphore_mem>>) src(%dma_wait3A_75 : memref<8x128xi32, #tpu.memory_space<hbm>>) dst(%arg6 : memref<8x128xi32, #tpu.memory_space<vmem>>)
    %dma_wait3A_76 = arith.constant 1 : i32
    %dma_wait3A_77 = arith.constant 0 : i32
    %dma_wait3A_78 = arith.constant 0 : i32
    %dma_wait3A_79 = arith.constant 0 : i32
    %dma_wait3A_80 = tpu.memref_slice %arg3[%dma_wait3A_76, %add3A, %dma_wait3A_77, %dma_wait3A_78, %dma_wait3A_79] : memref<2x32x10x8x128xi32, #tpu.memory_space<hbm>> -> memref<1x1x1x8x128xi32, #tpu.memory_space<hbm>>
    %dma_wait3A_81 = tpu.memref_squeeze %dma_wait3A_80 : memref<1x1x1x8x128xi32, #tpu.memory_space<hbm>> -> memref<8x128xi32, #tpu.memory_space<hbm>>
    %dma_wait3A_82 = arith.constant 0 : i32
    %dma_wait3A_83 = arith.constant 0 : i32
    %dma_wait3A_84 = tpu.memref_slice %arg3[%dma_wait3A_76, %add3A, %dma_wait3A_77, %dma_wait3A_82, %dma_wait3A_83] : memref<2x32x10x8x128xi32, #tpu.memory_space<hbm>> -> memref<1x1x1x8x128xi32, #tpu.memory_space<hbm>>
    %dma_wait3A_85 = tpu.memref_squeeze %dma_wait3A_84 : memref<1x1x1x8x128xi32, #tpu.memory_space<hbm>> -> memref<8x128xi32, #tpu.memory_space<hbm>>
    tpu.wait_dma2 semaphore(%arg16 : memref<!tpu.dma_semaphore, #tpu.memory_space<semaphore_mem>>) src(%dma_wait3A_85 : memref<8x128xi32, #tpu.memory_space<hbm>>) dst(%arg8 : memref<8x128xi32, #tpu.memory_space<vmem>>)
    %dma_start3A_86 = arith.constant 0 : i32
    %dma_start3A_87 = arith.constant 0 : i32
    %dma_start3A_88 = tpu.memref_slice %arg6[%dma_start3A_86, %dma_start3A_87] : memref<8x128xi32, #tpu.memory_space<vmem>> -> memref<1x128xi32, #tpu.memory_space<vmem>>
    %dma_start3A_89 = tpu.memref_squeeze %dma_start3A_88 : memref<1x128xi32, #tpu.memory_space<vmem>> -> memref<128xi32, #tpu.memory_space<vmem>>
    %dma_start3A_90 = arith.constant 0 : i32
    %dma_start3A_91 = arith.constant 0 : i32
    %dma_start3A_92 = tpu.memref_slice %arg2[%dma_start3A_90, %dma_start3A_91] : memref<10000x128xf32, #tpu.memory_space<hbm>> -> memref<10000x128xf32, #tpu.memory_space<hbm>>
    tpu.enqueue_indirect_dma source(%dma_start3A_92 : memref<10000x128xf32, #tpu.memory_space<hbm>>) target(%arg10 : memref<128x128xf32, #tpu.memory_space<vmem>>) offsets(%dma_start3A_89 : memref<128xi32, #tpu.memory_space<vmem>>) semaphore(%arg12 : memref<!tpu.dma_semaphore, #tpu.memory_space<semaphore_mem>>)
    %scan3A_93 = arith.constant 0 : i32
    %scan3A_94 = arith.constant 5 : i32
    %scan3A_95 = arith.addi %scan3A_93, %scan3A_94 : i32
    %scan3A_96 = arith.constant 1 : i32
    scf.for %scan3A_110 = %scan3A_93 to %scan3A_95 step %scan3A_96  : i32 {
      %mul3A_111 = arith.constant 1 : i32
      %mul3A_112 = arith.muli %scan3A_110, %mul3A_111 : i32
      %add3A_113 = arith.constant 0 : i32
      %add3A_114 = arith.addi %add3A_113, %mul3A_112 : i32
      %mul3A_115 = arith.constant 2 : i32
      %mul3A_116 = arith.muli %mul3A_115, %add3A_114 : i32
      %add3A_117 = arith.constant 0 : i32
      %add3A_118 = arith.addi %mul3A_116, %add3A_117 : i32
      %mul3A_119 = arith.constant 8 : i32
      %mul3A_120 = arith.muli %add3A_118, %mul3A_119 : i32
      %add3A_121 = arith.constant 0 : i32
      %add3A_122 = arith.addi %mul3A_120, %add3A_121 : i32
      %dma_wait3A_123 = arith.constant 0 : i32
      %dma_wait3A_124 = arith.constant 0 : i32
      %dma_wait3A_125 = tpu.memref_slice %arg6[%dma_wait3A_123, %dma_wait3A_124] : memref<8x128xi32, #tpu.memory_space<vmem>> -> memref<1x128xi32, #tpu.memory_space<vmem>>
      %dma_wait3A_126 = tpu.memref_squeeze %dma_wait3A_125 : memref<1x128xi32, #tpu.memory_space<vmem>> -> memref<128xi32, #tpu.memory_space<vmem>>
      %dma_wait3A_127 = arith.constant 0 : i32
      %dma_wait3A_128 = arith.constant 0 : i32
      %dma_wait3A_129 = tpu.memref_slice %arg2[%dma_wait3A_127, %dma_wait3A_128] : memref<10000x128xf32, #tpu.memory_space<hbm>> -> memref<10000x128xf32, #tpu.memory_space<hbm>>
      tpu.wait_indirect_dma semaphore(%arg12 : memref<!tpu.dma_semaphore, #tpu.memory_space<semaphore_mem>>) src(%dma_wait3A_129 : memref<10000x128xf32, #tpu.memory_space<hbm>>) dst(%arg10 : memref<128x128xf32, #tpu.memory_space<vmem>>)
      %ge3A = arith.constant 1 : i32
      %ge3A_130 = arith.cmpi sge, %add3A_122, %ge3A : i32
      %convert_element_type3A = arith.extui %ge3A_130 : i1 to i32
      %cond3A = arith.constant 0 : i32
      %cond3A_131 = arith.cmpi ne, %convert_element_type3A, %cond3A : i32
      scf.if %cond3A_131 {
        %dma_wait3A_670 = arith.constant 7 : i32
        %dma_wait3A_671 = arith.constant 0 : i32
        %dma_wait3A_672 = tpu.memref_slice %arg9[%dma_wait3A_670, %dma_wait3A_671] : memref<8x128xi32, #tpu.memory_space<vmem>> -> memref<1x128xi32, #tpu.memory_space<vmem>>
        %dma_wait3A_673 = tpu.memref_squeeze %dma_wait3A_672 : memref<1x128xi32, #tpu.memory_space<vmem>> -> memref<128xi32, #tpu.memory_space<vmem>>
        %dma_wait3A_674 = arith.constant 0 : i32
        %dma_wait3A_675 = arith.constant 0 : i32
        %dma_wait3A_676 = tpu.memref_slice %arg5[%dma_wait3A_674, %dma_wait3A_675] : memref<10240x128xf32, #tpu.memory_space<vmem_shared>> -> memref<10240x128xf32, #tpu.memory_space<vmem_shared>>
        tpu.wait_indirect_dma semaphore(%arg15 : memref<!tpu.dma_semaphore, #tpu.memory_space<semaphore_mem>>) src(%arg11 : memref<128x128xf32, #tpu.memory_space<vmem>>) dst(%dma_wait3A_676 : memref<10240x128xf32, #tpu.memory_space<vmem_shared>>)
      } else {
      }
      %add3A_132 = arith.constant 1 : i32
      %add3A_133 = arith.addi %add3A_122, %add3A_132 : i32
      %lt3A = arith.constant 80 : i32
      %lt3A_134 = arith.cmpi slt, %add3A_133, %lt3A : i32
      %convert_element_type3A_135 = arith.extui %lt3A_134 : i1 to i32
      %cond3A_136 = arith.constant 0 : i32
      %cond3A_137 = arith.cmpi ne, %convert_element_type3A_135, %cond3A_136 : i32
      scf.if %cond3A_137 {
        %dma_start3A_670 = arith.constant 1 : i32
        %dma_start3A_671 = arith.constant 0 : i32
        %dma_start3A_672 = tpu.memref_slice %arg6[%dma_start3A_670, %dma_start3A_671] : memref<8x128xi32, #tpu.memory_space<vmem>> -> memref<1x128xi32, #tpu.memory_space<vmem>>
        %dma_start3A_673 = tpu.memref_squeeze %dma_start3A_672 : memref<1x128xi32, #tpu.memory_space<vmem>> -> memref<128xi32, #tpu.memory_space<vmem>>
        %dma_start3A_674 = arith.constant 0 : i32
        %dma_start3A_675 = arith.constant 0 : i32
        %dma_start3A_676 = tpu.memref_slice %arg2[%dma_start3A_674, %dma_start3A_675] : memref<10000x128xf32, #tpu.memory_space<hbm>> -> memref<10000x128xf32, #tpu.memory_space<hbm>>
        tpu.enqueue_indirect_dma source(%dma_start3A_676 : memref<10000x128xf32, #tpu.memory_space<hbm>>) target(%arg11 : memref<128x128xf32, #tpu.memory_space<vmem>>) offsets(%dma_start3A_673 : memref<128xi32, #tpu.memory_space<vmem>>) semaphore(%arg13 : memref<!tpu.dma_semaphore, #tpu.memory_space<semaphore_mem>>)
      } else {
      }
      %dma_start3A_138 = arith.constant 0 : i32
      %dma_start3A_139 = arith.constant 0 : i32
      %dma_start3A_140 = tpu.memref_slice %arg8[%dma_start3A_138, %dma_start3A_139] : memref<8x128xi32, #tpu.memory_space<vmem>> -> memref<1x128xi32, #tpu.memory_space<vmem>>
      %dma_start3A_141 = tpu.memref_squeeze %dma_start3A_140 : memref<1x128xi32, #tpu.memory_space<vmem>> -> memref<128xi32, #tpu.memory_space<vmem>>
      %dma_start3A_142 = arith.constant 0 : i32
      %dma_start3A_143 = arith.constant 0 : i32
      %dma_start3A_144 = tpu.memref_slice %arg5[%dma_start3A_142, %dma_start3A_143] : memref<10240x128xf32, #tpu.memory_space<vmem_shared>> -> memref<10240x128xf32, #tpu.memory_space<vmem_shared>>
      tpu.enqueue_indirect_dma source(%arg10 : memref<128x128xf32, #tpu.memory_space<vmem>>) target(%dma_start3A_144 : memref<10240x128xf32, #tpu.memory_space<vmem_shared>>) offsets(%dma_start3A_141 : memref<128xi32, #tpu.memory_space<vmem>>) semaphore(%arg14 : memref<!tpu.dma_semaphore, #tpu.memory_space<semaphore_mem>>) {add = true}
      %mul3A_145 = arith.constant 2 : i32
      %mul3A_146 = arith.muli %mul3A_145, %add3A_114 : i32
      %add3A_147 = arith.constant 0 : i32
      %add3A_148 = arith.addi %mul3A_146, %add3A_147 : i32
      %mul3A_149 = arith.constant 8 : i32
      %mul3A_150 = arith.muli %add3A_148, %mul3A_149 : i32
      %add3A_151 = arith.constant 1 : i32
      %add3A_152 = arith.addi %mul3A_150, %add3A_151 : i32
      %dma_wait3A_153 = arith.constant 1 : i32
      %dma_wait3A_154 = arith.constant 0 : i32
      %dma_wait3A_155 = tpu.memref_slice %arg6[%dma_wait3A_153, %dma_wait3A_154] : memref<8x128xi32, #tpu.memory_space<vmem>> -> memref<1x128xi32, #tpu.memory_space<vmem>>
      %dma_wait3A_156 = tpu.memref_squeeze %dma_wait3A_155 : memref<1x128xi32, #tpu.memory_space<vmem>> -> memref<128xi32, #tpu.memory_space<vmem>>
      %dma_wait3A_157 = arith.constant 0 : i32
      %dma_wait3A_158 = arith.constant 0 : i32
      %dma_wait3A_159 = tpu.memref_slice %arg2[%dma_wait3A_157, %dma_wait3A_158] : memref<10000x128xf32, #tpu.memory_space<hbm>> -> memref<10000x128xf32, #tpu.memory_space<hbm>>
      tpu.wait_indirect_dma semaphore(%arg13 : memref<!tpu.dma_semaphore, #tpu.memory_space<semaphore_mem>>) src(%dma_wait3A_159 : memref<10000x128xf32, #tpu.memory_space<hbm>>) dst(%arg11 : memref<128x128xf32, #tpu.memory_space<vmem>>)
      %ge3A_160 = arith.constant 1 : i32
      %ge3A_161 = arith.cmpi sge, %add3A_152, %ge3A_160 : i32
      %convert_element_type3A_162 = arith.extui %ge3A_161 : i1 to i32
      %cond3A_163 = arith.constant 0 : i32
      %cond3A_164 = arith.cmpi ne, %convert_element_type3A_162, %cond3A_163 : i32
      scf.if %cond3A_164 {
        %dma_wait3A_670 = arith.constant 0 : i32
        %dma_wait3A_671 = arith.constant 0 : i32
        %dma_wait3A_672 = tpu.memref_slice %arg8[%dma_wait3A_670, %dma_wait3A_671] : memref<8x128xi32, #tpu.memory_space<vmem>> -> memref<1x128xi32, #tpu.memory_space<vmem>>
        %dma_wait3A_673 = tpu.memref_squeeze %dma_wait3A_672 : memref<1x128xi32, #tpu.memory_space<vmem>> -> memref<128xi32, #tpu.memory_space<vmem>>
        %dma_wait3A_674 = arith.constant 0 : i32
        %dma_wait3A_675 = arith.constant 0 : i32
        %dma_wait3A_676 = tpu.memref_slice %arg5[%dma_wait3A_674, %dma_wait3A_675] : memref<10240x128xf32, #tpu.memory_space<vmem_shared>> -> memref<10240x128xf32, #tpu.memory_space<vmem_shared>>
        tpu.wait_indirect_dma semaphore(%arg14 : memref<!tpu.dma_semaphore, #tpu.memory_space<semaphore_mem>>) src(%arg10 : memref<128x128xf32, #tpu.memory_space<vmem>>) dst(%dma_wait3A_676 : memref<10240x128xf32, #tpu.memory_space<vmem_shared>>)
      } else {
      }
      %add3A_165 = arith.constant 1 : i32
      %add3A_166 = arith.addi %add3A_152, %add3A_165 : i32
      %lt3A_167 = arith.constant 80 : i32
      %lt3A_168 = arith.cmpi slt, %add3A_166, %lt3A_167 : i32
      %convert_element_type3A_169 = arith.extui %lt3A_168 : i1 to i32
      %cond3A_170 = arith.constant 0 : i32
      %cond3A_171 = arith.cmpi ne, %convert_element_type3A_169, %cond3A_170 : i32
      scf.if %cond3A_171 {
        %dma_start3A_670 = arith.constant 2 : i32
        %dma_start3A_671 = arith.constant 0 : i32
        %dma_start3A_672 = tpu.memref_slice %arg6[%dma_start3A_670, %dma_start3A_671] : memref<8x128xi32, #tpu.memory_space<vmem>> -> memref<1x128xi32, #tpu.memory_space<vmem>>
        %dma_start3A_673 = tpu.memref_squeeze %dma_start3A_672 : memref<1x128xi32, #tpu.memory_space<vmem>> -> memref<128xi32, #tpu.memory_space<vmem>>
        %dma_start3A_674 = arith.constant 0 : i32
        %dma_start3A_675 = arith.constant 0 : i32
        %dma_start3A_676 = tpu.memref_slice %arg2[%dma_start3A_674, %dma_start3A_675] : memref<10000x128xf32, #tpu.memory_space<hbm>> -> memref<10000x128xf32, #tpu.memory_space<hbm>>
        tpu.enqueue_indirect_dma source(%dma_start3A_676 : memref<10000x128xf32, #tpu.memory_space<hbm>>) target(%arg10 : memref<128x128xf32, #tpu.memory_space<vmem>>) offsets(%dma_start3A_673 : memref<128xi32, #tpu.memory_space<vmem>>) semaphore(%arg12 : memref<!tpu.dma_semaphore, #tpu.memory_space<semaphore_mem>>)
      } else {
      }
      %dma_start3A_172 = arith.constant 1 : i32
      %dma_start3A_173 = arith.constant 0 : i32
      %dma_start3A_174 = tpu.memref_slice %arg8[%dma_start3A_172, %dma_start3A_173] : memref<8x128xi32, #tpu.memory_space<vmem>> -> memref<1x128xi32, #tpu.memory_space<vmem>>
      %dma_start3A_175 = tpu.memref_squeeze %dma_start3A_174 : memref<1x128xi32, #tpu.memory_space<vmem>> -> memref<128xi32, #tpu.memory_space<vmem>>
      %dma_start3A_176 = arith.constant 0 : i32
      %dma_start3A_177 = arith.constant 0 : i32
      %dma_start3A_178 = tpu.memref_slice %arg5[%dma_start3A_176, %dma_start3A_177] : memref<10240x128xf32, #tpu.memory_space<vmem_shared>> -> memref<10240x128xf32, #tpu.memory_space<vmem_shared>>
      tpu.enqueue_indirect_dma source(%arg11 : memref<128x128xf32, #tpu.memory_space<vmem>>) target(%dma_start3A_178 : memref<10240x128xf32, #tpu.memory_space<vmem_shared>>) offsets(%dma_start3A_175 : memref<128xi32, #tpu.memory_space<vmem>>) semaphore(%arg15 : memref<!tpu.dma_semaphore, #tpu.memory_space<semaphore_mem>>) {add = true}
      %ge3A_179 = arith.constant 8 : i32
      %ge3A_180 = arith.cmpi sge, %add3A_152, %ge3A_179 : i32
      %lt3A_181 = arith.constant 72 : i32
      %lt3A_182 = arith.cmpi slt, %add3A_152, %lt3A_181 : i32
      %and3A = arith.andi %ge3A_180, %lt3A_182 : i1
      %convert_element_type3A_183 = arith.extui %and3A : i1 to i32
      %cond3A_184 = arith.constant 0 : i32
      %cond3A_185 = arith.cmpi ne, %convert_element_type3A_183, %cond3A_184 : i32
      scf.if %cond3A_185 {
        %jit3A = arith.constant 8 : i32
        %div3A = arith.divsi %add3A_152, %jit3A : i32
        %sign3A = arith.constant 0 : i32
        %sign3A_670 = arith.cmpi sgt, %add3A_152, %sign3A : i32
        %sign3A_671 = arith.extui %sign3A_670 : i1 to i32
        %sign3A_672 = arith.constant 0 : i32
        %sign3A_673 = arith.cmpi slt, %add3A_152, %sign3A_672 : i32
        %sign3A_674 = arith.extui %sign3A_673 : i1 to i32
        %sign3A_675 = arith.subi %sign3A_671, %sign3A_674 : i32
        %sign3A_676 = arith.constant 0 : i32
        %sign3A_677 = arith.cmpi sgt, %jit3A, %sign3A_676 : i32
        %sign3A_678 = arith.extui %sign3A_677 : i1 to i32
        %sign3A_679 = arith.constant 0 : i32
        %sign3A_680 = arith.cmpi slt, %jit3A, %sign3A_679 : i32
        %sign3A_681 = arith.extui %sign3A_680 : i1 to i32
        %sign3A_682 = arith.subi %sign3A_678, %sign3A_681 : i32
        %ne3A = arith.cmpi ne, %sign3A_675, %sign3A_682 : i32
        %rem3A = arith.remsi %add3A_152, %jit3A : i32
        %ne3A_683 = arith.constant 0 : i32
        %ne3A_684 = arith.cmpi ne, %rem3A, %ne3A_683 : i32
        %and3A_685 = arith.andi %ne3A, %ne3A_684 : i1
        %sub3A = arith.constant 1 : i32
        %sub3A_686 = arith.subi %div3A, %sub3A : i32
        %select_n3A = arith.select %and3A_685, %sub3A_686, %div3A : i32
        %add3A_687 = arith.constant 1 : i32
        %add3A_688 = arith.addi %select_n3A, %add3A_687 : i32
        %dma_start3A_689 = arith.constant 0 : i32
        %dma_start3A_690 = arith.constant 0 : i32
        %dma_start3A_691 = arith.constant 0 : i32
        %dma_start3A_692 = tpu.memref_slice %arg3[%dma_start3A_689, %add3A, %add3A_688, %dma_start3A_690, %dma_start3A_691] : memref<2x32x10x8x128xi32, #tpu.memory_space<hbm>> -> memref<1x1x1x8x128xi32, #tpu.memory_space<hbm>>
        %dma_start3A_693 = tpu.memref_squeeze %dma_start3A_692 : memref<1x1x1x8x128xi32, #tpu.memory_space<hbm>> -> memref<8x128xi32, #tpu.memory_space<hbm>>
        %dma_start3A_694 = arith.constant 0 : i32
        %dma_start3A_695 = arith.constant 0 : i32
        %dma_start3A_696 = tpu.memref_slice %arg3[%dma_start3A_689, %add3A, %add3A_688, %dma_start3A_694, %dma_start3A_695] : memref<2x32x10x8x128xi32, #tpu.memory_space<hbm>> -> memref<1x1x1x8x128xi32, #tpu.memory_space<hbm>>
        %dma_start3A_697 = tpu.memref_squeeze %dma_start3A_696 : memref<1x1x1x8x128xi32, #tpu.memory_space<hbm>> -> memref<8x128xi32, #tpu.memory_space<hbm>>
        tpu.enqueue_dma source(%dma_start3A_697 : memref<8x128xi32, #tpu.memory_space<hbm>>) target(%arg7 : memref<8x128xi32, #tpu.memory_space<vmem>>) target_semaphore(%arg17 : memref<!tpu.dma_semaphore, #tpu.memory_space<semaphore_mem>>)
        %dma_start3A_698 = arith.constant 1 : i32
        %dma_start3A_699 = arith.constant 0 : i32
        %dma_start3A_700 = arith.constant 0 : i32
        %dma_start3A_701 = tpu.memref_slice %arg3[%dma_start3A_698, %add3A, %add3A_688, %dma_start3A_699, %dma_start3A_700] : memref<2x32x10x8x128xi32, #tpu.memory_space<hbm>> -> memref<1x1x1x8x128xi32, #tpu.memory_space<hbm>>
        %dma_start3A_702 = tpu.memref_squeeze %dma_start3A_701 : memref<1x1x1x8x128xi32, #tpu.memory_space<hbm>> -> memref<8x128xi32, #tpu.memory_space<hbm>>
        %dma_start3A_703 = arith.constant 0 : i32
        %dma_start3A_704 = arith.constant 0 : i32
        %dma_start3A_705 = tpu.memref_slice %arg3[%dma_start3A_698, %add3A, %add3A_688, %dma_start3A_703, %dma_start3A_704] : memref<2x32x10x8x128xi32, #tpu.memory_space<hbm>> -> memref<1x1x1x8x128xi32, #tpu.memory_space<hbm>>
        %dma_start3A_706 = tpu.memref_squeeze %dma_start3A_705 : memref<1x1x1x8x128xi32, #tpu.memory_space<hbm>> -> memref<8x128xi32, #tpu.memory_space<hbm>>
        tpu.enqueue_dma source(%dma_start3A_706 : memref<8x128xi32, #tpu.memory_space<hbm>>) target(%arg9 : memref<8x128xi32, #tpu.memory_space<vmem>>) target_semaphore(%arg17 : memref<!tpu.dma_semaphore, #tpu.memory_space<semaphore_mem>>)
      } else {
      }
      %mul3A_186 = arith.constant 2 : i32
      %mul3A_187 = arith.muli %mul3A_186, %add3A_114 : i32
      %add3A_188 = arith.constant 0 : i32
      %add3A_189 = arith.addi %mul3A_187, %add3A_188 : i32
      %mul3A_190 = arith.constant 8 : i32
      %mul3A_191 = arith.muli %add3A_189, %mul3A_190 : i32
      %add3A_192 = arith.constant 2 : i32
      %add3A_193 = arith.addi %mul3A_191, %add3A_192 : i32
      %dma_wait3A_194 = arith.constant 2 : i32
      %dma_wait3A_195 = arith.constant 0 : i32
      %dma_wait3A_196 = tpu.memref_slice %arg6[%dma_wait3A_194, %dma_wait3A_195] : memref<8x128xi32, #tpu.memory_space<vmem>> -> memref<1x128xi32, #tpu.memory_space<vmem>>
      %dma_wait3A_197 = tpu.memref_squeeze %dma_wait3A_196 : memref<1x128xi32, #tpu.memory_space<vmem>> -> memref<128xi32, #tpu.memory_space<vmem>>
      %dma_wait3A_198 = arith.constant 0 : i32
      %dma_wait3A_199 = arith.constant 0 : i32
      %dma_wait3A_200 = tpu.memref_slice %arg2[%dma_wait3A_198, %dma_wait3A_199] : memref<10000x128xf32, #tpu.memory_space<hbm>> -> memref<10000x128xf32, #tpu.memory_space<hbm>>
      tpu.wait_indirect_dma semaphore(%arg12 : memref<!tpu.dma_semaphore, #tpu.memory_space<semaphore_mem>>) src(%dma_wait3A_200 : memref<10000x128xf32, #tpu.memory_space<hbm>>) dst(%arg10 : memref<128x128xf32, #tpu.memory_space<vmem>>)
      %ge3A_201 = arith.constant 1 : i32
      %ge3A_202 = arith.cmpi sge, %add3A_193, %ge3A_201 : i32
      %convert_element_type3A_203 = arith.extui %ge3A_202 : i1 to i32
      %cond3A_204 = arith.constant 0 : i32
      %cond3A_205 = arith.cmpi ne, %convert_element_type3A_203, %cond3A_204 : i32
      scf.if %cond3A_205 {
        %dma_wait3A_670 = arith.constant 1 : i32
        %dma_wait3A_671 = arith.constant 0 : i32
        %dma_wait3A_672 = tpu.memref_slice %arg8[%dma_wait3A_670, %dma_wait3A_671] : memref<8x128xi32, #tpu.memory_space<vmem>> -> memref<1x128xi32, #tpu.memory_space<vmem>>
        %dma_wait3A_673 = tpu.memref_squeeze %dma_wait3A_672 : memref<1x128xi32, #tpu.memory_space<vmem>> -> memref<128xi32, #tpu.memory_space<vmem>>
        %dma_wait3A_674 = arith.constant 0 : i32
        %dma_wait3A_675 = arith.constant 0 : i32
        %dma_wait3A_676 = tpu.memref_slice %arg5[%dma_wait3A_674, %dma_wait3A_675] : memref<10240x128xf32, #tpu.memory_space<vmem_shared>> -> memref<10240x128xf32, #tpu.memory_space<vmem_shared>>
        tpu.wait_indirect_dma semaphore(%arg15 : memref<!tpu.dma_semaphore, #tpu.memory_space<semaphore_mem>>) src(%arg11 : memref<128x128xf32, #tpu.memory_space<vmem>>) dst(%dma_wait3A_676 : memref<10240x128xf32, #tpu.memory_space<vmem_shared>>)
      } else {
      }
      %add3A_206 = arith.constant 1 : i32
      %add3A_207 = arith.addi %add3A_193, %add3A_206 : i32
      %lt3A_208 = arith.constant 80 : i32
      %lt3A_209 = arith.cmpi slt, %add3A_207, %lt3A_208 : i32
      %convert_element_type3A_210 = arith.extui %lt3A_209 : i1 to i32
      %cond3A_211 = arith.constant 0 : i32
      %cond3A_212 = arith.cmpi ne, %convert_element_type3A_210, %cond3A_211 : i32
      scf.if %cond3A_212 {
        %dma_start3A_670 = arith.constant 3 : i32
        %dma_start3A_671 = arith.constant 0 : i32
        %dma_start3A_672 = tpu.memref_slice %arg6[%dma_start3A_670, %dma_start3A_671] : memref<8x128xi32, #tpu.memory_space<vmem>> -> memref<1x128xi32, #tpu.memory_space<vmem>>
        %dma_start3A_673 = tpu.memref_squeeze %dma_start3A_672 : memref<1x128xi32, #tpu.memory_space<vmem>> -> memref<128xi32, #tpu.memory_space<vmem>>
        %dma_start3A_674 = arith.constant 0 : i32
        %dma_start3A_675 = arith.constant 0 : i32
        %dma_start3A_676 = tpu.memref_slice %arg2[%dma_start3A_674, %dma_start3A_675] : memref<10000x128xf32, #tpu.memory_space<hbm>> -> memref<10000x128xf32, #tpu.memory_space<hbm>>
        tpu.enqueue_indirect_dma source(%dma_start3A_676 : memref<10000x128xf32, #tpu.memory_space<hbm>>) target(%arg11 : memref<128x128xf32, #tpu.memory_space<vmem>>) offsets(%dma_start3A_673 : memref<128xi32, #tpu.memory_space<vmem>>) semaphore(%arg13 : memref<!tpu.dma_semaphore, #tpu.memory_space<semaphore_mem>>)
      } else {
      }
      %dma_start3A_213 = arith.constant 2 : i32
      %dma_start3A_214 = arith.constant 0 : i32
      %dma_start3A_215 = tpu.memref_slice %arg8[%dma_start3A_213, %dma_start3A_214] : memref<8x128xi32, #tpu.memory_space<vmem>> -> memref<1x128xi32, #tpu.memory_space<vmem>>
      %dma_start3A_216 = tpu.memref_squeeze %dma_start3A_215 : memref<1x128xi32, #tpu.memory_space<vmem>> -> memref<128xi32, #tpu.memory_space<vmem>>
      %dma_start3A_217 = arith.constant 0 : i32
      %dma_start3A_218 = arith.constant 0 : i32
      %dma_start3A_219 = tpu.memref_slice %arg5[%dma_start3A_217, %dma_start3A_218] : memref<10240x128xf32, #tpu.memory_space<vmem_shared>> -> memref<10240x128xf32, #tpu.memory_space<vmem_shared>>
      tpu.enqueue_indirect_dma source(%arg10 : memref<128x128xf32, #tpu.memory_space<vmem>>) target(%dma_start3A_219 : memref<10240x128xf32, #tpu.memory_space<vmem_shared>>) offsets(%dma_start3A_216 : memref<128xi32, #tpu.memory_space<vmem>>) semaphore(%arg14 : memref<!tpu.dma_semaphore, #tpu.memory_space<semaphore_mem>>) {add = true}
      %mul3A_220 = arith.constant 2 : i32
      %mul3A_221 = arith.muli %mul3A_220, %add3A_114 : i32
      %add3A_222 = arith.constant 0 : i32
      %add3A_223 = arith.addi %mul3A_221, %add3A_222 : i32
      %mul3A_224 = arith.constant 8 : i32
      %mul3A_225 = arith.muli %add3A_223, %mul3A_224 : i32
      %add3A_226 = arith.constant 3 : i32
      %add3A_227 = arith.addi %mul3A_225, %add3A_226 : i32
      %dma_wait3A_228 = arith.constant 3 : i32
      %dma_wait3A_229 = arith.constant 0 : i32
      %dma_wait3A_230 = tpu.memref_slice %arg6[%dma_wait3A_228, %dma_wait3A_229] : memref<8x128xi32, #tpu.memory_space<vmem>> -> memref<1x128xi32, #tpu.memory_space<vmem>>
      %dma_wait3A_231 = tpu.memref_squeeze %dma_wait3A_230 : memref<1x128xi32, #tpu.memory_space<vmem>> -> memref<128xi32, #tpu.memory_space<vmem>>
      %dma_wait3A_232 = arith.constant 0 : i32
      %dma_wait3A_233 = arith.constant 0 : i32
      %dma_wait3A_234 = tpu.memref_slice %arg2[%dma_wait3A_232, %dma_wait3A_233] : memref<10000x128xf32, #tpu.memory_space<hbm>> -> memref<10000x128xf32, #tpu.memory_space<hbm>>
      tpu.wait_indirect_dma semaphore(%arg13 : memref<!tpu.dma_semaphore, #tpu.memory_space<semaphore_mem>>) src(%dma_wait3A_234 : memref<10000x128xf32, #tpu.memory_space<hbm>>) dst(%arg11 : memref<128x128xf32, #tpu.memory_space<vmem>>)
      %ge3A_235 = arith.constant 1 : i32
      %ge3A_236 = arith.cmpi sge, %add3A_227, %ge3A_235 : i32
      %convert_element_type3A_237 = arith.extui %ge3A_236 : i1 to i32
      %cond3A_238 = arith.constant 0 : i32
      %cond3A_239 = arith.cmpi ne, %convert_element_type3A_237, %cond3A_238 : i32
      scf.if %cond3A_239 {
        %dma_wait3A_670 = arith.constant 2 : i32
        %dma_wait3A_671 = arith.constant 0 : i32
        %dma_wait3A_672 = tpu.memref_slice %arg8[%dma_wait3A_670, %dma_wait3A_671] : memref<8x128xi32, #tpu.memory_space<vmem>> -> memref<1x128xi32, #tpu.memory_space<vmem>>
        %dma_wait3A_673 = tpu.memref_squeeze %dma_wait3A_672 : memref<1x128xi32, #tpu.memory_space<vmem>> -> memref<128xi32, #tpu.memory_space<vmem>>
        %dma_wait3A_674 = arith.constant 0 : i32
        %dma_wait3A_675 = arith.constant 0 : i32
        %dma_wait3A_676 = tpu.memref_slice %arg5[%dma_wait3A_674, %dma_wait3A_675] : memref<10240x128xf32, #tpu.memory_space<vmem_shared>> -> memref<10240x128xf32, #tpu.memory_space<vmem_shared>>
        tpu.wait_indirect_dma semaphore(%arg14 : memref<!tpu.dma_semaphore, #tpu.memory_space<semaphore_mem>>) src(%arg10 : memref<128x128xf32, #tpu.memory_space<vmem>>) dst(%dma_wait3A_676 : memref<10240x128xf32, #tpu.memory_space<vmem_shared>>)
      } else {
      }
      %add3A_240 = arith.constant 1 : i32
      %add3A_241 = arith.addi %add3A_227, %add3A_240 : i32
      %lt3A_242 = arith.constant 80 : i32
      %lt3A_243 = arith.cmpi slt, %add3A_241, %lt3A_242 : i32
      %convert_element_type3A_244 = arith.extui %lt3A_243 : i1 to i32
      %cond3A_245 = arith.constant 0 : i32
      %cond3A_246 = arith.cmpi ne, %convert_element_type3A_244, %cond3A_245 : i32
      scf.if %cond3A_246 {
        %dma_start3A_670 = arith.constant 4 : i32
        %dma_start3A_671 = arith.constant 0 : i32
        %dma_start3A_672 = tpu.memref_slice %arg6[%dma_start3A_670, %dma_start3A_671] : memref<8x128xi32, #tpu.memory_space<vmem>> -> memref<1x128xi32, #tpu.memory_space<vmem>>
        %dma_start3A_673 = tpu.memref_squeeze %dma_start3A_672 : memref<1x128xi32, #tpu.memory_space<vmem>> -> memref<128xi32, #tpu.memory_space<vmem>>
        %dma_start3A_674 = arith.constant 0 : i32
        %dma_start3A_675 = arith.constant 0 : i32
        %dma_start3A_676 = tpu.memref_slice %arg2[%dma_start3A_674, %dma_start3A_675] : memref<10000x128xf32, #tpu.memory_space<hbm>> -> memref<10000x128xf32, #tpu.memory_space<hbm>>
        tpu.enqueue_indirect_dma source(%dma_start3A_676 : memref<10000x128xf32, #tpu.memory_space<hbm>>) target(%arg10 : memref<128x128xf32, #tpu.memory_space<vmem>>) offsets(%dma_start3A_673 : memref<128xi32, #tpu.memory_space<vmem>>) semaphore(%arg12 : memref<!tpu.dma_semaphore, #tpu.memory_space<semaphore_mem>>)
      } else {
      }
      %dma_start3A_247 = arith.constant 3 : i32
      %dma_start3A_248 = arith.constant 0 : i32
      %dma_start3A_249 = tpu.memref_slice %arg8[%dma_start3A_247, %dma_start3A_248] : memref<8x128xi32, #tpu.memory_space<vmem>> -> memref<1x128xi32, #tpu.memory_space<vmem>>
      %dma_start3A_250 = tpu.memref_squeeze %dma_start3A_249 : memref<1x128xi32, #tpu.memory_space<vmem>> -> memref<128xi32, #tpu.memory_space<vmem>>
      %dma_start3A_251 = arith.constant 0 : i32
      %dma_start3A_252 = arith.constant 0 : i32
      %dma_start3A_253 = tpu.memref_slice %arg5[%dma_start3A_251, %dma_start3A_252] : memref<10240x128xf32, #tpu.memory_space<vmem_shared>> -> memref<10240x128xf32, #tpu.memory_space<vmem_shared>>
      tpu.enqueue_indirect_dma source(%arg11 : memref<128x128xf32, #tpu.memory_space<vmem>>) target(%dma_start3A_253 : memref<10240x128xf32, #tpu.memory_space<vmem_shared>>) offsets(%dma_start3A_250 : memref<128xi32, #tpu.memory_space<vmem>>) semaphore(%arg15 : memref<!tpu.dma_semaphore, #tpu.memory_space<semaphore_mem>>) {add = true}
      %mul3A_254 = arith.constant 2 : i32
      %mul3A_255 = arith.muli %mul3A_254, %add3A_114 : i32
      %add3A_256 = arith.constant 0 : i32
      %add3A_257 = arith.addi %mul3A_255, %add3A_256 : i32
      %mul3A_258 = arith.constant 8 : i32
      %mul3A_259 = arith.muli %add3A_257, %mul3A_258 : i32
      %add3A_260 = arith.constant 4 : i32
      %add3A_261 = arith.addi %mul3A_259, %add3A_260 : i32
      %dma_wait3A_262 = arith.constant 4 : i32
      %dma_wait3A_263 = arith.constant 0 : i32
      %dma_wait3A_264 = tpu.memref_slice %arg6[%dma_wait3A_262, %dma_wait3A_263] : memref<8x128xi32, #tpu.memory_space<vmem>> -> memref<1x128xi32, #tpu.memory_space<vmem>>
      %dma_wait3A_265 = tpu.memref_squeeze %dma_wait3A_264 : memref<1x128xi32, #tpu.memory_space<vmem>> -> memref<128xi32, #tpu.memory_space<vmem>>
      %dma_wait3A_266 = arith.constant 0 : i32
      %dma_wait3A_267 = arith.constant 0 : i32
      %dma_wait3A_268 = tpu.memref_slice %arg2[%dma_wait3A_266, %dma_wait3A_267] : memref<10000x128xf32, #tpu.memory_space<hbm>> -> memref<10000x128xf32, #tpu.memory_space<hbm>>
      tpu.wait_indirect_dma semaphore(%arg12 : memref<!tpu.dma_semaphore, #tpu.memory_space<semaphore_mem>>) src(%dma_wait3A_268 : memref<10000x128xf32, #tpu.memory_space<hbm>>) dst(%arg10 : memref<128x128xf32, #tpu.memory_space<vmem>>)
      %ge3A_269 = arith.constant 1 : i32
      %ge3A_270 = arith.cmpi sge, %add3A_261, %ge3A_269 : i32
      %convert_element_type3A_271 = arith.extui %ge3A_270 : i1 to i32
      %cond3A_272 = arith.constant 0 : i32
      %cond3A_273 = arith.cmpi ne, %convert_element_type3A_271, %cond3A_272 : i32
      scf.if %cond3A_273 {
        %dma_wait3A_670 = arith.constant 3 : i32
        %dma_wait3A_671 = arith.constant 0 : i32
        %dma_wait3A_672 = tpu.memref_slice %arg8[%dma_wait3A_670, %dma_wait3A_671] : memref<8x128xi32, #tpu.memory_space<vmem>> -> memref<1x128xi32, #tpu.memory_space<vmem>>
        %dma_wait3A_673 = tpu.memref_squeeze %dma_wait3A_672 : memref<1x128xi32, #tpu.memory_space<vmem>> -> memref<128xi32, #tpu.memory_space<vmem>>
        %dma_wait3A_674 = arith.constant 0 : i32
        %dma_wait3A_675 = arith.constant 0 : i32
        %dma_wait3A_676 = tpu.memref_slice %arg5[%dma_wait3A_674, %dma_wait3A_675] : memref<10240x128xf32, #tpu.memory_space<vmem_shared>> -> memref<10240x128xf32, #tpu.memory_space<vmem_shared>>
        tpu.wait_indirect_dma semaphore(%arg15 : memref<!tpu.dma_semaphore, #tpu.memory_space<semaphore_mem>>) src(%arg11 : memref<128x128xf32, #tpu.memory_space<vmem>>) dst(%dma_wait3A_676 : memref<10240x128xf32, #tpu.memory_space<vmem_shared>>)
      } else {
      }
      %add3A_274 = arith.constant 1 : i32
      %add3A_275 = arith.addi %add3A_261, %add3A_274 : i32
      %lt3A_276 = arith.constant 80 : i32
      %lt3A_277 = arith.cmpi slt, %add3A_275, %lt3A_276 : i32
      %convert_element_type3A_278 = arith.extui %lt3A_277 : i1 to i32
      %cond3A_279 = arith.constant 0 : i32
      %cond3A_280 = arith.cmpi ne, %convert_element_type3A_278, %cond3A_279 : i32
      scf.if %cond3A_280 {
        %dma_start3A_670 = arith.constant 5 : i32
        %dma_start3A_671 = arith.constant 0 : i32
        %dma_start3A_672 = tpu.memref_slice %arg6[%dma_start3A_670, %dma_start3A_671] : memref<8x128xi32, #tpu.memory_space<vmem>> -> memref<1x128xi32, #tpu.memory_space<vmem>>
        %dma_start3A_673 = tpu.memref_squeeze %dma_start3A_672 : memref<1x128xi32, #tpu.memory_space<vmem>> -> memref<128xi32, #tpu.memory_space<vmem>>
        %dma_start3A_674 = arith.constant 0 : i32
        %dma_start3A_675 = arith.constant 0 : i32
        %dma_start3A_676 = tpu.memref_slice %arg2[%dma_start3A_674, %dma_start3A_675] : memref<10000x128xf32, #tpu.memory_space<hbm>> -> memref<10000x128xf32, #tpu.memory_space<hbm>>
        tpu.enqueue_indirect_dma source(%dma_start3A_676 : memref<10000x128xf32, #tpu.memory_space<hbm>>) target(%arg11 : memref<128x128xf32, #tpu.memory_space<vmem>>) offsets(%dma_start3A_673 : memref<128xi32, #tpu.memory_space<vmem>>) semaphore(%arg13 : memref<!tpu.dma_semaphore, #tpu.memory_space<semaphore_mem>>)
      } else {
      }
      %dma_start3A_281 = arith.constant 4 : i32
      %dma_start3A_282 = arith.constant 0 : i32
      %dma_start3A_283 = tpu.memref_slice %arg8[%dma_start3A_281, %dma_start3A_282] : memref<8x128xi32, #tpu.memory_space<vmem>> -> memref<1x128xi32, #tpu.memory_space<vmem>>
      %dma_start3A_284 = tpu.memref_squeeze %dma_start3A_283 : memref<1x128xi32, #tpu.memory_space<vmem>> -> memref<128xi32, #tpu.memory_space<vmem>>
      %dma_start3A_285 = arith.constant 0 : i32
      %dma_start3A_286 = arith.constant 0 : i32
      %dma_start3A_287 = tpu.memref_slice %arg5[%dma_start3A_285, %dma_start3A_286] : memref<10240x128xf32, #tpu.memory_space<vmem_shared>> -> memref<10240x128xf32, #tpu.memory_space<vmem_shared>>
      tpu.enqueue_indirect_dma source(%arg10 : memref<128x128xf32, #tpu.memory_space<vmem>>) target(%dma_start3A_287 : memref<10240x128xf32, #tpu.memory_space<vmem_shared>>) offsets(%dma_start3A_284 : memref<128xi32, #tpu.memory_space<vmem>>) semaphore(%arg14 : memref<!tpu.dma_semaphore, #tpu.memory_space<semaphore_mem>>) {add = true}
      %mul3A_288 = arith.constant 2 : i32
      %mul3A_289 = arith.muli %mul3A_288, %add3A_114 : i32
      %add3A_290 = arith.constant 0 : i32
      %add3A_291 = arith.addi %mul3A_289, %add3A_290 : i32
      %mul3A_292 = arith.constant 8 : i32
      %mul3A_293 = arith.muli %add3A_291, %mul3A_292 : i32
      %add3A_294 = arith.constant 5 : i32
      %add3A_295 = arith.addi %mul3A_293, %add3A_294 : i32
      %dma_wait3A_296 = arith.constant 5 : i32
      %dma_wait3A_297 = arith.constant 0 : i32
      %dma_wait3A_298 = tpu.memref_slice %arg6[%dma_wait3A_296, %dma_wait3A_297] : memref<8x128xi32, #tpu.memory_space<vmem>> -> memref<1x128xi32, #tpu.memory_space<vmem>>
      %dma_wait3A_299 = tpu.memref_squeeze %dma_wait3A_298 : memref<1x128xi32, #tpu.memory_space<vmem>> -> memref<128xi32, #tpu.memory_space<vmem>>
      %dma_wait3A_300 = arith.constant 0 : i32
      %dma_wait3A_301 = arith.constant 0 : i32
      %dma_wait3A_302 = tpu.memref_slice %arg2[%dma_wait3A_300, %dma_wait3A_301] : memref<10000x128xf32, #tpu.memory_space<hbm>> -> memref<10000x128xf32, #tpu.memory_space<hbm>>
      tpu.wait_indirect_dma semaphore(%arg13 : memref<!tpu.dma_semaphore, #tpu.memory_space<semaphore_mem>>) src(%dma_wait3A_302 : memref<10000x128xf32, #tpu.memory_space<hbm>>) dst(%arg11 : memref<128x128xf32, #tpu.memory_space<vmem>>)
      %ge3A_303 = arith.constant 1 : i32
      %ge3A_304 = arith.cmpi sge, %add3A_295, %ge3A_303 : i32
      %convert_element_type3A_305 = arith.extui %ge3A_304 : i1 to i32
      %cond3A_306 = arith.constant 0 : i32
      %cond3A_307 = arith.cmpi ne, %convert_element_type3A_305, %cond3A_306 : i32
      scf.if %cond3A_307 {
        %dma_wait3A_670 = arith.constant 4 : i32
        %dma_wait3A_671 = arith.constant 0 : i32
        %dma_wait3A_672 = tpu.memref_slice %arg8[%dma_wait3A_670, %dma_wait3A_671] : memref<8x128xi32, #tpu.memory_space<vmem>> -> memref<1x128xi32, #tpu.memory_space<vmem>>
        %dma_wait3A_673 = tpu.memref_squeeze %dma_wait3A_672 : memref<1x128xi32, #tpu.memory_space<vmem>> -> memref<128xi32, #tpu.memory_space<vmem>>
        %dma_wait3A_674 = arith.constant 0 : i32
        %dma_wait3A_675 = arith.constant 0 : i32
        %dma_wait3A_676 = tpu.memref_slice %arg5[%dma_wait3A_674, %dma_wait3A_675] : memref<10240x128xf32, #tpu.memory_space<vmem_shared>> -> memref<10240x128xf32, #tpu.memory_space<vmem_shared>>
        tpu.wait_indirect_dma semaphore(%arg14 : memref<!tpu.dma_semaphore, #tpu.memory_space<semaphore_mem>>) src(%arg10 : memref<128x128xf32, #tpu.memory_space<vmem>>) dst(%dma_wait3A_676 : memref<10240x128xf32, #tpu.memory_space<vmem_shared>>)
      } else {
      }
      %add3A_308 = arith.constant 1 : i32
      %add3A_309 = arith.addi %add3A_295, %add3A_308 : i32
      %lt3A_310 = arith.constant 80 : i32
      %lt3A_311 = arith.cmpi slt, %add3A_309, %lt3A_310 : i32
      %convert_element_type3A_312 = arith.extui %lt3A_311 : i1 to i32
      %cond3A_313 = arith.constant 0 : i32
      %cond3A_314 = arith.cmpi ne, %convert_element_type3A_312, %cond3A_313 : i32
      scf.if %cond3A_314 {
        %dma_start3A_670 = arith.constant 6 : i32
        %dma_start3A_671 = arith.constant 0 : i32
        %dma_start3A_672 = tpu.memref_slice %arg6[%dma_start3A_670, %dma_start3A_671] : memref<8x128xi32, #tpu.memory_space<vmem>> -> memref<1x128xi32, #tpu.memory_space<vmem>>
        %dma_start3A_673 = tpu.memref_squeeze %dma_start3A_672 : memref<1x128xi32, #tpu.memory_space<vmem>> -> memref<128xi32, #tpu.memory_space<vmem>>
        %dma_start3A_674 = arith.constant 0 : i32
        %dma_start3A_675 = arith.constant 0 : i32
        %dma_start3A_676 = tpu.memref_slice %arg2[%dma_start3A_674, %dma_start3A_675] : memref<10000x128xf32, #tpu.memory_space<hbm>> -> memref<10000x128xf32, #tpu.memory_space<hbm>>
        tpu.enqueue_indirect_dma source(%dma_start3A_676 : memref<10000x128xf32, #tpu.memory_space<hbm>>) target(%arg10 : memref<128x128xf32, #tpu.memory_space<vmem>>) offsets(%dma_start3A_673 : memref<128xi32, #tpu.memory_space<vmem>>) semaphore(%arg12 : memref<!tpu.dma_semaphore, #tpu.memory_space<semaphore_mem>>)
      } else {
      }
      %dma_start3A_315 = arith.constant 5 : i32
      %dma_start3A_316 = arith.constant 0 : i32
      %dma_start3A_317 = tpu.memref_slice %arg8[%dma_start3A_315, %dma_start3A_316] : memref<8x128xi32, #tpu.memory_space<vmem>> -> memref<1x128xi32, #tpu.memory_space<vmem>>
      %dma_start3A_318 = tpu.memref_squeeze %dma_start3A_317 : memref<1x128xi32, #tpu.memory_space<vmem>> -> memref<128xi32, #tpu.memory_space<vmem>>
      %dma_start3A_319 = arith.constant 0 : i32
      %dma_start3A_320 = arith.constant 0 : i32
      %dma_start3A_321 = tpu.memref_slice %arg5[%dma_start3A_319, %dma_start3A_320] : memref<10240x128xf32, #tpu.memory_space<vmem_shared>> -> memref<10240x128xf32, #tpu.memory_space<vmem_shared>>
      tpu.enqueue_indirect_dma source(%arg11 : memref<128x128xf32, #tpu.memory_space<vmem>>) target(%dma_start3A_321 : memref<10240x128xf32, #tpu.memory_space<vmem_shared>>) offsets(%dma_start3A_318 : memref<128xi32, #tpu.memory_space<vmem>>) semaphore(%arg15 : memref<!tpu.dma_semaphore, #tpu.memory_space<semaphore_mem>>) {add = true}
      %mul3A_322 = arith.constant 2 : i32
      %mul3A_323 = arith.muli %mul3A_322, %add3A_114 : i32
      %add3A_324 = arith.constant 0 : i32
      %add3A_325 = arith.addi %mul3A_323, %add3A_324 : i32
      %mul3A_326 = arith.constant 8 : i32
      %mul3A_327 = arith.muli %add3A_325, %mul3A_326 : i32
      %add3A_328 = arith.constant 6 : i32
      %add3A_329 = arith.addi %mul3A_327, %add3A_328 : i32
      %dma_wait3A_330 = arith.constant 6 : i32
      %dma_wait3A_331 = arith.constant 0 : i32
      %dma_wait3A_332 = tpu.memref_slice %arg6[%dma_wait3A_330, %dma_wait3A_331] : memref<8x128xi32, #tpu.memory_space<vmem>> -> memref<1x128xi32, #tpu.memory_space<vmem>>
      %dma_wait3A_333 = tpu.memref_squeeze %dma_wait3A_332 : memref<1x128xi32, #tpu.memory_space<vmem>> -> memref<128xi32, #tpu.memory_space<vmem>>
      %dma_wait3A_334 = arith.constant 0 : i32
      %dma_wait3A_335 = arith.constant 0 : i32
      %dma_wait3A_336 = tpu.memref_slice %arg2[%dma_wait3A_334, %dma_wait3A_335] : memref<10000x128xf32, #tpu.memory_space<hbm>> -> memref<10000x128xf32, #tpu.memory_space<hbm>>
      tpu.wait_indirect_dma semaphore(%arg12 : memref<!tpu.dma_semaphore, #tpu.memory_space<semaphore_mem>>) src(%dma_wait3A_336 : memref<10000x128xf32, #tpu.memory_space<hbm>>) dst(%arg10 : memref<128x128xf32, #tpu.memory_space<vmem>>)
      %ge3A_337 = arith.constant 1 : i32
      %ge3A_338 = arith.cmpi sge, %add3A_329, %ge3A_337 : i32
      %convert_element_type3A_339 = arith.extui %ge3A_338 : i1 to i32
      %cond3A_340 = arith.constant 0 : i32
      %cond3A_341 = arith.cmpi ne, %convert_element_type3A_339, %cond3A_340 : i32
      scf.if %cond3A_341 {
        %dma_wait3A_670 = arith.constant 5 : i32
        %dma_wait3A_671 = arith.constant 0 : i32
        %dma_wait3A_672 = tpu.memref_slice %arg8[%dma_wait3A_670, %dma_wait3A_671] : memref<8x128xi32, #tpu.memory_space<vmem>> -> memref<1x128xi32, #tpu.memory_space<vmem>>
        %dma_wait3A_673 = tpu.memref_squeeze %dma_wait3A_672 : memref<1x128xi32, #tpu.memory_space<vmem>> -> memref<128xi32, #tpu.memory_space<vmem>>
        %dma_wait3A_674 = arith.constant 0 : i32
        %dma_wait3A_675 = arith.constant 0 : i32
        %dma_wait3A_676 = tpu.memref_slice %arg5[%dma_wait3A_674, %dma_wait3A_675] : memref<10240x128xf32, #tpu.memory_space<vmem_shared>> -> memref<10240x128xf32, #tpu.memory_space<vmem_shared>>
        tpu.wait_indirect_dma semaphore(%arg15 : memref<!tpu.dma_semaphore, #tpu.memory_space<semaphore_mem>>) src(%arg11 : memref<128x128xf32, #tpu.memory_space<vmem>>) dst(%dma_wait3A_676 : memref<10240x128xf32, #tpu.memory_space<vmem_shared>>)
      } else {
      }
      %add3A_342 = arith.constant 1 : i32
      %add3A_343 = arith.addi %add3A_329, %add3A_342 : i32
      %lt3A_344 = arith.constant 80 : i32
      %lt3A_345 = arith.cmpi slt, %add3A_343, %lt3A_344 : i32
      %convert_element_type3A_346 = arith.extui %lt3A_345 : i1 to i32
      %cond3A_347 = arith.constant 0 : i32
      %cond3A_348 = arith.cmpi ne, %convert_element_type3A_346, %cond3A_347 : i32
      scf.if %cond3A_348 {
        %dma_start3A_670 = arith.constant 7 : i32
        %dma_start3A_671 = arith.constant 0 : i32
        %dma_start3A_672 = tpu.memref_slice %arg6[%dma_start3A_670, %dma_start3A_671] : memref<8x128xi32, #tpu.memory_space<vmem>> -> memref<1x128xi32, #tpu.memory_space<vmem>>
        %dma_start3A_673 = tpu.memref_squeeze %dma_start3A_672 : memref<1x128xi32, #tpu.memory_space<vmem>> -> memref<128xi32, #tpu.memory_space<vmem>>
        %dma_start3A_674 = arith.constant 0 : i32
        %dma_start3A_675 = arith.constant 0 : i32
        %dma_start3A_676 = tpu.memref_slice %arg2[%dma_start3A_674, %dma_start3A_675] : memref<10000x128xf32, #tpu.memory_space<hbm>> -> memref<10000x128xf32, #tpu.memory_space<hbm>>
        tpu.enqueue_indirect_dma source(%dma_start3A_676 : memref<10000x128xf32, #tpu.memory_space<hbm>>) target(%arg11 : memref<128x128xf32, #tpu.memory_space<vmem>>) offsets(%dma_start3A_673 : memref<128xi32, #tpu.memory_space<vmem>>) semaphore(%arg13 : memref<!tpu.dma_semaphore, #tpu.memory_space<semaphore_mem>>)
      } else {
      }
      %dma_start3A_349 = arith.constant 6 : i32
      %dma_start3A_350 = arith.constant 0 : i32
      %dma_start3A_351 = tpu.memref_slice %arg8[%dma_start3A_349, %dma_start3A_350] : memref<8x128xi32, #tpu.memory_space<vmem>> -> memref<1x128xi32, #tpu.memory_space<vmem>>
      %dma_start3A_352 = tpu.memref_squeeze %dma_start3A_351 : memref<1x128xi32, #tpu.memory_space<vmem>> -> memref<128xi32, #tpu.memory_space<vmem>>
      %dma_start3A_353 = arith.constant 0 : i32
      %dma_start3A_354 = arith.constant 0 : i32
      %dma_start3A_355 = tpu.memref_slice %arg5[%dma_start3A_353, %dma_start3A_354] : memref<10240x128xf32, #tpu.memory_space<vmem_shared>> -> memref<10240x128xf32, #tpu.memory_space<vmem_shared>>
      tpu.enqueue_indirect_dma source(%arg10 : memref<128x128xf32, #tpu.memory_space<vmem>>) target(%dma_start3A_355 : memref<10240x128xf32, #tpu.memory_space<vmem_shared>>) offsets(%dma_start3A_352 : memref<128xi32, #tpu.memory_space<vmem>>) semaphore(%arg14 : memref<!tpu.dma_semaphore, #tpu.memory_space<semaphore_mem>>) {add = true}
      %mul3A_356 = arith.constant 2 : i32
      %mul3A_357 = arith.muli %mul3A_356, %add3A_114 : i32
      %add3A_358 = arith.constant 0 : i32
      %add3A_359 = arith.addi %mul3A_357, %add3A_358 : i32
      %mul3A_360 = arith.constant 8 : i32
      %mul3A_361 = arith.muli %add3A_359, %mul3A_360 : i32
      %add3A_362 = arith.constant 7 : i32
      %add3A_363 = arith.addi %mul3A_361, %add3A_362 : i32
      %dma_wait3A_364 = arith.constant 7 : i32
      %dma_wait3A_365 = arith.constant 0 : i32
      %dma_wait3A_366 = tpu.memref_slice %arg6[%dma_wait3A_364, %dma_wait3A_365] : memref<8x128xi32, #tpu.memory_space<vmem>> -> memref<1x128xi32, #tpu.memory_space<vmem>>
      %dma_wait3A_367 = tpu.memref_squeeze %dma_wait3A_366 : memref<1x128xi32, #tpu.memory_space<vmem>> -> memref<128xi32, #tpu.memory_space<vmem>>
      %dma_wait3A_368 = arith.constant 0 : i32
      %dma_wait3A_369 = arith.constant 0 : i32
      %dma_wait3A_370 = tpu.memref_slice %arg2[%dma_wait3A_368, %dma_wait3A_369] : memref<10000x128xf32, #tpu.memory_space<hbm>> -> memref<10000x128xf32, #tpu.memory_space<hbm>>
      tpu.wait_indirect_dma semaphore(%arg13 : memref<!tpu.dma_semaphore, #tpu.memory_space<semaphore_mem>>) src(%dma_wait3A_370 : memref<10000x128xf32, #tpu.memory_space<hbm>>) dst(%arg11 : memref<128x128xf32, #tpu.memory_space<vmem>>)
      %ge3A_371 = arith.constant 1 : i32
      %ge3A_372 = arith.cmpi sge, %add3A_363, %ge3A_371 : i32
      %convert_element_type3A_373 = arith.extui %ge3A_372 : i1 to i32
      %cond3A_374 = arith.constant 0 : i32
      %cond3A_375 = arith.cmpi ne, %convert_element_type3A_373, %cond3A_374 : i32
      scf.if %cond3A_375 {
        %dma_wait3A_670 = arith.constant 6 : i32
        %dma_wait3A_671 = arith.constant 0 : i32
        %dma_wait3A_672 = tpu.memref_slice %arg8[%dma_wait3A_670, %dma_wait3A_671] : memref<8x128xi32, #tpu.memory_space<vmem>> -> memref<1x128xi32, #tpu.memory_space<vmem>>
        %dma_wait3A_673 = tpu.memref_squeeze %dma_wait3A_672 : memref<1x128xi32, #tpu.memory_space<vmem>> -> memref<128xi32, #tpu.memory_space<vmem>>
        %dma_wait3A_674 = arith.constant 0 : i32
        %dma_wait3A_675 = arith.constant 0 : i32
        %dma_wait3A_676 = tpu.memref_slice %arg5[%dma_wait3A_674, %dma_wait3A_675] : memref<10240x128xf32, #tpu.memory_space<vmem_shared>> -> memref<10240x128xf32, #tpu.memory_space<vmem_shared>>
        tpu.wait_indirect_dma semaphore(%arg14 : memref<!tpu.dma_semaphore, #tpu.memory_space<semaphore_mem>>) src(%arg10 : memref<128x128xf32, #tpu.memory_space<vmem>>) dst(%dma_wait3A_676 : memref<10240x128xf32, #tpu.memory_space<vmem_shared>>)
      } else {
      }
      %add3A_376 = arith.constant 1 : i32
      %add3A_377 = arith.addi %add3A_363, %add3A_376 : i32
      %lt3A_378 = arith.constant 80 : i32
      %lt3A_379 = arith.cmpi slt, %add3A_377, %lt3A_378 : i32
      %convert_element_type3A_380 = arith.extui %lt3A_379 : i1 to i32
      %cond3A_381 = arith.constant 0 : i32
      %cond3A_382 = arith.cmpi ne, %convert_element_type3A_380, %cond3A_381 : i32
      scf.if %cond3A_382 {
        %dma_wait3A_670 = arith.constant 0 : i32
        %dma_wait3A_671 = arith.constant 0 : i32
        %dma_wait3A_672 = arith.constant 0 : i32
        %dma_wait3A_673 = arith.constant 0 : i32
        %dma_wait3A_674 = tpu.memref_slice %arg3[%dma_wait3A_670, %add3A, %dma_wait3A_671, %dma_wait3A_672, %dma_wait3A_673] : memref<2x32x10x8x128xi32, #tpu.memory_space<hbm>> -> memref<1x1x1x8x128xi32, #tpu.memory_space<hbm>>
        %dma_wait3A_675 = tpu.memref_squeeze %dma_wait3A_674 : memref<1x1x1x8x128xi32, #tpu.memory_space<hbm>> -> memref<8x128xi32, #tpu.memory_space<hbm>>
        %dma_wait3A_676 = arith.constant 0 : i32
        %dma_wait3A_677 = arith.constant 0 : i32
        %dma_wait3A_678 = tpu.memref_slice %arg3[%dma_wait3A_670, %add3A, %dma_wait3A_671, %dma_wait3A_676, %dma_wait3A_677] : memref<2x32x10x8x128xi32, #tpu.memory_space<hbm>> -> memref<1x1x1x8x128xi32, #tpu.memory_space<hbm>>
        %dma_wait3A_679 = tpu.memref_squeeze %dma_wait3A_678 : memref<1x1x1x8x128xi32, #tpu.memory_space<hbm>> -> memref<8x128xi32, #tpu.memory_space<hbm>>
        tpu.wait_dma2 semaphore(%arg17 : memref<!tpu.dma_semaphore, #tpu.memory_space<semaphore_mem>>) src(%dma_wait3A_679 : memref<8x128xi32, #tpu.memory_space<hbm>>) dst(%arg7 : memref<8x128xi32, #tpu.memory_space<vmem>>)
        %dma_wait3A_680 = arith.constant 1 : i32
        %dma_wait3A_681 = arith.constant 0 : i32
        %dma_wait3A_682 = arith.constant 0 : i32
        %dma_wait3A_683 = arith.constant 0 : i32
        %dma_wait3A_684 = tpu.memref_slice %arg3[%dma_wait3A_680, %add3A, %dma_wait3A_681, %dma_wait3A_682, %dma_wait3A_683] : memref<2x32x10x8x128xi32, #tpu.memory_space<hbm>> -> memref<1x1x1x8x128xi32, #tpu.memory_space<hbm>>
        %dma_wait3A_685 = tpu.memref_squeeze %dma_wait3A_684 : memref<1x1x1x8x128xi32, #tpu.memory_space<hbm>> -> memref<8x128xi32, #tpu.memory_space<hbm>>
        %dma_wait3A_686 = arith.constant 0 : i32
        %dma_wait3A_687 = arith.constant 0 : i32
        %dma_wait3A_688 = tpu.memref_slice %arg3[%dma_wait3A_680, %add3A, %dma_wait3A_681, %dma_wait3A_686, %dma_wait3A_687] : memref<2x32x10x8x128xi32, #tpu.memory_space<hbm>> -> memref<1x1x1x8x128xi32, #tpu.memory_space<hbm>>
        %dma_wait3A_689 = tpu.memref_squeeze %dma_wait3A_688 : memref<1x1x1x8x128xi32, #tpu.memory_space<hbm>> -> memref<8x128xi32, #tpu.memory_space<hbm>>
        tpu.wait_dma2 semaphore(%arg17 : memref<!tpu.dma_semaphore, #tpu.memory_space<semaphore_mem>>) src(%dma_wait3A_689 : memref<8x128xi32, #tpu.memory_space<hbm>>) dst(%arg9 : memref<8x128xi32, #tpu.memory_space<vmem>>)
        %dma_start3A_690 = arith.constant 0 : i32
        %dma_start3A_691 = arith.constant 0 : i32
        %dma_start3A_692 = tpu.memref_slice %arg7[%dma_start3A_690, %dma_start3A_691] : memref<8x128xi32, #tpu.memory_space<vmem>> -> memref<1x128xi32, #tpu.memory_space<vmem>>
        %dma_start3A_693 = tpu.memref_squeeze %dma_start3A_692 : memref<1x128xi32, #tpu.memory_space<vmem>> -> memref<128xi32, #tpu.memory_space<vmem>>
        %dma_start3A_694 = arith.constant 0 : i32
        %dma_start3A_695 = arith.constant 0 : i32
        %dma_start3A_696 = tpu.memref_slice %arg2[%dma_start3A_694, %dma_start3A_695] : memref<10000x128xf32, #tpu.memory_space<hbm>> -> memref<10000x128xf32, #tpu.memory_space<hbm>>
        tpu.enqueue_indirect_dma source(%dma_start3A_696 : memref<10000x128xf32, #tpu.memory_space<hbm>>) target(%arg10 : memref<128x128xf32, #tpu.memory_space<vmem>>) offsets(%dma_start3A_693 : memref<128xi32, #tpu.memory_space<vmem>>) semaphore(%arg12 : memref<!tpu.dma_semaphore, #tpu.memory_space<semaphore_mem>>)
      } else {
      }
      %dma_start3A_383 = arith.constant 7 : i32
      %dma_start3A_384 = arith.constant 0 : i32
      %dma_start3A_385 = tpu.memref_slice %arg8[%dma_start3A_383, %dma_start3A_384] : memref<8x128xi32, #tpu.memory_space<vmem>> -> memref<1x128xi32, #tpu.memory_space<vmem>>
      %dma_start3A_386 = tpu.memref_squeeze %dma_start3A_385 : memref<1x128xi32, #tpu.memory_space<vmem>> -> memref<128xi32, #tpu.memory_space<vmem>>
      %dma_start3A_387 = arith.constant 0 : i32
      %dma_start3A_388 = arith.constant 0 : i32
      %dma_start3A_389 = tpu.memref_slice %arg5[%dma_start3A_387, %dma_start3A_388] : memref<10240x128xf32, #tpu.memory_space<vmem_shared>> -> memref<10240x128xf32, #tpu.memory_space<vmem_shared>>
      tpu.enqueue_indirect_dma source(%arg11 : memref<128x128xf32, #tpu.memory_space<vmem>>) target(%dma_start3A_389 : memref<10240x128xf32, #tpu.memory_space<vmem_shared>>) offsets(%dma_start3A_386 : memref<128xi32, #tpu.memory_space<vmem>>) semaphore(%arg15 : memref<!tpu.dma_semaphore, #tpu.memory_space<semaphore_mem>>) {add = true}
      %mul3A_390 = arith.constant 2 : i32
      %mul3A_391 = arith.muli %mul3A_390, %add3A_114 : i32
      %add3A_392 = arith.constant 1 : i32
      %add3A_393 = arith.addi %mul3A_391, %add3A_392 : i32
      %mul3A_394 = arith.constant 8 : i32
      %mul3A_395 = arith.muli %add3A_393, %mul3A_394 : i32
      %add3A_396 = arith.constant 0 : i32
      %add3A_397 = arith.addi %mul3A_395, %add3A_396 : i32
      %dma_wait3A_398 = arith.constant 0 : i32
      %dma_wait3A_399 = arith.constant 0 : i32
      %dma_wait3A_400 = tpu.memref_slice %arg7[%dma_wait3A_398, %dma_wait3A_399] : memref<8x128xi32, #tpu.memory_space<vmem>> -> memref<1x128xi32, #tpu.memory_space<vmem>>
      %dma_wait3A_401 = tpu.memref_squeeze %dma_wait3A_400 : memref<1x128xi32, #tpu.memory_space<vmem>> -> memref<128xi32, #tpu.memory_space<vmem>>
      %dma_wait3A_402 = arith.constant 0 : i32
      %dma_wait3A_403 = arith.constant 0 : i32
      %dma_wait3A_404 = tpu.memref_slice %arg2[%dma_wait3A_402, %dma_wait3A_403] : memref<10000x128xf32, #tpu.memory_space<hbm>> -> memref<10000x128xf32, #tpu.memory_space<hbm>>
      tpu.wait_indirect_dma semaphore(%arg12 : memref<!tpu.dma_semaphore, #tpu.memory_space<semaphore_mem>>) src(%dma_wait3A_404 : memref<10000x128xf32, #tpu.memory_space<hbm>>) dst(%arg10 : memref<128x128xf32, #tpu.memory_space<vmem>>)
      %ge3A_405 = arith.constant 1 : i32
      %ge3A_406 = arith.cmpi sge, %add3A_397, %ge3A_405 : i32
      %convert_element_type3A_407 = arith.extui %ge3A_406 : i1 to i32
      %cond3A_408 = arith.constant 0 : i32
      %cond3A_409 = arith.cmpi ne, %convert_element_type3A_407, %cond3A_408 : i32
      scf.if %cond3A_409 {
        %dma_wait3A_670 = arith.constant 7 : i32
        %dma_wait3A_671 = arith.constant 0 : i32
        %dma_wait3A_672 = tpu.memref_slice %arg8[%dma_wait3A_670, %dma_wait3A_671] : memref<8x128xi32, #tpu.memory_space<vmem>> -> memref<1x128xi32, #tpu.memory_space<vmem>>
        %dma_wait3A_673 = tpu.memref_squeeze %dma_wait3A_672 : memref<1x128xi32, #tpu.memory_space<vmem>> -> memref<128xi32, #tpu.memory_space<vmem>>
        %dma_wait3A_674 = arith.constant 0 : i32
        %dma_wait3A_675 = arith.constant 0 : i32
        %dma_wait3A_676 = tpu.memref_slice %arg5[%dma_wait3A_674, %dma_wait3A_675] : memref<10240x128xf32, #tpu.memory_space<vmem_shared>> -> memref<10240x128xf32, #tpu.memory_space<vmem_shared>>
        tpu.wait_indirect_dma semaphore(%arg15 : memref<!tpu.dma_semaphore, #tpu.memory_space<semaphore_mem>>) src(%arg11 : memref<128x128xf32, #tpu.memory_space<vmem>>) dst(%dma_wait3A_676 : memref<10240x128xf32, #tpu.memory_space<vmem_shared>>)
      } else {
      }
      %add3A_410 = arith.constant 1 : i32
      %add3A_411 = arith.addi %add3A_397, %add3A_410 : i32
      %lt3A_412 = arith.constant 80 : i32
      %lt3A_413 = arith.cmpi slt, %add3A_411, %lt3A_412 : i32
      %convert_element_type3A_414 = arith.extui %lt3A_413 : i1 to i32
      %cond3A_415 = arith.constant 0 : i32
      %cond3A_416 = arith.cmpi ne, %convert_element_type3A_414, %cond3A_415 : i32
      scf.if %cond3A_416 {
        %dma_start3A_670 = arith.constant 1 : i32
        %dma_start3A_671 = arith.constant 0 : i32
        %dma_start3A_672 = tpu.memref_slice %arg7[%dma_start3A_670, %dma_start3A_671] : memref<8x128xi32, #tpu.memory_space<vmem>> -> memref<1x128xi32, #tpu.memory_space<vmem>>
        %dma_start3A_673 = tpu.memref_squeeze %dma_start3A_672 : memref<1x128xi32, #tpu.memory_space<vmem>> -> memref<128xi32, #tpu.memory_space<vmem>>
        %dma_start3A_674 = arith.constant 0 : i32
        %dma_start3A_675 = arith.constant 0 : i32
        %dma_start3A_676 = tpu.memref_slice %arg2[%dma_start3A_674, %dma_start3A_675] : memref<10000x128xf32, #tpu.memory_space<hbm>> -> memref<10000x128xf32, #tpu.memory_space<hbm>>
        tpu.enqueue_indirect_dma source(%dma_start3A_676 : memref<10000x128xf32, #tpu.memory_space<hbm>>) target(%arg11 : memref<128x128xf32, #tpu.memory_space<vmem>>) offsets(%dma_start3A_673 : memref<128xi32, #tpu.memory_space<vmem>>) semaphore(%arg13 : memref<!tpu.dma_semaphore, #tpu.memory_space<semaphore_mem>>)
      } else {
      }
      %dma_start3A_417 = arith.constant 0 : i32
      %dma_start3A_418 = arith.constant 0 : i32
      %dma_start3A_419 = tpu.memref_slice %arg9[%dma_start3A_417, %dma_start3A_418] : memref<8x128xi32, #tpu.memory_space<vmem>> -> memref<1x128xi32, #tpu.memory_space<vmem>>
      %dma_start3A_420 = tpu.memref_squeeze %dma_start3A_419 : memref<1x128xi32, #tpu.memory_space<vmem>> -> memref<128xi32, #tpu.memory_space<vmem>>
      %dma_start3A_421 = arith.constant 0 : i32
      %dma_start3A_422 = arith.constant 0 : i32
      %dma_start3A_423 = tpu.memref_slice %arg5[%dma_start3A_421, %dma_start3A_422] : memref<10240x128xf32, #tpu.memory_space<vmem_shared>> -> memref<10240x128xf32, #tpu.memory_space<vmem_shared>>
      tpu.enqueue_indirect_dma source(%arg10 : memref<128x128xf32, #tpu.memory_space<vmem>>) target(%dma_start3A_423 : memref<10240x128xf32, #tpu.memory_space<vmem_shared>>) offsets(%dma_start3A_420 : memref<128xi32, #tpu.memory_space<vmem>>) semaphore(%arg14 : memref<!tpu.dma_semaphore, #tpu.memory_space<semaphore_mem>>) {add = true}
      %mul3A_424 = arith.constant 2 : i32
      %mul3A_425 = arith.muli %mul3A_424, %add3A_114 : i32
      %add3A_426 = arith.constant 1 : i32
      %add3A_427 = arith.addi %mul3A_425, %add3A_426 : i32
      %mul3A_428 = arith.constant 8 : i32
      %mul3A_429 = arith.muli %add3A_427, %mul3A_428 : i32
      %add3A_430 = arith.constant 1 : i32
      %add3A_431 = arith.addi %mul3A_429, %add3A_430 : i32
      %dma_wait3A_432 = arith.constant 1 : i32
      %dma_wait3A_433 = arith.constant 0 : i32
      %dma_wait3A_434 = tpu.memref_slice %arg7[%dma_wait3A_432, %dma_wait3A_433] : memref<8x128xi32, #tpu.memory_space<vmem>> -> memref<1x128xi32, #tpu.memory_space<vmem>>
      %dma_wait3A_435 = tpu.memref_squeeze %dma_wait3A_434 : memref<1x128xi32, #tpu.memory_space<vmem>> -> memref<128xi32, #tpu.memory_space<vmem>>
      %dma_wait3A_436 = arith.constant 0 : i32
      %dma_wait3A_437 = arith.constant 0 : i32
      %dma_wait3A_438 = tpu.memref_slice %arg2[%dma_wait3A_436, %dma_wait3A_437] : memref<10000x128xf32, #tpu.memory_space<hbm>> -> memref<10000x128xf32, #tpu.memory_space<hbm>>
      tpu.wait_indirect_dma semaphore(%arg13 : memref<!tpu.dma_semaphore, #tpu.memory_space<semaphore_mem>>) src(%dma_wait3A_438 : memref<10000x128xf32, #tpu.memory_space<hbm>>) dst(%arg11 : memref<128x128xf32, #tpu.memory_space<vmem>>)
      %ge3A_439 = arith.constant 1 : i32
      %ge3A_440 = arith.cmpi sge, %add3A_431, %ge3A_439 : i32
      %convert_element_type3A_441 = arith.extui %ge3A_440 : i1 to i32
      %cond3A_442 = arith.constant 0 : i32
      %cond3A_443 = arith.cmpi ne, %convert_element_type3A_441, %cond3A_442 : i32
      scf.if %cond3A_443 {
        %dma_wait3A_670 = arith.constant 0 : i32
        %dma_wait3A_671 = arith.constant 0 : i32
        %dma_wait3A_672 = tpu.memref_slice %arg9[%dma_wait3A_670, %dma_wait3A_671] : memref<8x128xi32, #tpu.memory_space<vmem>> -> memref<1x128xi32, #tpu.memory_space<vmem>>
        %dma_wait3A_673 = tpu.memref_squeeze %dma_wait3A_672 : memref<1x128xi32, #tpu.memory_space<vmem>> -> memref<128xi32, #tpu.memory_space<vmem>>
        %dma_wait3A_674 = arith.constant 0 : i32
        %dma_wait3A_675 = arith.constant 0 : i32
        %dma_wait3A_676 = tpu.memref_slice %arg5[%dma_wait3A_674, %dma_wait3A_675] : memref<10240x128xf32, #tpu.memory_space<vmem_shared>> -> memref<10240x128xf32, #tpu.memory_space<vmem_shared>>
        tpu.wait_indirect_dma semaphore(%arg14 : memref<!tpu.dma_semaphore, #tpu.memory_space<semaphore_mem>>) src(%arg10 : memref<128x128xf32, #tpu.memory_space<vmem>>) dst(%dma_wait3A_676 : memref<10240x128xf32, #tpu.memory_space<vmem_shared>>)
      } else {
      }
      %add3A_444 = arith.constant 1 : i32
      %add3A_445 = arith.addi %add3A_431, %add3A_444 : i32
      %lt3A_446 = arith.constant 80 : i32
      %lt3A_447 = arith.cmpi slt, %add3A_445, %lt3A_446 : i32
      %convert_element_type3A_448 = arith.extui %lt3A_447 : i1 to i32
      %cond3A_449 = arith.constant 0 : i32
      %cond3A_450 = arith.cmpi ne, %convert_element_type3A_448, %cond3A_449 : i32
      scf.if %cond3A_450 {
        %dma_start3A_670 = arith.constant 2 : i32
        %dma_start3A_671 = arith.constant 0 : i32
        %dma_start3A_672 = tpu.memref_slice %arg7[%dma_start3A_670, %dma_start3A_671] : memref<8x128xi32, #tpu.memory_space<vmem>> -> memref<1x128xi32, #tpu.memory_space<vmem>>
        %dma_start3A_673 = tpu.memref_squeeze %dma_start3A_672 : memref<1x128xi32, #tpu.memory_space<vmem>> -> memref<128xi32, #tpu.memory_space<vmem>>
        %dma_start3A_674 = arith.constant 0 : i32
        %dma_start3A_675 = arith.constant 0 : i32
        %dma_start3A_676 = tpu.memref_slice %arg2[%dma_start3A_674, %dma_start3A_675] : memref<10000x128xf32, #tpu.memory_space<hbm>> -> memref<10000x128xf32, #tpu.memory_space<hbm>>
        tpu.enqueue_indirect_dma source(%dma_start3A_676 : memref<10000x128xf32, #tpu.memory_space<hbm>>) target(%arg10 : memref<128x128xf32, #tpu.memory_space<vmem>>) offsets(%dma_start3A_673 : memref<128xi32, #tpu.memory_space<vmem>>) semaphore(%arg12 : memref<!tpu.dma_semaphore, #tpu.memory_space<semaphore_mem>>)
      } else {
      }
      %dma_start3A_451 = arith.constant 1 : i32
      %dma_start3A_452 = arith.constant 0 : i32
      %dma_start3A_453 = tpu.memref_slice %arg9[%dma_start3A_451, %dma_start3A_452] : memref<8x128xi32, #tpu.memory_space<vmem>> -> memref<1x128xi32, #tpu.memory_space<vmem>>
      %dma_start3A_454 = tpu.memref_squeeze %dma_start3A_453 : memref<1x128xi32, #tpu.memory_space<vmem>> -> memref<128xi32, #tpu.memory_space<vmem>>
      %dma_start3A_455 = arith.constant 0 : i32
      %dma_start3A_456 = arith.constant 0 : i32
      %dma_start3A_457 = tpu.memref_slice %arg5[%dma_start3A_455, %dma_start3A_456] : memref<10240x128xf32, #tpu.memory_space<vmem_shared>> -> memref<10240x128xf32, #tpu.memory_space<vmem_shared>>
      tpu.enqueue_indirect_dma source(%arg11 : memref<128x128xf32, #tpu.memory_space<vmem>>) target(%dma_start3A_457 : memref<10240x128xf32, #tpu.memory_space<vmem_shared>>) offsets(%dma_start3A_454 : memref<128xi32, #tpu.memory_space<vmem>>) semaphore(%arg15 : memref<!tpu.dma_semaphore, #tpu.memory_space<semaphore_mem>>) {add = true}
      %ge3A_458 = arith.constant 8 : i32
      %ge3A_459 = arith.cmpi sge, %add3A_431, %ge3A_458 : i32
      %lt3A_460 = arith.constant 72 : i32
      %lt3A_461 = arith.cmpi slt, %add3A_431, %lt3A_460 : i32
      %and3A_462 = arith.andi %ge3A_459, %lt3A_461 : i1
      %convert_element_type3A_463 = arith.extui %and3A_462 : i1 to i32
      %cond3A_464 = arith.constant 0 : i32
      %cond3A_465 = arith.cmpi ne, %convert_element_type3A_463, %cond3A_464 : i32
      scf.if %cond3A_465 {
        %jit3A = arith.constant 8 : i32
        %div3A = arith.divsi %add3A_431, %jit3A : i32
        %sign3A = arith.constant 0 : i32
        %sign3A_670 = arith.cmpi sgt, %add3A_431, %sign3A : i32
        %sign3A_671 = arith.extui %sign3A_670 : i1 to i32
        %sign3A_672 = arith.constant 0 : i32
        %sign3A_673 = arith.cmpi slt, %add3A_431, %sign3A_672 : i32
        %sign3A_674 = arith.extui %sign3A_673 : i1 to i32
        %sign3A_675 = arith.subi %sign3A_671, %sign3A_674 : i32
        %sign3A_676 = arith.constant 0 : i32
        %sign3A_677 = arith.cmpi sgt, %jit3A, %sign3A_676 : i32
        %sign3A_678 = arith.extui %sign3A_677 : i1 to i32
        %sign3A_679 = arith.constant 0 : i32
        %sign3A_680 = arith.cmpi slt, %jit3A, %sign3A_679 : i32
        %sign3A_681 = arith.extui %sign3A_680 : i1 to i32
        %sign3A_682 = arith.subi %sign3A_678, %sign3A_681 : i32
        %ne3A = arith.cmpi ne, %sign3A_675, %sign3A_682 : i32
        %rem3A = arith.remsi %add3A_431, %jit3A : i32
        %ne3A_683 = arith.constant 0 : i32
        %ne3A_684 = arith.cmpi ne, %rem3A, %ne3A_683 : i32
        %and3A_685 = arith.andi %ne3A, %ne3A_684 : i1
        %sub3A = arith.constant 1 : i32
        %sub3A_686 = arith.subi %div3A, %sub3A : i32
        %select_n3A = arith.select %and3A_685, %sub3A_686, %div3A : i32
        %add3A_687 = arith.constant 1 : i32
        %add3A_688 = arith.addi %select_n3A, %add3A_687 : i32
        %dma_start3A_689 = arith.constant 0 : i32
        %dma_start3A_690 = arith.constant 0 : i32
        %dma_start3A_691 = arith.constant 0 : i32
        %dma_start3A_692 = tpu.memref_slice %arg3[%dma_start3A_689, %add3A, %add3A_688, %dma_start3A_690, %dma_start3A_691] : memref<2x32x10x8x128xi32, #tpu.memory_space<hbm>> -> memref<1x1x1x8x128xi32, #tpu.memory_space<hbm>>
        %dma_start3A_693 = tpu.memref_squeeze %dma_start3A_692 : memref<1x1x1x8x128xi32, #tpu.memory_space<hbm>> -> memref<8x128xi32, #tpu.memory_space<hbm>>
        %dma_start3A_694 = arith.constant 0 : i32
        %dma_start3A_695 = arith.constant 0 : i32
        %dma_start3A_696 = tpu.memref_slice %arg3[%dma_start3A_689, %add3A, %add3A_688, %dma_start3A_694, %dma_start3A_695] : memref<2x32x10x8x128xi32, #tpu.memory_space<hbm>> -> memref<1x1x1x8x128xi32, #tpu.memory_space<hbm>>
        %dma_start3A_697 = tpu.memref_squeeze %dma_start3A_696 : memref<1x1x1x8x128xi32, #tpu.memory_space<hbm>> -> memref<8x128xi32, #tpu.memory_space<hbm>>
        tpu.enqueue_dma source(%dma_start3A_697 : memref<8x128xi32, #tpu.memory_space<hbm>>) target(%arg6 : memref<8x128xi32, #tpu.memory_space<vmem>>) target_semaphore(%arg16 : memref<!tpu.dma_semaphore, #tpu.memory_space<semaphore_mem>>)
        %dma_start3A_698 = arith.constant 1 : i32
        %dma_start3A_699 = arith.constant 0 : i32
        %dma_start3A_700 = arith.constant 0 : i32
        %dma_start3A_701 = tpu.memref_slice %arg3[%dma_start3A_698, %add3A, %add3A_688, %dma_start3A_699, %dma_start3A_700] : memref<2x32x10x8x128xi32, #tpu.memory_space<hbm>> -> memref<1x1x1x8x128xi32, #tpu.memory_space<hbm>>
        %dma_start3A_702 = tpu.memref_squeeze %dma_start3A_701 : memref<1x1x1x8x128xi32, #tpu.memory_space<hbm>> -> memref<8x128xi32, #tpu.memory_space<hbm>>
        %dma_start3A_703 = arith.constant 0 : i32
        %dma_start3A_704 = arith.constant 0 : i32
        %dma_start3A_705 = tpu.memref_slice %arg3[%dma_start3A_698, %add3A, %add3A_688, %dma_start3A_703, %dma_start3A_704] : memref<2x32x10x8x128xi32, #tpu.memory_space<hbm>> -> memref<1x1x1x8x128xi32, #tpu.memory_space<hbm>>
        %dma_start3A_706 = tpu.memref_squeeze %dma_start3A_705 : memref<1x1x1x8x128xi32, #tpu.memory_space<hbm>> -> memref<8x128xi32, #tpu.memory_space<hbm>>
        tpu.enqueue_dma source(%dma_start3A_706 : memref<8x128xi32, #tpu.memory_space<hbm>>) target(%arg8 : memref<8x128xi32, #tpu.memory_space<vmem>>) target_semaphore(%arg16 : memref<!tpu.dma_semaphore, #tpu.memory_space<semaphore_mem>>)
      } else {
      }
      %mul3A_466 = arith.constant 2 : i32
      %mul3A_467 = arith.muli %mul3A_466, %add3A_114 : i32
      %add3A_468 = arith.constant 1 : i32
      %add3A_469 = arith.addi %mul3A_467, %add3A_468 : i32
      %mul3A_470 = arith.constant 8 : i32
      %mul3A_471 = arith.muli %add3A_469, %mul3A_470 : i32
      %add3A_472 = arith.constant 2 : i32
      %add3A_473 = arith.addi %mul3A_471, %add3A_472 : i32
      %dma_wait3A_474 = arith.constant 2 : i32
      %dma_wait3A_475 = arith.constant 0 : i32
      %dma_wait3A_476 = tpu.memref_slice %arg7[%dma_wait3A_474, %dma_wait3A_475] : memref<8x128xi32, #tpu.memory_space<vmem>> -> memref<1x128xi32, #tpu.memory_space<vmem>>
      %dma_wait3A_477 = tpu.memref_squeeze %dma_wait3A_476 : memref<1x128xi32, #tpu.memory_space<vmem>> -> memref<128xi32, #tpu.memory_space<vmem>>
      %dma_wait3A_478 = arith.constant 0 : i32
      %dma_wait3A_479 = arith.constant 0 : i32
      %dma_wait3A_480 = tpu.memref_slice %arg2[%dma_wait3A_478, %dma_wait3A_479] : memref<10000x128xf32, #tpu.memory_space<hbm>> -> memref<10000x128xf32, #tpu.memory_space<hbm>>
      tpu.wait_indirect_dma semaphore(%arg12 : memref<!tpu.dma_semaphore, #tpu.memory_space<semaphore_mem>>) src(%dma_wait3A_480 : memref<10000x128xf32, #tpu.memory_space<hbm>>) dst(%arg10 : memref<128x128xf32, #tpu.memory_space<vmem>>)
      %ge3A_481 = arith.constant 1 : i32
      %ge3A_482 = arith.cmpi sge, %add3A_473, %ge3A_481 : i32
      %convert_element_type3A_483 = arith.extui %ge3A_482 : i1 to i32
      %cond3A_484 = arith.constant 0 : i32
      %cond3A_485 = arith.cmpi ne, %convert_element_type3A_483, %cond3A_484 : i32
      scf.if %cond3A_485 {
        %dma_wait3A_670 = arith.constant 1 : i32
        %dma_wait3A_671 = arith.constant 0 : i32
        %dma_wait3A_672 = tpu.memref_slice %arg9[%dma_wait3A_670, %dma_wait3A_671] : memref<8x128xi32, #tpu.memory_space<vmem>> -> memref<1x128xi32, #tpu.memory_space<vmem>>
        %dma_wait3A_673 = tpu.memref_squeeze %dma_wait3A_672 : memref<1x128xi32, #tpu.memory_space<vmem>> -> memref<128xi32, #tpu.memory_space<vmem>>
        %dma_wait3A_674 = arith.constant 0 : i32
        %dma_wait3A_675 = arith.constant 0 : i32
        %dma_wait3A_676 = tpu.memref_slice %arg5[%dma_wait3A_674, %dma_wait3A_675] : memref<10240x128xf32, #tpu.memory_space<vmem_shared>> -> memref<10240x128xf32, #tpu.memory_space<vmem_shared>>
        tpu.wait_indirect_dma semaphore(%arg15 : memref<!tpu.dma_semaphore, #tpu.memory_space<semaphore_mem>>) src(%arg11 : memref<128x128xf32, #tpu.memory_space<vmem>>) dst(%dma_wait3A_676 : memref<10240x128xf32, #tpu.memory_space<vmem_shared>>)
      } else {
      }
      %add3A_486 = arith.constant 1 : i32
      %add3A_487 = arith.addi %add3A_473, %add3A_486 : i32
      %lt3A_488 = arith.constant 80 : i32
      %lt3A_489 = arith.cmpi slt, %add3A_487, %lt3A_488 : i32
      %convert_element_type3A_490 = arith.extui %lt3A_489 : i1 to i32
      %cond3A_491 = arith.constant 0 : i32
      %cond3A_492 = arith.cmpi ne, %convert_element_type3A_490, %cond3A_491 : i32
      scf.if %cond3A_492 {
        %dma_start3A_670 = arith.constant 3 : i32
        %dma_start3A_671 = arith.constant 0 : i32
        %dma_start3A_672 = tpu.memref_slice %arg7[%dma_start3A_670, %dma_start3A_671] : memref<8x128xi32, #tpu.memory_space<vmem>> -> memref<1x128xi32, #tpu.memory_space<vmem>>
        %dma_start3A_673 = tpu.memref_squeeze %dma_start3A_672 : memref<1x128xi32, #tpu.memory_space<vmem>> -> memref<128xi32, #tpu.memory_space<vmem>>
        %dma_start3A_674 = arith.constant 0 : i32
        %dma_start3A_675 = arith.constant 0 : i32
        %dma_start3A_676 = tpu.memref_slice %arg2[%dma_start3A_674, %dma_start3A_675] : memref<10000x128xf32, #tpu.memory_space<hbm>> -> memref<10000x128xf32, #tpu.memory_space<hbm>>
        tpu.enqueue_indirect_dma source(%dma_start3A_676 : memref<10000x128xf32, #tpu.memory_space<hbm>>) target(%arg11 : memref<128x128xf32, #tpu.memory_space<vmem>>) offsets(%dma_start3A_673 : memref<128xi32, #tpu.memory_space<vmem>>) semaphore(%arg13 : memref<!tpu.dma_semaphore, #tpu.memory_space<semaphore_mem>>)
      } else {
      }
      %dma_start3A_493 = arith.constant 2 : i32
      %dma_start3A_494 = arith.constant 0 : i32
      %dma_start3A_495 = tpu.memref_slice %arg9[%dma_start3A_493, %dma_start3A_494] : memref<8x128xi32, #tpu.memory_space<vmem>> -> memref<1x128xi32, #tpu.memory_space<vmem>>
      %dma_start3A_496 = tpu.memref_squeeze %dma_start3A_495 : memref<1x128xi32, #tpu.memory_space<vmem>> -> memref<128xi32, #tpu.memory_space<vmem>>
      %dma_start3A_497 = arith.constant 0 : i32
      %dma_start3A_498 = arith.constant 0 : i32
      %dma_start3A_499 = tpu.memref_slice %arg5[%dma_start3A_497, %dma_start3A_498] : memref<10240x128xf32, #tpu.memory_space<vmem_shared>> -> memref<10240x128xf32, #tpu.memory_space<vmem_shared>>
      tpu.enqueue_indirect_dma source(%arg10 : memref<128x128xf32, #tpu.memory_space<vmem>>) target(%dma_start3A_499 : memref<10240x128xf32, #tpu.memory_space<vmem_shared>>) offsets(%dma_start3A_496 : memref<128xi32, #tpu.memory_space<vmem>>) semaphore(%arg14 : memref<!tpu.dma_semaphore, #tpu.memory_space<semaphore_mem>>) {add = true}
      %mul3A_500 = arith.constant 2 : i32
      %mul3A_501 = arith.muli %mul3A_500, %add3A_114 : i32
      %add3A_502 = arith.constant 1 : i32
      %add3A_503 = arith.addi %mul3A_501, %add3A_502 : i32
      %mul3A_504 = arith.constant 8 : i32
      %mul3A_505 = arith.muli %add3A_503, %mul3A_504 : i32
      %add3A_506 = arith.constant 3 : i32
      %add3A_507 = arith.addi %mul3A_505, %add3A_506 : i32
      %dma_wait3A_508 = arith.constant 3 : i32
      %dma_wait3A_509 = arith.constant 0 : i32
      %dma_wait3A_510 = tpu.memref_slice %arg7[%dma_wait3A_508, %dma_wait3A_509] : memref<8x128xi32, #tpu.memory_space<vmem>> -> memref<1x128xi32, #tpu.memory_space<vmem>>
      %dma_wait3A_511 = tpu.memref_squeeze %dma_wait3A_510 : memref<1x128xi32, #tpu.memory_space<vmem>> -> memref<128xi32, #tpu.memory_space<vmem>>
      %dma_wait3A_512 = arith.constant 0 : i32
      %dma_wait3A_513 = arith.constant 0 : i32
      %dma_wait3A_514 = tpu.memref_slice %arg2[%dma_wait3A_512, %dma_wait3A_513] : memref<10000x128xf32, #tpu.memory_space<hbm>> -> memref<10000x128xf32, #tpu.memory_space<hbm>>
      tpu.wait_indirect_dma semaphore(%arg13 : memref<!tpu.dma_semaphore, #tpu.memory_space<semaphore_mem>>) src(%dma_wait3A_514 : memref<10000x128xf32, #tpu.memory_space<hbm>>) dst(%arg11 : memref<128x128xf32, #tpu.memory_space<vmem>>)
      %ge3A_515 = arith.constant 1 : i32
      %ge3A_516 = arith.cmpi sge, %add3A_507, %ge3A_515 : i32
      %convert_element_type3A_517 = arith.extui %ge3A_516 : i1 to i32
      %cond3A_518 = arith.constant 0 : i32
      %cond3A_519 = arith.cmpi ne, %convert_element_type3A_517, %cond3A_518 : i32
      scf.if %cond3A_519 {
        %dma_wait3A_670 = arith.constant 2 : i32
        %dma_wait3A_671 = arith.constant 0 : i32
        %dma_wait3A_672 = tpu.memref_slice %arg9[%dma_wait3A_670, %dma_wait3A_671] : memref<8x128xi32, #tpu.memory_space<vmem>> -> memref<1x128xi32, #tpu.memory_space<vmem>>
        %dma_wait3A_673 = tpu.memref_squeeze %dma_wait3A_672 : memref<1x128xi32, #tpu.memory_space<vmem>> -> memref<128xi32, #tpu.memory_space<vmem>>
        %dma_wait3A_674 = arith.constant 0 : i32
        %dma_wait3A_675 = arith.constant 0 : i32
        %dma_wait3A_676 = tpu.memref_slice %arg5[%dma_wait3A_674, %dma_wait3A_675] : memref<10240x128xf32, #tpu.memory_space<vmem_shared>> -> memref<10240x128xf32, #tpu.memory_space<vmem_shared>>
        tpu.wait_indirect_dma semaphore(%arg14 : memref<!tpu.dma_semaphore, #tpu.memory_space<semaphore_mem>>) src(%arg10 : memref<128x128xf32, #tpu.memory_space<vmem>>) dst(%dma_wait3A_676 : memref<10240x128xf32, #tpu.memory_space<vmem_shared>>)
      } else {
      }
      %add3A_520 = arith.constant 1 : i32
      %add3A_521 = arith.addi %add3A_507, %add3A_520 : i32
      %lt3A_522 = arith.constant 80 : i32
      %lt3A_523 = arith.cmpi slt, %add3A_521, %lt3A_522 : i32
      %convert_element_type3A_524 = arith.extui %lt3A_523 : i1 to i32
      %cond3A_525 = arith.constant 0 : i32
      %cond3A_526 = arith.cmpi ne, %convert_element_type3A_524, %cond3A_525 : i32
      scf.if %cond3A_526 {
        %dma_start3A_670 = arith.constant 4 : i32
        %dma_start3A_671 = arith.constant 0 : i32
        %dma_start3A_672 = tpu.memref_slice %arg7[%dma_start3A_670, %dma_start3A_671] : memref<8x128xi32, #tpu.memory_space<vmem>> -> memref<1x128xi32, #tpu.memory_space<vmem>>
        %dma_start3A_673 = tpu.memref_squeeze %dma_start3A_672 : memref<1x128xi32, #tpu.memory_space<vmem>> -> memref<128xi32, #tpu.memory_space<vmem>>
        %dma_start3A_674 = arith.constant 0 : i32
        %dma_start3A_675 = arith.constant 0 : i32
        %dma_start3A_676 = tpu.memref_slice %arg2[%dma_start3A_674, %dma_start3A_675] : memref<10000x128xf32, #tpu.memory_space<hbm>> -> memref<10000x128xf32, #tpu.memory_space<hbm>>
        tpu.enqueue_indirect_dma source(%dma_start3A_676 : memref<10000x128xf32, #tpu.memory_space<hbm>>) target(%arg10 : memref<128x128xf32, #tpu.memory_space<vmem>>) offsets(%dma_start3A_673 : memref<128xi32, #tpu.memory_space<vmem>>) semaphore(%arg12 : memref<!tpu.dma_semaphore, #tpu.memory_space<semaphore_mem>>)
      } else {
      }
      %dma_start3A_527 = arith.constant 3 : i32
      %dma_start3A_528 = arith.constant 0 : i32
      %dma_start3A_529 = tpu.memref_slice %arg9[%dma_start3A_527, %dma_start3A_528] : memref<8x128xi32, #tpu.memory_space<vmem>> -> memref<1x128xi32, #tpu.memory_space<vmem>>
      %dma_start3A_530 = tpu.memref_squeeze %dma_start3A_529 : memref<1x128xi32, #tpu.memory_space<vmem>> -> memref<128xi32, #tpu.memory_space<vmem>>
      %dma_start3A_531 = arith.constant 0 : i32
      %dma_start3A_532 = arith.constant 0 : i32
      %dma_start3A_533 = tpu.memref_slice %arg5[%dma_start3A_531, %dma_start3A_532] : memref<10240x128xf32, #tpu.memory_space<vmem_shared>> -> memref<10240x128xf32, #tpu.memory_space<vmem_shared>>
      tpu.enqueue_indirect_dma source(%arg11 : memref<128x128xf32, #tpu.memory_space<vmem>>) target(%dma_start3A_533 : memref<10240x128xf32, #tpu.memory_space<vmem_shared>>) offsets(%dma_start3A_530 : memref<128xi32, #tpu.memory_space<vmem>>) semaphore(%arg15 : memref<!tpu.dma_semaphore, #tpu.memory_space<semaphore_mem>>) {add = true}
      %mul3A_534 = arith.constant 2 : i32
      %mul3A_535 = arith.muli %mul3A_534, %add3A_114 : i32
      %add3A_536 = arith.constant 1 : i32
      %add3A_537 = arith.addi %mul3A_535, %add3A_536 : i32
      %mul3A_538 = arith.constant 8 : i32
      %mul3A_539 = arith.muli %add3A_537, %mul3A_538 : i32
      %add3A_540 = arith.constant 4 : i32
      %add3A_541 = arith.addi %mul3A_539, %add3A_540 : i32
      %dma_wait3A_542 = arith.constant 4 : i32
      %dma_wait3A_543 = arith.constant 0 : i32
      %dma_wait3A_544 = tpu.memref_slice %arg7[%dma_wait3A_542, %dma_wait3A_543] : memref<8x128xi32, #tpu.memory_space<vmem>> -> memref<1x128xi32, #tpu.memory_space<vmem>>
      %dma_wait3A_545 = tpu.memref_squeeze %dma_wait3A_544 : memref<1x128xi32, #tpu.memory_space<vmem>> -> memref<128xi32, #tpu.memory_space<vmem>>
      %dma_wait3A_546 = arith.constant 0 : i32
      %dma_wait3A_547 = arith.constant 0 : i32
      %dma_wait3A_548 = tpu.memref_slice %arg2[%dma_wait3A_546, %dma_wait3A_547] : memref<10000x128xf32, #tpu.memory_space<hbm>> -> memref<10000x128xf32, #tpu.memory_space<hbm>>
      tpu.wait_indirect_dma semaphore(%arg12 : memref<!tpu.dma_semaphore, #tpu.memory_space<semaphore_mem>>) src(%dma_wait3A_548 : memref<10000x128xf32, #tpu.memory_space<hbm>>) dst(%arg10 : memref<128x128xf32, #tpu.memory_space<vmem>>)
      %ge3A_549 = arith.constant 1 : i32
      %ge3A_550 = arith.cmpi sge, %add3A_541, %ge3A_549 : i32
      %convert_element_type3A_551 = arith.extui %ge3A_550 : i1 to i32
      %cond3A_552 = arith.constant 0 : i32
      %cond3A_553 = arith.cmpi ne, %convert_element_type3A_551, %cond3A_552 : i32
      scf.if %cond3A_553 {
        %dma_wait3A_670 = arith.constant 3 : i32
        %dma_wait3A_671 = arith.constant 0 : i32
        %dma_wait3A_672 = tpu.memref_slice %arg9[%dma_wait3A_670, %dma_wait3A_671] : memref<8x128xi32, #tpu.memory_space<vmem>> -> memref<1x128xi32, #tpu.memory_space<vmem>>
        %dma_wait3A_673 = tpu.memref_squeeze %dma_wait3A_672 : memref<1x128xi32, #tpu.memory_space<vmem>> -> memref<128xi32, #tpu.memory_space<vmem>>
        %dma_wait3A_674 = arith.constant 0 : i32
        %dma_wait3A_675 = arith.constant 0 : i32
        %dma_wait3A_676 = tpu.memref_slice %arg5[%dma_wait3A_674, %dma_wait3A_675] : memref<10240x128xf32, #tpu.memory_space<vmem_shared>> -> memref<10240x128xf32, #tpu.memory_space<vmem_shared>>
        tpu.wait_indirect_dma semaphore(%arg15 : memref<!tpu.dma_semaphore, #tpu.memory_space<semaphore_mem>>) src(%arg11 : memref<128x128xf32, #tpu.memory_space<vmem>>) dst(%dma_wait3A_676 : memref<10240x128xf32, #tpu.memory_space<vmem_shared>>)
      } else {
      }
      %add3A_554 = arith.constant 1 : i32
      %add3A_555 = arith.addi %add3A_541, %add3A_554 : i32
      %lt3A_556 = arith.constant 80 : i32
      %lt3A_557 = arith.cmpi slt, %add3A_555, %lt3A_556 : i32
      %convert_element_type3A_558 = arith.extui %lt3A_557 : i1 to i32
      %cond3A_559 = arith.constant 0 : i32
      %cond3A_560 = arith.cmpi ne, %convert_element_type3A_558, %cond3A_559 : i32
      scf.if %cond3A_560 {
        %dma_start3A_670 = arith.constant 5 : i32
        %dma_start3A_671 = arith.constant 0 : i32
        %dma_start3A_672 = tpu.memref_slice %arg7[%dma_start3A_670, %dma_start3A_671] : memref<8x128xi32, #tpu.memory_space<vmem>> -> memref<1x128xi32, #tpu.memory_space<vmem>>
        %dma_start3A_673 = tpu.memref_squeeze %dma_start3A_672 : memref<1x128xi32, #tpu.memory_space<vmem>> -> memref<128xi32, #tpu.memory_space<vmem>>
        %dma_start3A_674 = arith.constant 0 : i32
        %dma_start3A_675 = arith.constant 0 : i32
        %dma_start3A_676 = tpu.memref_slice %arg2[%dma_start3A_674, %dma_start3A_675] : memref<10000x128xf32, #tpu.memory_space<hbm>> -> memref<10000x128xf32, #tpu.memory_space<hbm>>
        tpu.enqueue_indirect_dma source(%dma_start3A_676 : memref<10000x128xf32, #tpu.memory_space<hbm>>) target(%arg11 : memref<128x128xf32, #tpu.memory_space<vmem>>) offsets(%dma_start3A_673 : memref<128xi32, #tpu.memory_space<vmem>>) semaphore(%arg13 : memref<!tpu.dma_semaphore, #tpu.memory_space<semaphore_mem>>)
      } else {
      }
      %dma_start3A_561 = arith.constant 4 : i32
      %dma_start3A_562 = arith.constant 0 : i32
      %dma_start3A_563 = tpu.memref_slice %arg9[%dma_start3A_561, %dma_start3A_562] : memref<8x128xi32, #tpu.memory_space<vmem>> -> memref<1x128xi32, #tpu.memory_space<vmem>>
      %dma_start3A_564 = tpu.memref_squeeze %dma_start3A_563 : memref<1x128xi32, #tpu.memory_space<vmem>> -> memref<128xi32, #tpu.memory_space<vmem>>
      %dma_start3A_565 = arith.constant 0 : i32
      %dma_start3A_566 = arith.constant 0 : i32
      %dma_start3A_567 = tpu.memref_slice %arg5[%dma_start3A_565, %dma_start3A_566] : memref<10240x128xf32, #tpu.memory_space<vmem_shared>> -> memref<10240x128xf32, #tpu.memory_space<vmem_shared>>
      tpu.enqueue_indirect_dma source(%arg10 : memref<128x128xf32, #tpu.memory_space<vmem>>) target(%dma_start3A_567 : memref<10240x128xf32, #tpu.memory_space<vmem_shared>>) offsets(%dma_start3A_564 : memref<128xi32, #tpu.memory_space<vmem>>) semaphore(%arg14 : memref<!tpu.dma_semaphore, #tpu.memory_space<semaphore_mem>>) {add = true}
      %mul3A_568 = arith.constant 2 : i32
      %mul3A_569 = arith.muli %mul3A_568, %add3A_114 : i32
      %add3A_570 = arith.constant 1 : i32
      %add3A_571 = arith.addi %mul3A_569, %add3A_570 : i32
      %mul3A_572 = arith.constant 8 : i32
      %mul3A_573 = arith.muli %add3A_571, %mul3A_572 : i32
      %add3A_574 = arith.constant 5 : i32
      %add3A_575 = arith.addi %mul3A_573, %add3A_574 : i32
      %dma_wait3A_576 = arith.constant 5 : i32
      %dma_wait3A_577 = arith.constant 0 : i32
      %dma_wait3A_578 = tpu.memref_slice %arg7[%dma_wait3A_576, %dma_wait3A_577] : memref<8x128xi32, #tpu.memory_space<vmem>> -> memref<1x128xi32, #tpu.memory_space<vmem>>
      %dma_wait3A_579 = tpu.memref_squeeze %dma_wait3A_578 : memref<1x128xi32, #tpu.memory_space<vmem>> -> memref<128xi32, #tpu.memory_space<vmem>>
      %dma_wait3A_580 = arith.constant 0 : i32
      %dma_wait3A_581 = arith.constant 0 : i32
      %dma_wait3A_582 = tpu.memref_slice %arg2[%dma_wait3A_580, %dma_wait3A_581] : memref<10000x128xf32, #tpu.memory_space<hbm>> -> memref<10000x128xf32, #tpu.memory_space<hbm>>
      tpu.wait_indirect_dma semaphore(%arg13 : memref<!tpu.dma_semaphore, #tpu.memory_space<semaphore_mem>>) src(%dma_wait3A_582 : memref<10000x128xf32, #tpu.memory_space<hbm>>) dst(%arg11 : memref<128x128xf32, #tpu.memory_space<vmem>>)
      %ge3A_583 = arith.constant 1 : i32
      %ge3A_584 = arith.cmpi sge, %add3A_575, %ge3A_583 : i32
      %convert_element_type3A_585 = arith.extui %ge3A_584 : i1 to i32
      %cond3A_586 = arith.constant 0 : i32
      %cond3A_587 = arith.cmpi ne, %convert_element_type3A_585, %cond3A_586 : i32
      scf.if %cond3A_587 {
        %dma_wait3A_670 = arith.constant 4 : i32
        %dma_wait3A_671 = arith.constant 0 : i32
        %dma_wait3A_672 = tpu.memref_slice %arg9[%dma_wait3A_670, %dma_wait3A_671] : memref<8x128xi32, #tpu.memory_space<vmem>> -> memref<1x128xi32, #tpu.memory_space<vmem>>
        %dma_wait3A_673 = tpu.memref_squeeze %dma_wait3A_672 : memref<1x128xi32, #tpu.memory_space<vmem>> -> memref<128xi32, #tpu.memory_space<vmem>>
        %dma_wait3A_674 = arith.constant 0 : i32
        %dma_wait3A_675 = arith.constant 0 : i32
        %dma_wait3A_676 = tpu.memref_slice %arg5[%dma_wait3A_674, %dma_wait3A_675] : memref<10240x128xf32, #tpu.memory_space<vmem_shared>> -> memref<10240x128xf32, #tpu.memory_space<vmem_shared>>
        tpu.wait_indirect_dma semaphore(%arg14 : memref<!tpu.dma_semaphore, #tpu.memory_space<semaphore_mem>>) src(%arg10 : memref<128x128xf32, #tpu.memory_space<vmem>>) dst(%dma_wait3A_676 : memref<10240x128xf32, #tpu.memory_space<vmem_shared>>)
      } else {
      }
      %add3A_588 = arith.constant 1 : i32
      %add3A_589 = arith.addi %add3A_575, %add3A_588 : i32
      %lt3A_590 = arith.constant 80 : i32
      %lt3A_591 = arith.cmpi slt, %add3A_589, %lt3A_590 : i32
      %convert_element_type3A_592 = arith.extui %lt3A_591 : i1 to i32
      %cond3A_593 = arith.constant 0 : i32
      %cond3A_594 = arith.cmpi ne, %convert_element_type3A_592, %cond3A_593 : i32
      scf.if %cond3A_594 {
        %dma_start3A_670 = arith.constant 6 : i32
        %dma_start3A_671 = arith.constant 0 : i32
        %dma_start3A_672 = tpu.memref_slice %arg7[%dma_start3A_670, %dma_start3A_671] : memref<8x128xi32, #tpu.memory_space<vmem>> -> memref<1x128xi32, #tpu.memory_space<vmem>>
        %dma_start3A_673 = tpu.memref_squeeze %dma_start3A_672 : memref<1x128xi32, #tpu.memory_space<vmem>> -> memref<128xi32, #tpu.memory_space<vmem>>
        %dma_start3A_674 = arith.constant 0 : i32
        %dma_start3A_675 = arith.constant 0 : i32
        %dma_start3A_676 = tpu.memref_slice %arg2[%dma_start3A_674, %dma_start3A_675] : memref<10000x128xf32, #tpu.memory_space<hbm>> -> memref<10000x128xf32, #tpu.memory_space<hbm>>
        tpu.enqueue_indirect_dma source(%dma_start3A_676 : memref<10000x128xf32, #tpu.memory_space<hbm>>) target(%arg10 : memref<128x128xf32, #tpu.memory_space<vmem>>) offsets(%dma_start3A_673 : memref<128xi32, #tpu.memory_space<vmem>>) semaphore(%arg12 : memref<!tpu.dma_semaphore, #tpu.memory_space<semaphore_mem>>)
      } else {
      }
      %dma_start3A_595 = arith.constant 5 : i32
      %dma_start3A_596 = arith.constant 0 : i32
      %dma_start3A_597 = tpu.memref_slice %arg9[%dma_start3A_595, %dma_start3A_596] : memref<8x128xi32, #tpu.memory_space<vmem>> -> memref<1x128xi32, #tpu.memory_space<vmem>>
      %dma_start3A_598 = tpu.memref_squeeze %dma_start3A_597 : memref<1x128xi32, #tpu.memory_space<vmem>> -> memref<128xi32, #tpu.memory_space<vmem>>
      %dma_start3A_599 = arith.constant 0 : i32
      %dma_start3A_600 = arith.constant 0 : i32
      %dma_start3A_601 = tpu.memref_slice %arg5[%dma_start3A_599, %dma_start3A_600] : memref<10240x128xf32, #tpu.memory_space<vmem_shared>> -> memref<10240x128xf32, #tpu.memory_space<vmem_shared>>
      tpu.enqueue_indirect_dma source(%arg11 : memref<128x128xf32, #tpu.memory_space<vmem>>) target(%dma_start3A_601 : memref<10240x128xf32, #tpu.memory_space<vmem_shared>>) offsets(%dma_start3A_598 : memref<128xi32, #tpu.memory_space<vmem>>) semaphore(%arg15 : memref<!tpu.dma_semaphore, #tpu.memory_space<semaphore_mem>>) {add = true}
      %mul3A_602 = arith.constant 2 : i32
      %mul3A_603 = arith.muli %mul3A_602, %add3A_114 : i32
      %add3A_604 = arith.constant 1 : i32
      %add3A_605 = arith.addi %mul3A_603, %add3A_604 : i32
      %mul3A_606 = arith.constant 8 : i32
      %mul3A_607 = arith.muli %add3A_605, %mul3A_606 : i32
      %add3A_608 = arith.constant 6 : i32
      %add3A_609 = arith.addi %mul3A_607, %add3A_608 : i32
      %dma_wait3A_610 = arith.constant 6 : i32
      %dma_wait3A_611 = arith.constant 0 : i32
      %dma_wait3A_612 = tpu.memref_slice %arg7[%dma_wait3A_610, %dma_wait3A_611] : memref<8x128xi32, #tpu.memory_space<vmem>> -> memref<1x128xi32, #tpu.memory_space<vmem>>
      %dma_wait3A_613 = tpu.memref_squeeze %dma_wait3A_612 : memref<1x128xi32, #tpu.memory_space<vmem>> -> memref<128xi32, #tpu.memory_space<vmem>>
      %dma_wait3A_614 = arith.constant 0 : i32
      %dma_wait3A_615 = arith.constant 0 : i32
      %dma_wait3A_616 = tpu.memref_slice %arg2[%dma_wait3A_614, %dma_wait3A_615] : memref<10000x128xf32, #tpu.memory_space<hbm>> -> memref<10000x128xf32, #tpu.memory_space<hbm>>
      tpu.wait_indirect_dma semaphore(%arg12 : memref<!tpu.dma_semaphore, #tpu.memory_space<semaphore_mem>>) src(%dma_wait3A_616 : memref<10000x128xf32, #tpu.memory_space<hbm>>) dst(%arg10 : memref<128x128xf32, #tpu.memory_space<vmem>>)
      %ge3A_617 = arith.constant 1 : i32
      %ge3A_618 = arith.cmpi sge, %add3A_609, %ge3A_617 : i32
      %convert_element_type3A_619 = arith.extui %ge3A_618 : i1 to i32
      %cond3A_620 = arith.constant 0 : i32
      %cond3A_621 = arith.cmpi ne, %convert_element_type3A_619, %cond3A_620 : i32
      scf.if %cond3A_621 {
        %dma_wait3A_670 = arith.constant 5 : i32
        %dma_wait3A_671 = arith.constant 0 : i32
        %dma_wait3A_672 = tpu.memref_slice %arg9[%dma_wait3A_670, %dma_wait3A_671] : memref<8x128xi32, #tpu.memory_space<vmem>> -> memref<1x128xi32, #tpu.memory_space<vmem>>
        %dma_wait3A_673 = tpu.memref_squeeze %dma_wait3A_672 : memref<1x128xi32, #tpu.memory_space<vmem>> -> memref<128xi32, #tpu.memory_space<vmem>>
        %dma_wait3A_674 = arith.constant 0 : i32
        %dma_wait3A_675 = arith.constant 0 : i32
        %dma_wait3A_676 = tpu.memref_slice %arg5[%dma_wait3A_674, %dma_wait3A_675] : memref<10240x128xf32, #tpu.memory_space<vmem_shared>> -> memref<10240x128xf32, #tpu.memory_space<vmem_shared>>
        tpu.wait_indirect_dma semaphore(%arg15 : memref<!tpu.dma_semaphore, #tpu.memory_space<semaphore_mem>>) src(%arg11 : memref<128x128xf32, #tpu.memory_space<vmem>>) dst(%dma_wait3A_676 : memref<10240x128xf32, #tpu.memory_space<vmem_shared>>)
      } else {
      }
      %add3A_622 = arith.constant 1 : i32
      %add3A_623 = arith.addi %add3A_609, %add3A_622 : i32
      %lt3A_624 = arith.constant 80 : i32
      %lt3A_625 = arith.cmpi slt, %add3A_623, %lt3A_624 : i32
      %convert_element_type3A_626 = arith.extui %lt3A_625 : i1 to i32
      %cond3A_627 = arith.constant 0 : i32
      %cond3A_628 = arith.cmpi ne, %convert_element_type3A_626, %cond3A_627 : i32
      scf.if %cond3A_628 {
        %dma_start3A_670 = arith.constant 7 : i32
        %dma_start3A_671 = arith.constant 0 : i32
        %dma_start3A_672 = tpu.memref_slice %arg7[%dma_start3A_670, %dma_start3A_671] : memref<8x128xi32, #tpu.memory_space<vmem>> -> memref<1x128xi32, #tpu.memory_space<vmem>>
        %dma_start3A_673 = tpu.memref_squeeze %dma_start3A_672 : memref<1x128xi32, #tpu.memory_space<vmem>> -> memref<128xi32, #tpu.memory_space<vmem>>
        %dma_start3A_674 = arith.constant 0 : i32
        %dma_start3A_675 = arith.constant 0 : i32
        %dma_start3A_676 = tpu.memref_slice %arg2[%dma_start3A_674, %dma_start3A_675] : memref<10000x128xf32, #tpu.memory_space<hbm>> -> memref<10000x128xf32, #tpu.memory_space<hbm>>
        tpu.enqueue_indirect_dma source(%dma_start3A_676 : memref<10000x128xf32, #tpu.memory_space<hbm>>) target(%arg11 : memref<128x128xf32, #tpu.memory_space<vmem>>) offsets(%dma_start3A_673 : memref<128xi32, #tpu.memory_space<vmem>>) semaphore(%arg13 : memref<!tpu.dma_semaphore, #tpu.memory_space<semaphore_mem>>)
      } else {
      }
      %dma_start3A_629 = arith.constant 6 : i32
      %dma_start3A_630 = arith.constant 0 : i32
      %dma_start3A_631 = tpu.memref_slice %arg9[%dma_start3A_629, %dma_start3A_630] : memref<8x128xi32, #tpu.memory_space<vmem>> -> memref<1x128xi32, #tpu.memory_space<vmem>>
      %dma_start3A_632 = tpu.memref_squeeze %dma_start3A_631 : memref<1x128xi32, #tpu.memory_space<vmem>> -> memref<128xi32, #tpu.memory_space<vmem>>
      %dma_start3A_633 = arith.constant 0 : i32
      %dma_start3A_634 = arith.constant 0 : i32
      %dma_start3A_635 = tpu.memref_slice %arg5[%dma_start3A_633, %dma_start3A_634] : memref<10240x128xf32, #tpu.memory_space<vmem_shared>> -> memref<10240x128xf32, #tpu.memory_space<vmem_shared>>
      tpu.enqueue_indirect_dma source(%arg10 : memref<128x128xf32, #tpu.memory_space<vmem>>) target(%dma_start3A_635 : memref<10240x128xf32, #tpu.memory_space<vmem_shared>>) offsets(%dma_start3A_632 : memref<128xi32, #tpu.memory_space<vmem>>) semaphore(%arg14 : memref<!tpu.dma_semaphore, #tpu.memory_space<semaphore_mem>>) {add = true}
      %mul3A_636 = arith.constant 2 : i32
      %mul3A_637 = arith.muli %mul3A_636, %add3A_114 : i32
      %add3A_638 = arith.constant 1 : i32
      %add3A_639 = arith.addi %mul3A_637, %add3A_638 : i32
      %mul3A_640 = arith.constant 8 : i32
      %mul3A_641 = arith.muli %add3A_639, %mul3A_640 : i32
      %add3A_642 = arith.constant 7 : i32
      %add3A_643 = arith.addi %mul3A_641, %add3A_642 : i32
      %dma_wait3A_644 = arith.constant 7 : i32
      %dma_wait3A_645 = arith.constant 0 : i32
      %dma_wait3A_646 = tpu.memref_slice %arg7[%dma_wait3A_644, %dma_wait3A_645] : memref<8x128xi32, #tpu.memory_space<vmem>> -> memref<1x128xi32, #tpu.memory_space<vmem>>
      %dma_wait3A_647 = tpu.memref_squeeze %dma_wait3A_646 : memref<1x128xi32, #tpu.memory_space<vmem>> -> memref<128xi32, #tpu.memory_space<vmem>>
      %dma_wait3A_648 = arith.constant 0 : i32
      %dma_wait3A_649 = arith.constant 0 : i32
      %dma_wait3A_650 = tpu.memref_slice %arg2[%dma_wait3A_648, %dma_wait3A_649] : memref<10000x128xf32, #tpu.memory_space<hbm>> -> memref<10000x128xf32, #tpu.memory_space<hbm>>
      tpu.wait_indirect_dma semaphore(%arg13 : memref<!tpu.dma_semaphore, #tpu.memory_space<semaphore_mem>>) src(%dma_wait3A_650 : memref<10000x128xf32, #tpu.memory_space<hbm>>) dst(%arg11 : memref<128x128xf32, #tpu.memory_space<vmem>>)
      %ge3A_651 = arith.constant 1 : i32
      %ge3A_652 = arith.cmpi sge, %add3A_643, %ge3A_651 : i32
      %convert_element_type3A_653 = arith.extui %ge3A_652 : i1 to i32
      %cond3A_654 = arith.constant 0 : i32
      %cond3A_655 = arith.cmpi ne, %convert_element_type3A_653, %cond3A_654 : i32
      scf.if %cond3A_655 {
        %dma_wait3A_670 = arith.constant 6 : i32
        %dma_wait3A_671 = arith.constant 0 : i32
        %dma_wait3A_672 = tpu.memref_slice %arg9[%dma_wait3A_670, %dma_wait3A_671] : memref<8x128xi32, #tpu.memory_space<vmem>> -> memref<1x128xi32, #tpu.memory_space<vmem>>
        %dma_wait3A_673 = tpu.memref_squeeze %dma_wait3A_672 : memref<1x128xi32, #tpu.memory_space<vmem>> -> memref<128xi32, #tpu.memory_space<vmem>>
        %dma_wait3A_674 = arith.constant 0 : i32
        %dma_wait3A_675 = arith.constant 0 : i32
        %dma_wait3A_676 = tpu.memref_slice %arg5[%dma_wait3A_674, %dma_wait3A_675] : memref<10240x128xf32, #tpu.memory_space<vmem_shared>> -> memref<10240x128xf32, #tpu.memory_space<vmem_shared>>
        tpu.wait_indirect_dma semaphore(%arg14 : memref<!tpu.dma_semaphore, #tpu.memory_space<semaphore_mem>>) src(%arg10 : memref<128x128xf32, #tpu.memory_space<vmem>>) dst(%dma_wait3A_676 : memref<10240x128xf32, #tpu.memory_space<vmem_shared>>)
      } else {
      }
      %add3A_656 = arith.constant 1 : i32
      %add3A_657 = arith.addi %add3A_643, %add3A_656 : i32
      %lt3A_658 = arith.constant 80 : i32
      %lt3A_659 = arith.cmpi slt, %add3A_657, %lt3A_658 : i32
      %convert_element_type3A_660 = arith.extui %lt3A_659 : i1 to i32
      %cond3A_661 = arith.constant 0 : i32
      %cond3A_662 = arith.cmpi ne, %convert_element_type3A_660, %cond3A_661 : i32
      scf.if %cond3A_662 {
        %dma_wait3A_670 = arith.constant 0 : i32
        %dma_wait3A_671 = arith.constant 0 : i32
        %dma_wait3A_672 = arith.constant 0 : i32
        %dma_wait3A_673 = arith.constant 0 : i32
        %dma_wait3A_674 = tpu.memref_slice %arg3[%dma_wait3A_670, %add3A, %dma_wait3A_671, %dma_wait3A_672, %dma_wait3A_673] : memref<2x32x10x8x128xi32, #tpu.memory_space<hbm>> -> memref<1x1x1x8x128xi32, #tpu.memory_space<hbm>>
        %dma_wait3A_675 = tpu.memref_squeeze %dma_wait3A_674 : memref<1x1x1x8x128xi32, #tpu.memory_space<hbm>> -> memref<8x128xi32, #tpu.memory_space<hbm>>
        %dma_wait3A_676 = arith.constant 0 : i32
        %dma_wait3A_677 = arith.constant 0 : i32
        %dma_wait3A_678 = tpu.memref_slice %arg3[%dma_wait3A_670, %add3A, %dma_wait3A_671, %dma_wait3A_676, %dma_wait3A_677] : memref<2x32x10x8x128xi32, #tpu.memory_space<hbm>> -> memref<1x1x1x8x128xi32, #tpu.memory_space<hbm>>
        %dma_wait3A_679 = tpu.memref_squeeze %dma_wait3A_678 : memref<1x1x1x8x128xi32, #tpu.memory_space<hbm>> -> memref<8x128xi32, #tpu.memory_space<hbm>>
        tpu.wait_dma2 semaphore(%arg16 : memref<!tpu.dma_semaphore, #tpu.memory_space<semaphore_mem>>) src(%dma_wait3A_679 : memref<8x128xi32, #tpu.memory_space<hbm>>) dst(%arg6 : memref<8x128xi32, #tpu.memory_space<vmem>>)
        %dma_wait3A_680 = arith.constant 1 : i32
        %dma_wait3A_681 = arith.constant 0 : i32
        %dma_wait3A_682 = arith.constant 0 : i32
        %dma_wait3A_683 = arith.constant 0 : i32
        %dma_wait3A_684 = tpu.memref_slice %arg3[%dma_wait3A_680, %add3A, %dma_wait3A_681, %dma_wait3A_682, %dma_wait3A_683] : memref<2x32x10x8x128xi32, #tpu.memory_space<hbm>> -> memref<1x1x1x8x128xi32, #tpu.memory_space<hbm>>
        %dma_wait3A_685 = tpu.memref_squeeze %dma_wait3A_684 : memref<1x1x1x8x128xi32, #tpu.memory_space<hbm>> -> memref<8x128xi32, #tpu.memory_space<hbm>>
        %dma_wait3A_686 = arith.constant 0 : i32
        %dma_wait3A_687 = arith.constant 0 : i32
        %dma_wait3A_688 = tpu.memref_slice %arg3[%dma_wait3A_680, %add3A, %dma_wait3A_681, %dma_wait3A_686, %dma_wait3A_687] : memref<2x32x10x8x128xi32, #tpu.memory_space<hbm>> -> memref<1x1x1x8x128xi32, #tpu.memory_space<hbm>>
        %dma_wait3A_689 = tpu.memref_squeeze %dma_wait3A_688 : memref<1x1x1x8x128xi32, #tpu.memory_space<hbm>> -> memref<8x128xi32, #tpu.memory_space<hbm>>
        tpu.wait_dma2 semaphore(%arg16 : memref<!tpu.dma_semaphore, #tpu.memory_space<semaphore_mem>>) src(%dma_wait3A_689 : memref<8x128xi32, #tpu.memory_space<hbm>>) dst(%arg8 : memref<8x128xi32, #tpu.memory_space<vmem>>)
        %dma_start3A_690 = arith.constant 0 : i32
        %dma_start3A_691 = arith.constant 0 : i32
        %dma_start3A_692 = tpu.memref_slice %arg6[%dma_start3A_690, %dma_start3A_691] : memref<8x128xi32, #tpu.memory_space<vmem>> -> memref<1x128xi32, #tpu.memory_space<vmem>>
        %dma_start3A_693 = tpu.memref_squeeze %dma_start3A_692 : memref<1x128xi32, #tpu.memory_space<vmem>> -> memref<128xi32, #tpu.memory_space<vmem>>
        %dma_start3A_694 = arith.constant 0 : i32
        %dma_start3A_695 = arith.constant 0 : i32
        %dma_start3A_696 = tpu.memref_slice %arg2[%dma_start3A_694, %dma_start3A_695] : memref<10000x128xf32, #tpu.memory_space<hbm>> -> memref<10000x128xf32, #tpu.memory_space<hbm>>
        tpu.enqueue_indirect_dma source(%dma_start3A_696 : memref<10000x128xf32, #tpu.memory_space<hbm>>) target(%arg10 : memref<128x128xf32, #tpu.memory_space<vmem>>) offsets(%dma_start3A_693 : memref<128xi32, #tpu.memory_space<vmem>>) semaphore(%arg12 : memref<!tpu.dma_semaphore, #tpu.memory_space<semaphore_mem>>)
      } else {
      }
      %dma_start3A_663 = arith.constant 7 : i32
      %dma_start3A_664 = arith.constant 0 : i32
      %dma_start3A_665 = tpu.memref_slice %arg9[%dma_start3A_663, %dma_start3A_664] : memref<8x128xi32, #tpu.memory_space<vmem>> -> memref<1x128xi32, #tpu.memory_space<vmem>>
      %dma_start3A_666 = tpu.memref_squeeze %dma_start3A_665 : memref<1x128xi32, #tpu.memory_space<vmem>> -> memref<128xi32, #tpu.memory_space<vmem>>
      %dma_start3A_667 = arith.constant 0 : i32
      %dma_start3A_668 = arith.constant 0 : i32
      %dma_start3A_669 = tpu.memref_slice %arg5[%dma_start3A_667, %dma_start3A_668] : memref<10240x128xf32, #tpu.memory_space<vmem_shared>> -> memref<10240x128xf32, #tpu.memory_space<vmem_shared>>
      tpu.enqueue_indirect_dma source(%arg11 : memref<128x128xf32, #tpu.memory_space<vmem>>) target(%dma_start3A_669 : memref<10240x128xf32, #tpu.memory_space<vmem_shared>>) offsets(%dma_start3A_666 : memref<128xi32, #tpu.memory_space<vmem>>) semaphore(%arg15 : memref<!tpu.dma_semaphore, #tpu.memory_space<semaphore_mem>>) {add = true}
    }
    %scan3A_97 = arith.constant 5 : i32
    %dma_wait3A_98 = arith.constant 7 : i32
    %dma_wait3A_99 = arith.constant 0 : i32
    %dma_wait3A_100 = tpu.memref_slice %arg9[%dma_wait3A_98, %dma_wait3A_99] : memref<8x128xi32, #tpu.memory_space<vmem>> -> memref<1x128xi32, #tpu.memory_space<vmem>>
    %dma_wait3A_101 = tpu.memref_squeeze %dma_wait3A_100 : memref<1x128xi32, #tpu.memory_space<vmem>> -> memref<128xi32, #tpu.memory_space<vmem>>
    %dma_wait3A_102 = arith.constant 0 : i32
    %dma_wait3A_103 = arith.constant 0 : i32
    %dma_wait3A_104 = tpu.memref_slice %arg5[%dma_wait3A_102, %dma_wait3A_103] : memref<10240x128xf32, #tpu.memory_space<vmem_shared>> -> memref<10240x128xf32, #tpu.memory_space<vmem_shared>>
    tpu.wait_indirect_dma semaphore(%arg15 : memref<!tpu.dma_semaphore, #tpu.memory_space<semaphore_mem>>) src(%arg11 : memref<128x128xf32, #tpu.memory_space<vmem>>) dst(%dma_wait3A_104 : memref<10240x128xf32, #tpu.memory_space<vmem_shared>>)
    %barrier3A_105 = arith.constant 0 : index
    tpu.barrier barrier_id(%barrier3A_105)
    %mul3A_106 = arith.constant 640 : i32
    %mul3A_107 = arith.muli %arg1, %mul3A_106 : i32
    %mul3A_108 = arith.constant 640 : i32
    %mul3A_109 = arith.muli %arg1, %mul3A_108 : i32
    "tpu.region"() ({
      %run_scoped3A = tpu.sem_alloc : memref<!tpu.dma_semaphore, #tpu.memory_space<semaphore_mem>>
      %dma_start3A_110 = arith.constant 0 : i32
      %dma_start3A_111 = tpu.memref_slice %arg4[%arg0, %mul3A_109, %dma_start3A_110] : memref<2x10240x128xf32, #tpu.memory_space<hbm>> -> memref<1x640x128xf32, #tpu.memory_space<hbm>>
      %dma_start3A_112 = tpu.memref_squeeze %dma_start3A_111 : memref<1x640x128xf32, #tpu.memory_space<hbm>> -> memref<640x128xf32, #tpu.memory_space<hbm>>
      %dma_start3A_113 = arith.constant 0 : i32
      %dma_start3A_114 = tpu.memref_slice %arg5[%mul3A_107, %dma_start3A_113] : memref<10240x128xf32, #tpu.memory_space<vmem_shared>> -> memref<640x128xf32, #tpu.memory_space<vmem_shared>>
      tpu.enqueue_dma source(%dma_start3A_114 : memref<640x128xf32, #tpu.memory_space<vmem_shared>>) target(%dma_start3A_112 : memref<640x128xf32, #tpu.memory_space<hbm>>) target_semaphore(%run_scoped3A : memref<!tpu.dma_semaphore, #tpu.memory_space<semaphore_mem>>)
      %dma_wait3A_115 = arith.constant 0 : i32
      %dma_wait3A_116 = tpu.memref_slice %arg4[%arg0, %mul3A_109, %dma_wait3A_115] : memref<2x10240x128xf32, #tpu.memory_space<hbm>> -> memref<1x640x128xf32, #tpu.memory_space<hbm>>
      %dma_wait3A_117 = tpu.memref_squeeze %dma_wait3A_116 : memref<1x640x128xf32, #tpu.memory_space<hbm>> -> memref<640x128xf32, #tpu.memory_space<hbm>>
      %dma_wait3A_118 = arith.constant 0 : i32
      %dma_wait3A_119 = tpu.memref_slice %arg5[%mul3A_107, %dma_wait3A_118] : memref<10240x128xf32, #tpu.memory_space<vmem_shared>> -> memref<640x128xf32, #tpu.memory_space<vmem_shared>>
      tpu.wait_dma2 semaphore(%run_scoped3A : memref<!tpu.dma_semaphore, #tpu.memory_space<semaphore_mem>>) src(%dma_wait3A_119 : memref<640x128xf32, #tpu.memory_space<vmem_shared>>) dst(%dma_wait3A_117 : memref<640x128xf32, #tpu.memory_space<hbm>>)
      tpu.yield
    }) : () -> ()
    return
  }
}

module attributes {stable_mosaic.version = 14 : i64} {
  func.func @_mm_body(%arg0: i32, %arg1: memref<2000x128xf32, #tpu.memory_space<vmem>>, %arg2: memref<128x128xf32, #tpu.memory_space<vmem>>, %arg3: memref<1x128xf32, #tpu.memory_space<vmem>>, %arg4: memref<2000x128xf32, #tpu.memory_space<vmem>>) attributes {dimension_semantics = [#tpu.dimension_semantics<arbitrary>], iteration_bounds = array<i64: 5>, scalar_prefetch = 0 : i64, scratch_operands = 0 : i64, tpu.core_type = #tpu.core_type<tc>, window_params = [{transform_indices = @transform_0, window_bounds = array<i64: 2000, 128>}, {pipeline_mode = #tpu.pipeline_mode<synchronous>, transform_indices = @transform_1, window_bounds = array<i64: 128, 128>}, {pipeline_mode = #tpu.pipeline_mode<synchronous>, transform_indices = @transform_2, window_bounds = array<i64: 1, 128>}, {transform_indices = @transform_3, window_bounds = array<i64: 2000, 128>}]} {
    %get3A = arith.constant 0 : index
    %get3A_0 = arith.constant 0 : index
    %get3A_1 = vector.load %arg1[%get3A, %get3A_0] : memref<2000x128xf32, #tpu.memory_space<vmem>>, vector<2000x128xf32>
    %get3A_2 = arith.constant 0 : index
    %get3A_3 = arith.constant 0 : index
    %get3A_4 = vector.load %arg2[%get3A_2, %get3A_3] : memref<128x128xf32, #tpu.memory_space<vmem>>, vector<128x128xf32>
    %dot_general3A = arith.constant dense<0.000000e+00> : vector<2000x128xf32>
    %dot_general3A_5 = tpu.matmul %get3A_1, %get3A_4, %dot_general3A {dimension_numbers = #tpu.dot_dimension_numbers<[1], [1], [0], [0], [0, 0, 1, 0], [], []>, transpose_lhs_hint = false} : vector<2000x128xf32>, vector<128x128xf32>, vector<2000x128xf32> -> vector<2000x128xf32>
    %get3A_6 = arith.constant 0 : index
    %get3A_7 = arith.constant 0 : index
    %get3A_8 = vector.load %arg3[%get3A_6, %get3A_7] : memref<1x128xf32, #tpu.memory_space<vmem>>, vector<1x128xf32>
    %add3A = vector.broadcast %get3A_8 : vector<1x128xf32> to vector<2000x128xf32>
    %add3A_9 = arith.addf %dot_general3A_5, %add3A : vector<2000x128xf32>
    %swap3A = arith.constant 0 : index
    %swap3A_10 = arith.constant 0 : index
    %swap3A_11 = vector.load %arg4[%swap3A, %swap3A_10] : memref<2000x128xf32, #tpu.memory_space<vmem>>, vector<2000x128xf32>
    tpu.vector_store %arg4[%swap3A, %swap3A_10], %add3A_9 {strides = array<i32>} : memref<2000x128xf32, #tpu.memory_space<vmem>>, vector<2000x128xf32>,
    return
  }
  func.func @transform_0(%arg0: i32) -> (i32, i32) {
    %c0_i32 = arith.constant 0 : i32
    %c0_i32_0 = arith.constant 0 : i32
    return %arg0, %c0_i32 : i32, i32
  }
  func.func @transform_1(%arg0: i32) -> (i32, i32) {
    %c0_i32 = arith.constant 0 : i32
    %c0_i32_0 = arith.constant 0 : i32
    %c0_i32_1 = arith.constant 0 : i32
    return %c0_i32, %c0_i32_0 : i32, i32
  }
  func.func @transform_2(%arg0: i32) -> (i32, i32) {
    %c0_i32 = arith.constant 0 : i32
    %c0_i32_0 = arith.constant 0 : i32
    %c0_i32_1 = arith.constant 0 : i32
    return %c0_i32, %c0_i32_0 : i32, i32
  }
  func.func @transform_3(%arg0: i32) -> (i32, i32) {
    %c0_i32 = arith.constant 0 : i32
    %c0_i32_0 = arith.constant 0 : i32
    return %arg0, %c0_i32 : i32, i32
  }
}

module attributes {stable_mosaic.version = 14 : i64} {
  func.func @_mid_body(%arg0: i32, %arg1: memref<2x2000x128xf32, #tpu.memory_space<vmem>>, %arg2: memref<2000x2xf32, #tpu.memory_space<vmem>>, %arg3: memref<2000x128xf32, #tpu.memory_space<vmem>>, %arg4: memref<128x128xf32, #tpu.memory_space<vmem>>, %arg5: memref<1x128xf32, #tpu.memory_space<vmem>>, %arg6: memref<2000x128xf32, #tpu.memory_space<vmem>>) attributes {dimension_semantics = [#tpu.dimension_semantics<arbitrary>], iteration_bounds = array<i64: 5>, scalar_prefetch = 0 : i64, scratch_operands = 0 : i64, tpu.core_type = #tpu.core_type<tc>, window_params = [{transform_indices = @transform_0, window_bounds = array<i64: 2, 2000, 128>}, {transform_indices = @transform_1, window_bounds = array<i64: 2000, 2>}, {transform_indices = @transform_2, window_bounds = array<i64: 2000, 128>}, {pipeline_mode = #tpu.pipeline_mode<synchronous>, transform_indices = @transform_3, window_bounds = array<i64: 128, 128>}, {pipeline_mode = #tpu.pipeline_mode<synchronous>, transform_indices = @transform_4, window_bounds = array<i64: 1, 128>}, {transform_indices = @transform_5, window_bounds = array<i64: 2000, 128>}]} {
    %get3A = arith.constant 0 : index
    %get3A_0 = arith.constant 0 : index
    %get3A_1 = arith.constant 0 : index
    %get3A_2 = vector.load %arg1[%get3A, %get3A_0, %get3A_1] : memref<2x2000x128xf32, #tpu.memory_space<vmem>>, vector<1x2000x128xf32>
    %get3A_3 = vector.shape_cast %get3A_2 : vector<1x2000x128xf32> to vector<2000x128xf32>
    %get3A_4 = arith.constant 1 : index
    %get3A_5 = arith.constant 0 : index
    %get3A_6 = arith.constant 0 : index
    %get3A_7 = vector.load %arg1[%get3A_4, %get3A_5, %get3A_6] : memref<2x2000x128xf32, #tpu.memory_space<vmem>>, vector<1x2000x128xf32>
    %get3A_8 = vector.shape_cast %get3A_7 : vector<1x2000x128xf32> to vector<2000x128xf32>
    %add3A = arith.addf %get3A_3, %get3A_8 : vector<2000x128xf32>
    %get3A_9 = arith.constant 0 : index
    %get3A_10 = arith.constant 0 : index
    %get3A_11 = vector.load %arg2[%get3A_9, %get3A_10] : memref<2000x2xf32, #tpu.memory_space<vmem>>, vector<2000x2xf32>
    %slice3A = vector.extract_strided_slice %get3A_11 {offsets = [0, 0], sizes = [2000, 1], strides = [1, 1]} : vector<2000x2xf32> to vector<2000x1xf32>
    %slice3A_12 = vector.extract_strided_slice %get3A_11 {offsets = [0, 1], sizes = [2000, 1], strides = [1, 1]} : vector<2000x2xf32> to vector<2000x1xf32>
    %add3A_13 = arith.addf %slice3A, %slice3A_12 : vector<2000x1xf32>
    %max3A = arith.constant 1.000000e+00 : f32
    %max3A_14 = vector.broadcast %max3A : f32 to vector<2000x1xf32>
    %max3A_15 = arith.maximumf %add3A_13, %max3A_14 : vector<2000x1xf32>
    %div3A = arith.constant 1.000000e+00 : f32
    %div3A_16 = vector.broadcast %div3A : f32 to vector<2000x1xf32>
    %div3A_17 = arith.divf %div3A_16, %max3A_15 : vector<2000x1xf32>
    %mul3A = vector.broadcast %div3A_17 : vector<2000x1xf32> to vector<2000x128xf32>
    %mul3A_18 = arith.mulf %add3A, %mul3A : vector<2000x128xf32>
    %get3A_19 = arith.constant 0 : index
    %get3A_20 = arith.constant 0 : index
    %get3A_21 = vector.load %arg3[%get3A_19, %get3A_20] : memref<2000x128xf32, #tpu.memory_space<vmem>>, vector<2000x128xf32>
    %add3A_22 = arith.addf %mul3A_18, %get3A_21 : vector<2000x128xf32>
    %max3A_23 = arith.constant 0.000000e+00 : f32
    %max3A_24 = vector.broadcast %max3A_23 : f32 to vector<2000x128xf32>
    %max3A_25 = arith.maximumf %add3A_22, %max3A_24 : vector<2000x128xf32>
    %get3A_26 = arith.constant 0 : index
    %get3A_27 = arith.constant 0 : index
    %get3A_28 = vector.load %arg4[%get3A_26, %get3A_27] : memref<128x128xf32, #tpu.memory_space<vmem>>, vector<128x128xf32>
    %dot_general3A = arith.constant dense<0.000000e+00> : vector<2000x128xf32>
    %dot_general3A_29 = tpu.matmul %max3A_25, %get3A_28, %dot_general3A {dimension_numbers = #tpu.dot_dimension_numbers<[1], [1], [0], [0], [0, 0, 1, 0], [], []>, transpose_lhs_hint = false} : vector<2000x128xf32>, vector<128x128xf32>, vector<2000x128xf32> -> vector<2000x128xf32>
    %get3A_30 = arith.constant 0 : index
    %get3A_31 = arith.constant 0 : index
    %get3A_32 = vector.load %arg5[%get3A_30, %get3A_31] : memref<1x128xf32, #tpu.memory_space<vmem>>, vector<1x128xf32>
    %add3A_33 = vector.broadcast %get3A_32 : vector<1x128xf32> to vector<2000x128xf32>
    %add3A_34 = arith.addf %dot_general3A_29, %add3A_33 : vector<2000x128xf32>
    %swap3A = arith.constant 0 : index
    %swap3A_35 = arith.constant 0 : index
    %swap3A_36 = vector.load %arg6[%swap3A, %swap3A_35] : memref<2000x128xf32, #tpu.memory_space<vmem>>, vector<2000x128xf32>
    tpu.vector_store %arg6[%swap3A, %swap3A_35], %add3A_34 {strides = array<i32>} : memref<2000x128xf32, #tpu.memory_space<vmem>>, vector<2000x128xf32>,
    return
  }
  func.func @transform_0(%arg0: i32) -> (i32, i32, i32) {
    %c0_i32 = arith.constant 0 : i32
    %c0_i32_0 = arith.constant 0 : i32
    %c0_i32_1 = arith.constant 0 : i32
    return %c0_i32, %arg0, %c0_i32_0 : i32, i32, i32
  }
  func.func @transform_1(%arg0: i32) -> (i32, i32) {
    %c0_i32 = arith.constant 0 : i32
    %c0_i32_0 = arith.constant 0 : i32
    return %arg0, %c0_i32 : i32, i32
  }
  func.func @transform_2(%arg0: i32) -> (i32, i32) {
    %c0_i32 = arith.constant 0 : i32
    %c0_i32_0 = arith.constant 0 : i32
    return %arg0, %c0_i32 : i32, i32
  }
  func.func @transform_3(%arg0: i32) -> (i32, i32) {
    %c0_i32 = arith.constant 0 : i32
    %c0_i32_0 = arith.constant 0 : i32
    %c0_i32_1 = arith.constant 0 : i32
    return %c0_i32, %c0_i32_0 : i32, i32
  }
  func.func @transform_4(%arg0: i32) -> (i32, i32) {
    %c0_i32 = arith.constant 0 : i32
    %c0_i32_0 = arith.constant 0 : i32
    %c0_i32_1 = arith.constant 0 : i32
    return %c0_i32, %c0_i32_0 : i32, i32
  }
  func.func @transform_5(%arg0: i32) -> (i32, i32) {
    %c0_i32 = arith.constant 0 : i32
    %c0_i32_0 = arith.constant 0 : i32
    return %arg0, %c0_i32 : i32, i32
  }
}

module attributes {stable_mosaic.version = 14 : i64} {
  func.func @_fin_body(%arg0: i32, %arg1: memref<2x2000x128xf32, #tpu.memory_space<vmem>>, %arg2: memref<2000x2xf32, #tpu.memory_space<vmem>>, %arg3: memref<2000x128xf32, #tpu.memory_space<vmem>>, %arg4: memref<2000x128xf32, #tpu.memory_space<vmem>>) attributes {dimension_semantics = [#tpu.dimension_semantics<arbitrary>], iteration_bounds = array<i64: 5>, scalar_prefetch = 0 : i64, scratch_operands = 0 : i64, tpu.core_type = #tpu.core_type<tc>, window_params = [{transform_indices = @transform_0, window_bounds = array<i64: 2, 2000, 128>}, {transform_indices = @transform_1, window_bounds = array<i64: 2000, 2>}, {transform_indices = @transform_2, window_bounds = array<i64: 2000, 128>}, {transform_indices = @transform_3, window_bounds = array<i64: 2000, 128>}]} {
    %get3A = arith.constant 0 : index
    %get3A_0 = arith.constant 0 : index
    %get3A_1 = arith.constant 0 : index
    %get3A_2 = vector.load %arg1[%get3A, %get3A_0, %get3A_1] : memref<2x2000x128xf32, #tpu.memory_space<vmem>>, vector<1x2000x128xf32>
    %get3A_3 = vector.shape_cast %get3A_2 : vector<1x2000x128xf32> to vector<2000x128xf32>
    %get3A_4 = arith.constant 1 : index
    %get3A_5 = arith.constant 0 : index
    %get3A_6 = arith.constant 0 : index
    %get3A_7 = vector.load %arg1[%get3A_4, %get3A_5, %get3A_6] : memref<2x2000x128xf32, #tpu.memory_space<vmem>>, vector<1x2000x128xf32>
    %get3A_8 = vector.shape_cast %get3A_7 : vector<1x2000x128xf32> to vector<2000x128xf32>
    %add3A = arith.addf %get3A_3, %get3A_8 : vector<2000x128xf32>
    %get3A_9 = arith.constant 0 : index
    %get3A_10 = arith.constant 0 : index
    %get3A_11 = vector.load %arg2[%get3A_9, %get3A_10] : memref<2000x2xf32, #tpu.memory_space<vmem>>, vector<2000x2xf32>
    %slice3A = vector.extract_strided_slice %get3A_11 {offsets = [0, 0], sizes = [2000, 1], strides = [1, 1]} : vector<2000x2xf32> to vector<2000x1xf32>
    %slice3A_12 = vector.extract_strided_slice %get3A_11 {offsets = [0, 1], sizes = [2000, 1], strides = [1, 1]} : vector<2000x2xf32> to vector<2000x1xf32>
    %add3A_13 = arith.addf %slice3A, %slice3A_12 : vector<2000x1xf32>
    %max3A = arith.constant 1.000000e+00 : f32
    %max3A_14 = vector.broadcast %max3A : f32 to vector<2000x1xf32>
    %max3A_15 = arith.maximumf %add3A_13, %max3A_14 : vector<2000x1xf32>
    %div3A = arith.constant 1.000000e+00 : f32
    %div3A_16 = vector.broadcast %div3A : f32 to vector<2000x1xf32>
    %div3A_17 = arith.divf %div3A_16, %max3A_15 : vector<2000x1xf32>
    %mul3A = vector.broadcast %div3A_17 : vector<2000x1xf32> to vector<2000x128xf32>
    %mul3A_18 = arith.mulf %add3A, %mul3A : vector<2000x128xf32>
    %get3A_19 = arith.constant 0 : index
    %get3A_20 = arith.constant 0 : index
    %get3A_21 = vector.load %arg3[%get3A_19, %get3A_20] : memref<2000x128xf32, #tpu.memory_space<vmem>>, vector<2000x128xf32>
    %add3A_22 = arith.addf %mul3A_18, %get3A_21 : vector<2000x128xf32>
    %swap3A = arith.constant 0 : index
    %swap3A_23 = arith.constant 0 : index
    %swap3A_24 = vector.load %arg4[%swap3A, %swap3A_23] : memref<2000x128xf32, #tpu.memory_space<vmem>>, vector<2000x128xf32>
    tpu.vector_store %arg4[%swap3A, %swap3A_23], %add3A_22 {strides = array<i32>} : memref<2000x128xf32, #tpu.memory_space<vmem>>, vector<2000x128xf32>,
    return
  }
  func.func @transform_0(%arg0: i32) -> (i32, i32, i32) {
    %c0_i32 = arith.constant 0 : i32
    %c0_i32_0 = arith.constant 0 : i32
    %c0_i32_1 = arith.constant 0 : i32
    return %c0_i32, %arg0, %c0_i32_0 : i32, i32, i32
  }
  func.func @transform_1(%arg0: i32) -> (i32, i32) {
    %c0_i32 = arith.constant 0 : i32
    %c0_i32_0 = arith.constant 0 : i32
    return %arg0, %c0_i32 : i32, i32
  }
  func.func @transform_2(%arg0: i32) -> (i32, i32) {
    %c0_i32 = arith.constant 0 : i32
    %c0_i32_0 = arith.constant 0 : i32
    return %arg0, %c0_i32 : i32, i32
  }
  func.func @transform_3(%arg0: i32) -> (i32, i32) {
    %c0_i32 = arith.constant 0 : i32
    %c0_i32_0 = arith.constant 0 : i32
    return %arg0, %c0_i32 : i32, i32
  }
}

</mosaic_0001>

<sc_bundles>
// kernel: kernel.12.cloned.1.call-start
scs
__scs_entry_jumppad:
0x0: {  	(pc) =	sbr.rel $0x88, $3  }
0x1: {  	(tag) =	ssettag $0x0;
	lr =	simm.s32 $0x1  }
0x2: {  	[smem:$0x3F99] =	sst lr;
	_ =	strace $0xD0000000  }
0x3: {  	_ = 	snop  }
0x4: {  	_ = 	snop  }
0x5: {  	_ = 	snop  }
0x6: {  	_ = 	snop  }
0x7: {  	_ = 	snop  }
__scs_overlays_trampoline_lowered:
0x8: {  	[smem:$0x3FA8] =	sst s0  }
0x9: {  	[smem:$0x3FA9] =	sst s1  }
0xa: {  	[smem:$0x3FAA] =	sst s2  }
0xb: {  	[smem:$0x3FAB] =	sst s3  }
0xc: {  	[smem:$0x3FAC] =	sst s4  }
0xd: {  	[smem:$0x3FAD] =	sst s5  }
0xe: {  	[smem:$0x3FAE] =	sst s6  }
0xf: {  	[smem:$0x3FAF] =	sst s7  }
0x10: {  	[smem:$0x3FB0] =	sst s8  }
0x11: {  	[smem:$0x3FB1] =	sst s9;
	s0 =	simm.s32 @!p0 $0x0  }
0x12: {  	s1 =	sld [smem:$0x3F97];
	s0 =	simm.s32 @p0 $0x1  }
0x13: {  	[smem:$0x3FB2] =	sst s0;
	s0 =	simm.s32 @!p1 $0x0  }
0x14: {  	s2 =	sld [smem:$0x3F96];
	s0 =	simm.s32 @p1 $0x1  }
0x15: {  	[smem:$0x3FB3] =	sst s0;
	s0 =	simm.s32 @!p2 $0x0  }
0x16: {  	s3 =	sld [smem:$0x3FDB];
	s0 =	simm.s32 @p2 $0x1  }
0x17: {  	s4 =	simm.s32 $0x1BF5;
	[smem:$0x3FB5] =	sst s0  }
0x18: {  	s0 =	sld [smem:$0x3F98];
	_ =	swait.ge [sflag:s4], $0x0  }
0x19: {  	s7 =	sld [smem:$0x3F99]  }
0x1a: {  	s8 =	sadd.s32 $0xFFFFE003, lr  }
0x1b: {  	s9 =	sadd.s32 $0xFFFFFEF7, lr;
	s5 =	simm.s32 $0xFFFFFFFF;
	p2 =	slt.u32 s8, $0xFFFFF086  }
0x1c: {  	p1 =	slt.u32 s9, $0xF7A;
	s5 =	simm.s32 @!p2 $0x0  }
0x1d: {  	s5 =	simm.s32 @p1 $0x1;
	p0 =	seq.s32 s7, s2  }
0x1e: {  	s7 =	smul.u32 @!p0 $0xF7A, s2;
	p2 =	seq.s32 @!p0 s5, $0x0  }
0x1f: {  	s9 =	smul.u32 $0xF7A, s1;
	s8 =	simm.s32 @!p0 $0x1BF5;
	p2 =	por !p2, p0  }
0x20: {  	[sflag:s8] =	ssyncset.s32 @!p0 $0xFFFFF086;
	s6 =	sadd.s32 @!p0 s3, s7;
	s7 =	simm.s32 @!p0 $0x108  }
0x21: {  	s3 =	sadd.s32 s3, s9;
	s6 =	sadd.s32 @!p0 $0x88, s6;
	s7 =	simm.s32 @p2 $0x1082  }
0x22: {  	[simem:s7], [sflag:s8] =	dma.local @!p0 [hbm:s6], $0xF7A  }
0x23: {  	s9 =	sor.u32 $0xD0000000, s2;
	s6 =	simm.s32 $0x108;
	_ =	swait.ge @!p0 [sflag:s8], $0x0  }
0x24: {  	s3 =	sadd.s32 $0x88, s3;
	s6 =	simm.s32 @!p1 $0x1082;
	[sflag:s4] =	ssyncset.s32 $0xFFFFF086  }
0x25: {  	[simem:s6], [sflag:s4] =	dma.local [hbm:s3], $0xF7A  }
0x26: {  	[smem:$0x3F99] =	sst s1;
	(tag) =	ssettag s2;
	_ =	strace s9  }
0x27: {  	s1 =	sld [smem:$0x3FA9]  }
0x28: {  	s2 =	sld [smem:$0x3FAA]  }
0x29: {  	s4 =	sld [smem:$0x3FAC]  }
0x2a: {  	p0 =	seq.s32 s5, $0x0;
	s5 =	sld [smem:$0x3FAD]  }
0x2b: {  	s6 =	sld [smem:$0x3FAE]  }
0x2c: {  	s7 =	sld [smem:$0x3FAF]  }
0x2d: {  	s3 =	simm.s32 $0x108;
	s8 =	sld [smem:$0x3FB0]  }
0x2e: {  	s3 =	simm.s32 @!p0 $0x1082;
	s9 =	sld [smem:$0x3FB1]  }
0x2f: {  	lr =	sadd.s32 s0, s3;
	s0 =	sld [smem:$0x3FA8]  }
0x30: {  	s3 =	sld [smem:$0x3FAB]  }
0x31: {  	[smem:$0x3FB4] =	sst s10  }
0x32: {  	s10 =	sld [smem:$0x3FB2];
	_ =	sdelay $0x3  }
0x33: {  	p0 =	seq.s32 s10, $0x1;
	s10 =	sld [smem:$0x3FB4];
	_ =	sdelay $0x3  }
0x34: {  	[smem:$0x3FB4] =	sst s10  }
0x35: {  	s10 =	sld [smem:$0x3FB3];
	_ =	sdelay $0x3  }
0x36: {  	p1 =	seq.s32 s10, $0x1;
	s10 =	sld [smem:$0x3FB4];
	_ =	sdelay $0x3  }
0x37: {  	[smem:$0x3FB4] =	sst s10  }
0x38: {  	s10 =	sld [smem:$0x3FB5]  }
0x39: {  	_ = 	snop;
	(pc) =	sbr.ind lr, $3  }
0x3a: {  	_ = 	snop  }
0x3b: {  	_ = 	snop  }
0x3c: {  	p2 =	seq.s32 s10, $0x1;
	s10 =	sld [smem:$0x3FB4]  }
0x3d: {  	_ =	shalt  }
0x3e: {  	_ =	shalt  }
0x3f: {  	_ =	shalt  }
0x40: {  	_ =	shalt  }
0x41: {  	_ =	shalt  }
0x42: {  	_ =	shalt  }
0x43: {  	_ =	shalt  }
0x44: {  	_ =	shalt  }
0x45: {  	_ =	shalt  }
0x46: {  	_ =	shalt  }
0x47: {  	_ =	shalt  }
0x48: {  	_ =	shalt  }
0x49: {  	_ =	shalt  }
0x4a: {  	_ =	shalt  }
0x4b: {  	_ =	shalt  }
0x4c: {  	_ =	shalt  }
0x4d: {  	_ =	shalt  }
0x4e: {  	_ =	shalt  }
0x4f: {  	_ =	shalt  }
0x50: {  	_ =	shalt  }
0x51: {  	_ =	shalt  }
0x52: {  	_ =	shalt  }
0x53: {  	_ =	shalt  }
0x54: {  	_ =	shalt  }
0x55: {  	_ =	shalt  }
0x56: {  	_ =	shalt  }
0x57: {  	_ =	shalt  }
0x58: {  	_ =	shalt  }
0x59: {  	_ =	shalt  }
0x5a: {  	_ =	shalt  }
0x5b: {  	_ =	shalt  }
0x5c: {  	_ =	shalt  }
0x5d: {  	_ =	shalt  }
0x5e: {  	_ =	shalt  }
0x5f: {  	_ =	shalt  }
0x60: {  	_ =	shalt  }
0x61: {  	_ =	shalt  }
0x62: {  	_ =	shalt  }
0x63: {  	_ =	shalt  }
0x64: {  	_ =	shalt  }
0x65: {  	_ =	shalt  }
0x66: {  	_ =	shalt  }
0x67: {  	_ =	shalt  }
0x68: {  	_ =	shalt  }
0x69: {  	_ =	shalt  }
0x6a: {  	_ =	shalt  }
0x6b: {  	_ =	shalt  }
0x6c: {  	_ =	shalt  }
0x6d: {  	_ =	shalt  }
0x6e: {  	_ =	shalt  }
0x6f: {  	_ =	shalt  }
0x70: {  	_ =	shalt  }
0x71: {  	_ =	shalt  }
0x72: {  	_ =	shalt  }
0x73: {  	_ =	shalt  }
0x74: {  	_ =	shalt  }
0x75: {  	_ =	shalt  }
0x76: {  	_ =	shalt  }
0x77: {  	_ =	shalt  }
0x78: {  	_ =	shalt  }
0x79: {  	_ =	shalt  }
0x7a: {  	_ =	shalt  }
0x7b: {  	_ =	shalt  }
0x7c: {  	_ =	shalt  }
0x7d: {  	_ =	shalt  }
0x7e: {  	_ =	shalt  }
0x7f: {  	_ =	shalt  }
0x80: {  	_ =	shalt  }
0x81: {  	_ =	shalt  }
0x82: {  	_ =	shalt  }
0x83: {  	_ =	shalt  }
0x84: {  	_ =	shalt  }
0x85: {  	_ =	shalt  }
0x86: {  	_ =	shalt  }
0x87: {  	_ =	shalt  }
.Lfunc_end0:
.L_simem_size_0:
called_computation.1_lowered:
.L_overlay_start_0:
0x88: {  	s2 =	sld [smem:$0x3FD9]  }
0x89: {  	s3 =	sld [smem:$0x3FFE];
	_ =	sdelay $0x1  }
0x8a: {  	s1 =	srdreg.scid  }
0x8b: {  	s0 =	sand.u32 $0x1, s1  }
0x8c: {  	s17 =	sshll.u32 s0, $0xA;
	s2 =	sadd.s32 s3, s2  }
0x8d: {  	s2 =	sadd.s32 s2, s17  }
0x8e: {  	[smem:$0x3FC0] =	sst s2  }
0x8f: {  	_ = 	snop  }
0x90: {  	s2 =	sld [smem:$0x3FD0];
	(tm) =	ssettm $0x1  }
0x91: {  	s18 =	sld [smem:$0x3FFB];
	_ =	sdelay $0x3  }
0x92: {  	_ =	strace s18  }
0x93: {  	s3 =	sld [smem:$0x3FFC];
	_ =	sdelay $0x3  }
0x94: {  	_ =	strace s3  }
0x95: {  	s3 =	sld [smem:$0x3FFD];
	_ =	sdelay $0x3  }
0x96: {  	_ =	strace s3  }
0x97: {  	_ =	strace $0x8FFFFFFF  }
0x98: {  	s19 =	sld [smem:$0x3FDB];
	_ =	sdelay $0x1  }
0x99: {  	s4 =	simm.s32 $_scs_section_size  }
0x9a: {  	s5 =	simm.s32 $_size__tile_overlayer_lowered;
	s6 =	simm.s32 $_tile_overlayer_lowered  }
0x9b: {  	s22 =	simm.s32 $0x1BFF;
	s21 =	sshll.u32 s6, $0x1;
	s3 =	sadd.s32 s4, s19  }
0x9c: {  	s7 =	simm.s32 $0x0;
	s20 =	sshll.u32 s5, $0x1;
	s5 =	sadd.s32 s21, s3  }
0x9d: {  	[timem:s7], [sflag:s22] =	dma.local [hbm:s5], s20  }
0x9e: {  	_ =	swait.ge [sflag:s22], s20  }
0x9f: {  	s4 =	ssub.s32 $0x0, s20;
	[sflag:s22] =	ssyncset.done $0x0  }
0xa0: {  	[sflag:s22] =	ssyncadd.s32 s4;
	_ =	sdelay $0x1  }
0xa1: {  	s23 =	simm.s32 $0x1B8B  }
0xa2: {  	_ =	swait.ge [sflag:s23], $0x1  }
0xa3: {  	[sflag:s23] =	ssyncset.done $0x0  }
0xa4: {  	s25 =	simm.s32 $0x1B8E;
	s24 =	sld [smem:$0x3FFE];
	[sflag:s23] =	ssyncadd.s32 $0xFFFFFFFF  }
0xa5: {  	s26 =	simm.s32 $execute0_lowered;
	[smem:$0x3FD2] =	sst s25  }
0xa6: {  	s5 =	sshll.u32 s26, $0x1;
	_ =	strace $0x80000049;
	[dreg:$0x1] =	wrdreg $0xFFFFFFFF  }
0xa7: {  	s28 =	simm.s32 $_size_execute0_lowered;
	s3 =	sadd.s32 s3, s5;
	[dreg:$0x0] =	wrdreg $0x0  }
0xa8: {  	s5 =	sshll.u32 s28, $0x1;
	[dreg:$0x2] =	wrdreg s3  }
0xa9: {  	[dreg:$0x3] =	wrdreg s5  }
0xaa: {  	[dreg:$0x4] =	wrdreg $0xC0  }
0xab: {  	_ =	task [dreg:s7], $0x5FFFF  }
0xac: {  	[dreg:$0x1] =	wrdreg $0xFFFFFFFF  }
0xad: {  	[dreg:$0x0] =	wrdreg $0x60  }
0xae: {  	[dreg:$0x2] =	wrdreg s2  }
0xaf: {  	[dreg:$0x3] =	wrdreg s24  }
0xb0: {  	[dreg:$0x4] =	wrdreg $0x0  }
0xb1: {  	[dreg:$0x5] =	wrdreg $0x9  }
0xb2: {  	_ =	task.clear_ibuf [dreg:s7], $0x6FFFF;
	_ =	strace $0x90000049  }
0xb3: {  	s29 =	simm.s32 $0x9;
	_ =	strace $0x8000004B  }
0xb4: {  	_ =	swait.ge [sflag:s29], $0x1  }
0xb5: {  	[sflag:s29] =	ssyncadd.s32 $0xFFFFFFFF  }
0xb6: {  	_ =	strace $0x9000004B  }
0xb7: {  	_ =	sfence  }
0xb8: {  	s30 =	sld [smem:$0x0];
	_ =	sdelay $0x2  }
0xb9: {  	s31 =	sshll.u32 s1, $0xD;
	s1 =	sshrl.u32 s1, $0x2  }
0xba: {  	s3 =	sand.u32 $0x4000, s31;
	s1 =	sadd.s32 s1, s30  }
0xbb: {  	s0 =	sor.u32 s3, s0;
	s1 =	sshll.u32 s1, $0x11  }
0xbc: {  	s0 =	sor.u32 s1, s0  }
0xbd: {  	s0 =	sadd.s32 $0x8F2B, s0  }
0xbe: {  	[sflag:s0] =	ssyncadd.remote.s32 $0x1  }
0xbf: {  	_ =	sfence.sel $0xFFFF  }
0xc0: {  	[dreg:$0x0] =	wrdreg $0xFFFFFFFF;
	(pc) =	sbr.abs _section_cstart, $3  }
0xc1: {  	[dreg:$0x1] =	wrdreg $0xFFFFFFFF  }
0xc2: {  	_ =	task.clear_ibuf [dreg:s7], $0x2FFFF;
	_ =	strace $0x9FFFFFFF  }
0xc3: {  	(tm) =	ssettm $0x7FFFFFFF  }
tec
execute0_lowered:
.L_overlay_start_1:
0x0: {  	(tag) =	ssettag $0x1  }
0x1: {  	s1 =	rddreg [dreg:$0x0]  }
0x2: {  	s0 =	rddreg [dreg:$0x1]  }
0x3: {  	s2 =	rddreg [dreg:$0x2];
	s3 =	srdreg.scid;
	s20 =	simm.s32 $0x0  }
0x4: {  	s10 =	stileid.u32;
	s28 =	simm.s32 $0x5;
	s29 =	simm.s32 $0x80  }
0x5: {  	s30 =	simm.s32 $0x1;
	s31 =	simm.s32 $0x4;
	s6 =	smul.u32 $0x14000, s10  }
0x6: {  	s3 =	sand.u32 $0x1, s3;
	[smem:$0x7FF] =	sst s20;
	s7 =	smul.u32 $0x50000, s10  }
0x7: {  	s5 =	sadd.s32 $0x2800, s0;
	s9 =	sshll.u32 s10, $0x1;
	s4 =	smul.u32 $0x140000, s3  }
0x8: {  	s12 =	smul.u32 $0x5000, s10;
	s10 =	simm.s32 $0x14D80;
	_ =	strace $0x8000004A  }
0x9: {  	s8 =	ssub.s32 $0x2, s3;
	s7 =	sshrl.u32 s7, $0x2;
	s4 =	sadd.s32 s6, s4  }
0xa: {  	s6 =	sor.u32 s3, s9;
	s9 =	sshrl.u32 s8, $0x1;
	s3 =	smul.u32 $0x2800, s3  }
0xb: {  	s22 =	sadd.s32 s7, s2;
	s4 =	sshrl.u32 s4, $0x3;
	s6 =	smul.u32 $0x2800, s6  }
0xc: {  	s11 =	ssub.s32 s8, s9;
	s7 =	sadd.s32 $0x4000, s22;
	[dreg:$0x5] =	wrdreg s22  }
0xd: {  	s13 =	sadd.s32 $0x8000, s22;
	s14 =	sadd.s32 $0xC000, s22;
	[dreg:$0x6] =	wrdreg s7  }
0xe: {  	s15 =	sadd.s32 $0x10000, s22;
	s8 =	simm.s32 $0x3;
	[dreg:$0x7] =	wrdreg s13  }
0xf: {  	s9 =	simm.s32 $0x6;
	s0 =	sadd.s32 s4, s0;
	[dreg:$0x9] =	wrdreg s14  }
0x10: {  	[dreg:$0xa] =	wrdreg s15;
	s3 =	sadd.s32 s3, s12;
	s18 =	smax.u32 s11, $0x1  }
0x11: {  	s7 =	simm.s32 $0x2;
	s11 =	simm.s32 $0x14E00;
	s12 =	simm.s32 $0x14700  }
0x12: {  	s13 =	simm.s32 $0x14E80;
	s14 =	simm.s32 $0x14780;
	s15 =	simm.s32 $0x14F00  }
0x13: {  	s6 =	sshrl.u32 s6, $0x3;
	s0 =	sadd.s32 $0x67200, s0;
	[dreg:$0xf] =	wrdreg s18  }
0x14: {  	s19 =	sadd.s32 $0x50400, s3;
	s21 =	sor.u32 $0x400, s3;
	s23 =	sadd.s32 $0x50800, s3  }
0x15: {  	s26 =	sadd.s32 $0x800, s3;
	s3 =	simm.s32 $0x7;
	s6 =	sadd.s32 s5, s6  }
0x16: {  	[dreg:$0xe] =	wrdreg s0;
	s0 =	sshrl.u32 s19, $0x3;
	s24 =	sshrl.u32 s21, $0x3  }
0x17: {  	s25 =	sshrl.u32 s23, $0x3;
	[dreg:$0x10] =	wrdreg s26;
	s21 =	simm.s32 $0x15000  }
.Ltmp0:
0x18: {  	s26 =	simm.s32 $0x14680;
	s16 =	sadd.s32 $0xA000, s6;
	(pc) =	sbr.rel .LBB2_1-.Ltmp0, $4  }
0x19: {  	s17 =	sadd.s32 $0x80, s6;
	[dreg:$0x8] =	wrdreg s6;
	s6 =	sadd.s32 $0xA080, s6  }
0x1a: {  	s18 =	sadd.s32 s24, s5;
	s19 =	sadd.s32 s25, s5;
	[dreg:$0xb] =	wrdreg s16  }
0x1b: {  	s24 =	simm.s32 $0x19000;
	s25 =	simm.s32 $0x14000;
	[dreg:$0xc] =	wrdreg s17  }
0x1c: {  	v0 =	vimm.f32 $0.0e+00;
	[dreg:$0xd] =	wrdreg s6;
	s17 =	sadd.s32 s0, s5;
	s16 =	simm.s32 $0x14F80  }
.LBB2_6:
0x1d: {  	[spmem:s2] =	stream.indirect.scatter.add.f32 [tilespmem:s24], [sflag:$0x4], $0x80, s16, s29, $0xb8;
	[tilespmem:$0x1D000] =	vst v63  }
0x1e: {  	_ =	swait.ge [sflag:s31], $0x4000  }
0x1f: {  	[sflag:s31] =	ssyncset.done $0x0  }
0x20: {  	[sflag:s31] =	ssyncadd.s32 $0xFFFFC000  }
0x21: {  	s0 =	stileid.u32;
	[bflag:$0x0] =	sbarrier.arrive $0xFFFF  }
0x22: {  	s0 =	sshll.u32 s0, $0x6;
	s22 =	rddreg [dreg:$0x5]  }
0x23: {  	s0 =	sor.u32 $0x1C07, s0;
	s4 =	rddreg [dreg:$0xe];
	s3 =	sshrl.u32 s22, $0x3  }
0x24: {  	[hbm:s4], [sflag:s0] =	dma.local [spmem:s3], $0x2800  }
0x25: {  	s3 =	simm.s32 $0x7  }
0x26: {  	_ =	swait.ge [sflag:s3], $0x2800  }
0x27: {  	s20 =	rddreg [dreg:$0x4]  }
0x28: {  	s23 =	rddreg [dreg:$0xf];
	s20 =	sadd.s32 $0x1, s20  }
0x29: {  	p0 =	sne.s32 s20, s23  }
.Ltmp1:
0x2a: {  	_ = 	snop;
	(pc) =	sbr.rel @!p0 .LBB2_7-.Ltmp1, $3  }
0x2b: {  	_ =	sdelay $0x1  }
0x2c: {  	[sflag:s3] =	ssyncset.done $0x0  }
0x2d: {  	[sflag:s3] =	ssyncadd.s32 $0xFFFFD800  }
.LBB2_1:
0x2e: {  	[dreg:$0x4] =	wrdreg s20;
	s4 =	simm.s32 $0x0;
	s6 =	simm.s32 $0x200  }
.LBB2_2:
0x2f: {  	p0 =	sne.s32 s6, $0xFE00;
	[tilespmem:s4+$0x15070] =	vst v0  }
0x30: {  	[tilespmem:s4+$0x15000] =	vst v0  }
0x31: {  	[tilespmem:s4+$0x15010] =	vst v0  }
.Ltmp2:
0x32: {  	[tilespmem:s4+$0x15020] =	vst v0;
	(pc) =	sbr.rel @p0 .LBB2_2-.Ltmp2, $4  }
0x33: {  	[tilespmem:s4+$0x15030] =	vst v0  }
0x34: {  	[tilespmem:s4+$0x15040] =	vst v0  }
0x35: {  	[tilespmem:s4+$0x15050] =	vst v0  }
0x36: {  	[tilespmem:s4+$0x15060] =	vst v0;
	s4 =	sshra.s32 s6, $0x2;
	s6 =	sadd.s32 $0x200, s6  }
0x37: {  	[tilespmem:s4+$0x15070] =	vst v0  }
0x38: {  	[tilespmem:s4+$0x15000] =	vst v0  }
0x39: {  	[tilespmem:s4+$0x15010] =	vst v0  }
0x3a: {  	[tilespmem:s4+$0x15020] =	vst v0  }
0x3b: {  	[tilespmem:s4+$0x15030] =	vst v0  }
0x3c: {  	[tilespmem:s4+$0x15040] =	vst v0  }
0x3d: {  	[tilespmem:s4+$0x15050] =	vst v0  }
0x3e: {  	[tilespmem:s4+$0x15060] =	vst v0  }
0x3f: {  	[spmem:s22] =	stream.linear.scatter [tilespmem:s21], [sflag:$0x7], $0x4000, $0x38;
	[tilespmem:$0x1D000] =	vst v63  }
0x40: {  	_ =	swait.ge [sflag:s3], $0x4000  }
0x41: {  	[sflag:s3] =	ssyncset.done $0x0  }
0x42: {  	s0 =	rddreg [dreg:$0x6];
	[sflag:s3] =	ssyncadd.s32 $0xFFFFC000  }
0x43: {  	[spmem:s0] =	stream.linear.scatter [tilespmem:s21], [sflag:$0x7], $0x4000, $0x38;
	[tilespmem:$0x1D000] =	vst v63  }
0x44: {  	_ =	swait.ge [sflag:s3], $0x4000  }
0x45: {  	[sflag:s3] =	ssyncset.done $0x0  }
0x46: {  	s22 =	rddreg [dreg:$0x7];
	[sflag:s3] =	ssyncadd.s32 $0xFFFFC000  }
0x47: {  	[spmem:s22] =	stream.linear.scatter [tilespmem:s21], [sflag:$0x7], $0x4000, $0x38;
	[tilespmem:$0x1D000] =	vst v63  }
0x48: {  	_ =	swait.ge [sflag:s3], $0x4000  }
0x49: {  	[sflag:s3] =	ssyncset.done $0x0  }
0x4a: {  	s23 =	rddreg [dreg:$0x9];
	[sflag:s3] =	ssyncadd.s32 $0xFFFFC000  }
0x4b: {  	[spmem:s23] =	stream.linear.scatter [tilespmem:s21], [sflag:$0x7], $0x4000, $0x38;
	[tilespmem:$0x1D000] =	vst v63  }
0x4c: {  	_ =	swait.ge [sflag:s3], $0x4000  }
0x4d: {  	[sflag:s3] =	ssyncset.done $0x0  }
0x4e: {  	s4 =	rddreg [dreg:$0xa];
	[sflag:s3] =	ssyncadd.s32 $0xFFFFC000  }
0x4f: {  	[spmem:s4] =	stream.linear.scatter [tilespmem:s21], [sflag:$0x7], $0x4000, $0x38;
	[tilespmem:$0x1D000] =	vst v63  }
0x50: {  	_ =	swait.ge [sflag:s3], $0x4000  }
0x51: {  	[sflag:s3] =	ssyncset.done $0x0  }
0x52: {  	[sflag:s3] =	ssyncadd.s32 $0xFFFFC000  }
0x53: {  	[bflag:$0x0] =	sbarrier.arrive $0xFFFF  }
0x54: {  	s20 =	simm.s32 $0x0;
	s3 =	simm.s32 $0x14000;
	s6 =	rddreg [dreg:$0x8]  }
0x55: {  	[tilespmem:s3], [sflag:$0x5] =	stream.linear.gather [hbm4b:s6+s20], $0x400, $0x38;
	[tilespmem:$0x1D000] =	vst v63  }
0x56: {  	s23 =	simm.s32 $0x14800;
	s22 =	rddreg [dreg:$0xb]  }
0x57: {  	[tilespmem:s23], [sflag:$0x5] =	stream.linear.gather [hbm4b:s22+s20], $0x400, $0x38;
	[tilespmem:$0x1D000] =	vst v63  }
0x58: {  	s4 =	rddreg [dreg:$0xc];
	s6 =	simm.s32 $0x14400  }
0x59: {  	[tilespmem:s6], [sflag:$0x6] =	stream.linear.gather [hbm4b:s4+s20], $0x400, $0x38;
	[tilespmem:$0x1D000] =	vst v63  }
0x5a: {  	s22 =	rddreg [dreg:$0xd];
	s23 =	simm.s32 $0x14C00  }
0x5b: {  	[tilespmem:s23], [sflag:$0x6] =	stream.linear.gather [hbm4b:s22+s20], $0x400, $0x38;
	[tilespmem:$0x1D000] =	vst v63  }
0x5c: {  	_ =	swait.ge [sflag:s28], $0x400  }
0x5d: {  	[sflag:s28] =	ssyncset.done $0x0  }
0x5e: {  	[sflag:s28] =	ssyncadd.s32 $0xFFFFFC00  }
0x5f: {  	_ =	swait.ge [sflag:s28], $0x400  }
0x60: {  	[sflag:s28] =	ssyncset.done $0x0  }
0x61: {  	s6 =	simm.s32 $0x9;
	s4 =	rddreg [dreg:$0x10];
	[sflag:s28] =	ssyncadd.s32 $0xFFFFFC00  }
0x62: {  	[tilespmem:s21], [sflag:$0x1] =	stream.indirect.gather [hbm4b:s1+s29], $0x80, s3, s29, $0xb8;
	[tilespmem:$0x1D000] =	vst v63  }
.LBB2_4:
0x63: {  	_ =	swait.ge [sflag:s30], $0x4000;
	p0 =	seq.s32 s20, $0x0  }
0x64: {  	[sflag:s30] =	ssyncset.done $0x0;
	s22 =	simm.s32 @p0 $0x80  }
0x65: {  	s0 =	simm.s32 @p0 $0x14080;
	s3 =	simm.s32 @p0 $0x19000;
	[sflag:s30] =	ssyncadd.s32 $0xFFFFC000  }
0x66: {  	[tilespmem:s3], [sflag:$0x2] =	stream.indirect.gather @p0 [hbm4b:s1+s22], $0x80, s0, s22, $0xb8;
	[tilespmem:$0x1D000] =	vst v63  }
0x67: {  	s23 =	simm.s32 @p0 $0x15000;
	s0 =	simm.s32 @p0 $0x14800  }
0x68: {  	[spmem:s2] =	stream.indirect.scatter.add.f32 @p0 [tilespmem:s23], [sflag:$0x3], $0x80, s0, s22, $0xb8;
	[tilespmem:$0x1D000] =	vst v63  }
0x69: {  	s0 =	simm.s32 @p0 $0x2  }
0x6a: {  	_ =	swait.ge @p0 [sflag:s0], $0x4000  }
0x6b: {  	[sflag:s0] =	ssyncset.done @p0 $0x0  }
0x6c: {  	[sflag:s0] =	ssyncadd.s32 @p0 $0xFFFFC000;
	s0 =	simm.s32 @p0 $0x3  }
0x6d: {  	_ =	swait.ge @p0 [sflag:s0], $0x4000  }
0x6e: {  	[sflag:s0] =	ssyncset.done @p0 $0x0  }
0x6f: {  	[sflag:s0] =	ssyncadd.s32 @p0 $0xFFFFC000;
	s0 =	simm.s32 @p0 $0x14100  }
0x70: {  	[tilespmem:s23], [sflag:$0x1] =	stream.indirect.gather @p0 [hbm4b:s1+s22], $0x80, s0, s22, $0xb8;
	[tilespmem:$0x1D000] =	vst v63  }
0x71: {  	s0 =	simm.s32 @p0 $0x14880  }
0x72: {  	[spmem:s2] =	stream.indirect.scatter.add.f32 @p0 [tilespmem:s3], [sflag:$0x4], $0x80, s0, s22, $0xb8;
	[tilespmem:$0x1D000] =	vst v63  }
0x73: {  	s0 =	simm.s32 @!p0 $0x4  }
0x74: {  	_ =	swait.ge @!p0 [sflag:s0], $0x4000  }
0x75: {  	s3 =	simm.s32 @!p0 $0x14080;
	[sflag:s0] =	ssyncset.done @!p0 $0x0  }
0x76: {  	s22 =	simm.s32 @!p0 $0x19000;
	[sflag:s0] =	ssyncadd.s32 @!p0 $0xFFFFC000;
	s0 =	simm.s32 @!p0 $0x80  }
0x77: {  	[tilespmem:s22], [sflag:$0x2] =	stream.indirect.gather @!p0 [hbm4b:s1+s0], $0x80, s3, s0, $0xb8;
	[tilespmem:$0x1D000] =	vst v63  }
0x78: {  	s23 =	simm.s32 @!p0 $0x15000;
	s3 =	simm.s32 @!p0 $0x14800  }
0x79: {  	[spmem:s2] =	stream.indirect.scatter.add.f32 @!p0 [tilespmem:s23], [sflag:$0x3], $0x80, s3, s0, $0xb8;
	[tilespmem:$0x1D000] =	vst v63  }
0x7a: {  	s3 =	simm.s32 @!p0 $0x2  }
0x7b: {  	_ =	swait.ge @!p0 [sflag:s3], $0x4000  }
0x7c: {  	[sflag:s3] =	ssyncset.done @!p0 $0x0  }
0x7d: {  	[sflag:s3] =	ssyncadd.s32 @!p0 $0xFFFFC000;
	s3 =	simm.s32 @!p0 $0x3  }
0x7e: {  	_ =	swait.ge @!p0 [sflag:s3], $0x4000  }
0x7f: {  	[sflag:s3] =	ssyncset.done @!p0 $0x0  }
0x80: {  	[sflag:s3] =	ssyncadd.s32 @!p0 $0xFFFFC000;
	s3 =	simm.s32 @!p0 $0x14100  }
0x81: {  	[tilespmem:s23], [sflag:$0x1] =	stream.indirect.gather @!p0 [hbm4b:s1+s0], $0x80, s3, s0, $0xb8;
	[tilespmem:$0x1D000] =	vst v63  }
0x82: {  	s3 =	simm.s32 @!p0 $0x14880  }
0x83: {  	[spmem:s2] =	stream.indirect.scatter.add.f32 @!p0 [tilespmem:s22], [sflag:$0x4], $0x80, s3, s0, $0xb8;
	[tilespmem:$0x1D000] =	vst v63  }
0x84: {  	s0 =	sadd.s32 @!p0 s20, s18;
	s3 =	simm.s32 @!p0 $0x0;
	s22 =	simm.s32 @!p0 $0x14400  }
0x85: {  	[tilespmem:s22], [sflag:$0x6] =	stream.linear.gather @!p0 [hbm4b:s0+s3], $0x400, $0x38;
	[tilespmem:$0x1D000] =	vst v63  }
0x86: {  	s0 =	sadd.s32 @!p0 s20, s17;
	s22 =	simm.s32 @!p0 $0x14C00  }
0x87: {  	[tilespmem:s22], [sflag:$0x6] =	stream.linear.gather @!p0 [hbm4b:s0+s3], $0x400, $0x38;
	[tilespmem:$0x1D000] =	vst v63  }
0x88: {  	_ =	swait.ge [sflag:s30], $0x4000  }
0x89: {  	[sflag:s30] =	ssyncset.done $0x0  }
0x8a: {  	[sflag:s30] =	ssyncadd.s32 $0xFFFFC000  }
0x8b: {  	_ =	swait.ge [sflag:s31], $0x4000  }
0x8c: {  	[sflag:s31] =	ssyncset.done $0x0  }
0x8d: {  	s23 =	simm.s32 $0x14180;
	[sflag:s31] =	ssyncadd.s32 $0xFFFFC000  }
0x8e: {  	[tilespmem:s24], [sflag:$0x2] =	stream.indirect.gather [hbm4b:s1+s29], $0x80, s23, s29, $0xb8;
	[tilespmem:$0x1D000] =	vst v63  }
0x8f: {  	s3 =	simm.s32 $0x14900  }
0x90: {  	[spmem:s2] =	stream.indirect.scatter.add.f32 [tilespmem:s21], [sflag:$0x3], $0x80, s3, s29, $0xb8;
	[tilespmem:$0x1D000] =	vst v63  }
0x91: {  	_ =	swait.ge [sflag:s7], $0x4000  }
0x92: {  	[sflag:s7] =	ssyncset.done $0x0  }
0x93: {  	[sflag:s7] =	ssyncadd.s32 $0xFFFFC000  }
0x94: {  	_ =	swait.ge [sflag:s8], $0x4000  }
0x95: {  	[sflag:s8] =	ssyncset.done $0x0  }
0x96: {  	s22 =	simm.s32 $0x14200;
	[sflag:s8] =	ssyncadd.s32 $0xFFFFC000  }
0x97: {  	[tilespmem:s21], [sflag:$0x1] =	stream.indirect.gather [hbm4b:s1+s29], $0x80, s22, s29, $0xb8;
	[tilespmem:$0x1D000] =	vst v63  }
0x98: {  	s23 =	simm.s32 $0x14980  }
0x99: {  	[spmem:s2] =	stream.indirect.scatter.add.f32 [tilespmem:s24], [sflag:$0x4], $0x80, s23, s29, $0xb8;
	[tilespmem:$0x1D000] =	vst v63  }
0x9a: {  	_ =	swait.ge [sflag:s30], $0x4000  }
0x9b: {  	[sflag:s30] =	ssyncset.done $0x0  }
0x9c: {  	[sflag:s30] =	ssyncadd.s32 $0xFFFFC000  }
0x9d: {  	_ =	swait.ge [sflag:s31], $0x4000  }
0x9e: {  	[sflag:s31] =	ssyncset.done $0x0  }
0x9f: {  	s3 =	simm.s32 $0x14280;
	[sflag:s31] =	ssyncadd.s32 $0xFFFFC000  }
0xa0: {  	[tilespmem:s24], [sflag:$0x2] =	stream.indirect.gather [hbm4b:s1+s29], $0x80, s3, s29, $0xb8;
	[tilespmem:$0x1D000] =	vst v63  }
0xa1: {  	s22 =	simm.s32 $0x14A00  }
0xa2: {  	[spmem:s2] =	stream.indirect.scatter.add.f32 [tilespmem:s21], [sflag:$0x3], $0x80, s22, s29, $0xb8;
	[tilespmem:$0x1D000] =	vst v63  }
0xa3: {  	_ =	swait.ge [sflag:s7], $0x4000  }
0xa4: {  	[sflag:s7] =	ssyncset.done $0x0  }
0xa5: {  	[sflag:s7] =	ssyncadd.s32 $0xFFFFC000  }
0xa6: {  	_ =	swait.ge [sflag:s8], $0x4000  }
0xa7: {  	[sflag:s8] =	ssyncset.done $0x0  }
0xa8: {  	s23 =	simm.s32 $0x14300;
	[sflag:s8] =	ssyncadd.s32 $0xFFFFC000  }
0xa9: {  	[tilespmem:s21], [sflag:$0x1] =	stream.indirect.gather [hbm4b:s1+s29], $0x80, s23, s29, $0xb8;
	[tilespmem:$0x1D000] =	vst v63  }
0xaa: {  	s3 =	simm.s32 $0x14A80  }
0xab: {  	[spmem:s2] =	stream.indirect.scatter.add.f32 [tilespmem:s24], [sflag:$0x4], $0x80, s3, s29, $0xb8;
	[tilespmem:$0x1D000] =	vst v63  }
0xac: {  	_ =	swait.ge [sflag:s30], $0x4000  }
0xad: {  	[sflag:s30] =	ssyncset.done $0x0  }
0xae: {  	[sflag:s30] =	ssyncadd.s32 $0xFFFFC000  }
0xaf: {  	_ =	swait.ge [sflag:s31], $0x4000  }
0xb0: {  	[sflag:s31] =	ssyncset.done $0x0  }
0xb1: {  	s22 =	simm.s32 $0x14380;
	[sflag:s31] =	ssyncadd.s32 $0xFFFFC000  }
0xb2: {  	[tilespmem:s24], [sflag:$0x2] =	stream.indirect.gather [hbm4b:s1+s29], $0x80, s22, s29, $0xb8;
	[tilespmem:$0x1D000] =	vst v63  }
0xb3: {  	s23 =	simm.s32 $0x14B00  }
0xb4: {  	[spmem:s2] =	stream.indirect.scatter.add.f32 [tilespmem:s21], [sflag:$0x3], $0x80, s23, s29, $0xb8;
	[tilespmem:$0x1D000] =	vst v63  }
0xb5: {  	_ =	swait.ge [sflag:s7], $0x4000  }
0xb6: {  	[sflag:s7] =	ssyncset.done $0x0  }
0xb7: {  	[sflag:s7] =	ssyncadd.s32 $0xFFFFC000  }
0xb8: {  	_ =	swait.ge [sflag:s8], $0x4000  }
0xb9: {  	[sflag:s8] =	ssyncset.done $0x0  }
0xba: {  	[sflag:s8] =	ssyncadd.s32 $0xFFFFC000  }
0xbb: {  	_ =	swait.ge [sflag:s9], $0x400  }
0xbc: {  	[sflag:s9] =	ssyncset.done $0x0  }
0xbd: {  	[sflag:s9] =	ssyncadd.s32 $0xFFFFFC00  }
0xbe: {  	_ =	swait.ge [sflag:s9], $0x400  }
0xbf: {  	[sflag:s9] =	ssyncset.done $0x0  }
0xc0: {  	s3 =	simm.s32 $0x14400;
	[sflag:s9] =	ssyncadd.s32 $0xFFFFFC00  }
0xc1: {  	[tilespmem:s21], [sflag:$0x1] =	stream.indirect.gather [hbm4b:s1+s29], $0x80, s3, s29, $0xb8;
	[tilespmem:$0x1D000] =	vst v63  }
0xc2: {  	s22 =	simm.s32 $0x14B80  }
0xc3: {  	[spmem:s2] =	stream.indirect.scatter.add.f32 [tilespmem:s24], [sflag:$0x4], $0x80, s22, s29, $0xb8;
	[tilespmem:$0x1D000] =	vst v63  }
0xc4: {  	_ =	swait.ge [sflag:s30], $0x4000  }
0xc5: {  	[sflag:s30] =	ssyncset.done $0x0  }
0xc6: {  	[sflag:s30] =	ssyncadd.s32 $0xFFFFC000  }
0xc7: {  	_ =	swait.ge [sflag:s31], $0x4000  }
0xc8: {  	[sflag:s31] =	ssyncset.done $0x0  }
0xc9: {  	s23 =	simm.s32 $0x14480;
	[sflag:s31] =	ssyncadd.s32 $0xFFFFC000  }
0xca: {  	[tilespmem:s24], [sflag:$0x2] =	stream.indirect.gather [hbm4b:s1+s29], $0x80, s23, s29, $0xb8;
	[tilespmem:$0x1D000] =	vst v63  }
0xcb: {  	s3 =	simm.s32 $0x14C00  }
0xcc: {  	[spmem:s2] =	stream.indirect.scatter.add.f32 [tilespmem:s21], [sflag:$0x3], $0x80, s3, s29, $0xb8;
	[tilespmem:$0x1D000] =	vst v63  }
0xcd: {  	_ =	swait.ge [sflag:s7], $0x4000  }
0xce: {  	[sflag:s7] =	ssyncset.done $0x0  }
0xcf: {  	[sflag:s7] =	ssyncadd.s32 $0xFFFFC000  }
0xd0: {  	_ =	swait.ge [sflag:s8], $0x4000  }
0xd1: {  	[sflag:s8] =	ssyncset.done $0x0  }
0xd2: {  	p0 =	sgt.u32 s6, $0x47;
	s22 =	simm.s32 $0x14500;
	[sflag:s8] =	ssyncadd.s32 $0xFFFFC000  }
0xd3: {  	[tilespmem:s21], [sflag:$0x1] =	stream.indirect.gather [hbm4b:s1+s29], $0x80, s22, s29, $0xb8;
	[tilespmem:$0x1D000] =	vst v63  }
0xd4: {  	s0 =	sshrl.u32 @!p0 s4, $0x3;
	s23 =	simm.s32 $0x14C80  }
0xd5: {  	[spmem:s2] =	stream.indirect.scatter.add.f32 [tilespmem:s24], [sflag:$0x4], $0x80, s23, s29, $0xb8;
	[tilespmem:$0x1D000] =	vst v63  }
0xd6: {  	s0 =	sadd.s32 @!p0 s5, s0;
	s3 =	simm.s32 @!p0 $0x0;
	s22 =	simm.s32 @!p0 $0x14000  }
0xd7: {  	[tilespmem:s22], [sflag:$0x5] =	stream.linear.gather @!p0 [hbm4b:s0+s3], $0x400, $0x38;
	[tilespmem:$0x1D000] =	vst v63  }
0xd8: {  	s0 =	sadd.s32 @!p0 s20, s19;
	s22 =	simm.s32 @!p0 $0x14800  }
0xd9: {  	[tilespmem:s22], [sflag:$0x5] =	stream.linear.gather @!p0 [hbm4b:s0+s3], $0x400, $0x38;
	[tilespmem:$0x1D000] =	vst v63  }
0xda: {  	_ =	swait.ge [sflag:s30], $0x4000  }
0xdb: {  	[sflag:s30] =	ssyncset.done $0x0  }
0xdc: {  	[sflag:s30] =	ssyncadd.s32 $0xFFFFC000  }
0xdd: {  	_ =	swait.ge [sflag:s31], $0x4000  }
0xde: {  	[sflag:s31] =	ssyncset.done $0x0  }
0xdf: {  	s3 =	simm.s32 $0x14580;
	[sflag:s31] =	ssyncadd.s32 $0xFFFFC000  }
0xe0: {  	[tilespmem:s24], [sflag:$0x2] =	stream.indirect.gather [hbm4b:s1+s29], $0x80, s3, s29, $0xb8;
	[tilespmem:$0x1D000] =	vst v63  }
0xe1: {  	s22 =	simm.s32 $0x14D00  }
0xe2: {  	[spmem:s2] =	stream.indirect.scatter.add.f32 [tilespmem:s21], [sflag:$0x3], $0x80, s22, s29, $0xb8;
	[tilespmem:$0x1D000] =	vst v63  }
0xe3: {  	_ =	swait.ge [sflag:s7], $0x4000  }
0xe4: {  	[sflag:s7] =	ssyncset.done $0x0  }
0xe5: {  	[sflag:s7] =	ssyncadd.s32 $0xFFFFC000  }
0xe6: {  	_ =	swait.ge [sflag:s8], $0x4000  }
0xe7: {  	[sflag:s8] =	ssyncset.done $0x0  }
0xe8: {  	s23 =	simm.s32 $0x14600;
	[sflag:s8] =	ssyncadd.s32 $0xFFFFC000  }
0xe9: {  	[tilespmem:s21], [sflag:$0x1] =	stream.indirect.gather [hbm4b:s1+s29], $0x80, s23, s29, $0xb8;
	[tilespmem:$0x1D000] =	vst v63  }
0xea: {  	_ = 	snop  }
0xeb: {  	[spmem:s2] =	stream.indirect.scatter.add.f32 [tilespmem:s24], [sflag:$0x4], $0x80, s10, s29, $0xb8;
	[tilespmem:$0x1D000] =	vst v63  }
0xec: {  	_ =	swait.ge [sflag:s30], $0x4000  }
0xed: {  	[sflag:s30] =	ssyncset.done $0x0  }
0xee: {  	[sflag:s30] =	ssyncadd.s32 $0xFFFFC000  }
0xef: {  	_ =	swait.ge [sflag:s31], $0x4000  }
0xf0: {  	[sflag:s31] =	ssyncset.done $0x0  }
0xf1: {  	[sflag:s31] =	ssyncadd.s32 $0xFFFFC000  }
0xf2: {  	[tilespmem:s24], [sflag:$0x2] =	stream.indirect.gather [hbm4b:s1+s29], $0x80, s26, s29, $0xb8;
	[tilespmem:$0x1D000] =	vst v63  }
0xf3: {  	_ = 	snop  }
0xf4: {  	[spmem:s2] =	stream.indirect.scatter.add.f32 [tilespmem:s21], [sflag:$0x3], $0x80, s11, s29, $0xb8;
	[tilespmem:$0x1D000] =	vst v63  }
0xf5: {  	_ =	swait.ge [sflag:s7], $0x4000  }
0xf6: {  	[sflag:s7] =	ssyncset.done $0x0  }
0xf7: {  	[sflag:s7] =	ssyncadd.s32 $0xFFFFC000  }
0xf8: {  	_ =	swait.ge [sflag:s8], $0x4000  }
0xf9: {  	[sflag:s8] =	ssyncset.done $0x0  }
0xfa: {  	[sflag:s8] =	ssyncadd.s32 $0xFFFFC000  }
0xfb: {  	[tilespmem:s21], [sflag:$0x1] =	stream.indirect.gather [hbm4b:s1+s29], $0x80, s12, s29, $0xb8;
	[tilespmem:$0x1D000] =	vst v63  }
0xfc: {  	_ = 	snop  }
0xfd: {  	[spmem:s2] =	stream.indirect.scatter.add.f32 [tilespmem:s24], [sflag:$0x4], $0x80, s13, s29, $0xb8;
	[tilespmem:$0x1D000] =	vst v63  }
0xfe: {  	_ =	swait.ge [sflag:s30], $0x4000  }
0xff: {  	[sflag:s30] =	ssyncset.done $0x0  }
0x100: {  	[sflag:s30] =	ssyncadd.s32 $0xFFFFC000  }
0x101: {  	_ =	swait.ge [sflag:s31], $0x4000  }
0x102: {  	[sflag:s31] =	ssyncset.done $0x0  }
0x103: {  	[sflag:s31] =	ssyncadd.s32 $0xFFFFC000  }
0x104: {  	[tilespmem:s24], [sflag:$0x2] =	stream.indirect.gather [hbm4b:s1+s29], $0x80, s14, s29, $0xb8;
	[tilespmem:$0x1D000] =	vst v63  }
0x105: {  	_ = 	snop  }
0x106: {  	[spmem:s2] =	stream.indirect.scatter.add.f32 [tilespmem:s21], [sflag:$0x3], $0x80, s15, s29, $0xb8;
	[tilespmem:$0x1D000] =	vst v63  }
0x107: {  	p0 =	seq.s32 s20, $0x400;
	_ =	swait.ge [sflag:s7], $0x4000  }
.Ltmp3:
0x108: {  	[sflag:s7] =	ssyncset.done $0x0;
	(pc) =	sbr.rel @p0 .LBB2_6-.Ltmp3, $4  }
0x109: {  	[sflag:s7] =	ssyncadd.s32 $0xFFFFC000  }
0x10a: {  	_ =	swait.ge [sflag:s8], $0x4000  }
0x10b: {  	[sflag:s8] =	ssyncset.done $0x0  }
0x10c: {  	[sflag:s8] =	ssyncadd.s32 $0xFFFFC000  }
0x10d: {  	_ =	swait.ge [sflag:s28], $0x400  }
0x10e: {  	[sflag:s28] =	ssyncset.done $0x0  }
0x10f: {  	[sflag:s28] =	ssyncadd.s32 $0xFFFFFC00  }
0x110: {  	_ =	swait.ge [sflag:s28], $0x400  }
.Ltmp4:
0x111: {  	[sflag:s28] =	ssyncset.done $0x0;
	(pc) =	sbr.rel .LBB2_4-.Ltmp4, $4  }
0x112: {  	[sflag:s28] =	ssyncadd.s32 $0xFFFFFC00  }
0x113: {  	[tilespmem:s21], [sflag:$0x1] =	stream.indirect.gather [hbm4b:s1+s29], $0x80, s25, s29, $0xb8;
	[tilespmem:$0x1D000] =	vst v63  }
0x114: {  	s20 =	sadd.s32 $0x100, s20;
	s4 =	sadd.s32 $0x800, s4;
	s6 =	sadd.s32 $0x10, s6  }
0x115: {  	[spmem:s2] =	stream.indirect.scatter.add.f32 [tilespmem:s24], [sflag:$0x4], $0x80, s16, s29, $0xb8;
	[tilespmem:$0x1D000] =	vst v63  }
.LBB2_7:
0x116: {  	_ =	sfence.sel $0x180000  }
0x117: {  	[bflag:$0x0] =	sbarrier.arrive $0xFFFF  }
0x118: {  	_ =	strace $0x9000004A  }
0x119: {  	s0 =	stileid.u32;
	[bflag:$0x2] =	sbarrier.arrive $0xFFFF  }
0x11a: {  	p0 =	sne.s32 s0, $0x0;
	s0 =	rddreg [dreg:$0x3]  }
0x11b: {  	s0 =	sadd.s32 @!p0 $0x100000, s0  }
0x11c: {  	[sflag:s0] =	ssyncadd.tile.s32 @!p0 $0x1;
	_ =	shalt  }
.Lfunc_end2:
_tile_overlayer_lowered:
.L_overlay_start_2:
0x11d: {  	(tag) =	ssettag $0x2  }
0x11e: {  	s0 =	rddreg [dreg:$0x0];
	s2 =	stileid.u32  }
0x11f: {  	s1 =	rddreg [dreg:$0x1];
	p0 =	sne.s32 s2, $0x0  }
0x120: {  	s3 =	rddreg [dreg:$0x2];
	[bflag:$0x3] =	sbarrier.arrive $0xFFFF;
	s2 =	simm.s32 @!p0 $0x1C07  }
0x121: {  	[timem:s3], [sflag:s2] =	dma.local @!p0 [hbm:s0], s1  }
0x122: {  	s0 =	simm.s32 @!p0 $0x7  }
0x123: {  	_ =	swait.ge @!p0 [sflag:s0], s1  }
0x124: {  	s1 =	ssub.s32 @!p0 $0x0, s1;
	[sflag:s0] =	ssyncset.done @!p0 $0x0  }
0x125: {  	[sflag:s0] =	ssyncadd.s32 @!p0 s1  }
0x126: {  	[bflag:$0x3] =	sbarrier.arrive $0xFFFF  }
0x127: {  	_ =	shalt  }

// kernel: kernel.9.cloned.1.call-start
scs
__scs_entry_jumppad:
0x0: {  	(pc) =	sbr.rel $0x88, $3  }
0x1: {  	(tag) =	ssettag $0x0;
	lr =	simm.s32 $0x1  }
0x2: {  	[smem:$0x3F99] =	sst lr;
	_ =	strace $0xD0000000  }
0x3: {  	_ = 	snop  }
0x4: {  	_ = 	snop  }
0x5: {  	_ = 	snop  }
0x6: {  	_ = 	snop  }
0x7: {  	_ = 	snop  }
__scs_overlays_trampoline_lowered:
0x8: {  	[smem:$0x3FA8] =	sst s0  }
0x9: {  	[smem:$0x3FA9] =	sst s1  }
0xa: {  	[smem:$0x3FAA] =	sst s2  }
0xb: {  	[smem:$0x3FAB] =	sst s3  }
0xc: {  	[smem:$0x3FAC] =	sst s4  }
0xd: {  	[smem:$0x3FAD] =	sst s5  }
0xe: {  	[smem:$0x3FAE] =	sst s6  }
0xf: {  	[smem:$0x3FAF] =	sst s7  }
0x10: {  	[smem:$0x3FB0] =	sst s8  }
0x11: {  	[smem:$0x3FB1] =	sst s9;
	s0 =	simm.s32 @!p0 $0x0  }
0x12: {  	s1 =	sld [smem:$0x3F97];
	s0 =	simm.s32 @p0 $0x1  }
0x13: {  	[smem:$0x3FB2] =	sst s0;
	s0 =	simm.s32 @!p1 $0x0  }
0x14: {  	s2 =	sld [smem:$0x3F96];
	s0 =	simm.s32 @p1 $0x1  }
0x15: {  	[smem:$0x3FB3] =	sst s0;
	s0 =	simm.s32 @!p2 $0x0  }
0x16: {  	s3 =	sld [smem:$0x3FDB];
	s0 =	simm.s32 @p2 $0x1  }
0x17: {  	s4 =	simm.s32 $0x1BF5;
	[smem:$0x3FB5] =	sst s0  }
0x18: {  	s0 =	sld [smem:$0x3F98];
	_ =	swait.ge [sflag:s4], $0x0  }
0x19: {  	s7 =	sld [smem:$0x3F99]  }
0x1a: {  	s8 =	sadd.s32 $0xFFFFE003, lr  }
0x1b: {  	s9 =	sadd.s32 $0xFFFFFEF7, lr;
	s5 =	simm.s32 $0xFFFFFFFF;
	p2 =	slt.u32 s8, $0xFFFFF086  }
0x1c: {  	p1 =	slt.u32 s9, $0xF7A;
	s5 =	simm.s32 @!p2 $0x0  }
0x1d: {  	s5 =	simm.s32 @p1 $0x1;
	p0 =	seq.s32 s7, s2  }
0x1e: {  	s7 =	smul.u32 @!p0 $0xF7A, s2;
	p2 =	seq.s32 @!p0 s5, $0x0  }
0x1f: {  	s9 =	smul.u32 $0xF7A, s1;
	s8 =	simm.s32 @!p0 $0x1BF5;
	p2 =	por !p2, p0  }
0x20: {  	[sflag:s8] =	ssyncset.s32 @!p0 $0xFFFFF086;
	s6 =	sadd.s32 @!p0 s3, s7;
	s7 =	simm.s32 @!p0 $0x108  }
0x21: {  	s3 =	sadd.s32 s3, s9;
	s6 =	sadd.s32 @!p0 $0x88, s6;
	s7 =	simm.s32 @p2 $0x1082  }
0x22: {  	[simem:s7], [sflag:s8] =	dma.local @!p0 [hbm:s6], $0xF7A  }
0x23: {  	s9 =	sor.u32 $0xD0000000, s2;
	s6 =	simm.s32 $0x108;
	_ =	swait.ge @!p0 [sflag:s8], $0x0  }
0x24: {  	s3 =	sadd.s32 $0x88, s3;
	s6 =	simm.s32 @!p1 $0x1082;
	[sflag:s4] =	ssyncset.s32 $0xFFFFF086  }
0x25: {  	[simem:s6], [sflag:s4] =	dma.local [hbm:s3], $0xF7A  }
0x26: {  	[smem:$0x3F99] =	sst s1;
	(tag) =	ssettag s2;
	_ =	strace s9  }
0x27: {  	s1 =	sld [smem:$0x3FA9]  }
0x28: {  	s2 =	sld [smem:$0x3FAA]  }
0x29: {  	s4 =	sld [smem:$0x3FAC]  }
0x2a: {  	p0 =	seq.s32 s5, $0x0;
	s5 =	sld [smem:$0x3FAD]  }
0x2b: {  	s6 =	sld [smem:$0x3FAE]  }
0x2c: {  	s7 =	sld [smem:$0x3FAF]  }
0x2d: {  	s3 =	simm.s32 $0x108;
	s8 =	sld [smem:$0x3FB0]  }
0x2e: {  	s3 =	simm.s32 @!p0 $0x1082;
	s9 =	sld [smem:$0x3FB1]  }
0x2f: {  	lr =	sadd.s32 s0, s3;
	s0 =	sld [smem:$0x3FA8]  }
0x30: {  	s3 =	sld [smem:$0x3FAB]  }
0x31: {  	[smem:$0x3FB4] =	sst s10  }
0x32: {  	s10 =	sld [smem:$0x3FB2];
	_ =	sdelay $0x3  }
0x33: {  	p0 =	seq.s32 s10, $0x1;
	s10 =	sld [smem:$0x3FB4];
	_ =	sdelay $0x3  }
0x34: {  	[smem:$0x3FB4] =	sst s10  }
0x35: {  	s10 =	sld [smem:$0x3FB3];
	_ =	sdelay $0x3  }
0x36: {  	p1 =	seq.s32 s10, $0x1;
	s10 =	sld [smem:$0x3FB4];
	_ =	sdelay $0x3  }
0x37: {  	[smem:$0x3FB4] =	sst s10  }
0x38: {  	s10 =	sld [smem:$0x3FB5]  }
0x39: {  	_ = 	snop;
	(pc) =	sbr.ind lr, $3  }
0x3a: {  	_ = 	snop  }
0x3b: {  	_ = 	snop  }
0x3c: {  	p2 =	seq.s32 s10, $0x1;
	s10 =	sld [smem:$0x3FB4]  }
0x3d: {  	_ =	shalt  }
0x3e: {  	_ =	shalt  }
0x3f: {  	_ =	shalt  }
0x40: {  	_ =	shalt  }
0x41: {  	_ =	shalt  }
0x42: {  	_ =	shalt  }
0x43: {  	_ =	shalt  }
0x44: {  	_ =	shalt  }
0x45: {  	_ =	shalt  }
0x46: {  	_ =	shalt  }
0x47: {  	_ =	shalt  }
0x48: {  	_ =	shalt  }
0x49: {  	_ =	shalt  }
0x4a: {  	_ =	shalt  }
0x4b: {  	_ =	shalt  }
0x4c: {  	_ =	shalt  }
0x4d: {  	_ =	shalt  }
0x4e: {  	_ =	shalt  }
0x4f: {  	_ =	shalt  }
0x50: {  	_ =	shalt  }
0x51: {  	_ =	shalt  }
0x52: {  	_ =	shalt  }
0x53: {  	_ =	shalt  }
0x54: {  	_ =	shalt  }
0x55: {  	_ =	shalt  }
0x56: {  	_ =	shalt  }
0x57: {  	_ =	shalt  }
0x58: {  	_ =	shalt  }
0x59: {  	_ =	shalt  }
0x5a: {  	_ =	shalt  }
0x5b: {  	_ =	shalt  }
0x5c: {  	_ =	shalt  }
0x5d: {  	_ =	shalt  }
0x5e: {  	_ =	shalt  }
0x5f: {  	_ =	shalt  }
0x60: {  	_ =	shalt  }
0x61: {  	_ =	shalt  }
0x62: {  	_ =	shalt  }
0x63: {  	_ =	shalt  }
0x64: {  	_ =	shalt  }
0x65: {  	_ =	shalt  }
0x66: {  	_ =	shalt  }
0x67: {  	_ =	shalt  }
0x68: {  	_ =	shalt  }
0x69: {  	_ =	shalt  }
0x6a: {  	_ =	shalt  }
0x6b: {  	_ =	shalt  }
0x6c: {  	_ =	shalt  }
0x6d: {  	_ =	shalt  }
0x6e: {  	_ =	shalt  }
0x6f: {  	_ =	shalt  }
0x70: {  	_ =	shalt  }
0x71: {  	_ =	shalt  }
0x72: {  	_ =	shalt  }
0x73: {  	_ =	shalt  }
0x74: {  	_ =	shalt  }
0x75: {  	_ =	shalt  }
0x76: {  	_ =	shalt  }
0x77: {  	_ =	shalt  }
0x78: {  	_ =	shalt  }
0x79: {  	_ =	shalt  }
0x7a: {  	_ =	shalt  }
0x7b: {  	_ =	shalt  }
0x7c: {  	_ =	shalt  }
0x7d: {  	_ =	shalt  }
0x7e: {  	_ =	shalt  }
0x7f: {  	_ =	shalt  }
0x80: {  	_ =	shalt  }
0x81: {  	_ =	shalt  }
0x82: {  	_ =	shalt  }
0x83: {  	_ =	shalt  }
0x84: {  	_ =	shalt  }
0x85: {  	_ =	shalt  }
0x86: {  	_ =	shalt  }
0x87: {  	_ =	shalt  }
.Lfunc_end0:
.L_simem_size_0:
called_computation_lowered:
.L_overlay_start_0:
0x88: {  	s2 =	sld [smem:$0x3FD9]  }
0x89: {  	s3 =	sld [smem:$0x3FFE];
	_ =	sdelay $0x1  }
0x8a: {  	s1 =	srdreg.scid  }
0x8b: {  	s0 =	sand.u32 $0x1, s1  }
0x8c: {  	s17 =	sshll.u32 s0, $0xA;
	s2 =	sadd.s32 s3, s2  }
0x8d: {  	s2 =	sadd.s32 s2, s17  }
0x8e: {  	[smem:$0x3FC0] =	sst s2  }
0x8f: {  	_ = 	snop  }
0x90: {  	s2 =	sld [smem:$0x3FD0];
	(tm) =	ssettm $0x1  }
0x91: {  	s18 =	sld [smem:$0x3FFB];
	_ =	sdelay $0x3  }
0x92: {  	_ =	strace s18  }
0x93: {  	s3 =	sld [smem:$0x3FFC];
	_ =	sdelay $0x3  }
0x94: {  	_ =	strace s3  }
0x95: {  	s3 =	sld [smem:$0x3FFD];
	_ =	sdelay $0x3  }
0x96: {  	_ =	strace s3  }
0x97: {  	_ =	strace $0x8FFFFFFF  }
0x98: {  	s19 =	sld [smem:$0x3FDB];
	_ =	sdelay $0x1  }
0x99: {  	s4 =	simm.s32 $_scs_section_size  }
0x9a: {  	s5 =	simm.s32 $_size__tile_overlayer_lowered;
	s6 =	simm.s32 $_tile_overlayer_lowered  }
0x9b: {  	s22 =	simm.s32 $0x1BFF;
	s21 =	sshll.u32 s6, $0x1;
	s3 =	sadd.s32 s4, s19  }
0x9c: {  	s7 =	simm.s32 $0x0;
	s20 =	sshll.u32 s5, $0x1;
	s5 =	sadd.s32 s21, s3  }
0x9d: {  	[timem:s7], [sflag:s22] =	dma.local [hbm:s5], s20  }
0x9e: {  	_ =	swait.ge [sflag:s22], s20  }
0x9f: {  	s4 =	ssub.s32 $0x0, s20;
	[sflag:s22] =	ssyncset.done $0x0  }
0xa0: {  	[sflag:s22] =	ssyncadd.s32 s4;
	_ =	sdelay $0x1  }
0xa1: {  	s23 =	simm.s32 $0x1B8B  }
0xa2: {  	_ =	swait.ge [sflag:s23], $0x1  }
0xa3: {  	[sflag:s23] =	ssyncset.done $0x0  }
0xa4: {  	s25 =	simm.s32 $0x1B8E;
	s24 =	sld [smem:$0x3FFE];
	[sflag:s23] =	ssyncadd.s32 $0xFFFFFFFF  }
0xa5: {  	s26 =	simm.s32 $execute0_lowered;
	[smem:$0x3FD2] =	sst s25  }
0xa6: {  	s5 =	sshll.u32 s26, $0x1;
	_ =	strace $0x80000046;
	[dreg:$0x1] =	wrdreg $0xFFFFFFFF  }
0xa7: {  	s28 =	simm.s32 $_size_execute0_lowered;
	s3 =	sadd.s32 s3, s5;
	[dreg:$0x0] =	wrdreg $0x0  }
0xa8: {  	s5 =	sshll.u32 s28, $0x1;
	[dreg:$0x2] =	wrdreg s3  }
0xa9: {  	[dreg:$0x3] =	wrdreg s5  }
0xaa: {  	[dreg:$0x4] =	wrdreg $0xC0  }
0xab: {  	_ =	task [dreg:s7], $0x5FFFF  }
0xac: {  	[dreg:$0x1] =	wrdreg $0xFFFFFFFF  }
0xad: {  	[dreg:$0x0] =	wrdreg $0x60  }
0xae: {  	[dreg:$0x2] =	wrdreg s2  }
0xaf: {  	[dreg:$0x3] =	wrdreg s24  }
0xb0: {  	[dreg:$0x4] =	wrdreg $0x0  }
0xb1: {  	[dreg:$0x5] =	wrdreg $0x140000  }
0xb2: {  	[dreg:$0x6] =	wrdreg $0x9  }
0xb3: {  	_ =	task.clear_ibuf [dreg:s7], $0x7FFFF;
	_ =	strace $0x90000046  }
0xb4: {  	s29 =	simm.s32 $0x9;
	_ =	strace $0x80000048  }
0xb5: {  	_ =	swait.ge [sflag:s29], $0x1  }
0xb6: {  	[sflag:s29] =	ssyncadd.s32 $0xFFFFFFFF  }
0xb7: {  	_ =	strace $0x90000048  }
0xb8: {  	_ =	sfence  }
0xb9: {  	s30 =	sld [smem:$0x0];
	_ =	sdelay $0x2  }
0xba: {  	s31 =	sshll.u32 s1, $0xD;
	s1 =	sshrl.u32 s1, $0x2  }
0xbb: {  	s3 =	sand.u32 $0x4000, s31;
	s1 =	sadd.s32 s1, s30  }
0xbc: {  	s0 =	sor.u32 s3, s0;
	s1 =	sshll.u32 s1, $0x11  }
0xbd: {  	s0 =	sor.u32 s1, s0  }
0xbe: {  	s0 =	sadd.s32 $0x8F2B, s0  }
0xbf: {  	[sflag:s0] =	ssyncadd.remote.s32 $0x1  }
0xc0: {  	_ =	sfence.sel $0xFFFF  }
0xc1: {  	[dreg:$0x0] =	wrdreg $0xFFFFFFFF;
	(pc) =	sbr.abs _section_cstart, $3  }
0xc2: {  	[dreg:$0x1] =	wrdreg $0xFFFFFFFF  }
0xc3: {  	_ =	task.clear_ibuf [dreg:s7], $0x2FFFF;
	_ =	strace $0x9FFFFFFF  }
0xc4: {  	(tm) =	ssettm $0x7FFFFFFF  }
0xc5: {  	_ =	shalt  }
tec
execute0_lowered:
.L_overlay_start_1:
0x0: {  	(tag) =	ssettag $0x1  }
0x1: {  	s0 =	rddreg [dreg:$0x0]  }
0x2: {  	s1 =	rddreg [dreg:$0x1]  }
0x3: {  	s2 =	srdreg.scid;
	s12 =	stileid.u32  }
0x4: {  	s3 =	rddreg [dreg:$0x2];
	s6 =	smul.u32 $0x14000, s12  }
0x5: {  	s4 =	rddreg [dreg:$0x3];
	s16 =	simm.s32 $0x0;
	s24 =	smul.u32 $0x280, s12  }
0x6: {  	s28 =	simm.s32 $0x6;
	s30 =	simm.s32 $0x15080;
	s10 =	smul.u32 $0x50000, s12  }
0x7: {  	s2 =	sand.u32 $0x1, s2;
	[smem:$0x7FF] =	sst s16;
	s18 =	smul.u32 $0x5000, s12  }
0x8: {  	s13 =	sadd.s32 $0x2800, s1;
	s9 =	sshll.u32 s12, $0x1;
	s5 =	smul.u32 $0x140000, s2  }
0x9: {  	s12 =	simm.s32 $0x14A80;
	s7 =	smul.u32 $0x2800, s2;
	_ =	strace $0x80000047  }
0xa: {  	s11 =	ssub.s32 $0x2, s2;
	s2 =	sor.u32 s2, s9;
	[dreg:$0x6] =	wrdreg s13  }
0xb: {  	s9 =	simm.s32 $0x19280;
	s25 =	sshrl.u32 s11, $0x1;
	s10 =	sshrl.u32 s10, $0x2  }
0xc: {  	s2 =	smul.u32 $0x2800, s2;
	s31 =	sadd.s32 s24, s4;
	s5 =	sadd.s32 s6, s5  }
0xd: {  	s8 =	sadd.s32 s24, s7;
	s26 =	ssub.s32 s11, s25;
	s29 =	sadd.s32 s10, s3  }
0xe: {  	s22 =	sadd.s32 s7, s18;
	s7 =	simm.s32 $0x14E80;
	s18 =	simm.s32 $0x14E00  }
0xf: {  	[dreg:$0xd] =	wrdreg s31;
	s5 =	sshrl.u32 s5, $0x3;
	s8 =	sshrl.u32 s8, $0x3  }
0x10: {  	s10 =	sadd.s32 $0x4000, s29;
	s11 =	sadd.s32 $0x8000, s29;
	[dreg:$0x7] =	wrdreg s29  }
0x11: {  	s2 =	sshrl.u32 s2, $0x3;
	s14 =	sadd.s32 $0xC000, s29;
	[dreg:$0x8] =	wrdreg s10  }
0x12: {  	s15 =	sadd.s32 $0x10000, s29;
	s21 =	smax.u32 s26, $0x1;
	[dreg:$0x9] =	wrdreg s11  }
0x13: {  	s23 =	sor.u32 $0x400, s22;
	s24 =	sadd.s32 $0x50800, s22;
	[dreg:$0xa] =	wrdreg s14  }
0x14: {  	s5 =	sadd.s32 s5, s1;
	s1 =	sadd.s32 s8, s1;
	[dreg:$0xb] =	wrdreg s15  }
0x15: {  	s17 =	sadd.s32 s13, s2;
	[dreg:$0x13] =	wrdreg s21;
	s6 =	sshrl.u32 s24, $0x3  }
0x16: {  	s24 =	simm.s32 $0x15280;
	s10 =	simm.s32 $0x1D280;
	s11 =	simm.s32 $0x2  }
0x17: {  	s14 =	simm.s32 $0x3;
	s2 =	sadd.s32 $0xA000, s17;
	[dreg:$0xc] =	wrdreg s17  }
0x18: {  	s15 =	simm.s32 $0x14D80;
	s19 =	sadd.s32 $0x80, s17;
	[dreg:$0xe] =	wrdreg s2  }
0x19: {  	s8 =	simm.s32 $0x14F80;
	s20 =	sadd.s32 $0xA080, s17;
	[dreg:$0xf] =	wrdreg s19  }
0x1a: {  	s5 =	sadd.s32 $0x17200, s5;
	s1 =	sadd.s32 $0x16800, s1;
	[dreg:$0x10] =	wrdreg s20  }
0x1b: {  	s26 =	sadd.s32 s6, s13;
	s17 =	simm.s32 $0x4;
	[dreg:$0x11] =	wrdreg s5  }
0x1c: {  	s6 =	simm.s32 $0x15180;
	[dreg:$0x12] =	wrdreg s1;
	s2 =	sadd.s32 $0x50400, s22  }
0x1d: {  	s5 =	sshrl.u32 s23, $0x3;
	[dreg:$0x16] =	wrdreg s26;
	s1 =	sadd.s32 $0x800, s22  }
.Ltmp0:
0x1e: {  	s26 =	simm.s32 $0x80;
	s23 =	simm.s32 $0x15000;
	(pc) =	sbr.rel .LBB2_1-.Ltmp0, $4  }
0x1f: {  	s20 =	simm.s32 $0x15200;
	s2 =	sshrl.u32 s2, $0x3;
	s25 =	sadd.s32 s5, s13  }
0x20: {  	[dreg:$0x17] =	wrdreg s1;
	s1 =	simm.s32 $0x1;
	s5 =	simm.s32 $0x15100  }
0x21: {  	s2 =	sadd.s32 s2, s13;
	[dreg:$0x15] =	wrdreg s25;
	s25 =	simm.s32 $0x14D00  }
0x22: {  	v0 =	vimm.f32 $0.0e+00;
	v1 =	vimm.f32 $1.000000000e+00;
	s13 =	simm.s32 $0x14F00;
	[dreg:$0x14] =	wrdreg s2;
	s2 =	simm.s32 $0x5  }
.LBB2_6:
0x23: {  	[spmem:s3] =	stream.indirect.scatter.add.f32 [tilespmem:s9], [sflag:$0x4], $0x80, s20, s26, $0xb8;
	[tilespmem:$0x1D580] =	vst v63  }
0x24: {  	_ = 	snop  }
0x25: {  	[spmem:s4] =	stream.indirect.scatter.add.f32 [tilespmem:s10], [sflag:$0x4], $0x1, s20, s26, $0xb8;
	[tilespmem:$0x1D580] =	vst v63  }
0x26: {  	_ =	swait.ge [sflag:s17], $0x4000  }
0x27: {  	[sflag:s17] =	ssyncset.done $0x0  }
0x28: {  	[sflag:s17] =	ssyncadd.s32 $0xFFFFC000  }
0x29: {  	_ =	swait.ge [sflag:s17], $0x80  }
0x2a: {  	[sflag:s17] =	ssyncset.done $0x0  }
0x2b: {  	[sflag:s17] =	ssyncadd.s32 $0xFFFFFF80  }
0x2c: {  	s16 =	stileid.u32;
	[bflag:$0x0] =	sbarrier.arrive $0xFFFF  }
0x2d: {  	s22 =	simm.s32 $0x7;
	s16 =	sshll.u32 s16, $0x6;
	s29 =	rddreg [dreg:$0x7]  }
0x2e: {  	s16 =	sor.u32 $0x1C07, s16;
	s21 =	rddreg [dreg:$0x11];
	s19 =	sshrl.u32 s29, $0x3  }
0x2f: {  	[hbm:s21], [sflag:s16] =	dma.local [spmem:s19], $0x2800  }
0x30: {  	_ =	swait.ge [sflag:s22], $0x2800  }
0x31: {  	[sflag:s22] =	ssyncset.done $0x0;
	s31 =	rddreg [dreg:$0xd]  }
0x32: {  	s21 =	rddreg [dreg:$0x12];
	[sflag:s22] =	ssyncadd.s32 $0xFFFFD800;
	s19 =	sshrl.u32 s31, $0x3  }
0x33: {  	[hbm:s21], [sflag:s16] =	dma.local [spmem:s19], $0x50  }
0x34: {  	_ =	swait.ge [sflag:s22], $0x50  }
0x35: {  	s19 =	rddreg [dreg:$0x5]  }
0x36: {  	s21 =	rddreg [dreg:$0x13];
	s16 =	sadd.s32 $0x1, s19  }
0x37: {  	p0 =	sne.s32 s16, s21  }
.Ltmp1:
0x38: {  	_ = 	snop;
	(pc) =	sbr.rel @!p0 .LBB2_7-.Ltmp1, $3  }
0x39: {  	_ =	sdelay $0x1  }
0x3a: {  	[sflag:s22] =	ssyncset.done $0x0  }
0x3b: {  	[sflag:s22] =	ssyncadd.s32 $0xFFFFFFB0  }
.LBB2_1:
0x3c: {  	[dreg:$0x5] =	wrdreg s16;
	s21 =	simm.s32 $0x0;
	s22 =	simm.s32 $0x200  }
.LBB2_2:
0x3d: {  	p0 =	sne.s32 s22, $0xFE00;
	[tilespmem:s21+$0x152F0] =	vst v0  }
0x3e: {  	[tilespmem:s21+$0x15280] =	vst v0  }
0x3f: {  	[tilespmem:s21+$0x15290] =	vst v0  }
.Ltmp2:
0x40: {  	[tilespmem:s21+$0x152A0] =	vst v0;
	(pc) =	sbr.rel @p0 .LBB2_2-.Ltmp2, $4  }
0x41: {  	[tilespmem:s21+$0x152B0] =	vst v0  }
0x42: {  	[tilespmem:s21+$0x152C0] =	vst v0  }
0x43: {  	[tilespmem:s21+$0x152D0] =	vst v0  }
0x44: {  	[tilespmem:s21+$0x152E0] =	vst v0;
	s21 =	sshra.s32 s22, $0x2;
	s22 =	sadd.s32 $0x200, s22  }
0x45: {  	[tilespmem:s21+$0x152F0] =	vst v0  }
0x46: {  	[tilespmem:s21+$0x15280] =	vst v0  }
0x47: {  	[tilespmem:s21+$0x15290] =	vst v0  }
0x48: {  	[tilespmem:s21+$0x152A0] =	vst v0  }
0x49: {  	[tilespmem:s21+$0x152B0] =	vst v0  }
0x4a: {  	[tilespmem:s21+$0x152C0] =	vst v0  }
0x4b: {  	[tilespmem:s21+$0x152D0] =	vst v0  }
0x4c: {  	[tilespmem:s21+$0x152E0] =	vst v0;
	s19 =	simm.s32 $0x7  }
0x4d: {  	[spmem:s29] =	stream.linear.scatter [tilespmem:s24], [sflag:$0x7], $0x4000, $0x38;
	[tilespmem:$0x1D580] =	vst v63  }
0x4e: {  	_ =	swait.ge [sflag:s19], $0x4000  }
0x4f: {  	[sflag:s19] =	ssyncset.done $0x0  }
0x50: {  	s16 =	rddreg [dreg:$0x8];
	[sflag:s19] =	ssyncadd.s32 $0xFFFFC000  }
0x51: {  	[spmem:s16] =	stream.linear.scatter [tilespmem:s24], [sflag:$0x7], $0x4000, $0x38;
	[tilespmem:$0x1D580] =	vst v63  }
0x52: {  	_ =	swait.ge [sflag:s19], $0x4000  }
0x53: {  	[sflag:s19] =	ssyncset.done $0x0  }
0x54: {  	s22 =	rddreg [dreg:$0x9];
	[sflag:s19] =	ssyncadd.s32 $0xFFFFC000  }
0x55: {  	[spmem:s22] =	stream.linear.scatter [tilespmem:s24], [sflag:$0x7], $0x4000, $0x38;
	[tilespmem:$0x1D580] =	vst v63  }
0x56: {  	_ =	swait.ge [sflag:s19], $0x4000  }
0x57: {  	[sflag:s19] =	ssyncset.done $0x0  }
0x58: {  	s21 =	rddreg [dreg:$0xa];
	[sflag:s19] =	ssyncadd.s32 $0xFFFFC000  }
0x59: {  	[spmem:s21] =	stream.linear.scatter [tilespmem:s24], [sflag:$0x7], $0x4000, $0x38;
	[tilespmem:$0x1D580] =	vst v63  }
0x5a: {  	_ =	swait.ge [sflag:s19], $0x4000  }
0x5b: {  	[sflag:s19] =	ssyncset.done $0x0  }
0x5c: {  	s22 =	rddreg [dreg:$0xb];
	[sflag:s19] =	ssyncadd.s32 $0xFFFFC000  }
0x5d: {  	[spmem:s22] =	stream.linear.scatter [tilespmem:s24], [sflag:$0x7], $0x4000, $0x38;
	[tilespmem:$0x1D580] =	vst v63  }
0x5e: {  	_ =	swait.ge [sflag:s19], $0x4000  }
0x5f: {  	[sflag:s19] =	ssyncset.done $0x0  }
0x60: {  	[sflag:s19] =	ssyncadd.s32 $0xFFFFC000  }
0x61: {  	[tilespmem:$0x1D300] =	vst v0  }
0x62: {  	[tilespmem:$0x1D310] =	vst v0  }
0x63: {  	[tilespmem:$0x1D320] =	vst v0  }
0x64: {  	[tilespmem:$0x1D330] =	vst v0  }
0x65: {  	[tilespmem:$0x1D340] =	vst v0  }
0x66: {  	[tilespmem:$0x1D350] =	vst v0  }
0x67: {  	[tilespmem:$0x1D360] =	vst v0  }
0x68: {  	[tilespmem:$0x1D370] =	vst v0  }
0x69: {  	[tilespmem:$0x1D380] =	vst v0  }
0x6a: {  	[tilespmem:$0x1D390] =	vst v0  }
0x6b: {  	[tilespmem:$0x1D3A0] =	vst v0  }
0x6c: {  	[tilespmem:$0x1D3B0] =	vst v0  }
0x6d: {  	[tilespmem:$0x1D3C0] =	vst v0  }
0x6e: {  	[tilespmem:$0x1D3D0] =	vst v0  }
0x6f: {  	[tilespmem:$0x1D3E0] =	vst v0  }
0x70: {  	[tilespmem:$0x1D3F0] =	vst v0  }
0x71: {  	[tilespmem:$0x1D400] =	vst v0  }
0x72: {  	[tilespmem:$0x1D410] =	vst v0  }
0x73: {  	[tilespmem:$0x1D420] =	vst v0  }
0x74: {  	[tilespmem:$0x1D430] =	vst v0  }
0x75: {  	[tilespmem:$0x1D440] =	vst v0  }
0x76: {  	[tilespmem:$0x1D450] =	vst v0  }
0x77: {  	[tilespmem:$0x1D460] =	vst v0  }
0x78: {  	[tilespmem:$0x1D470] =	vst v0  }
0x79: {  	[tilespmem:$0x1D480] =	vst v0  }
0x7a: {  	[tilespmem:$0x1D490] =	vst v0  }
0x7b: {  	[tilespmem:$0x1D4A0] =	vst v0  }
0x7c: {  	[tilespmem:$0x1D4B0] =	vst v0  }
0x7d: {  	[tilespmem:$0x1D4C0] =	vst v0  }
0x7e: {  	[tilespmem:$0x1D4D0] =	vst v0  }
0x7f: {  	[tilespmem:$0x1D4E0] =	vst v0  }
0x80: {  	[tilespmem:$0x1D4F0] =	vst v0  }
0x81: {  	[tilespmem:$0x1D500] =	vst v0  }
0x82: {  	[tilespmem:$0x1D510] =	vst v0  }
0x83: {  	[tilespmem:$0x1D520] =	vst v0  }
0x84: {  	[tilespmem:$0x1D530] =	vst v0  }
0x85: {  	[tilespmem:$0x1D540] =	vst v0  }
0x86: {  	[tilespmem:$0x1D550] =	vst v0  }
0x87: {  	[tilespmem:$0x1D560] =	vst v0  }
0x88: {  	s21 =	simm.s32 $0x1D300;
	[tilespmem:$0x1D570] =	vst v0  }
0x89: {  	[spmem:s31] =	stream.linear.scatter [tilespmem:s21], [sflag:$0x7], $0x280, $0x38;
	[tilespmem:$0x1D580] =	vst v63  }
0x8a: {  	_ =	swait.ge [sflag:s19], $0x280  }
0x8b: {  	[sflag:s19] =	ssyncset.done $0x0  }
0x8c: {  	[sflag:s19] =	ssyncadd.s32 $0xFFFFFD80  }
0x8d: {  	[tilespmem:$0x1D280] =	vst v1  }
0x8e: {  	[tilespmem:$0x1D290] =	vst v1  }
0x8f: {  	[tilespmem:$0x1D2A0] =	vst v1  }
0x90: {  	[tilespmem:$0x1D2B0] =	vst v1  }
0x91: {  	[tilespmem:$0x1D2C0] =	vst v1  }
0x92: {  	[tilespmem:$0x1D2D0] =	vst v1  }
0x93: {  	[tilespmem:$0x1D2E0] =	vst v1  }
0x94: {  	[tilespmem:$0x1D2F0] =	vst v1  }
0x95: {  	[bflag:$0x0] =	sbarrier.arrive $0xFFFF  }
0x96: {  	s21 =	simm.s32 $0x0;
	s19 =	simm.s32 $0x14280;
	s22 =	rddreg [dreg:$0xc]  }
0x97: {  	[tilespmem:s19], [sflag:$0x5] =	stream.linear.gather [hbm4b:s22+s21], $0x400, $0x38;
	[tilespmem:$0x1D580] =	vst v63  }
0x98: {  	s31 =	rddreg [dreg:$0xe]  }
0x99: {  	[tilespmem:s12], [sflag:$0x5] =	stream.linear.gather [hbm4b:s31+s21], $0x400, $0x38;
	[tilespmem:$0x1D580] =	vst v63  }
0x9a: {  	s22 =	simm.s32 $0x14680;
	s12 =	rddreg [dreg:$0xf]  }
0x9b: {  	[tilespmem:s22], [sflag:$0x6] =	stream.linear.gather [hbm4b:s12+s21], $0x400, $0x38;
	[tilespmem:$0x1D580] =	vst v63  }
0x9c: {  	s31 =	rddreg [dreg:$0x10]  }
0x9d: {  	[tilespmem:s7], [sflag:$0x6] =	stream.linear.gather [hbm4b:s31+s21], $0x400, $0x38;
	[tilespmem:$0x1D580] =	vst v63  }
0x9e: {  	_ =	swait.ge [sflag:s2], $0x400  }
0x9f: {  	[sflag:s2] =	ssyncset.done $0x0  }
0xa0: {  	[sflag:s2] =	ssyncadd.s32 $0xFFFFFC00  }
0xa1: {  	_ =	swait.ge [sflag:s2], $0x400  }
0xa2: {  	[sflag:s2] =	ssyncset.done $0x0  }
0xa3: {  	s22 =	simm.s32 $0x9;
	s29 =	rddreg [dreg:$0x17];
	[sflag:s2] =	ssyncadd.s32 $0xFFFFFC00  }
0xa4: {  	[tilespmem:s24], [sflag:$0x1] =	stream.indirect.gather [hbm4b:s0+s26], $0x80, s19, s26, $0xb8;
	[tilespmem:$0x1D580] =	vst v63  }
.LBB2_4:
0xa5: {  	_ =	swait.ge [sflag:s1], $0x4000  }
0xa6: {  	p0 =	seq.s32 s21, $0x0;
	[sflag:s1] =	ssyncset.done $0x0  }
0xa7: {  	s31 =	simm.s32 @!p0 $0x4;
	[sflag:s1] =	ssyncadd.s32 $0xFFFFC000  }
0xa8: {  	_ =	swait.ge @!p0 [sflag:s31], $0x4000  }
0xa9: {  	[sflag:s31] =	ssyncset.done @!p0 $0x0  }
0xaa: {  	[sflag:s31] =	ssyncadd.s32 @!p0 $0xFFFFC000  }
0xab: {  	_ =	swait.ge @!p0 [sflag:s31], $0x80  }
0xac: {  	[sflag:s31] =	ssyncset.done @!p0 $0x0  }
0xad: {  	s7 =	simm.s32 $0x14300;
	[sflag:s31] =	ssyncadd.s32 @!p0 $0xFFFFFF80  }
0xae: {  	[tilespmem:s9], [sflag:$0x2] =	stream.indirect.gather [hbm4b:s0+s26], $0x80, s7, s26, $0xb8;
	[tilespmem:$0x1D580] =	vst v63  }
0xaf: {  	s16 =	simm.s32 $0x14A80  }
0xb0: {  	[spmem:s3] =	stream.indirect.scatter.add.f32 [tilespmem:s24], [sflag:$0x3], $0x80, s16, s26, $0xb8;
	[tilespmem:$0x1D580] =	vst v63  }
0xb1: {  	_ = 	snop  }
0xb2: {  	[spmem:s4] =	stream.indirect.scatter.add.f32 [tilespmem:s10], [sflag:$0x3], $0x1, s16, s26, $0xb8;
	[tilespmem:$0x1D580] =	vst v63  }
0xb3: {  	_ =	swait.ge [sflag:s11], $0x4000  }
0xb4: {  	[sflag:s11] =	ssyncset.done $0x0  }
0xb5: {  	[sflag:s11] =	ssyncadd.s32 $0xFFFFC000  }
0xb6: {  	_ =	swait.ge [sflag:s14], $0x4000  }
0xb7: {  	[sflag:s14] =	ssyncset.done $0x0  }
0xb8: {  	[sflag:s14] =	ssyncadd.s32 $0xFFFFC000  }
0xb9: {  	_ =	swait.ge [sflag:s14], $0x80  }
0xba: {  	[sflag:s14] =	ssyncset.done $0x0  }
0xbb: {  	s31 =	simm.s32 $0x14380;
	[sflag:s14] =	ssyncadd.s32 $0xFFFFFF80  }
0xbc: {  	[tilespmem:s24], [sflag:$0x1] =	stream.indirect.gather [hbm4b:s0+s26], $0x80, s31, s26, $0xb8;
	[tilespmem:$0x1D580] =	vst v63  }
0xbd: {  	s16 =	simm.s32 $0x14B00  }
0xbe: {  	[spmem:s3] =	stream.indirect.scatter.add.f32 [tilespmem:s9], [sflag:$0x4], $0x80, s16, s26, $0xb8;
	[tilespmem:$0x1D580] =	vst v63  }
0xbf: {  	_ = 	snop  }
0xc0: {  	[spmem:s4] =	stream.indirect.scatter.add.f32 [tilespmem:s10], [sflag:$0x4], $0x1, s16, s26, $0xb8;
	[tilespmem:$0x1D580] =	vst v63  }
0xc1: {  	s16 =	rddreg [dreg:$0x15]  }
0xc2: {  	s19 =	simm.s32 @!p0 $0x14680;
	s31 =	sadd.s32 @!p0 s21, s16;
	s16 =	simm.s32 @!p0 $0x0  }
0xc3: {  	[tilespmem:s19], [sflag:$0x6] =	stream.linear.gather @!p0 [hbm4b:s31+s16], $0x400, $0x38;
	[tilespmem:$0x1D580] =	vst v63  }
0xc4: {  	s19 =	rddreg [dreg:$0x14]  }
0xc5: {  	s31 =	simm.s32 @!p0 $0x14E80;
	s19 =	sadd.s32 @!p0 s21, s19  }
0xc6: {  	[tilespmem:s31], [sflag:$0x6] =	stream.linear.gather @!p0 [hbm4b:s19+s16], $0x400, $0x38;
	[tilespmem:$0x1D580] =	vst v63  }
0xc7: {  	_ =	swait.ge [sflag:s1], $0x4000  }
0xc8: {  	[sflag:s1] =	ssyncset.done $0x0  }
0xc9: {  	[sflag:s1] =	ssyncadd.s32 $0xFFFFC000  }
0xca: {  	_ =	swait.ge [sflag:s17], $0x4000  }
0xcb: {  	[sflag:s17] =	ssyncset.done $0x0  }
0xcc: {  	[sflag:s17] =	ssyncadd.s32 $0xFFFFC000  }
0xcd: {  	_ =	swait.ge [sflag:s17], $0x80  }
0xce: {  	[sflag:s17] =	ssyncset.done $0x0  }
0xcf: {  	s19 =	simm.s32 $0x14400;
	[sflag:s17] =	ssyncadd.s32 $0xFFFFFF80  }
0xd0: {  	[tilespmem:s9], [sflag:$0x2] =	stream.indirect.gather [hbm4b:s0+s26], $0x80, s19, s26, $0xb8;
	[tilespmem:$0x1D580] =	vst v63  }
0xd1: {  	s31 =	simm.s32 $0x14B80  }
0xd2: {  	[spmem:s3] =	stream.indirect.scatter.add.f32 [tilespmem:s24], [sflag:$0x3], $0x80, s31, s26, $0xb8;
	[tilespmem:$0x1D580] =	vst v63  }
0xd3: {  	_ = 	snop  }
0xd4: {  	[spmem:s4] =	stream.indirect.scatter.add.f32 [tilespmem:s10], [sflag:$0x3], $0x1, s31, s26, $0xb8;
	[tilespmem:$0x1D580] =	vst v63  }
0xd5: {  	_ =	swait.ge [sflag:s11], $0x4000  }
0xd6: {  	[sflag:s11] =	ssyncset.done $0x0  }
0xd7: {  	[sflag:s11] =	ssyncadd.s32 $0xFFFFC000  }
0xd8: {  	_ =	swait.ge [sflag:s14], $0x4000  }
0xd9: {  	[sflag:s14] =	ssyncset.done $0x0  }
0xda: {  	[sflag:s14] =	ssyncadd.s32 $0xFFFFC000  }
0xdb: {  	_ =	swait.ge [sflag:s14], $0x80  }
0xdc: {  	[sflag:s14] =	ssyncset.done $0x0  }
0xdd: {  	s16 =	simm.s32 $0x14480;
	[sflag:s14] =	ssyncadd.s32 $0xFFFFFF80  }
0xde: {  	[tilespmem:s24], [sflag:$0x1] =	stream.indirect.gather [hbm4b:s0+s26], $0x80, s16, s26, $0xb8;
	[tilespmem:$0x1D580] =	vst v63  }
0xdf: {  	s19 =	simm.s32 $0x14C00  }
0xe0: {  	[spmem:s3] =	stream.indirect.scatter.add.f32 [tilespmem:s9], [sflag:$0x4], $0x80, s19, s26, $0xb8;
	[tilespmem:$0x1D580] =	vst v63  }
0xe1: {  	_ = 	snop  }
0xe2: {  	[spmem:s4] =	stream.indirect.scatter.add.f32 [tilespmem:s10], [sflag:$0x4], $0x1, s19, s26, $0xb8;
	[tilespmem:$0x1D580] =	vst v63  }
0xe3: {  	_ =	swait.ge [sflag:s1], $0x4000  }
0xe4: {  	[sflag:s1] =	ssyncset.done $0x0  }
0xe5: {  	[sflag:s1] =	ssyncadd.s32 $0xFFFFC000  }
0xe6: {  	_ =	swait.ge [sflag:s17], $0x4000  }
0xe7: {  	[sflag:s17] =	ssyncset.done $0x0  }
0xe8: {  	[sflag:s17] =	ssyncadd.s32 $0xFFFFC000  }
0xe9: {  	_ =	swait.ge [sflag:s17], $0x80  }
0xea: {  	[sflag:s17] =	ssyncset.done $0x0  }
0xeb: {  	s31 =	simm.s32 $0x14500;
	[sflag:s17] =	ssyncadd.s32 $0xFFFFFF80  }
0xec: {  	[tilespmem:s9], [sflag:$0x2] =	stream.indirect.gather [hbm4b:s0+s26], $0x80, s31, s26, $0xb8;
	[tilespmem:$0x1D580] =	vst v63  }
0xed: {  	s16 =	simm.s32 $0x14C80  }
0xee: {  	[spmem:s3] =	stream.indirect.scatter.add.f32 [tilespmem:s24], [sflag:$0x3], $0x80, s16, s26, $0xb8;
	[tilespmem:$0x1D580] =	vst v63  }
0xef: {  	_ = 	snop  }
0xf0: {  	[spmem:s4] =	stream.indirect.scatter.add.f32 [tilespmem:s10], [sflag:$0x3], $0x1, s16, s26, $0xb8;
	[tilespmem:$0x1D580] =	vst v63  }
0xf1: {  	_ =	swait.ge [sflag:s11], $0x4000  }
0xf2: {  	[sflag:s11] =	ssyncset.done $0x0  }
0xf3: {  	[sflag:s11] =	ssyncadd.s32 $0xFFFFC000  }
0xf4: {  	_ =	swait.ge [sflag:s14], $0x4000  }
0xf5: {  	[sflag:s14] =	ssyncset.done $0x0  }
0xf6: {  	[sflag:s14] =	ssyncadd.s32 $0xFFFFC000  }
0xf7: {  	_ =	swait.ge [sflag:s14], $0x80  }
0xf8: {  	[sflag:s14] =	ssyncset.done $0x0  }
0xf9: {  	s19 =	simm.s32 $0x14580;
	[sflag:s14] =	ssyncadd.s32 $0xFFFFFF80  }
0xfa: {  	[tilespmem:s24], [sflag:$0x1] =	stream.indirect.gather [hbm4b:s0+s26], $0x80, s19, s26, $0xb8;
	[tilespmem:$0x1D580] =	vst v63  }
0xfb: {  	_ = 	snop  }
0xfc: {  	[spmem:s3] =	stream.indirect.scatter.add.f32 [tilespmem:s9], [sflag:$0x4], $0x80, s25, s26, $0xb8;
	[tilespmem:$0x1D580] =	vst v63  }
0xfd: {  	_ = 	snop  }
0xfe: {  	[spmem:s4] =	stream.indirect.scatter.add.f32 [tilespmem:s10], [sflag:$0x4], $0x1, s25, s26, $0xb8;
	[tilespmem:$0x1D580] =	vst v63  }
0xff: {  	_ =	swait.ge [sflag:s1], $0x4000  }
0x100: {  	[sflag:s1] =	ssyncset.done $0x0  }
0x101: {  	[sflag:s1] =	ssyncadd.s32 $0xFFFFC000  }
0x102: {  	_ =	swait.ge [sflag:s17], $0x4000  }
0x103: {  	[sflag:s17] =	ssyncset.done $0x0  }
0x104: {  	[sflag:s17] =	ssyncadd.s32 $0xFFFFC000  }
0x105: {  	_ =	swait.ge [sflag:s17], $0x80  }
0x106: {  	[sflag:s17] =	ssyncset.done $0x0  }
0x107: {  	s31 =	simm.s32 $0x14600;
	[sflag:s17] =	ssyncadd.s32 $0xFFFFFF80  }
0x108: {  	[tilespmem:s9], [sflag:$0x2] =	stream.indirect.gather [hbm4b:s0+s26], $0x80, s31, s26, $0xb8;
	[tilespmem:$0x1D580] =	vst v63  }
0x109: {  	_ = 	snop  }
0x10a: {  	[spmem:s3] =	stream.indirect.scatter.add.f32 [tilespmem:s24], [sflag:$0x3], $0x80, s15, s26, $0xb8;
	[tilespmem:$0x1D580] =	vst v63  }
0x10b: {  	_ = 	snop  }
0x10c: {  	[spmem:s4] =	stream.indirect.scatter.add.f32 [tilespmem:s10], [sflag:$0x3], $0x1, s15, s26, $0xb8;
	[tilespmem:$0x1D580] =	vst v63  }
0x10d: {  	_ =	swait.ge [sflag:s11], $0x4000  }
0x10e: {  	[sflag:s11] =	ssyncset.done $0x0  }
0x10f: {  	[sflag:s11] =	ssyncadd.s32 $0xFFFFC000  }
0x110: {  	_ =	swait.ge [sflag:s14], $0x4000  }
0x111: {  	[sflag:s14] =	ssyncset.done $0x0  }
0x112: {  	[sflag:s14] =	ssyncadd.s32 $0xFFFFC000  }
0x113: {  	_ =	swait.ge [sflag:s14], $0x80  }
0x114: {  	[sflag:s14] =	ssyncset.done $0x0  }
0x115: {  	[sflag:s14] =	ssyncadd.s32 $0xFFFFFF80  }
0x116: {  	_ =	swait.ge [sflag:s28], $0x400  }
0x117: {  	[sflag:s28] =	ssyncset.done $0x0  }
0x118: {  	[sflag:s28] =	ssyncadd.s32 $0xFFFFFC00  }
0x119: {  	_ =	swait.ge [sflag:s28], $0x400  }
0x11a: {  	[sflag:s28] =	ssyncset.done $0x0  }
0x11b: {  	s7 =	simm.s32 $0x14680;
	[sflag:s28] =	ssyncadd.s32 $0xFFFFFC00  }
0x11c: {  	[tilespmem:s24], [sflag:$0x1] =	stream.indirect.gather [hbm4b:s0+s26], $0x80, s7, s26, $0xb8;
	[tilespmem:$0x1D580] =	vst v63  }
0x11d: {  	_ = 	snop  }
0x11e: {  	[spmem:s3] =	stream.indirect.scatter.add.f32 [tilespmem:s9], [sflag:$0x4], $0x80, s18, s26, $0xb8;
	[tilespmem:$0x1D580] =	vst v63  }
0x11f: {  	_ = 	snop  }
0x120: {  	[spmem:s4] =	stream.indirect.scatter.add.f32 [tilespmem:s10], [sflag:$0x4], $0x1, s18, s26, $0xb8;
	[tilespmem:$0x1D580] =	vst v63  }
0x121: {  	_ =	swait.ge [sflag:s1], $0x4000  }
0x122: {  	[sflag:s1] =	ssyncset.done $0x0  }
0x123: {  	[sflag:s1] =	ssyncadd.s32 $0xFFFFC000  }
0x124: {  	_ =	swait.ge [sflag:s17], $0x4000  }
0x125: {  	[sflag:s17] =	ssyncset.done $0x0  }
0x126: {  	[sflag:s17] =	ssyncadd.s32 $0xFFFFC000  }
0x127: {  	_ =	swait.ge [sflag:s17], $0x80  }
0x128: {  	[sflag:s17] =	ssyncset.done $0x0  }
0x129: {  	s19 =	simm.s32 $0x14700;
	[sflag:s17] =	ssyncadd.s32 $0xFFFFFF80  }
0x12a: {  	[tilespmem:s9], [sflag:$0x2] =	stream.indirect.gather [hbm4b:s0+s26], $0x80, s19, s26, $0xb8;
	[tilespmem:$0x1D580] =	vst v63  }
0x12b: {  	s31 =	simm.s32 $0x14E80  }
0x12c: {  	[spmem:s3] =	stream.indirect.scatter.add.f32 [tilespmem:s24], [sflag:$0x3], $0x80, s31, s26, $0xb8;
	[tilespmem:$0x1D580] =	vst v63  }
0x12d: {  	_ = 	snop  }
0x12e: {  	[spmem:s4] =	stream.indirect.scatter.add.f32 [tilespmem:s10], [sflag:$0x3], $0x1, s31, s26, $0xb8;
	[tilespmem:$0x1D580] =	vst v63  }
0x12f: {  	_ =	swait.ge [sflag:s11], $0x4000  }
0x130: {  	[sflag:s11] =	ssyncset.done $0x0  }
0x131: {  	[sflag:s11] =	ssyncadd.s32 $0xFFFFC000  }
0x132: {  	_ =	swait.ge [sflag:s14], $0x4000  }
0x133: {  	[sflag:s14] =	ssyncset.done $0x0  }
0x134: {  	[sflag:s14] =	ssyncadd.s32 $0xFFFFC000  }
0x135: {  	_ =	swait.ge [sflag:s14], $0x80  }
0x136: {  	[sflag:s14] =	ssyncset.done $0x0  }
0x137: {  	s19 =	simm.s32 $0x14780;
	[sflag:s14] =	ssyncadd.s32 $0xFFFFFF80  }
0x138: {  	[tilespmem:s24], [sflag:$0x1] =	stream.indirect.gather [hbm4b:s0+s26], $0x80, s19, s26, $0xb8;
	[tilespmem:$0x1D580] =	vst v63  }
0x139: {  	p0 =	sgt.u32 s22, $0x47  }
0x13a: {  	[spmem:s3] =	stream.indirect.scatter.add.f32 [tilespmem:s9], [sflag:$0x4], $0x80, s13, s26, $0xb8;
	[tilespmem:$0x1D580] =	vst v63  }
0x13b: {  	s16 =	sshrl.u32 @!p0 s29, $0x3;
	s19 =	rddreg [dreg:$0x6]  }
0x13c: {  	[spmem:s4] =	stream.indirect.scatter.add.f32 [tilespmem:s10], [sflag:$0x4], $0x1, s13, s26, $0xb8;
	[tilespmem:$0x1D580] =	vst v63  }
0x13d: {  	s31 =	simm.s32 @!p0 $0x14280;
	s16 =	sadd.s32 @!p0 s19, s16;
	s19 =	simm.s32 @!p0 $0x0  }
0x13e: {  	[tilespmem:s31], [sflag:$0x5] =	stream.linear.gather @!p0 [hbm4b:s16+s19], $0x400, $0x38;
	[tilespmem:$0x1D580] =	vst v63  }
0x13f: {  	s16 =	rddreg [dreg:$0x16]  }
0x140: {  	s31 =	simm.s32 @!p0 $0x14A80;
	s16 =	sadd.s32 @!p0 s21, s16  }
0x141: {  	[tilespmem:s31], [sflag:$0x5] =	stream.linear.gather @!p0 [hbm4b:s16+s19], $0x400, $0x38;
	[tilespmem:$0x1D580] =	vst v63  }
0x142: {  	_ =	swait.ge [sflag:s1], $0x4000  }
0x143: {  	[sflag:s1] =	ssyncset.done $0x0  }
0x144: {  	[sflag:s1] =	ssyncadd.s32 $0xFFFFC000  }
0x145: {  	_ =	swait.ge [sflag:s17], $0x4000  }
0x146: {  	[sflag:s17] =	ssyncset.done $0x0  }
0x147: {  	[sflag:s17] =	ssyncadd.s32 $0xFFFFC000  }
0x148: {  	_ =	swait.ge [sflag:s17], $0x80  }
0x149: {  	[sflag:s17] =	ssyncset.done $0x0  }
0x14a: {  	s31 =	simm.s32 $0x14800;
	[sflag:s17] =	ssyncadd.s32 $0xFFFFFF80  }
0x14b: {  	[tilespmem:s9], [sflag:$0x2] =	stream.indirect.gather [hbm4b:s0+s26], $0x80, s31, s26, $0xb8;
	[tilespmem:$0x1D580] =	vst v63  }
0x14c: {  	_ = 	snop  }
0x14d: {  	[spmem:s3] =	stream.indirect.scatter.add.f32 [tilespmem:s24], [sflag:$0x3], $0x80, s8, s26, $0xb8;
	[tilespmem:$0x1D580] =	vst v63  }
0x14e: {  	_ = 	snop  }
0x14f: {  	[spmem:s4] =	stream.indirect.scatter.add.f32 [tilespmem:s10], [sflag:$0x3], $0x1, s8, s26, $0xb8;
	[tilespmem:$0x1D580] =	vst v63  }
0x150: {  	_ =	swait.ge [sflag:s11], $0x4000  }
0x151: {  	[sflag:s11] =	ssyncset.done $0x0  }
0x152: {  	[sflag:s11] =	ssyncadd.s32 $0xFFFFC000  }
0x153: {  	_ =	swait.ge [sflag:s14], $0x4000  }
0x154: {  	[sflag:s14] =	ssyncset.done $0x0  }
0x155: {  	[sflag:s14] =	ssyncadd.s32 $0xFFFFC000  }
0x156: {  	_ =	swait.ge [sflag:s14], $0x80  }
0x157: {  	[sflag:s14] =	ssyncset.done $0x0  }
0x158: {  	s19 =	simm.s32 $0x14880;
	[sflag:s14] =	ssyncadd.s32 $0xFFFFFF80  }
0x159: {  	[tilespmem:s24], [sflag:$0x1] =	stream.indirect.gather [hbm4b:s0+s26], $0x80, s19, s26, $0xb8;
	[tilespmem:$0x1D580] =	vst v63  }
0x15a: {  	_ = 	snop  }
0x15b: {  	[spmem:s3] =	stream.indirect.scatter.add.f32 [tilespmem:s9], [sflag:$0x4], $0x80, s23, s26, $0xb8;
	[tilespmem:$0x1D580] =	vst v63  }
0x15c: {  	_ = 	snop  }
0x15d: {  	[spmem:s4] =	stream.indirect.scatter.add.f32 [tilespmem:s10], [sflag:$0x4], $0x1, s23, s26, $0xb8;
	[tilespmem:$0x1D580] =	vst v63  }
0x15e: {  	_ =	swait.ge [sflag:s1], $0x4000  }
0x15f: {  	[sflag:s1] =	ssyncset.done $0x0  }
0x160: {  	[sflag:s1] =	ssyncadd.s32 $0xFFFFC000  }
0x161: {  	_ =	swait.ge [sflag:s17], $0x4000  }
0x162: {  	[sflag:s17] =	ssyncset.done $0x0  }
0x163: {  	[sflag:s17] =	ssyncadd.s32 $0xFFFFC000  }
0x164: {  	_ =	swait.ge [sflag:s17], $0x80  }
0x165: {  	[sflag:s17] =	ssyncset.done $0x0  }
0x166: {  	s31 =	simm.s32 $0x14900;
	[sflag:s17] =	ssyncadd.s32 $0xFFFFFF80  }
0x167: {  	[tilespmem:s9], [sflag:$0x2] =	stream.indirect.gather [hbm4b:s0+s26], $0x80, s31, s26, $0xb8;
	[tilespmem:$0x1D580] =	vst v63  }
0x168: {  	_ = 	snop  }
0x169: {  	[spmem:s3] =	stream.indirect.scatter.add.f32 [tilespmem:s24], [sflag:$0x3], $0x80, s30, s26, $0xb8;
	[tilespmem:$0x1D580] =	vst v63  }
0x16a: {  	_ = 	snop  }
0x16b: {  	[spmem:s4] =	stream.indirect.scatter.add.f32 [tilespmem:s10], [sflag:$0x3], $0x1, s30, s26, $0xb8;
	[tilespmem:$0x1D580] =	vst v63  }
0x16c: {  	_ =	swait.ge [sflag:s11], $0x4000  }
0x16d: {  	[sflag:s11] =	ssyncset.done $0x0  }
0x16e: {  	[sflag:s11] =	ssyncadd.s32 $0xFFFFC000  }
0x16f: {  	_ =	swait.ge [sflag:s14], $0x4000  }
0x170: {  	[sflag:s14] =	ssyncset.done $0x0  }
0x171: {  	[sflag:s14] =	ssyncadd.s32 $0xFFFFC000  }
0x172: {  	_ =	swait.ge [sflag:s14], $0x80  }
0x173: {  	[sflag:s14] =	ssyncset.done $0x0  }
0x174: {  	s19 =	simm.s32 $0x14980;
	[sflag:s14] =	ssyncadd.s32 $0xFFFFFF80  }
0x175: {  	[tilespmem:s24], [sflag:$0x1] =	stream.indirect.gather [hbm4b:s0+s26], $0x80, s19, s26, $0xb8;
	[tilespmem:$0x1D580] =	vst v63  }
0x176: {  	_ = 	snop  }
0x177: {  	[spmem:s3] =	stream.indirect.scatter.add.f32 [tilespmem:s9], [sflag:$0x4], $0x80, s5, s26, $0xb8;
	[tilespmem:$0x1D580] =	vst v63  }
0x178: {  	_ = 	snop  }
0x179: {  	[spmem:s4] =	stream.indirect.scatter.add.f32 [tilespmem:s10], [sflag:$0x4], $0x1, s5, s26, $0xb8;
	[tilespmem:$0x1D580] =	vst v63  }
0x17a: {  	_ =	swait.ge [sflag:s1], $0x4000  }
0x17b: {  	[sflag:s1] =	ssyncset.done $0x0  }
0x17c: {  	[sflag:s1] =	ssyncadd.s32 $0xFFFFC000  }
0x17d: {  	_ =	swait.ge [sflag:s17], $0x4000  }
0x17e: {  	[sflag:s17] =	ssyncset.done $0x0  }
0x17f: {  	[sflag:s17] =	ssyncadd.s32 $0xFFFFC000  }
0x180: {  	_ =	swait.ge [sflag:s17], $0x80  }
0x181: {  	[sflag:s17] =	ssyncset.done $0x0  }
0x182: {  	s31 =	simm.s32 $0x14A00;
	[sflag:s17] =	ssyncadd.s32 $0xFFFFFF80  }
0x183: {  	[tilespmem:s9], [sflag:$0x2] =	stream.indirect.gather [hbm4b:s0+s26], $0x80, s31, s26, $0xb8;
	[tilespmem:$0x1D580] =	vst v63  }
0x184: {  	_ = 	snop  }
0x185: {  	[spmem:s3] =	stream.indirect.scatter.add.f32 [tilespmem:s24], [sflag:$0x3], $0x80, s6, s26, $0xb8;
	[tilespmem:$0x1D580] =	vst v63  }
0x186: {  	_ = 	snop  }
0x187: {  	[spmem:s4] =	stream.indirect.scatter.add.f32 [tilespmem:s10], [sflag:$0x3], $0x1, s6, s26, $0xb8;
	[tilespmem:$0x1D580] =	vst v63  }
0x188: {  	_ =	swait.ge [sflag:s11], $0x4000  }
0x189: {  	[sflag:s11] =	ssyncset.done $0x0  }
0x18a: {  	[sflag:s11] =	ssyncadd.s32 $0xFFFFC000  }
0x18b: {  	p0 =	seq.s32 s21, $0x400;
	_ =	swait.ge [sflag:s14], $0x4000  }
.Ltmp3:
0x18c: {  	[sflag:s14] =	ssyncset.done $0x0;
	(pc) =	sbr.rel @p0 .LBB2_6-.Ltmp3, $4  }
0x18d: {  	[sflag:s14] =	ssyncadd.s32 $0xFFFFC000  }
0x18e: {  	_ =	swait.ge [sflag:s14], $0x80  }
0x18f: {  	[sflag:s14] =	ssyncset.done $0x0  }
0x190: {  	s12 =	simm.s32 $0x14A80;
	s7 =	simm.s32 $0x14E80;
	[sflag:s14] =	ssyncadd.s32 $0xFFFFFF80  }
0x191: {  	_ =	swait.ge [sflag:s2], $0x400  }
0x192: {  	[sflag:s2] =	ssyncset.done $0x0  }
0x193: {  	[sflag:s2] =	ssyncadd.s32 $0xFFFFFC00  }
0x194: {  	_ =	swait.ge [sflag:s2], $0x400  }
0x195: {  	[sflag:s2] =	ssyncset.done $0x0  }
0x196: {  	s16 =	simm.s32 $0x14280;
	[sflag:s2] =	ssyncadd.s32 $0xFFFFFC00  }
0x197: {  	[tilespmem:s24], [sflag:$0x1] =	stream.indirect.gather [hbm4b:s0+s26], $0x80, s16, s26, $0xb8;
	[tilespmem:$0x1D580] =	vst v63  }
.Ltmp4:
0x198: {  	_ = 	snop;
	(pc) =	sbr.rel .LBB2_4-.Ltmp4, $4  }
0x199: {  	_ = 	snop  }
0x19a: {  	[spmem:s3] =	stream.indirect.scatter.add.f32 [tilespmem:s9], [sflag:$0x4], $0x80, s20, s26, $0xb8;
	[tilespmem:$0x1D580] =	vst v63  }
0x19b: {  	s21 =	sadd.s32 $0x100, s21;
	s29 =	sadd.s32 $0x800, s29;
	s22 =	sadd.s32 $0x10, s22  }
0x19c: {  	[spmem:s4] =	stream.indirect.scatter.add.f32 [tilespmem:s10], [sflag:$0x4], $0x1, s20, s26, $0xb8;
	[tilespmem:$0x1D580] =	vst v63  }
.LBB2_7:
0x19d: {  	_ =	sfence.sel $0x180000  }
0x19e: {  	[bflag:$0x0] =	sbarrier.arrive $0xFFFF  }
0x19f: {  	_ =	strace $0x90000047  }
0x1a0: {  	s0 =	stileid.u32;
	[bflag:$0x2] =	sbarrier.arrive $0xFFFF  }
0x1a1: {  	p0 =	sne.s32 s0, $0x0;
	s0 =	rddreg [dreg:$0x4]  }
0x1a2: {  	s0 =	sadd.s32 @!p0 $0x100000, s0  }
0x1a3: {  	[sflag:s0] =	ssyncadd.tile.s32 @!p0 $0x1;
	_ =	shalt  }
.Lfunc_end2:
_tile_overlayer_lowered:
.L_overlay_start_2:
0x1a4: {  	(tag) =	ssettag $0x2  }
0x1a5: {  	s0 =	rddreg [dreg:$0x0];
	s2 =	stileid.u32  }
0x1a6: {  	s1 =	rddreg [dreg:$0x1];
	p0 =	sne.s32 s2, $0x0  }
0x1a7: {  	s3 =	rddreg [dreg:$0x2];
	[bflag:$0x3] =	sbarrier.arrive $0xFFFF;
	s2 =	simm.s32 @!p0 $0x1C07  }
0x1a8: {  	[timem:s3], [sflag:s2] =	dma.local @!p0 [hbm:s0], s1  }
0x1a9: {  	s0 =	simm.s32 @!p0 $0x7  }
0x1aa: {  	_ =	swait.ge @!p0 [sflag:s0], s1  }
0x1ab: {  	s1 =	ssub.s32 @!p0 $0x0, s1;
	[sflag:s0] =	ssyncset.done @!p0 $0x0  }
0x1ac: {  	[sflag:s0] =	ssyncadd.s32 @!p0 s1  }
0x1ad: {  	[bflag:$0x3] =	sbarrier.arrive $0xFFFF  }
0x1ae: {  	_ =	shalt  }

</sc_bundles>
